<compile_context>
chip_gen: v7x
topology: tpu7x:2x2x1
jax: 0.10.2.dev20260603
libtpu: 0.0.44.dev20260713+nightly
codegen_flags: <defaults>
</compile_context>

<pallas_src>
import dataclasses

import jax
import jax.numpy as jnp
from jax import lax
from jax.experimental import pallas as pl
from jax.experimental.pallas import tpu as pltpu
from jax.experimental.pallas import tpu_sc as plsc

D = 256
E = 160000
NC, NS, L = 2, 16, 16
NW = NC * NS
EPW = E // NW
W = 200
NBUF = 2
NCHUNK = EPW // W


def _sc_dot_body(xu_hbm, xm_hbm, edge_hbm, out_hbm,
                 idxu_v, idxm_v, ubuf, mbuf, out_v, sems):
    wid = lax.axis_index("c") * NS + lax.axis_index("s")
    base = wid * EPW
    pltpu.sync_copy(edge_hbm.at[pl.ds(E + base, EPW)], idxu_v)
    pltpu.sync_copy(edge_hbm.at[pl.ds(base, EPW)], idxm_v)

    def start(ci, p):
        c = ci * W
        pltpu.async_copy(xu_hbm.at[idxu_v.at[pl.ds(c, W)]], ubuf.at[p],
                         sems.at[p])
        pltpu.async_copy(xm_hbm.at[idxm_v.at[pl.ds(c, W)]], mbuf.at[p],
                         sems.at[p])

    def drain(p):
        pltpu.make_async_copy(xu_hbm.at[idxu_v.at[pl.ds(0, W)]], ubuf.at[p],
                              sems.at[p]).wait()
        pltpu.make_async_copy(xm_hbm.at[idxm_v.at[pl.ds(0, W)]], mbuf.at[p],
                              sems.at[p]).wait()

    for j in range(NBUF - 1):
        start(j, j)

    @pl.loop(0, NCHUNK)
    def _chunk(ci):
        p = lax.rem(ci, NBUF)

        @pl.when(ci + NBUF - 1 < NCHUNK)
        def _prefetch():
            start(ci + NBUF - 1, lax.rem(ci + NBUF - 1, NBUF))

        drain(p)
        c = ci * W

        @pl.loop(0, (W + L - 1) // L)
        def _grp(g):
            e0 = jnp.minimum(g * L, W - L)
            lane = lax.iota(jnp.int32, L)
            r = jnp.zeros((L,), jnp.float32)
            for i in range(L):
                e = e0 + i
                acc = jnp.zeros((L,), jnp.float32)
                for k in range(D // (2 * L)):
                    au, bu = plsc.unpack(
                        plsc.bitcast(ubuf[p, e, pl.ds(k * L, L)], jnp.bfloat16),
                        format=plsc.PackFormat.INTERLEAVED)
                    am, bm = plsc.unpack(
                        plsc.bitcast(mbuf[p, e, pl.ds(k * L, L)], jnp.bfloat16),
                        format=plsc.PackFormat.INTERLEAVED)
                    acc = acc + au * am
                    acc = acc + bu * bm
                r = jnp.where(lane == i, jnp.sum(acc), r)
            out_v[pl.ds(c + e0, L)] = r

    pltpu.sync_copy(out_v, out_hbm.at[pl.ds(base, EPW)])


def _pack_bf16_words(x):
    def rtne(v):
        u = lax.bitcast_convert_type(v, jnp.uint32)
        return (u + jnp.uint32(0x7FFF) + ((u >> 16) & jnp.uint32(1))) >> 16
    return (rtne(x[:, : D // 2]) | (rtne(x[:, D // 2 :]) << 16)).astype(
        jnp.int32)


def kernel(x_user, x_movie, edge_label_index):
    mesh = plsc.VectorSubcoreMesh(core_axis_name="c", subcore_axis_name="s")
    cp = pltpu.CompilerParams()
    if "needs_layout_passes" in pltpu.CompilerParams.__dataclass_fields__:
        cp = dataclasses.replace(cp, needs_layout_passes=False)
    run = pl.kernel(
        _sc_dot_body,
        out_type=jax.ShapeDtypeStruct((E,), jnp.float32),
        mesh=mesh,
        compiler_params=cp,
        scratch_types=[
            pltpu.VMEM((EPW,), jnp.int32),
            pltpu.VMEM((EPW,), jnp.int32),
            pltpu.VMEM((NBUF, W, D // 2), jnp.int32),
            pltpu.VMEM((NBUF, W, D // 2), jnp.int32),
            pltpu.VMEM((EPW,), jnp.float32),
            pltpu.SemaphoreType.DMA((NBUF,)),
        ],
    )
    return run(_pack_bf16_words(x_user), _pack_bf16_words(x_movie),
               edge_label_index.reshape(-1))

# --- scband reference (transcript-rebuilt; emitter-appended) ---
"""Pipeline reference for scband-classifier-13967233647626 (READ-ONLY COPY).

The authoritative reference and input builder live on the scoring server;
editing this copy changes nothing except your own understanding.
"""

import jax, jax.numpy as jnp
import numpy as np

N_USER = 10000
N_MOVIE = 10000
D = 256
E = 160000

def setup_inputs(seed: int = 0) -> dict:
    key = jax.random.key(seed)
    k1, k2, k3 = jax.random.split(key, 3)
    x_user = jax.random.normal(k1, (N_USER, D), dtype=jnp.float32)
    x_movie = jax.random.normal(k2, (N_MOVIE, D), dtype=jnp.float32)
    edge_label_index = jax.random.randint(k3, (2, E), 0, N_USER, dtype=jnp.int32)
    return {"x_user": x_user, "x_movie": x_movie, "edge_label_index": edge_label_index}

def reference(x_user, x_movie, edge_label_index):
    # edge_feat_user = x_user[edge_label_index[1]]
    edge_feat_user = jnp.take(x_user, edge_label_index[1], axis=0)
    # edge_feat_movie = x_movie[edge_label_index[0]]
    edge_feat_movie = jnp.take(x_movie, edge_label_index[0], axis=0)
    # (edge_feat_user * edge_feat_movie).sum(dim=-1)
    return (edge_feat_user * edge_feat_movie).sum(axis=-1)

if __name__ == "__main__":
    import jax
    _d = setup_inputs()
    print(jax.jit(kernel)(*tuple(_d.values())))

</pallas_src>

<mosaic_0001>
#map = affine_map<(d0, d1) -> (0, 0)>
#map1 = affine_map<(d0, d1) -> (0)>
module attributes {stable_mosaic.version = 14 : i64} {
  func.func @_sc_dot_body(%arg0: i32, %arg1: i32, %arg2: memref<10000x128xi32, #tpu.memory_space<hbm>>, %arg3: memref<10000x128xi32, #tpu.memory_space<hbm>>, %arg4: memref<320000xi32, #tpu.memory_space<hbm>>, %arg5: memref<160000xf32, #tpu.memory_space<hbm>>, %arg6: memref<5000xi32, #tpu.memory_space<vmem>>, %arg7: memref<5000xi32, #tpu.memory_space<vmem>>, %arg8: memref<2x200x128xi32, #tpu.memory_space<vmem>>, %arg9: memref<2x200x128xi32, #tpu.memory_space<vmem>>, %arg10: memref<5000xf32, #tpu.memory_space<vmem>>, %arg11: memref<2x!tpu.dma_semaphore, #tpu.memory_space<semaphore_mem>>) attributes {dimension_semantics = [#tpu.dimension_semantics<core_parallel>, #tpu.dimension_semantics<subcore_parallel>], iteration_bounds = array<i64: 2, 16>, scalar_prefetch = 0 : i64, scratch_operands = 6 : i64, tpu.core_type = #tpu.core_type<sc_vector_subcore>, window_params = [{transform_indices = #map}, {transform_indices = #map}, {transform_indices = #map1}, {transform_indices = #map1}]} {
    %mul3A = arith.constant 16 : i32
    %mul3A_0 = arith.muli %arg0, %mul3A : i32
    %add3A = arith.addi %mul3A_0, %arg1 : i32
    %mul3A_1 = arith.constant 5000 : i32
    %mul3A_2 = arith.muli %add3A, %mul3A_1 : i32
    %add3A_3 = arith.constant 160000 : i32
    %add3A_4 = arith.addi %add3A_3, %mul3A_2 : i32
    "tpu.region"() ({
      %run_scoped3A = tpu.sem_alloc : memref<!tpu.dma_semaphore, #tpu.memory_space<semaphore_mem>>
      %dma_start3A_34 = tpu.memref_slice %arg4[%add3A_4] : memref<320000xi32, #tpu.memory_space<hbm>> -> memref<5000xi32, #tpu.memory_space<hbm>>
      %dma_start3A_35 = tpu.memref_slice %arg4[%add3A_4] : memref<320000xi32, #tpu.memory_space<hbm>> -> memref<5000xi32, #tpu.memory_space<hbm>>
      tpu.enqueue_dma source(%dma_start3A_35 : memref<5000xi32, #tpu.memory_space<hbm>>) target(%arg6 : memref<5000xi32, #tpu.memory_space<vmem>>) target_semaphore(%run_scoped3A : memref<!tpu.dma_semaphore, #tpu.memory_space<semaphore_mem>>)
      %dma_wait3A = tpu.memref_slice %arg4[%add3A_4] : memref<320000xi32, #tpu.memory_space<hbm>> -> memref<5000xi32, #tpu.memory_space<hbm>>
      %dma_wait3A_36 = tpu.memref_slice %arg4[%add3A_4] : memref<320000xi32, #tpu.memory_space<hbm>> -> memref<5000xi32, #tpu.memory_space<hbm>>
      tpu.wait_dma2 semaphore(%run_scoped3A : memref<!tpu.dma_semaphore, #tpu.memory_space<semaphore_mem>>) src(%dma_wait3A_36 : memref<5000xi32, #tpu.memory_space<hbm>>) dst(%arg6 : memref<5000xi32, #tpu.memory_space<vmem>>)
      tpu.yield
    }) : () -> ()
    "tpu.region"() ({
      %run_scoped3A = tpu.sem_alloc : memref<!tpu.dma_semaphore, #tpu.memory_space<semaphore_mem>>
      %dma_start3A_34 = tpu.memref_slice %arg4[%mul3A_2] : memref<320000xi32, #tpu.memory_space<hbm>> -> memref<5000xi32, #tpu.memory_space<hbm>>
      %dma_start3A_35 = tpu.memref_slice %arg4[%mul3A_2] : memref<320000xi32, #tpu.memory_space<hbm>> -> memref<5000xi32, #tpu.memory_space<hbm>>
      tpu.enqueue_dma source(%dma_start3A_35 : memref<5000xi32, #tpu.memory_space<hbm>>) target(%arg7 : memref<5000xi32, #tpu.memory_space<vmem>>) target_semaphore(%run_scoped3A : memref<!tpu.dma_semaphore, #tpu.memory_space<semaphore_mem>>)
      %dma_wait3A = tpu.memref_slice %arg4[%mul3A_2] : memref<320000xi32, #tpu.memory_space<hbm>> -> memref<5000xi32, #tpu.memory_space<hbm>>
      %dma_wait3A_36 = tpu.memref_slice %arg4[%mul3A_2] : memref<320000xi32, #tpu.memory_space<hbm>> -> memref<5000xi32, #tpu.memory_space<hbm>>
      tpu.wait_dma2 semaphore(%run_scoped3A : memref<!tpu.dma_semaphore, #tpu.memory_space<semaphore_mem>>) src(%dma_wait3A_36 : memref<5000xi32, #tpu.memory_space<hbm>>) dst(%arg7 : memref<5000xi32, #tpu.memory_space<vmem>>)
      tpu.yield
    }) : () -> ()
    %dma_start3A = arith.constant 0 : i32
    %dma_start3A_5 = arith.constant 0 : i32
    %dma_start3A_6 = arith.constant 0 : i32
    %dma_start3A_7 = arith.constant 0 : i32
    %dma_start3A_8 = tpu.memref_slice %arg8[%dma_start3A, %dma_start3A_6, %dma_start3A_7] : memref<2x200x128xi32, #tpu.memory_space<vmem>> -> memref<1x200x128xi32, #tpu.memory_space<vmem>>
    %dma_start3A_9 = tpu.memref_squeeze %dma_start3A_8 : memref<1x200x128xi32, #tpu.memory_space<vmem>> -> memref<200x128xi32, #tpu.memory_space<vmem>>
    %dma_start3A_10 = arith.constant 0 : i32
    %dma_start3A_11 = tpu.memref_slice %arg6[%dma_start3A_10] : memref<5000xi32, #tpu.memory_space<vmem>> -> memref<200xi32, #tpu.memory_space<vmem>>
    %dma_start3A_12 = arith.constant 0 : i32
    %dma_start3A_13 = arith.constant 0 : i32
    %dma_start3A_14 = tpu.memref_slice %arg2[%dma_start3A_12, %dma_start3A_13] : memref<10000x128xi32, #tpu.memory_space<hbm>> -> memref<10000x128xi32, #tpu.memory_space<hbm>>
    %dma_start3A_15 = tpu.memref_slice %arg11[%dma_start3A_5] : memref<2x!tpu.dma_semaphore, #tpu.memory_space<semaphore_mem>> -> memref<1x!tpu.dma_semaphore, #tpu.memory_space<semaphore_mem>>
    %dma_start3A_16 = tpu.memref_squeeze %dma_start3A_15 : memref<1x!tpu.dma_semaphore, #tpu.memory_space<semaphore_mem>> -> memref<!tpu.dma_semaphore, #tpu.memory_space<semaphore_mem>>
    tpu.enqueue_indirect_dma source(%dma_start3A_14 : memref<10000x128xi32, #tpu.memory_space<hbm>>) target(%dma_start3A_9 : memref<200x128xi32, #tpu.memory_space<vmem>>) offsets(%dma_start3A_11 : memref<200xi32, #tpu.memory_space<vmem>>) semaphore(%dma_start3A_16 : memref<!tpu.dma_semaphore, #tpu.memory_space<semaphore_mem>>)
    %dma_start3A_17 = arith.constant 0 : i32
    %dma_start3A_18 = arith.constant 0 : i32
    %dma_start3A_19 = arith.constant 0 : i32
    %dma_start3A_20 = arith.constant 0 : i32
    %dma_start3A_21 = tpu.memref_slice %arg9[%dma_start3A_17, %dma_start3A_19, %dma_start3A_20] : memref<2x200x128xi32, #tpu.memory_space<vmem>> -> memref<1x200x128xi32, #tpu.memory_space<vmem>>
    %dma_start3A_22 = tpu.memref_squeeze %dma_start3A_21 : memref<1x200x128xi32, #tpu.memory_space<vmem>> -> memref<200x128xi32, #tpu.memory_space<vmem>>
    %dma_start3A_23 = arith.constant 0 : i32
    %dma_start3A_24 = tpu.memref_slice %arg7[%dma_start3A_23] : memref<5000xi32, #tpu.memory_space<vmem>> -> memref<200xi32, #tpu.memory_space<vmem>>
    %dma_start3A_25 = arith.constant 0 : i32
    %dma_start3A_26 = arith.constant 0 : i32
    %dma_start3A_27 = tpu.memref_slice %arg3[%dma_start3A_25, %dma_start3A_26] : memref<10000x128xi32, #tpu.memory_space<hbm>> -> memref<10000x128xi32, #tpu.memory_space<hbm>>
    %dma_start3A_28 = tpu.memref_slice %arg11[%dma_start3A_18] : memref<2x!tpu.dma_semaphore, #tpu.memory_space<semaphore_mem>> -> memref<1x!tpu.dma_semaphore, #tpu.memory_space<semaphore_mem>>
    %dma_start3A_29 = tpu.memref_squeeze %dma_start3A_28 : memref<1x!tpu.dma_semaphore, #tpu.memory_space<semaphore_mem>> -> memref<!tpu.dma_semaphore, #tpu.memory_space<semaphore_mem>>
    tpu.enqueue_indirect_dma source(%dma_start3A_27 : memref<10000x128xi32, #tpu.memory_space<hbm>>) target(%dma_start3A_22 : memref<200x128xi32, #tpu.memory_space<vmem>>) offsets(%dma_start3A_24 : memref<200xi32, #tpu.memory_space<vmem>>) semaphore(%dma_start3A_29 : memref<!tpu.dma_semaphore, #tpu.memory_space<semaphore_mem>>)
    %scan3A = arith.constant 0 : i32
    %scan3A_30 = arith.constant 25 : i32
    %scan3A_31 = arith.addi %scan3A, %scan3A_30 : i32
    %scan3A_32 = arith.constant 1 : i32
    scf.for %scan3A_34 = %scan3A to %scan3A_31 step %scan3A_32  : i32 {
      %mul3A_35 = arith.constant 1 : i32
      %mul3A_36 = arith.muli %scan3A_34, %mul3A_35 : i32
      %add3A_37 = arith.constant 0 : i32
      %add3A_38 = arith.addi %add3A_37, %mul3A_36 : i32
      %rem3A = arith.constant 2 : i32
      %rem3A_39 = arith.remsi %add3A_38, %rem3A : i32
      %add3A_40 = arith.constant 2 : i32
      %add3A_41 = arith.addi %add3A_38, %add3A_40 : i32
      %sub3A = arith.constant 1 : i32
      %sub3A_42 = arith.subi %add3A_41, %sub3A : i32
      %lt3A = arith.constant 25 : i32
      %lt3A_43 = arith.cmpi slt, %sub3A_42, %lt3A : i32
      %convert_element_type3A = arith.extui %lt3A_43 : i1 to i32
      %cond3A = arith.constant 0 : i32
      %cond3A_44 = arith.cmpi ne, %convert_element_type3A, %cond3A : i32
      scf.if %cond3A_44 {
        %add3A_73 = arith.constant 2 : i32
        %add3A_74 = arith.addi %add3A_38, %add3A_73 : i32
        %sub3A_75 = arith.constant 1 : i32
        %sub3A_76 = arith.subi %add3A_74, %sub3A_75 : i32
        %add3A_77 = arith.constant 2 : i32
        %add3A_78 = arith.addi %add3A_38, %add3A_77 : i32
        %sub3A_79 = arith.constant 1 : i32
        %sub3A_80 = arith.subi %add3A_78, %sub3A_79 : i32
        %rem3A_81 = arith.constant 2 : i32
        %rem3A_82 = arith.remsi %sub3A_80, %rem3A_81 : i32
        %mul3A_83 = arith.constant 200 : i32
        %mul3A_84 = arith.muli %sub3A_76, %mul3A_83 : i32
        %dma_start3A_85 = arith.constant 0 : i32
        %dma_start3A_86 = arith.constant 0 : i32
        %dma_start3A_87 = tpu.memref_slice %arg8[%rem3A_82, %dma_start3A_85, %dma_start3A_86] : memref<2x200x128xi32, #tpu.memory_space<vmem>> -> memref<1x200x128xi32, #tpu.memory_space<vmem>>
        %dma_start3A_88 = tpu.memref_squeeze %dma_start3A_87 : memref<1x200x128xi32, #tpu.memory_space<vmem>> -> memref<200x128xi32, #tpu.memory_space<vmem>>
        %dma_start3A_89 = tpu.memref_slice %arg6[%mul3A_84] : memref<5000xi32, #tpu.memory_space<vmem>> -> memref<200xi32, #tpu.memory_space<vmem>>
        %dma_start3A_90 = arith.constant 0 : i32
        %dma_start3A_91 = arith.constant 0 : i32
        %dma_start3A_92 = tpu.memref_slice %arg2[%dma_start3A_90, %dma_start3A_91] : memref<10000x128xi32, #tpu.memory_space<hbm>> -> memref<10000x128xi32, #tpu.memory_space<hbm>>
        %dma_start3A_93 = tpu.memref_slice %arg11[%rem3A_82] : memref<2x!tpu.dma_semaphore, #tpu.memory_space<semaphore_mem>> -> memref<1x!tpu.dma_semaphore, #tpu.memory_space<semaphore_mem>>
        %dma_start3A_94 = tpu.memref_squeeze %dma_start3A_93 : memref<1x!tpu.dma_semaphore, #tpu.memory_space<semaphore_mem>> -> memref<!tpu.dma_semaphore, #tpu.memory_space<semaphore_mem>>
        tpu.enqueue_indirect_dma source(%dma_start3A_92 : memref<10000x128xi32, #tpu.memory_space<hbm>>) target(%dma_start3A_88 : memref<200x128xi32, #tpu.memory_space<vmem>>) offsets(%dma_start3A_89 : memref<200xi32, #tpu.memory_space<vmem>>) semaphore(%dma_start3A_94 : memref<!tpu.dma_semaphore, #tpu.memory_space<semaphore_mem>>)
        %dma_start3A_95 = arith.constant 0 : i32
        %dma_start3A_96 = arith.constant 0 : i32
        %dma_start3A_97 = tpu.memref_slice %arg9[%rem3A_82, %dma_start3A_95, %dma_start3A_96] : memref<2x200x128xi32, #tpu.memory_space<vmem>> -> memref<1x200x128xi32, #tpu.memory_space<vmem>>
        %dma_start3A_98 = tpu.memref_squeeze %dma_start3A_97 : memref<1x200x128xi32, #tpu.memory_space<vmem>> -> memref<200x128xi32, #tpu.memory_space<vmem>>
        %dma_start3A_99 = tpu.memref_slice %arg7[%mul3A_84] : memref<5000xi32, #tpu.memory_space<vmem>> -> memref<200xi32, #tpu.memory_space<vmem>>
        %dma_start3A_100 = arith.constant 0 : i32
        %dma_start3A_101 = arith.constant 0 : i32
        %dma_start3A_102 = tpu.memref_slice %arg3[%dma_start3A_100, %dma_start3A_101] : memref<10000x128xi32, #tpu.memory_space<hbm>> -> memref<10000x128xi32, #tpu.memory_space<hbm>>
        %dma_start3A_103 = tpu.memref_slice %arg11[%rem3A_82] : memref<2x!tpu.dma_semaphore, #tpu.memory_space<semaphore_mem>> -> memref<1x!tpu.dma_semaphore, #tpu.memory_space<semaphore_mem>>
        %dma_start3A_104 = tpu.memref_squeeze %dma_start3A_103 : memref<1x!tpu.dma_semaphore, #tpu.memory_space<semaphore_mem>> -> memref<!tpu.dma_semaphore, #tpu.memory_space<semaphore_mem>>
        tpu.enqueue_indirect_dma source(%dma_start3A_102 : memref<10000x128xi32, #tpu.memory_space<hbm>>) target(%dma_start3A_98 : memref<200x128xi32, #tpu.memory_space<vmem>>) offsets(%dma_start3A_99 : memref<200xi32, #tpu.memory_space<vmem>>) semaphore(%dma_start3A_104 : memref<!tpu.dma_semaphore, #tpu.memory_space<semaphore_mem>>)
      } else {
      }
      %dma_wait3A = arith.constant 0 : i32
      %dma_wait3A_45 = arith.constant 0 : i32
      %dma_wait3A_46 = tpu.memref_slice %arg8[%rem3A_39, %dma_wait3A, %dma_wait3A_45] : memref<2x200x128xi32, #tpu.memory_space<vmem>> -> memref<1x200x128xi32, #tpu.memory_space<vmem>>
      %dma_wait3A_47 = tpu.memref_squeeze %dma_wait3A_46 : memref<1x200x128xi32, #tpu.memory_space<vmem>> -> memref<200x128xi32, #tpu.memory_space<vmem>>
      %dma_wait3A_48 = arith.constant 0 : i32
      %dma_wait3A_49 = tpu.memref_slice %arg6[%dma_wait3A_48] : memref<5000xi32, #tpu.memory_space<vmem>> -> memref<200xi32, #tpu.memory_space<vmem>>
      %dma_wait3A_50 = arith.constant 0 : i32
      %dma_wait3A_51 = arith.constant 0 : i32
      %dma_wait3A_52 = tpu.memref_slice %arg2[%dma_wait3A_50, %dma_wait3A_51] : memref<10000x128xi32, #tpu.memory_space<hbm>> -> memref<10000x128xi32, #tpu.memory_space<hbm>>
      %dma_wait3A_53 = tpu.memref_slice %arg11[%rem3A_39] : memref<2x!tpu.dma_semaphore, #tpu.memory_space<semaphore_mem>> -> memref<1x!tpu.dma_semaphore, #tpu.memory_space<semaphore_mem>>
      %dma_wait3A_54 = tpu.memref_squeeze %dma_wait3A_53 : memref<1x!tpu.dma_semaphore, #tpu.memory_space<semaphore_mem>> -> memref<!tpu.dma_semaphore, #tpu.memory_space<semaphore_mem>>
      tpu.wait_indirect_dma semaphore(%dma_wait3A_54 : memref<!tpu.dma_semaphore, #tpu.memory_space<semaphore_mem>>) src(%dma_wait3A_52 : memref<10000x128xi32, #tpu.memory_space<hbm>>) dst(%dma_wait3A_47 : memref<200x128xi32, #tpu.memory_space<vmem>>)
      %dma_wait3A_55 = arith.constant 0 : i32
      %dma_wait3A_56 = arith.constant 0 : i32
      %dma_wait3A_57 = tpu.memref_slice %arg9[%rem3A_39, %dma_wait3A_55, %dma_wait3A_56] : memref<2x200x128xi32, #tpu.memory_space<vmem>> -> memref<1x200x128xi32, #tpu.memory_space<vmem>>
      %dma_wait3A_58 = tpu.memref_squeeze %dma_wait3A_57 : memref<1x200x128xi32, #tpu.memory_space<vmem>> -> memref<200x128xi32, #tpu.memory_space<vmem>>
      %dma_wait3A_59 = arith.constant 0 : i32
      %dma_wait3A_60 = tpu.memref_slice %arg7[%dma_wait3A_59] : memref<5000xi32, #tpu.memory_space<vmem>> -> memref<200xi32, #tpu.memory_space<vmem>>
      %dma_wait3A_61 = arith.constant 0 : i32
      %dma_wait3A_62 = arith.constant 0 : i32
      %dma_wait3A_63 = tpu.memref_slice %arg3[%dma_wait3A_61, %dma_wait3A_62] : memref<10000x128xi32, #tpu.memory_space<hbm>> -> memref<10000x128xi32, #tpu.memory_space<hbm>>
      %dma_wait3A_64 = tpu.memref_slice %arg11[%rem3A_39] : memref<2x!tpu.dma_semaphore, #tpu.memory_space<semaphore_mem>> -> memref<1x!tpu.dma_semaphore, #tpu.memory_space<semaphore_mem>>
      %dma_wait3A_65 = tpu.memref_squeeze %dma_wait3A_64 : memref<1x!tpu.dma_semaphore, #tpu.memory_space<semaphore_mem>> -> memref<!tpu.dma_semaphore, #tpu.memory_space<semaphore_mem>>
      tpu.wait_indirect_dma semaphore(%dma_wait3A_65 : memref<!tpu.dma_semaphore, #tpu.memory_space<semaphore_mem>>) src(%dma_wait3A_63 : memref<10000x128xi32, #tpu.memory_space<hbm>>) dst(%dma_wait3A_58 : memref<200x128xi32, #tpu.memory_space<vmem>>)
      %mul3A_66 = arith.constant 200 : i32
      %mul3A_67 = arith.muli %add3A_38, %mul3A_66 : i32
      %scan3A_68 = arith.constant 0 : i32
      %scan3A_69 = arith.constant 13 : i32
      %scan3A_70 = arith.addi %scan3A_68, %scan3A_69 : i32
      %scan3A_71 = arith.constant 1 : i32
      scf.for %scan3A_73 = %scan3A_68 to %scan3A_70 step %scan3A_71  : i32 {
        %mul3A_74 = arith.constant 1 : i32
        %mul3A_75 = arith.muli %scan3A_73, %mul3A_74 : i32
        %add3A_76 = arith.constant 0 : i32
        %add3A_77 = arith.addi %add3A_76, %mul3A_75 : i32
        %mul3A_78 = arith.constant 16 : i32
        %mul3A_79 = arith.muli %add3A_77, %mul3A_78 : i32
        %min3A = arith.constant 184 : i32
        %min3A_80 = arith.minsi %mul3A_79, %min3A : i32
        %iota3A = tpu.iota {dimensions = array<i32: 0>} : vector<16xi32>
        %broadcast_in_dim3A = arith.constant 0.000000e+00 : f32
        %broadcast_in_dim3A_81 = vector.broadcast %broadcast_in_dim3A : f32 to vector<16xf32>
        %add3A_82 = arith.constant 0 : i32
        %add3A_83 = arith.addi %min3A_80, %add3A_82 : i32
        %broadcast_in_dim3A_84 = arith.constant 0.000000e+00 : f32
        %broadcast_in_dim3A_85 = vector.broadcast %broadcast_in_dim3A_84 : f32 to vector<16xf32>
        %get3A = arith.index_cast %rem3A_39 : i32 to index
        %get3A_86 = arith.index_cast %add3A_83 : i32 to index
        %get3A_87 = arith.constant 0 : index
        %get3A_88 = tpu.vector_load %arg8[%get3A, %get3A_86, %get3A_87] {strides = array<i32>} : memref<2x200x128xi32, #tpu.memory_space<vmem>>, vector<16xi32>,
        %bitcast3A = vector.bitcast %get3A_88 : vector<16xi32> to vector<32xbf16>
        %unpack3A = tpu.unpack_subelements %bitcast3A, 0 {pack_format = #tpu.pack_format<interleaved>} : vector<32xbf16> -> vector<16xf32>
        %unpack3A_89 = tpu.unpack_subelements %bitcast3A, 1 {pack_format = #tpu.pack_format<interleaved>} : vector<32xbf16> -> vector<16xf32>
        %get3A_90 = arith.index_cast %rem3A_39 : i32 to index
        %get3A_91 = arith.index_cast %add3A_83 : i32 to index
        %get3A_92 = arith.constant 0 : index
        %get3A_93 = tpu.vector_load %arg9[%get3A_90, %get3A_91, %get3A_92] {strides = array<i32>} : memref<2x200x128xi32, #tpu.memory_space<vmem>>, vector<16xi32>,
        %bitcast3A_94 = vector.bitcast %get3A_93 : vector<16xi32> to vector<32xbf16>
        %unpack3A_95 = tpu.unpack_subelements %bitcast3A_94, 0 {pack_format = #tpu.pack_format<interleaved>} : vector<32xbf16> -> vector<16xf32>
        %unpack3A_96 = tpu.unpack_subelements %bitcast3A_94, 1 {pack_format = #tpu.pack_format<interleaved>} : vector<32xbf16> -> vector<16xf32>
        %mul3A_97 = arith.mulf %unpack3A, %unpack3A_95 : vector<16xf32>
        %add3A_98 = arith.addf %broadcast_in_dim3A_85, %mul3A_97 : vector<16xf32>
        %mul3A_99 = arith.mulf %unpack3A_89, %unpack3A_96 : vector<16xf32>
        %add3A_100 = arith.addf %add3A_98, %mul3A_99 : vector<16xf32>
        %get3A_101 = arith.index_cast %rem3A_39 : i32 to index
        %get3A_102 = arith.index_cast %add3A_83 : i32 to index
        %get3A_103 = arith.constant 16 : index
        %get3A_104 = tpu.vector_load %arg8[%get3A_101, %get3A_102, %get3A_103] {strides = array<i32>} : memref<2x200x128xi32, #tpu.memory_space<vmem>>, vector<16xi32>,
        %bitcast3A_105 = vector.bitcast %get3A_104 : vector<16xi32> to vector<32xbf16>
        %unpack3A_106 = tpu.unpack_subelements %bitcast3A_105, 0 {pack_format = #tpu.pack_format<interleaved>} : vector<32xbf16> -> vector<16xf32>
        %unpack3A_107 = tpu.unpack_subelements %bitcast3A_105, 1 {pack_format = #tpu.pack_format<interleaved>} : vector<32xbf16> -> vector<16xf32>
        %get3A_108 = arith.index_cast %rem3A_39 : i32 to index
        %get3A_109 = arith.index_cast %add3A_83 : i32 to index
        %get3A_110 = arith.constant 16 : index
        %get3A_111 = tpu.vector_load %arg9[%get3A_108, %get3A_109, %get3A_110] {strides = array<i32>} : memref<2x200x128xi32, #tpu.memory_space<vmem>>, vector<16xi32>,
        %bitcast3A_112 = vector.bitcast %get3A_111 : vector<16xi32> to vector<32xbf16>
        %unpack3A_113 = tpu.unpack_subelements %bitcast3A_112, 0 {pack_format = #tpu.pack_format<interleaved>} : vector<32xbf16> -> vector<16xf32>
        %unpack3A_114 = tpu.unpack_subelements %bitcast3A_112, 1 {pack_format = #tpu.pack_format<interleaved>} : vector<32xbf16> -> vector<16xf32>
        %mul3A_115 = arith.mulf %unpack3A_106, %unpack3A_113 : vector<16xf32>
        %add3A_116 = arith.addf %add3A_100, %mul3A_115 : vector<16xf32>
        %mul3A_117 = arith.mulf %unpack3A_107, %unpack3A_114 : vector<16xf32>
        %add3A_118 = arith.addf %add3A_116, %mul3A_117 : vector<16xf32>
        %get3A_119 = arith.index_cast %rem3A_39 : i32 to index
        %get3A_120 = arith.index_cast %add3A_83 : i32 to index
        %get3A_121 = arith.constant 32 : index
        %get3A_122 = tpu.vector_load %arg8[%get3A_119, %get3A_120, %get3A_121] {strides = array<i32>} : memref<2x200x128xi32, #tpu.memory_space<vmem>>, vector<16xi32>,
        %bitcast3A_123 = vector.bitcast %get3A_122 : vector<16xi32> to vector<32xbf16>
        %unpack3A_124 = tpu.unpack_subelements %bitcast3A_123, 0 {pack_format = #tpu.pack_format<interleaved>} : vector<32xbf16> -> vector<16xf32>
        %unpack3A_125 = tpu.unpack_subelements %bitcast3A_123, 1 {pack_format = #tpu.pack_format<interleaved>} : vector<32xbf16> -> vector<16xf32>
        %get3A_126 = arith.index_cast %rem3A_39 : i32 to index
        %get3A_127 = arith.index_cast %add3A_83 : i32 to index
        %get3A_128 = arith.constant 32 : index
        %get3A_129 = tpu.vector_load %arg9[%get3A_126, %get3A_127, %get3A_128] {strides = array<i32>} : memref<2x200x128xi32, #tpu.memory_space<vmem>>, vector<16xi32>,
        %bitcast3A_130 = vector.bitcast %get3A_129 : vector<16xi32> to vector<32xbf16>
        %unpack3A_131 = tpu.unpack_subelements %bitcast3A_130, 0 {pack_format = #tpu.pack_format<interleaved>} : vector<32xbf16> -> vector<16xf32>
        %unpack3A_132 = tpu.unpack_subelements %bitcast3A_130, 1 {pack_format = #tpu.pack_format<interleaved>} : vector<32xbf16> -> vector<16xf32>
        %mul3A_133 = arith.mulf %unpack3A_124, %unpack3A_131 : vector<16xf32>
        %add3A_134 = arith.addf %add3A_118, %mul3A_133 : vector<16xf32>
        %mul3A_135 = arith.mulf %unpack3A_125, %unpack3A_132 : vector<16xf32>
        %add3A_136 = arith.addf %add3A_134, %mul3A_135 : vector<16xf32>
        %get3A_137 = arith.index_cast %rem3A_39 : i32 to index
        %get3A_138 = arith.index_cast %add3A_83 : i32 to index
        %get3A_139 = arith.constant 48 : index
        %get3A_140 = tpu.vector_load %arg8[%get3A_137, %get3A_138, %get3A_139] {strides = array<i32>} : memref<2x200x128xi32, #tpu.memory_space<vmem>>, vector<16xi32>,
        %bitcast3A_141 = vector.bitcast %get3A_140 : vector<16xi32> to vector<32xbf16>
        %unpack3A_142 = tpu.unpack_subelements %bitcast3A_141, 0 {pack_format = #tpu.pack_format<interleaved>} : vector<32xbf16> -> vector<16xf32>
        %unpack3A_143 = tpu.unpack_subelements %bitcast3A_141, 1 {pack_format = #tpu.pack_format<interleaved>} : vector<32xbf16> -> vector<16xf32>
        %get3A_144 = arith.index_cast %rem3A_39 : i32 to index
        %get3A_145 = arith.index_cast %add3A_83 : i32 to index
        %get3A_146 = arith.constant 48 : index
        %get3A_147 = tpu.vector_load %arg9[%get3A_144, %get3A_145, %get3A_146] {strides = array<i32>} : memref<2x200x128xi32, #tpu.memory_space<vmem>>, vector<16xi32>,
        %bitcast3A_148 = vector.bitcast %get3A_147 : vector<16xi32> to vector<32xbf16>
        %unpack3A_149 = tpu.unpack_subelements %bitcast3A_148, 0 {pack_format = #tpu.pack_format<interleaved>} : vector<32xbf16> -> vector<16xf32>
        %unpack3A_150 = tpu.unpack_subelements %bitcast3A_148, 1 {pack_format = #tpu.pack_format<interleaved>} : vector<32xbf16> -> vector<16xf32>
        %mul3A_151 = arith.mulf %unpack3A_142, %unpack3A_149 : vector<16xf32>
        %add3A_152 = arith.addf %add3A_136, %mul3A_151 : vector<16xf32>
        %mul3A_153 = arith.mulf %unpack3A_143, %unpack3A_150 : vector<16xf32>
        %add3A_154 = arith.addf %add3A_152, %mul3A_153 : vector<16xf32>
        %get3A_155 = arith.index_cast %rem3A_39 : i32 to index
        %get3A_156 = arith.index_cast %add3A_83 : i32 to index
        %get3A_157 = arith.constant 64 : index
        %get3A_158 = tpu.vector_load %arg8[%get3A_155, %get3A_156, %get3A_157] {strides = array<i32>} : memref<2x200x128xi32, #tpu.memory_space<vmem>>, vector<16xi32>,
        %bitcast3A_159 = vector.bitcast %get3A_158 : vector<16xi32> to vector<32xbf16>
        %unpack3A_160 = tpu.unpack_subelements %bitcast3A_159, 0 {pack_format = #tpu.pack_format<interleaved>} : vector<32xbf16> -> vector<16xf32>
        %unpack3A_161 = tpu.unpack_subelements %bitcast3A_159, 1 {pack_format = #tpu.pack_format<interleaved>} : vector<32xbf16> -> vector<16xf32>
        %get3A_162 = arith.index_cast %rem3A_39 : i32 to index
        %get3A_163 = arith.index_cast %add3A_83 : i32 to index
        %get3A_164 = arith.constant 64 : index
        %get3A_165 = tpu.vector_load %arg9[%get3A_162, %get3A_163, %get3A_164] {strides = array<i32>} : memref<2x200x128xi32, #tpu.memory_space<vmem>>, vector<16xi32>,
        %bitcast3A_166 = vector.bitcast %get3A_165 : vector<16xi32> to vector<32xbf16>
        %unpack3A_167 = tpu.unpack_subelements %bitcast3A_166, 0 {pack_format = #tpu.pack_format<interleaved>} : vector<32xbf16> -> vector<16xf32>
        %unpack3A_168 = tpu.unpack_subelements %bitcast3A_166, 1 {pack_format = #tpu.pack_format<interleaved>} : vector<32xbf16> -> vector<16xf32>
        %mul3A_169 = arith.mulf %unpack3A_160, %unpack3A_167 : vector<16xf32>
        %add3A_170 = arith.addf %add3A_154, %mul3A_169 : vector<16xf32>
        %mul3A_171 = arith.mulf %unpack3A_161, %unpack3A_168 : vector<16xf32>
        %add3A_172 = arith.addf %add3A_170, %mul3A_171 : vector<16xf32>
        %get3A_173 = arith.index_cast %rem3A_39 : i32 to index
        %get3A_174 = arith.index_cast %add3A_83 : i32 to index
        %get3A_175 = arith.constant 80 : index
        %get3A_176 = tpu.vector_load %arg8[%get3A_173, %get3A_174, %get3A_175] {strides = array<i32>} : memref<2x200x128xi32, #tpu.memory_space<vmem>>, vector<16xi32>,
        %bitcast3A_177 = vector.bitcast %get3A_176 : vector<16xi32> to vector<32xbf16>
        %unpack3A_178 = tpu.unpack_subelements %bitcast3A_177, 0 {pack_format = #tpu.pack_format<interleaved>} : vector<32xbf16> -> vector<16xf32>
        %unpack3A_179 = tpu.unpack_subelements %bitcast3A_177, 1 {pack_format = #tpu.pack_format<interleaved>} : vector<32xbf16> -> vector<16xf32>
        %get3A_180 = arith.index_cast %rem3A_39 : i32 to index
        %get3A_181 = arith.index_cast %add3A_83 : i32 to index
        %get3A_182 = arith.constant 80 : index
        %get3A_183 = tpu.vector_load %arg9[%get3A_180, %get3A_181, %get3A_182] {strides = array<i32>} : memref<2x200x128xi32, #tpu.memory_space<vmem>>, vector<16xi32>,
        %bitcast3A_184 = vector.bitcast %get3A_183 : vector<16xi32> to vector<32xbf16>
        %unpack3A_185 = tpu.unpack_subelements %bitcast3A_184, 0 {pack_format = #tpu.pack_format<interleaved>} : vector<32xbf16> -> vector<16xf32>
        %unpack3A_186 = tpu.unpack_subelements %bitcast3A_184, 1 {pack_format = #tpu.pack_format<interleaved>} : vector<32xbf16> -> vector<16xf32>
        %mul3A_187 = arith.mulf %unpack3A_178, %unpack3A_185 : vector<16xf32>
        %add3A_188 = arith.addf %add3A_172, %mul3A_187 : vector<16xf32>
        %mul3A_189 = arith.mulf %unpack3A_179, %unpack3A_186 : vector<16xf32>
        %add3A_190 = arith.addf %add3A_188, %mul3A_189 : vector<16xf32>
        %get3A_191 = arith.index_cast %rem3A_39 : i32 to index
        %get3A_192 = arith.index_cast %add3A_83 : i32 to index
        %get3A_193 = arith.constant 96 : index
        %get3A_194 = tpu.vector_load %arg8[%get3A_191, %get3A_192, %get3A_193] {strides = array<i32>} : memref<2x200x128xi32, #tpu.memory_space<vmem>>, vector<16xi32>,
        %bitcast3A_195 = vector.bitcast %get3A_194 : vector<16xi32> to vector<32xbf16>
        %unpack3A_196 = tpu.unpack_subelements %bitcast3A_195, 0 {pack_format = #tpu.pack_format<interleaved>} : vector<32xbf16> -> vector<16xf32>
        %unpack3A_197 = tpu.unpack_subelements %bitcast3A_195, 1 {pack_format = #tpu.pack_format<interleaved>} : vector<32xbf16> -> vector<16xf32>
        %get3A_198 = arith.index_cast %rem3A_39 : i32 to index
        %get3A_199 = arith.index_cast %add3A_83 : i32 to index
        %get3A_200 = arith.constant 96 : index
        %get3A_201 = tpu.vector_load %arg9[%get3A_198, %get3A_199, %get3A_200] {strides = array<i32>} : memref<2x200x128xi32, #tpu.memory_space<vmem>>, vector<16xi32>,
        %bitcast3A_202 = vector.bitcast %get3A_201 : vector<16xi32> to vector<32xbf16>
        %unpack3A_203 = tpu.unpack_subelements %bitcast3A_202, 0 {pack_format = #tpu.pack_format<interleaved>} : vector<32xbf16> -> vector<16xf32>
        %unpack3A_204 = tpu.unpack_subelements %bitcast3A_202, 1 {pack_format = #tpu.pack_format<interleaved>} : vector<32xbf16> -> vector<16xf32>
        %mul3A_205 = arith.mulf %unpack3A_196, %unpack3A_203 : vector<16xf32>
        %add3A_206 = arith.addf %add3A_190, %mul3A_205 : vector<16xf32>
        %mul3A_207 = arith.mulf %unpack3A_197, %unpack3A_204 : vector<16xf32>
        %add3A_208 = arith.addf %add3A_206, %mul3A_207 : vector<16xf32>
        %get3A_209 = arith.index_cast %rem3A_39 : i32 to index
        %get3A_210 = arith.index_cast %add3A_83 : i32 to index
        %get3A_211 = arith.constant 112 : index
        %get3A_212 = tpu.vector_load %arg8[%get3A_209, %get3A_210, %get3A_211] {strides = array<i32>} : memref<2x200x128xi32, #tpu.memory_space<vmem>>, vector<16xi32>,
        %bitcast3A_213 = vector.bitcast %get3A_212 : vector<16xi32> to vector<32xbf16>
        %unpack3A_214 = tpu.unpack_subelements %bitcast3A_213, 0 {pack_format = #tpu.pack_format<interleaved>} : vector<32xbf16> -> vector<16xf32>
        %unpack3A_215 = tpu.unpack_subelements %bitcast3A_213, 1 {pack_format = #tpu.pack_format<interleaved>} : vector<32xbf16> -> vector<16xf32>
        %get3A_216 = arith.index_cast %rem3A_39 : i32 to index
        %get3A_217 = arith.index_cast %add3A_83 : i32 to index
        %get3A_218 = arith.constant 112 : index
        %get3A_219 = tpu.vector_load %arg9[%get3A_216, %get3A_217, %get3A_218] {strides = array<i32>} : memref<2x200x128xi32, #tpu.memory_space<vmem>>, vector<16xi32>,
        %bitcast3A_220 = vector.bitcast %get3A_219 : vector<16xi32> to vector<32xbf16>
        %unpack3A_221 = tpu.unpack_subelements %bitcast3A_220, 0 {pack_format = #tpu.pack_format<interleaved>} : vector<32xbf16> -> vector<16xf32>
        %unpack3A_222 = tpu.unpack_subelements %bitcast3A_220, 1 {pack_format = #tpu.pack_format<interleaved>} : vector<32xbf16> -> vector<16xf32>
        %mul3A_223 = arith.mulf %unpack3A_214, %unpack3A_221 : vector<16xf32>
        %add3A_224 = arith.addf %add3A_208, %mul3A_223 : vector<16xf32>
        %mul3A_225 = arith.mulf %unpack3A_215, %unpack3A_222 : vector<16xf32>
        %add3A_226 = arith.addf %add3A_224, %mul3A_225 : vector<16xf32>
        %eq3A = arith.constant 0 : i32
        %eq3A_227 = vector.broadcast %eq3A : i32 to vector<16xi32>
        %eq3A_228 = arith.cmpi eq, %iota3A, %eq3A_227 : vector<16xi32>
        %reduce_sum3A = arith.constant true
        %reduce_sum3A_229 = vector.broadcast %reduce_sum3A : i1 to vector<16xi1>
        %reduce_sum3A_230 = tpu.scan <sum>, %add3A_226 masked %reduce_sum3A_229 : vector<16xf32>, vector<16xi1> -> vector<16xf32>
        %reduce_sum3A_231 = vector.extract %reduce_sum3A_230[15] : f32 from vector<16xf32>
        %broadcast_in_dim3A_232 = vector.broadcast %reduce_sum3A_231 : f32 to vector<16xf32>
        %select_n3A = arith.select %eq3A_228, %broadcast_in_dim3A_232, %broadcast_in_dim3A_81 : vector<16xi1>, vector<16xf32>
        %add3A_233 = arith.constant 1 : i32
        %add3A_234 = arith.addi %min3A_80, %add3A_233 : i32
        %broadcast_in_dim3A_235 = arith.constant 0.000000e+00 : f32
        %broadcast_in_dim3A_236 = vector.broadcast %broadcast_in_dim3A_235 : f32 to vector<16xf32>
        %get3A_237 = arith.index_cast %rem3A_39 : i32 to index
        %get3A_238 = arith.index_cast %add3A_234 : i32 to index
        %get3A_239 = arith.constant 0 : index
        %get3A_240 = tpu.vector_load %arg8[%get3A_237, %get3A_238, %get3A_239] {strides = array<i32>} : memref<2x200x128xi32, #tpu.memory_space<vmem>>, vector<16xi32>,
        %bitcast3A_241 = vector.bitcast %get3A_240 : vector<16xi32> to vector<32xbf16>
        %unpack3A_242 = tpu.unpack_subelements %bitcast3A_241, 0 {pack_format = #tpu.pack_format<interleaved>} : vector<32xbf16> -> vector<16xf32>
        %unpack3A_243 = tpu.unpack_subelements %bitcast3A_241, 1 {pack_format = #tpu.pack_format<interleaved>} : vector<32xbf16> -> vector<16xf32>
        %get3A_244 = arith.index_cast %rem3A_39 : i32 to index
        %get3A_245 = arith.index_cast %add3A_234 : i32 to index
        %get3A_246 = arith.constant 0 : index
        %get3A_247 = tpu.vector_load %arg9[%get3A_244, %get3A_245, %get3A_246] {strides = array<i32>} : memref<2x200x128xi32, #tpu.memory_space<vmem>>, vector<16xi32>,
        %bitcast3A_248 = vector.bitcast %get3A_247 : vector<16xi32> to vector<32xbf16>
        %unpack3A_249 = tpu.unpack_subelements %bitcast3A_248, 0 {pack_format = #tpu.pack_format<interleaved>} : vector<32xbf16> -> vector<16xf32>
        %unpack3A_250 = tpu.unpack_subelements %bitcast3A_248, 1 {pack_format = #tpu.pack_format<interleaved>} : vector<32xbf16> -> vector<16xf32>
        %mul3A_251 = arith.mulf %unpack3A_242, %unpack3A_249 : vector<16xf32>
        %add3A_252 = arith.addf %broadcast_in_dim3A_236, %mul3A_251 : vector<16xf32>
        %mul3A_253 = arith.mulf %unpack3A_243, %unpack3A_250 : vector<16xf32>
        %add3A_254 = arith.addf %add3A_252, %mul3A_253 : vector<16xf32>
        %get3A_255 = arith.index_cast %rem3A_39 : i32 to index
        %get3A_256 = arith.index_cast %add3A_234 : i32 to index
        %get3A_257 = arith.constant 16 : index
        %get3A_258 = tpu.vector_load %arg8[%get3A_255, %get3A_256, %get3A_257] {strides = array<i32>} : memref<2x200x128xi32, #tpu.memory_space<vmem>>, vector<16xi32>,
        %bitcast3A_259 = vector.bitcast %get3A_258 : vector<16xi32> to vector<32xbf16>
        %unpack3A_260 = tpu.unpack_subelements %bitcast3A_259, 0 {pack_format = #tpu.pack_format<interleaved>} : vector<32xbf16> -> vector<16xf32>
        %unpack3A_261 = tpu.unpack_subelements %bitcast3A_259, 1 {pack_format = #tpu.pack_format<interleaved>} : vector<32xbf16> -> vector<16xf32>
        %get3A_262 = arith.index_cast %rem3A_39 : i32 to index
        %get3A_263 = arith.index_cast %add3A_234 : i32 to index
        %get3A_264 = arith.constant 16 : index
        %get3A_265 = tpu.vector_load %arg9[%get3A_262, %get3A_263, %get3A_264] {strides = array<i32>} : memref<2x200x128xi32, #tpu.memory_space<vmem>>, vector<16xi32>,
        %bitcast3A_266 = vector.bitcast %get3A_265 : vector<16xi32> to vector<32xbf16>
        %unpack3A_267 = tpu.unpack_subelements %bitcast3A_266, 0 {pack_format = #tpu.pack_format<interleaved>} : vector<32xbf16> -> vector<16xf32>
        %unpack3A_268 = tpu.unpack_subelements %bitcast3A_266, 1 {pack_format = #tpu.pack_format<interleaved>} : vector<32xbf16> -> vector<16xf32>
        %mul3A_269 = arith.mulf %unpack3A_260, %unpack3A_267 : vector<16xf32>
        %add3A_270 = arith.addf %add3A_254, %mul3A_269 : vector<16xf32>
        %mul3A_271 = arith.mulf %unpack3A_261, %unpack3A_268 : vector<16xf32>
        %add3A_272 = arith.addf %add3A_270, %mul3A_271 : vector<16xf32>
        %get3A_273 = arith.index_cast %rem3A_39 : i32 to index
        %get3A_274 = arith.index_cast %add3A_234 : i32 to index
        %get3A_275 = arith.constant 32 : index
        %get3A_276 = tpu.vector_load %arg8[%get3A_273, %get3A_274, %get3A_275] {strides = array<i32>} : memref<2x200x128xi32, #tpu.memory_space<vmem>>, vector<16xi32>,
        %bitcast3A_277 = vector.bitcast %get3A_276 : vector<16xi32> to vector<32xbf16>
        %unpack3A_278 = tpu.unpack_subelements %bitcast3A_277, 0 {pack_format = #tpu.pack_format<interleaved>} : vector<32xbf16> -> vector<16xf32>
        %unpack3A_279 = tpu.unpack_subelements %bitcast3A_277, 1 {pack_format = #tpu.pack_format<interleaved>} : vector<32xbf16> -> vector<16xf32>
        %get3A_280 = arith.index_cast %rem3A_39 : i32 to index
        %get3A_281 = arith.index_cast %add3A_234 : i32 to index
        %get3A_282 = arith.constant 32 : index
        %get3A_283 = tpu.vector_load %arg9[%get3A_280, %get3A_281, %get3A_282] {strides = array<i32>} : memref<2x200x128xi32, #tpu.memory_space<vmem>>, vector<16xi32>,
        %bitcast3A_284 = vector.bitcast %get3A_283 : vector<16xi32> to vector<32xbf16>
        %unpack3A_285 = tpu.unpack_subelements %bitcast3A_284, 0 {pack_format = #tpu.pack_format<interleaved>} : vector<32xbf16> -> vector<16xf32>
        %unpack3A_286 = tpu.unpack_subelements %bitcast3A_284, 1 {pack_format = #tpu.pack_format<interleaved>} : vector<32xbf16> -> vector<16xf32>
        %mul3A_287 = arith.mulf %unpack3A_278, %unpack3A_285 : vector<16xf32>
        %add3A_288 = arith.addf %add3A_272, %mul3A_287 : vector<16xf32>
        %mul3A_289 = arith.mulf %unpack3A_279, %unpack3A_286 : vector<16xf32>
        %add3A_290 = arith.addf %add3A_288, %mul3A_289 : vector<16xf32>
        %get3A_291 = arith.index_cast %rem3A_39 : i32 to index
        %get3A_292 = arith.index_cast %add3A_234 : i32 to index
        %get3A_293 = arith.constant 48 : index
        %get3A_294 = tpu.vector_load %arg8[%get3A_291, %get3A_292, %get3A_293] {strides = array<i32>} : memref<2x200x128xi32, #tpu.memory_space<vmem>>, vector<16xi32>,
        %bitcast3A_295 = vector.bitcast %get3A_294 : vector<16xi32> to vector<32xbf16>
        %unpack3A_296 = tpu.unpack_subelements %bitcast3A_295, 0 {pack_format = #tpu.pack_format<interleaved>} : vector<32xbf16> -> vector<16xf32>
        %unpack3A_297 = tpu.unpack_subelements %bitcast3A_295, 1 {pack_format = #tpu.pack_format<interleaved>} : vector<32xbf16> -> vector<16xf32>
        %get3A_298 = arith.index_cast %rem3A_39 : i32 to index
        %get3A_299 = arith.index_cast %add3A_234 : i32 to index
        %get3A_300 = arith.constant 48 : index
        %get3A_301 = tpu.vector_load %arg9[%get3A_298, %get3A_299, %get3A_300] {strides = array<i32>} : memref<2x200x128xi32, #tpu.memory_space<vmem>>, vector<16xi32>,
        %bitcast3A_302 = vector.bitcast %get3A_301 : vector<16xi32> to vector<32xbf16>
        %unpack3A_303 = tpu.unpack_subelements %bitcast3A_302, 0 {pack_format = #tpu.pack_format<interleaved>} : vector<32xbf16> -> vector<16xf32>
        %unpack3A_304 = tpu.unpack_subelements %bitcast3A_302, 1 {pack_format = #tpu.pack_format<interleaved>} : vector<32xbf16> -> vector<16xf32>
        %mul3A_305 = arith.mulf %unpack3A_296, %unpack3A_303 : vector<16xf32>
        %add3A_306 = arith.addf %add3A_290, %mul3A_305 : vector<16xf32>
        %mul3A_307 = arith.mulf %unpack3A_297, %unpack3A_304 : vector<16xf32>
        %add3A_308 = arith.addf %add3A_306, %mul3A_307 : vector<16xf32>
        %get3A_309 = arith.index_cast %rem3A_39 : i32 to index
        %get3A_310 = arith.index_cast %add3A_234 : i32 to index
        %get3A_311 = arith.constant 64 : index
        %get3A_312 = tpu.vector_load %arg8[%get3A_309, %get3A_310, %get3A_311] {strides = array<i32>} : memref<2x200x128xi32, #tpu.memory_space<vmem>>, vector<16xi32>,
        %bitcast3A_313 = vector.bitcast %get3A_312 : vector<16xi32> to vector<32xbf16>
        %unpack3A_314 = tpu.unpack_subelements %bitcast3A_313, 0 {pack_format = #tpu.pack_format<interleaved>} : vector<32xbf16> -> vector<16xf32>
        %unpack3A_315 = tpu.unpack_subelements %bitcast3A_313, 1 {pack_format = #tpu.pack_format<interleaved>} : vector<32xbf16> -> vector<16xf32>
        %get3A_316 = arith.index_cast %rem3A_39 : i32 to index
        %get3A_317 = arith.index_cast %add3A_234 : i32 to index
        %get3A_318 = arith.constant 64 : index
        %get3A_319 = tpu.vector_load %arg9[%get3A_316, %get3A_317, %get3A_318] {strides = array<i32>} : memref<2x200x128xi32, #tpu.memory_space<vmem>>, vector<16xi32>,
        %bitcast3A_320 = vector.bitcast %get3A_319 : vector<16xi32> to vector<32xbf16>
        %unpack3A_321 = tpu.unpack_subelements %bitcast3A_320, 0 {pack_format = #tpu.pack_format<interleaved>} : vector<32xbf16> -> vector<16xf32>
        %unpack3A_322 = tpu.unpack_subelements %bitcast3A_320, 1 {pack_format = #tpu.pack_format<interleaved>} : vector<32xbf16> -> vector<16xf32>
        %mul3A_323 = arith.mulf %unpack3A_314, %unpack3A_321 : vector<16xf32>
        %add3A_324 = arith.addf %add3A_308, %mul3A_323 : vector<16xf32>
        %mul3A_325 = arith.mulf %unpack3A_315, %unpack3A_322 : vector<16xf32>
        %add3A_326 = arith.addf %add3A_324, %mul3A_325 : vector<16xf32>
        %get3A_327 = arith.index_cast %rem3A_39 : i32 to index
        %get3A_328 = arith.index_cast %add3A_234 : i32 to index
        %get3A_329 = arith.constant 80 : index
        %get3A_330 = tpu.vector_load %arg8[%get3A_327, %get3A_328, %get3A_329] {strides = array<i32>} : memref<2x200x128xi32, #tpu.memory_space<vmem>>, vector<16xi32>,
        %bitcast3A_331 = vector.bitcast %get3A_330 : vector<16xi32> to vector<32xbf16>
        %unpack3A_332 = tpu.unpack_subelements %bitcast3A_331, 0 {pack_format = #tpu.pack_format<interleaved>} : vector<32xbf16> -> vector<16xf32>
        %unpack3A_333 = tpu.unpack_subelements %bitcast3A_331, 1 {pack_format = #tpu.pack_format<interleaved>} : vector<32xbf16> -> vector<16xf32>
        %get3A_334 = arith.index_cast %rem3A_39 : i32 to index
        %get3A_335 = arith.index_cast %add3A_234 : i32 to index
        %get3A_336 = arith.constant 80 : index
        %get3A_337 = tpu.vector_load %arg9[%get3A_334, %get3A_335, %get3A_336] {strides = array<i32>} : memref<2x200x128xi32, #tpu.memory_space<vmem>>, vector<16xi32>,
        %bitcast3A_338 = vector.bitcast %get3A_337 : vector<16xi32> to vector<32xbf16>
        %unpack3A_339 = tpu.unpack_subelements %bitcast3A_338, 0 {pack_format = #tpu.pack_format<interleaved>} : vector<32xbf16> -> vector<16xf32>
        %unpack3A_340 = tpu.unpack_subelements %bitcast3A_338, 1 {pack_format = #tpu.pack_format<interleaved>} : vector<32xbf16> -> vector<16xf32>
        %mul3A_341 = arith.mulf %unpack3A_332, %unpack3A_339 : vector<16xf32>
        %add3A_342 = arith.addf %add3A_326, %mul3A_341 : vector<16xf32>
        %mul3A_343 = arith.mulf %unpack3A_333, %unpack3A_340 : vector<16xf32>
        %add3A_344 = arith.addf %add3A_342, %mul3A_343 : vector<16xf32>
        %get3A_345 = arith.index_cast %rem3A_39 : i32 to index
        %get3A_346 = arith.index_cast %add3A_234 : i32 to index
        %get3A_347 = arith.constant 96 : index
        %get3A_348 = tpu.vector_load %arg8[%get3A_345, %get3A_346, %get3A_347] {strides = array<i32>} : memref<2x200x128xi32, #tpu.memory_space<vmem>>, vector<16xi32>,
        %bitcast3A_349 = vector.bitcast %get3A_348 : vector<16xi32> to vector<32xbf16>
        %unpack3A_350 = tpu.unpack_subelements %bitcast3A_349, 0 {pack_format = #tpu.pack_format<interleaved>} : vector<32xbf16> -> vector<16xf32>
        %unpack3A_351 = tpu.unpack_subelements %bitcast3A_349, 1 {pack_format = #tpu.pack_format<interleaved>} : vector<32xbf16> -> vector<16xf32>
        %get3A_352 = arith.index_cast %rem3A_39 : i32 to index
        %get3A_353 = arith.index_cast %add3A_234 : i32 to index
        %get3A_354 = arith.constant 96 : index
        %get3A_355 = tpu.vector_load %arg9[%get3A_352, %get3A_353, %get3A_354] {strides = array<i32>} : memref<2x200x128xi32, #tpu.memory_space<vmem>>, vector<16xi32>,
        %bitcast3A_356 = vector.bitcast %get3A_355 : vector<16xi32> to vector<32xbf16>
        %unpack3A_357 = tpu.unpack_subelements %bitcast3A_356, 0 {pack_format = #tpu.pack_format<interleaved>} : vector<32xbf16> -> vector<16xf32>
        %unpack3A_358 = tpu.unpack_subelements %bitcast3A_356, 1 {pack_format = #tpu.pack_format<interleaved>} : vector<32xbf16> -> vector<16xf32>
        %mul3A_359 = arith.mulf %unpack3A_350, %unpack3A_357 : vector<16xf32>
        %add3A_360 = arith.addf %add3A_344, %mul3A_359 : vector<16xf32>
        %mul3A_361 = arith.mulf %unpack3A_351, %unpack3A_358 : vector<16xf32>
        %add3A_362 = arith.addf %add3A_360, %mul3A_361 : vector<16xf32>
        %get3A_363 = arith.index_cast %rem3A_39 : i32 to index
        %get3A_364 = arith.index_cast %add3A_234 : i32 to index
        %get3A_365 = arith.constant 112 : index
        %get3A_366 = tpu.vector_load %arg8[%get3A_363, %get3A_364, %get3A_365] {strides = array<i32>} : memref<2x200x128xi32, #tpu.memory_space<vmem>>, vector<16xi32>,
        %bitcast3A_367 = vector.bitcast %get3A_366 : vector<16xi32> to vector<32xbf16>
        %unpack3A_368 = tpu.unpack_subelements %bitcast3A_367, 0 {pack_format = #tpu.pack_format<interleaved>} : vector<32xbf16> -> vector<16xf32>
        %unpack3A_369 = tpu.unpack_subelements %bitcast3A_367, 1 {pack_format = #tpu.pack_format<interleaved>} : vector<32xbf16> -> vector<16xf32>
        %get3A_370 = arith.index_cast %rem3A_39 : i32 to index
        %get3A_371 = arith.index_cast %add3A_234 : i32 to index
        %get3A_372 = arith.constant 112 : index
        %get3A_373 = tpu.vector_load %arg9[%get3A_370, %get3A_371, %get3A_372] {strides = array<i32>} : memref<2x200x128xi32, #tpu.memory_space<vmem>>, vector<16xi32>,
        %bitcast3A_374 = vector.bitcast %get3A_373 : vector<16xi32> to vector<32xbf16>
        %unpack3A_375 = tpu.unpack_subelements %bitcast3A_374, 0 {pack_format = #tpu.pack_format<interleaved>} : vector<32xbf16> -> vector<16xf32>
        %unpack3A_376 = tpu.unpack_subelements %bitcast3A_374, 1 {pack_format = #tpu.pack_format<interleaved>} : vector<32xbf16> -> vector<16xf32>
        %mul3A_377 = arith.mulf %unpack3A_368, %unpack3A_375 : vector<16xf32>
        %add3A_378 = arith.addf %add3A_362, %mul3A_377 : vector<16xf32>
        %mul3A_379 = arith.mulf %unpack3A_369, %unpack3A_376 : vector<16xf32>
        %add3A_380 = arith.addf %add3A_378, %mul3A_379 : vector<16xf32>
        %eq3A_381 = arith.constant 1 : i32
        %eq3A_382 = vector.broadcast %eq3A_381 : i32 to vector<16xi32>
        %eq3A_383 = arith.cmpi eq, %iota3A, %eq3A_382 : vector<16xi32>
        %reduce_sum3A_384 = arith.constant true
        %reduce_sum3A_385 = vector.broadcast %reduce_sum3A_384 : i1 to vector<16xi1>
        %reduce_sum3A_386 = tpu.scan <sum>, %add3A_380 masked %reduce_sum3A_385 : vector<16xf32>, vector<16xi1> -> vector<16xf32>
        %reduce_sum3A_387 = vector.extract %reduce_sum3A_386[15] : f32 from vector<16xf32>
        %broadcast_in_dim3A_388 = vector.broadcast %reduce_sum3A_387 : f32 to vector<16xf32>
        %select_n3A_389 = arith.select %eq3A_383, %broadcast_in_dim3A_388, %select_n3A : vector<16xi1>, vector<16xf32>
        %add3A_390 = arith.constant 2 : i32
        %add3A_391 = arith.addi %min3A_80, %add3A_390 : i32
        %broadcast_in_dim3A_392 = arith.constant 0.000000e+00 : f32
        %broadcast_in_dim3A_393 = vector.broadcast %broadcast_in_dim3A_392 : f32 to vector<16xf32>
        %get3A_394 = arith.index_cast %rem3A_39 : i32 to index
        %get3A_395 = arith.index_cast %add3A_391 : i32 to index
        %get3A_396 = arith.constant 0 : index
        %get3A_397 = tpu.vector_load %arg8[%get3A_394, %get3A_395, %get3A_396] {strides = array<i32>} : memref<2x200x128xi32, #tpu.memory_space<vmem>>, vector<16xi32>,
        %bitcast3A_398 = vector.bitcast %get3A_397 : vector<16xi32> to vector<32xbf16>
        %unpack3A_399 = tpu.unpack_subelements %bitcast3A_398, 0 {pack_format = #tpu.pack_format<interleaved>} : vector<32xbf16> -> vector<16xf32>
        %unpack3A_400 = tpu.unpack_subelements %bitcast3A_398, 1 {pack_format = #tpu.pack_format<interleaved>} : vector<32xbf16> -> vector<16xf32>
        %get3A_401 = arith.index_cast %rem3A_39 : i32 to index
        %get3A_402 = arith.index_cast %add3A_391 : i32 to index
        %get3A_403 = arith.constant 0 : index
        %get3A_404 = tpu.vector_load %arg9[%get3A_401, %get3A_402, %get3A_403] {strides = array<i32>} : memref<2x200x128xi32, #tpu.memory_space<vmem>>, vector<16xi32>,
        %bitcast3A_405 = vector.bitcast %get3A_404 : vector<16xi32> to vector<32xbf16>
        %unpack3A_406 = tpu.unpack_subelements %bitcast3A_405, 0 {pack_format = #tpu.pack_format<interleaved>} : vector<32xbf16> -> vector<16xf32>
        %unpack3A_407 = tpu.unpack_subelements %bitcast3A_405, 1 {pack_format = #tpu.pack_format<interleaved>} : vector<32xbf16> -> vector<16xf32>
        %mul3A_408 = arith.mulf %unpack3A_399, %unpack3A_406 : vector<16xf32>
        %add3A_409 = arith.addf %broadcast_in_dim3A_393, %mul3A_408 : vector<16xf32>
        %mul3A_410 = arith.mulf %unpack3A_400, %unpack3A_407 : vector<16xf32>
        %add3A_411 = arith.addf %add3A_409, %mul3A_410 : vector<16xf32>
        %get3A_412 = arith.index_cast %rem3A_39 : i32 to index
        %get3A_413 = arith.index_cast %add3A_391 : i32 to index
        %get3A_414 = arith.constant 16 : index
        %get3A_415 = tpu.vector_load %arg8[%get3A_412, %get3A_413, %get3A_414] {strides = array<i32>} : memref<2x200x128xi32, #tpu.memory_space<vmem>>, vector<16xi32>,
        %bitcast3A_416 = vector.bitcast %get3A_415 : vector<16xi32> to vector<32xbf16>
        %unpack3A_417 = tpu.unpack_subelements %bitcast3A_416, 0 {pack_format = #tpu.pack_format<interleaved>} : vector<32xbf16> -> vector<16xf32>
        %unpack3A_418 = tpu.unpack_subelements %bitcast3A_416, 1 {pack_format = #tpu.pack_format<interleaved>} : vector<32xbf16> -> vector<16xf32>
        %get3A_419 = arith.index_cast %rem3A_39 : i32 to index
        %get3A_420 = arith.index_cast %add3A_391 : i32 to index
        %get3A_421 = arith.constant 16 : index
        %get3A_422 = tpu.vector_load %arg9[%get3A_419, %get3A_420, %get3A_421] {strides = array<i32>} : memref<2x200x128xi32, #tpu.memory_space<vmem>>, vector<16xi32>,
        %bitcast3A_423 = vector.bitcast %get3A_422 : vector<16xi32> to vector<32xbf16>
        %unpack3A_424 = tpu.unpack_subelements %bitcast3A_423, 0 {pack_format = #tpu.pack_format<interleaved>} : vector<32xbf16> -> vector<16xf32>
        %unpack3A_425 = tpu.unpack_subelements %bitcast3A_423, 1 {pack_format = #tpu.pack_format<interleaved>} : vector<32xbf16> -> vector<16xf32>
        %mul3A_426 = arith.mulf %unpack3A_417, %unpack3A_424 : vector<16xf32>
        %add3A_427 = arith.addf %add3A_411, %mul3A_426 : vector<16xf32>
        %mul3A_428 = arith.mulf %unpack3A_418, %unpack3A_425 : vector<16xf32>
        %add3A_429 = arith.addf %add3A_427, %mul3A_428 : vector<16xf32>
        %get3A_430 = arith.index_cast %rem3A_39 : i32 to index
        %get3A_431 = arith.index_cast %add3A_391 : i32 to index
        %get3A_432 = arith.constant 32 : index
        %get3A_433 = tpu.vector_load %arg8[%get3A_430, %get3A_431, %get3A_432] {strides = array<i32>} : memref<2x200x128xi32, #tpu.memory_space<vmem>>, vector<16xi32>,
        %bitcast3A_434 = vector.bitcast %get3A_433 : vector<16xi32> to vector<32xbf16>
        %unpack3A_435 = tpu.unpack_subelements %bitcast3A_434, 0 {pack_format = #tpu.pack_format<interleaved>} : vector<32xbf16> -> vector<16xf32>
        %unpack3A_436 = tpu.unpack_subelements %bitcast3A_434, 1 {pack_format = #tpu.pack_format<interleaved>} : vector<32xbf16> -> vector<16xf32>
        %get3A_437 = arith.index_cast %rem3A_39 : i32 to index
        %get3A_438 = arith.index_cast %add3A_391 : i32 to index
        %get3A_439 = arith.constant 32 : index
        %get3A_440 = tpu.vector_load %arg9[%get3A_437, %get3A_438, %get3A_439] {strides = array<i32>} : memref<2x200x128xi32, #tpu.memory_space<vmem>>, vector<16xi32>,
        %bitcast3A_441 = vector.bitcast %get3A_440 : vector<16xi32> to vector<32xbf16>
        %unpack3A_442 = tpu.unpack_subelements %bitcast3A_441, 0 {pack_format = #tpu.pack_format<interleaved>} : vector<32xbf16> -> vector<16xf32>
        %unpack3A_443 = tpu.unpack_subelements %bitcast3A_441, 1 {pack_format = #tpu.pack_format<interleaved>} : vector<32xbf16> -> vector<16xf32>
        %mul3A_444 = arith.mulf %unpack3A_435, %unpack3A_442 : vector<16xf32>
        %add3A_445 = arith.addf %add3A_429, %mul3A_444 : vector<16xf32>
        %mul3A_446 = arith.mulf %unpack3A_436, %unpack3A_443 : vector<16xf32>
        %add3A_447 = arith.addf %add3A_445, %mul3A_446 : vector<16xf32>
        %get3A_448 = arith.index_cast %rem3A_39 : i32 to index
        %get3A_449 = arith.index_cast %add3A_391 : i32 to index
        %get3A_450 = arith.constant 48 : index
        %get3A_451 = tpu.vector_load %arg8[%get3A_448, %get3A_449, %get3A_450] {strides = array<i32>} : memref<2x200x128xi32, #tpu.memory_space<vmem>>, vector<16xi32>,
        %bitcast3A_452 = vector.bitcast %get3A_451 : vector<16xi32> to vector<32xbf16>
        %unpack3A_453 = tpu.unpack_subelements %bitcast3A_452, 0 {pack_format = #tpu.pack_format<interleaved>} : vector<32xbf16> -> vector<16xf32>
        %unpack3A_454 = tpu.unpack_subelements %bitcast3A_452, 1 {pack_format = #tpu.pack_format<interleaved>} : vector<32xbf16> -> vector<16xf32>
        %get3A_455 = arith.index_cast %rem3A_39 : i32 to index
        %get3A_456 = arith.index_cast %add3A_391 : i32 to index
        %get3A_457 = arith.constant 48 : index
        %get3A_458 = tpu.vector_load %arg9[%get3A_455, %get3A_456, %get3A_457] {strides = array<i32>} : memref<2x200x128xi32, #tpu.memory_space<vmem>>, vector<16xi32>,
        %bitcast3A_459 = vector.bitcast %get3A_458 : vector<16xi32> to vector<32xbf16>
        %unpack3A_460 = tpu.unpack_subelements %bitcast3A_459, 0 {pack_format = #tpu.pack_format<interleaved>} : vector<32xbf16> -> vector<16xf32>
        %unpack3A_461 = tpu.unpack_subelements %bitcast3A_459, 1 {pack_format = #tpu.pack_format<interleaved>} : vector<32xbf16> -> vector<16xf32>
        %mul3A_462 = arith.mulf %unpack3A_453, %unpack3A_460 : vector<16xf32>
        %add3A_463 = arith.addf %add3A_447, %mul3A_462 : vector<16xf32>
        %mul3A_464 = arith.mulf %unpack3A_454, %unpack3A_461 : vector<16xf32>
        %add3A_465 = arith.addf %add3A_463, %mul3A_464 : vector<16xf32>
        %get3A_466 = arith.index_cast %rem3A_39 : i32 to index
        %get3A_467 = arith.index_cast %add3A_391 : i32 to index
        %get3A_468 = arith.constant 64 : index
        %get3A_469 = tpu.vector_load %arg8[%get3A_466, %get3A_467, %get3A_468] {strides = array<i32>} : memref<2x200x128xi32, #tpu.memory_space<vmem>>, vector<16xi32>,
        %bitcast3A_470 = vector.bitcast %get3A_469 : vector<16xi32> to vector<32xbf16>
        %unpack3A_471 = tpu.unpack_subelements %bitcast3A_470, 0 {pack_format = #tpu.pack_format<interleaved>} : vector<32xbf16> -> vector<16xf32>
        %unpack3A_472 = tpu.unpack_subelements %bitcast3A_470, 1 {pack_format = #tpu.pack_format<interleaved>} : vector<32xbf16> -> vector<16xf32>
        %get3A_473 = arith.index_cast %rem3A_39 : i32 to index
        %get3A_474 = arith.index_cast %add3A_391 : i32 to index
        %get3A_475 = arith.constant 64 : index
        %get3A_476 = tpu.vector_load %arg9[%get3A_473, %get3A_474, %get3A_475] {strides = array<i32>} : memref<2x200x128xi32, #tpu.memory_space<vmem>>, vector<16xi32>,
        %bitcast3A_477 = vector.bitcast %get3A_476 : vector<16xi32> to vector<32xbf16>
        %unpack3A_478 = tpu.unpack_subelements %bitcast3A_477, 0 {pack_format = #tpu.pack_format<interleaved>} : vector<32xbf16> -> vector<16xf32>
        %unpack3A_479 = tpu.unpack_subelements %bitcast3A_477, 1 {pack_format = #tpu.pack_format<interleaved>} : vector<32xbf16> -> vector<16xf32>
        %mul3A_480 = arith.mulf %unpack3A_471, %unpack3A_478 : vector<16xf32>
        %add3A_481 = arith.addf %add3A_465, %mul3A_480 : vector<16xf32>
        %mul3A_482 = arith.mulf %unpack3A_472, %unpack3A_479 : vector<16xf32>
        %add3A_483 = arith.addf %add3A_481, %mul3A_482 : vector<16xf32>
        %get3A_484 = arith.index_cast %rem3A_39 : i32 to index
        %get3A_485 = arith.index_cast %add3A_391 : i32 to index
        %get3A_486 = arith.constant 80 : index
        %get3A_487 = tpu.vector_load %arg8[%get3A_484, %get3A_485, %get3A_486] {strides = array<i32>} : memref<2x200x128xi32, #tpu.memory_space<vmem>>, vector<16xi32>,
        %bitcast3A_488 = vector.bitcast %get3A_487 : vector<16xi32> to vector<32xbf16>
        %unpack3A_489 = tpu.unpack_subelements %bitcast3A_488, 0 {pack_format = #tpu.pack_format<interleaved>} : vector<32xbf16> -> vector<16xf32>
        %unpack3A_490 = tpu.unpack_subelements %bitcast3A_488, 1 {pack_format = #tpu.pack_format<interleaved>} : vector<32xbf16> -> vector<16xf32>
        %get3A_491 = arith.index_cast %rem3A_39 : i32 to index
        %get3A_492 = arith.index_cast %add3A_391 : i32 to index
        %get3A_493 = arith.constant 80 : index
        %get3A_494 = tpu.vector_load %arg9[%get3A_491, %get3A_492, %get3A_493] {strides = array<i32>} : memref<2x200x128xi32, #tpu.memory_space<vmem>>, vector<16xi32>,
        %bitcast3A_495 = vector.bitcast %get3A_494 : vector<16xi32> to vector<32xbf16>
        %unpack3A_496 = tpu.unpack_subelements %bitcast3A_495, 0 {pack_format = #tpu.pack_format<interleaved>} : vector<32xbf16> -> vector<16xf32>
        %unpack3A_497 = tpu.unpack_subelements %bitcast3A_495, 1 {pack_format = #tpu.pack_format<interleaved>} : vector<32xbf16> -> vector<16xf32>
        %mul3A_498 = arith.mulf %unpack3A_489, %unpack3A_496 : vector<16xf32>
        %add3A_499 = arith.addf %add3A_483, %mul3A_498 : vector<16xf32>
        %mul3A_500 = arith.mulf %unpack3A_490, %unpack3A_497 : vector<16xf32>
        %add3A_501 = arith.addf %add3A_499, %mul3A_500 : vector<16xf32>
        %get3A_502 = arith.index_cast %rem3A_39 : i32 to index
        %get3A_503 = arith.index_cast %add3A_391 : i32 to index
        %get3A_504 = arith.constant 96 : index
        %get3A_505 = tpu.vector_load %arg8[%get3A_502, %get3A_503, %get3A_504] {strides = array<i32>} : memref<2x200x128xi32, #tpu.memory_space<vmem>>, vector<16xi32>,
        %bitcast3A_506 = vector.bitcast %get3A_505 : vector<16xi32> to vector<32xbf16>
        %unpack3A_507 = tpu.unpack_subelements %bitcast3A_506, 0 {pack_format = #tpu.pack_format<interleaved>} : vector<32xbf16> -> vector<16xf32>
        %unpack3A_508 = tpu.unpack_subelements %bitcast3A_506, 1 {pack_format = #tpu.pack_format<interleaved>} : vector<32xbf16> -> vector<16xf32>
        %get3A_509 = arith.index_cast %rem3A_39 : i32 to index
        %get3A_510 = arith.index_cast %add3A_391 : i32 to index
        %get3A_511 = arith.constant 96 : index
        %get3A_512 = tpu.vector_load %arg9[%get3A_509, %get3A_510, %get3A_511] {strides = array<i32>} : memref<2x200x128xi32, #tpu.memory_space<vmem>>, vector<16xi32>,
        %bitcast3A_513 = vector.bitcast %get3A_512 : vector<16xi32> to vector<32xbf16>
        %unpack3A_514 = tpu.unpack_subelements %bitcast3A_513, 0 {pack_format = #tpu.pack_format<interleaved>} : vector<32xbf16> -> vector<16xf32>
        %unpack3A_515 = tpu.unpack_subelements %bitcast3A_513, 1 {pack_format = #tpu.pack_format<interleaved>} : vector<32xbf16> -> vector<16xf32>
        %mul3A_516 = arith.mulf %unpack3A_507, %unpack3A_514 : vector<16xf32>
        %add3A_517 = arith.addf %add3A_501, %mul3A_516 : vector<16xf32>
        %mul3A_518 = arith.mulf %unpack3A_508, %unpack3A_515 : vector<16xf32>
        %add3A_519 = arith.addf %add3A_517, %mul3A_518 : vector<16xf32>
        %get3A_520 = arith.index_cast %rem3A_39 : i32 to index
        %get3A_521 = arith.index_cast %add3A_391 : i32 to index
        %get3A_522 = arith.constant 112 : index
        %get3A_523 = tpu.vector_load %arg8[%get3A_520, %get3A_521, %get3A_522] {strides = array<i32>} : memref<2x200x128xi32, #tpu.memory_space<vmem>>, vector<16xi32>,
        %bitcast3A_524 = vector.bitcast %get3A_523 : vector<16xi32> to vector<32xbf16>
        %unpack3A_525 = tpu.unpack_subelements %bitcast3A_524, 0 {pack_format = #tpu.pack_format<interleaved>} : vector<32xbf16> -> vector<16xf32>
        %unpack3A_526 = tpu.unpack_subelements %bitcast3A_524, 1 {pack_format = #tpu.pack_format<interleaved>} : vector<32xbf16> -> vector<16xf32>
        %get3A_527 = arith.index_cast %rem3A_39 : i32 to index
        %get3A_528 = arith.index_cast %add3A_391 : i32 to index
        %get3A_529 = arith.constant 112 : index
        %get3A_530 = tpu.vector_load %arg9[%get3A_527, %get3A_528, %get3A_529] {strides = array<i32>} : memref<2x200x128xi32, #tpu.memory_space<vmem>>, vector<16xi32>,
        %bitcast3A_531 = vector.bitcast %get3A_530 : vector<16xi32> to vector<32xbf16>
        %unpack3A_532 = tpu.unpack_subelements %bitcast3A_531, 0 {pack_format = #tpu.pack_format<interleaved>} : vector<32xbf16> -> vector<16xf32>
        %unpack3A_533 = tpu.unpack_subelements %bitcast3A_531, 1 {pack_format = #tpu.pack_format<interleaved>} : vector<32xbf16> -> vector<16xf32>
        %mul3A_534 = arith.mulf %unpack3A_525, %unpack3A_532 : vector<16xf32>
        %add3A_535 = arith.addf %add3A_519, %mul3A_534 : vector<16xf32>
        %mul3A_536 = arith.mulf %unpack3A_526, %unpack3A_533 : vector<16xf32>
        %add3A_537 = arith.addf %add3A_535, %mul3A_536 : vector<16xf32>
        %eq3A_538 = arith.constant 2 : i32
        %eq3A_539 = vector.broadcast %eq3A_538 : i32 to vector<16xi32>
        %eq3A_540 = arith.cmpi eq, %iota3A, %eq3A_539 : vector<16xi32>
        %reduce_sum3A_541 = arith.constant true
        %reduce_sum3A_542 = vector.broadcast %reduce_sum3A_541 : i1 to vector<16xi1>
        %reduce_sum3A_543 = tpu.scan <sum>, %add3A_537 masked %reduce_sum3A_542 : vector<16xf32>, vector<16xi1> -> vector<16xf32>
        %reduce_sum3A_544 = vector.extract %reduce_sum3A_543[15] : f32 from vector<16xf32>
        %broadcast_in_dim3A_545 = vector.broadcast %reduce_sum3A_544 : f32 to vector<16xf32>
        %select_n3A_546 = arith.select %eq3A_540, %broadcast_in_dim3A_545, %select_n3A_389 : vector<16xi1>, vector<16xf32>
        %add3A_547 = arith.constant 3 : i32
        %add3A_548 = arith.addi %min3A_80, %add3A_547 : i32
        %broadcast_in_dim3A_549 = arith.constant 0.000000e+00 : f32
        %broadcast_in_dim3A_550 = vector.broadcast %broadcast_in_dim3A_549 : f32 to vector<16xf32>
        %get3A_551 = arith.index_cast %rem3A_39 : i32 to index
        %get3A_552 = arith.index_cast %add3A_548 : i32 to index
        %get3A_553 = arith.constant 0 : index
        %get3A_554 = tpu.vector_load %arg8[%get3A_551, %get3A_552, %get3A_553] {strides = array<i32>} : memref<2x200x128xi32, #tpu.memory_space<vmem>>, vector<16xi32>,
        %bitcast3A_555 = vector.bitcast %get3A_554 : vector<16xi32> to vector<32xbf16>
        %unpack3A_556 = tpu.unpack_subelements %bitcast3A_555, 0 {pack_format = #tpu.pack_format<interleaved>} : vector<32xbf16> -> vector<16xf32>
        %unpack3A_557 = tpu.unpack_subelements %bitcast3A_555, 1 {pack_format = #tpu.pack_format<interleaved>} : vector<32xbf16> -> vector<16xf32>
        %get3A_558 = arith.index_cast %rem3A_39 : i32 to index
        %get3A_559 = arith.index_cast %add3A_548 : i32 to index
        %get3A_560 = arith.constant 0 : index
        %get3A_561 = tpu.vector_load %arg9[%get3A_558, %get3A_559, %get3A_560] {strides = array<i32>} : memref<2x200x128xi32, #tpu.memory_space<vmem>>, vector<16xi32>,
        %bitcast3A_562 = vector.bitcast %get3A_561 : vector<16xi32> to vector<32xbf16>
        %unpack3A_563 = tpu.unpack_subelements %bitcast3A_562, 0 {pack_format = #tpu.pack_format<interleaved>} : vector<32xbf16> -> vector<16xf32>
        %unpack3A_564 = tpu.unpack_subelements %bitcast3A_562, 1 {pack_format = #tpu.pack_format<interleaved>} : vector<32xbf16> -> vector<16xf32>
        %mul3A_565 = arith.mulf %unpack3A_556, %unpack3A_563 : vector<16xf32>
        %add3A_566 = arith.addf %broadcast_in_dim3A_550, %mul3A_565 : vector<16xf32>
        %mul3A_567 = arith.mulf %unpack3A_557, %unpack3A_564 : vector<16xf32>
        %add3A_568 = arith.addf %add3A_566, %mul3A_567 : vector<16xf32>
        %get3A_569 = arith.index_cast %rem3A_39 : i32 to index
        %get3A_570 = arith.index_cast %add3A_548 : i32 to index
        %get3A_571 = arith.constant 16 : index
        %get3A_572 = tpu.vector_load %arg8[%get3A_569, %get3A_570, %get3A_571] {strides = array<i32>} : memref<2x200x128xi32, #tpu.memory_space<vmem>>, vector<16xi32>,
        %bitcast3A_573 = vector.bitcast %get3A_572 : vector<16xi32> to vector<32xbf16>
        %unpack3A_574 = tpu.unpack_subelements %bitcast3A_573, 0 {pack_format = #tpu.pack_format<interleaved>} : vector<32xbf16> -> vector<16xf32>
        %unpack3A_575 = tpu.unpack_subelements %bitcast3A_573, 1 {pack_format = #tpu.pack_format<interleaved>} : vector<32xbf16> -> vector<16xf32>
        %get3A_576 = arith.index_cast %rem3A_39 : i32 to index
        %get3A_577 = arith.index_cast %add3A_548 : i32 to index
        %get3A_578 = arith.constant 16 : index
        %get3A_579 = tpu.vector_load %arg9[%get3A_576, %get3A_577, %get3A_578] {strides = array<i32>} : memref<2x200x128xi32, #tpu.memory_space<vmem>>, vector<16xi32>,
        %bitcast3A_580 = vector.bitcast %get3A_579 : vector<16xi32> to vector<32xbf16>
        %unpack3A_581 = tpu.unpack_subelements %bitcast3A_580, 0 {pack_format = #tpu.pack_format<interleaved>} : vector<32xbf16> -> vector<16xf32>
        %unpack3A_582 = tpu.unpack_subelements %bitcast3A_580, 1 {pack_format = #tpu.pack_format<interleaved>} : vector<32xbf16> -> vector<16xf32>
        %mul3A_583 = arith.mulf %unpack3A_574, %unpack3A_581 : vector<16xf32>
        %add3A_584 = arith.addf %add3A_568, %mul3A_583 : vector<16xf32>
        %mul3A_585 = arith.mulf %unpack3A_575, %unpack3A_582 : vector<16xf32>
        %add3A_586 = arith.addf %add3A_584, %mul3A_585 : vector<16xf32>
        %get3A_587 = arith.index_cast %rem3A_39 : i32 to index
        %get3A_588 = arith.index_cast %add3A_548 : i32 to index
        %get3A_589 = arith.constant 32 : index
        %get3A_590 = tpu.vector_load %arg8[%get3A_587, %get3A_588, %get3A_589] {strides = array<i32>} : memref<2x200x128xi32, #tpu.memory_space<vmem>>, vector<16xi32>,
        %bitcast3A_591 = vector.bitcast %get3A_590 : vector<16xi32> to vector<32xbf16>
        %unpack3A_592 = tpu.unpack_subelements %bitcast3A_591, 0 {pack_format = #tpu.pack_format<interleaved>} : vector<32xbf16> -> vector<16xf32>
        %unpack3A_593 = tpu.unpack_subelements %bitcast3A_591, 1 {pack_format = #tpu.pack_format<interleaved>} : vector<32xbf16> -> vector<16xf32>
        %get3A_594 = arith.index_cast %rem3A_39 : i32 to index
        %get3A_595 = arith.index_cast %add3A_548 : i32 to index
        %get3A_596 = arith.constant 32 : index
        %get3A_597 = tpu.vector_load %arg9[%get3A_594, %get3A_595, %get3A_596] {strides = array<i32>} : memref<2x200x128xi32, #tpu.memory_space<vmem>>, vector<16xi32>,
        %bitcast3A_598 = vector.bitcast %get3A_597 : vector<16xi32> to vector<32xbf16>
        %unpack3A_599 = tpu.unpack_subelements %bitcast3A_598, 0 {pack_format = #tpu.pack_format<interleaved>} : vector<32xbf16> -> vector<16xf32>
        %unpack3A_600 = tpu.unpack_subelements %bitcast3A_598, 1 {pack_format = #tpu.pack_format<interleaved>} : vector<32xbf16> -> vector<16xf32>
        %mul3A_601 = arith.mulf %unpack3A_592, %unpack3A_599 : vector<16xf32>
        %add3A_602 = arith.addf %add3A_586, %mul3A_601 : vector<16xf32>
        %mul3A_603 = arith.mulf %unpack3A_593, %unpack3A_600 : vector<16xf32>
        %add3A_604 = arith.addf %add3A_602, %mul3A_603 : vector<16xf32>
        %get3A_605 = arith.index_cast %rem3A_39 : i32 to index
        %get3A_606 = arith.index_cast %add3A_548 : i32 to index
        %get3A_607 = arith.constant 48 : index
        %get3A_608 = tpu.vector_load %arg8[%get3A_605, %get3A_606, %get3A_607] {strides = array<i32>} : memref<2x200x128xi32, #tpu.memory_space<vmem>>, vector<16xi32>,
        %bitcast3A_609 = vector.bitcast %get3A_608 : vector<16xi32> to vector<32xbf16>
        %unpack3A_610 = tpu.unpack_subelements %bitcast3A_609, 0 {pack_format = #tpu.pack_format<interleaved>} : vector<32xbf16> -> vector<16xf32>
        %unpack3A_611 = tpu.unpack_subelements %bitcast3A_609, 1 {pack_format = #tpu.pack_format<interleaved>} : vector<32xbf16> -> vector<16xf32>
        %get3A_612 = arith.index_cast %rem3A_39 : i32 to index
        %get3A_613 = arith.index_cast %add3A_548 : i32 to index
        %get3A_614 = arith.constant 48 : index
        %get3A_615 = tpu.vector_load %arg9[%get3A_612, %get3A_613, %get3A_614] {strides = array<i32>} : memref<2x200x128xi32, #tpu.memory_space<vmem>>, vector<16xi32>,
        %bitcast3A_616 = vector.bitcast %get3A_615 : vector<16xi32> to vector<32xbf16>
        %unpack3A_617 = tpu.unpack_subelements %bitcast3A_616, 0 {pack_format = #tpu.pack_format<interleaved>} : vector<32xbf16> -> vector<16xf32>
        %unpack3A_618 = tpu.unpack_subelements %bitcast3A_616, 1 {pack_format = #tpu.pack_format<interleaved>} : vector<32xbf16> -> vector<16xf32>
        %mul3A_619 = arith.mulf %unpack3A_610, %unpack3A_617 : vector<16xf32>
        %add3A_620 = arith.addf %add3A_604, %mul3A_619 : vector<16xf32>
        %mul3A_621 = arith.mulf %unpack3A_611, %unpack3A_618 : vector<16xf32>
        %add3A_622 = arith.addf %add3A_620, %mul3A_621 : vector<16xf32>
        %get3A_623 = arith.index_cast %rem3A_39 : i32 to index
        %get3A_624 = arith.index_cast %add3A_548 : i32 to index
        %get3A_625 = arith.constant 64 : index
        %get3A_626 = tpu.vector_load %arg8[%get3A_623, %get3A_624, %get3A_625] {strides = array<i32>} : memref<2x200x128xi32, #tpu.memory_space<vmem>>, vector<16xi32>,
        %bitcast3A_627 = vector.bitcast %get3A_626 : vector<16xi32> to vector<32xbf16>
        %unpack3A_628 = tpu.unpack_subelements %bitcast3A_627, 0 {pack_format = #tpu.pack_format<interleaved>} : vector<32xbf16> -> vector<16xf32>
        %unpack3A_629 = tpu.unpack_subelements %bitcast3A_627, 1 {pack_format = #tpu.pack_format<interleaved>} : vector<32xbf16> -> vector<16xf32>
        %get3A_630 = arith.index_cast %rem3A_39 : i32 to index
        %get3A_631 = arith.index_cast %add3A_548 : i32 to index
        %get3A_632 = arith.constant 64 : index
        %get3A_633 = tpu.vector_load %arg9[%get3A_630, %get3A_631, %get3A_632] {strides = array<i32>} : memref<2x200x128xi32, #tpu.memory_space<vmem>>, vector<16xi32>,
        %bitcast3A_634 = vector.bitcast %get3A_633 : vector<16xi32> to vector<32xbf16>
        %unpack3A_635 = tpu.unpack_subelements %bitcast3A_634, 0 {pack_format = #tpu.pack_format<interleaved>} : vector<32xbf16> -> vector<16xf32>
        %unpack3A_636 = tpu.unpack_subelements %bitcast3A_634, 1 {pack_format = #tpu.pack_format<interleaved>} : vector<32xbf16> -> vector<16xf32>
        %mul3A_637 = arith.mulf %unpack3A_628, %unpack3A_635 : vector<16xf32>
        %add3A_638 = arith.addf %add3A_622, %mul3A_637 : vector<16xf32>
        %mul3A_639 = arith.mulf %unpack3A_629, %unpack3A_636 : vector<16xf32>
        %add3A_640 = arith.addf %add3A_638, %mul3A_639 : vector<16xf32>
        %get3A_641 = arith.index_cast %rem3A_39 : i32 to index
        %get3A_642 = arith.index_cast %add3A_548 : i32 to index
        %get3A_643 = arith.constant 80 : index
        %get3A_644 = tpu.vector_load %arg8[%get3A_641, %get3A_642, %get3A_643] {strides = array<i32>} : memref<2x200x128xi32, #tpu.memory_space<vmem>>, vector<16xi32>,
        %bitcast3A_645 = vector.bitcast %get3A_644 : vector<16xi32> to vector<32xbf16>
        %unpack3A_646 = tpu.unpack_subelements %bitcast3A_645, 0 {pack_format = #tpu.pack_format<interleaved>} : vector<32xbf16> -> vector<16xf32>
        %unpack3A_647 = tpu.unpack_subelements %bitcast3A_645, 1 {pack_format = #tpu.pack_format<interleaved>} : vector<32xbf16> -> vector<16xf32>
        %get3A_648 = arith.index_cast %rem3A_39 : i32 to index
        %get3A_649 = arith.index_cast %add3A_548 : i32 to index
        %get3A_650 = arith.constant 80 : index
        %get3A_651 = tpu.vector_load %arg9[%get3A_648, %get3A_649, %get3A_650] {strides = array<i32>} : memref<2x200x128xi32, #tpu.memory_space<vmem>>, vector<16xi32>,
        %bitcast3A_652 = vector.bitcast %get3A_651 : vector<16xi32> to vector<32xbf16>
        %unpack3A_653 = tpu.unpack_subelements %bitcast3A_652, 0 {pack_format = #tpu.pack_format<interleaved>} : vector<32xbf16> -> vector<16xf32>
        %unpack3A_654 = tpu.unpack_subelements %bitcast3A_652, 1 {pack_format = #tpu.pack_format<interleaved>} : vector<32xbf16> -> vector<16xf32>
        %mul3A_655 = arith.mulf %unpack3A_646, %unpack3A_653 : vector<16xf32>
        %add3A_656 = arith.addf %add3A_640, %mul3A_655 : vector<16xf32>
        %mul3A_657 = arith.mulf %unpack3A_647, %unpack3A_654 : vector<16xf32>
        %add3A_658 = arith.addf %add3A_656, %mul3A_657 : vector<16xf32>
        %get3A_659 = arith.index_cast %rem3A_39 : i32 to index
        %get3A_660 = arith.index_cast %add3A_548 : i32 to index
        %get3A_661 = arith.constant 96 : index
        %get3A_662 = tpu.vector_load %arg8[%get3A_659, %get3A_660, %get3A_661] {strides = array<i32>} : memref<2x200x128xi32, #tpu.memory_space<vmem>>, vector<16xi32>,
        %bitcast3A_663 = vector.bitcast %get3A_662 : vector<16xi32> to vector<32xbf16>
        %unpack3A_664 = tpu.unpack_subelements %bitcast3A_663, 0 {pack_format = #tpu.pack_format<interleaved>} : vector<32xbf16> -> vector<16xf32>
        %unpack3A_665 = tpu.unpack_subelements %bitcast3A_663, 1 {pack_format = #tpu.pack_format<interleaved>} : vector<32xbf16> -> vector<16xf32>
        %get3A_666 = arith.index_cast %rem3A_39 : i32 to index
        %get3A_667 = arith.index_cast %add3A_548 : i32 to index
        %get3A_668 = arith.constant 96 : index
        %get3A_669 = tpu.vector_load %arg9[%get3A_666, %get3A_667, %get3A_668] {strides = array<i32>} : memref<2x200x128xi32, #tpu.memory_space<vmem>>, vector<16xi32>,
        %bitcast3A_670 = vector.bitcast %get3A_669 : vector<16xi32> to vector<32xbf16>
        %unpack3A_671 = tpu.unpack_subelements %bitcast3A_670, 0 {pack_format = #tpu.pack_format<interleaved>} : vector<32xbf16> -> vector<16xf32>
        %unpack3A_672 = tpu.unpack_subelements %bitcast3A_670, 1 {pack_format = #tpu.pack_format<interleaved>} : vector<32xbf16> -> vector<16xf32>
        %mul3A_673 = arith.mulf %unpack3A_664, %unpack3A_671 : vector<16xf32>
        %add3A_674 = arith.addf %add3A_658, %mul3A_673 : vector<16xf32>
        %mul3A_675 = arith.mulf %unpack3A_665, %unpack3A_672 : vector<16xf32>
        %add3A_676 = arith.addf %add3A_674, %mul3A_675 : vector<16xf32>
        %get3A_677 = arith.index_cast %rem3A_39 : i32 to index
        %get3A_678 = arith.index_cast %add3A_548 : i32 to index
        %get3A_679 = arith.constant 112 : index
        %get3A_680 = tpu.vector_load %arg8[%get3A_677, %get3A_678, %get3A_679] {strides = array<i32>} : memref<2x200x128xi32, #tpu.memory_space<vmem>>, vector<16xi32>,
        %bitcast3A_681 = vector.bitcast %get3A_680 : vector<16xi32> to vector<32xbf16>
        %unpack3A_682 = tpu.unpack_subelements %bitcast3A_681, 0 {pack_format = #tpu.pack_format<interleaved>} : vector<32xbf16> -> vector<16xf32>
        %unpack3A_683 = tpu.unpack_subelements %bitcast3A_681, 1 {pack_format = #tpu.pack_format<interleaved>} : vector<32xbf16> -> vector<16xf32>
        %get3A_684 = arith.index_cast %rem3A_39 : i32 to index
        %get3A_685 = arith.index_cast %add3A_548 : i32 to index
        %get3A_686 = arith.constant 112 : index
        %get3A_687 = tpu.vector_load %arg9[%get3A_684, %get3A_685, %get3A_686] {strides = array<i32>} : memref<2x200x128xi32, #tpu.memory_space<vmem>>, vector<16xi32>,
        %bitcast3A_688 = vector.bitcast %get3A_687 : vector<16xi32> to vector<32xbf16>
        %unpack3A_689 = tpu.unpack_subelements %bitcast3A_688, 0 {pack_format = #tpu.pack_format<interleaved>} : vector<32xbf16> -> vector<16xf32>
        %unpack3A_690 = tpu.unpack_subelements %bitcast3A_688, 1 {pack_format = #tpu.pack_format<interleaved>} : vector<32xbf16> -> vector<16xf32>
        %mul3A_691 = arith.mulf %unpack3A_682, %unpack3A_689 : vector<16xf32>
        %add3A_692 = arith.addf %add3A_676, %mul3A_691 : vector<16xf32>
        %mul3A_693 = arith.mulf %unpack3A_683, %unpack3A_690 : vector<16xf32>
        %add3A_694 = arith.addf %add3A_692, %mul3A_693 : vector<16xf32>
        %eq3A_695 = arith.constant 3 : i32
        %eq3A_696 = vector.broadcast %eq3A_695 : i32 to vector<16xi32>
        %eq3A_697 = arith.cmpi eq, %iota3A, %eq3A_696 : vector<16xi32>
        %reduce_sum3A_698 = arith.constant true
        %reduce_sum3A_699 = vector.broadcast %reduce_sum3A_698 : i1 to vector<16xi1>
        %reduce_sum3A_700 = tpu.scan <sum>, %add3A_694 masked %reduce_sum3A_699 : vector<16xf32>, vector<16xi1> -> vector<16xf32>
        %reduce_sum3A_701 = vector.extract %reduce_sum3A_700[15] : f32 from vector<16xf32>
        %broadcast_in_dim3A_702 = vector.broadcast %reduce_sum3A_701 : f32 to vector<16xf32>
        %select_n3A_703 = arith.select %eq3A_697, %broadcast_in_dim3A_702, %select_n3A_546 : vector<16xi1>, vector<16xf32>
        %add3A_704 = arith.constant 4 : i32
        %add3A_705 = arith.addi %min3A_80, %add3A_704 : i32
        %broadcast_in_dim3A_706 = arith.constant 0.000000e+00 : f32
        %broadcast_in_dim3A_707 = vector.broadcast %broadcast_in_dim3A_706 : f32 to vector<16xf32>
        %get3A_708 = arith.index_cast %rem3A_39 : i32 to index
        %get3A_709 = arith.index_cast %add3A_705 : i32 to index
        %get3A_710 = arith.constant 0 : index
        %get3A_711 = tpu.vector_load %arg8[%get3A_708, %get3A_709, %get3A_710] {strides = array<i32>} : memref<2x200x128xi32, #tpu.memory_space<vmem>>, vector<16xi32>,
        %bitcast3A_712 = vector.bitcast %get3A_711 : vector<16xi32> to vector<32xbf16>
        %unpack3A_713 = tpu.unpack_subelements %bitcast3A_712, 0 {pack_format = #tpu.pack_format<interleaved>} : vector<32xbf16> -> vector<16xf32>
        %unpack3A_714 = tpu.unpack_subelements %bitcast3A_712, 1 {pack_format = #tpu.pack_format<interleaved>} : vector<32xbf16> -> vector<16xf32>
        %get3A_715 = arith.index_cast %rem3A_39 : i32 to index
        %get3A_716 = arith.index_cast %add3A_705 : i32 to index
        %get3A_717 = arith.constant 0 : index
        %get3A_718 = tpu.vector_load %arg9[%get3A_715, %get3A_716, %get3A_717] {strides = array<i32>} : memref<2x200x128xi32, #tpu.memory_space<vmem>>, vector<16xi32>,
        %bitcast3A_719 = vector.bitcast %get3A_718 : vector<16xi32> to vector<32xbf16>
        %unpack3A_720 = tpu.unpack_subelements %bitcast3A_719, 0 {pack_format = #tpu.pack_format<interleaved>} : vector<32xbf16> -> vector<16xf32>
        %unpack3A_721 = tpu.unpack_subelements %bitcast3A_719, 1 {pack_format = #tpu.pack_format<interleaved>} : vector<32xbf16> -> vector<16xf32>
        %mul3A_722 = arith.mulf %unpack3A_713, %unpack3A_720 : vector<16xf32>
        %add3A_723 = arith.addf %broadcast_in_dim3A_707, %mul3A_722 : vector<16xf32>
        %mul3A_724 = arith.mulf %unpack3A_714, %unpack3A_721 : vector<16xf32>
        %add3A_725 = arith.addf %add3A_723, %mul3A_724 : vector<16xf32>
        %get3A_726 = arith.index_cast %rem3A_39 : i32 to index
        %get3A_727 = arith.index_cast %add3A_705 : i32 to index
        %get3A_728 = arith.constant 16 : index
        %get3A_729 = tpu.vector_load %arg8[%get3A_726, %get3A_727, %get3A_728] {strides = array<i32>} : memref<2x200x128xi32, #tpu.memory_space<vmem>>, vector<16xi32>,
        %bitcast3A_730 = vector.bitcast %get3A_729 : vector<16xi32> to vector<32xbf16>
        %unpack3A_731 = tpu.unpack_subelements %bitcast3A_730, 0 {pack_format = #tpu.pack_format<interleaved>} : vector<32xbf16> -> vector<16xf32>
        %unpack3A_732 = tpu.unpack_subelements %bitcast3A_730, 1 {pack_format = #tpu.pack_format<interleaved>} : vector<32xbf16> -> vector<16xf32>
        %get3A_733 = arith.index_cast %rem3A_39 : i32 to index
        %get3A_734 = arith.index_cast %add3A_705 : i32 to index
        %get3A_735 = arith.constant 16 : index
        %get3A_736 = tpu.vector_load %arg9[%get3A_733, %get3A_734, %get3A_735] {strides = array<i32>} : memref<2x200x128xi32, #tpu.memory_space<vmem>>, vector<16xi32>,
        %bitcast3A_737 = vector.bitcast %get3A_736 : vector<16xi32> to vector<32xbf16>
        %unpack3A_738 = tpu.unpack_subelements %bitcast3A_737, 0 {pack_format = #tpu.pack_format<interleaved>} : vector<32xbf16> -> vector<16xf32>
        %unpack3A_739 = tpu.unpack_subelements %bitcast3A_737, 1 {pack_format = #tpu.pack_format<interleaved>} : vector<32xbf16> -> vector<16xf32>
        %mul3A_740 = arith.mulf %unpack3A_731, %unpack3A_738 : vector<16xf32>
        %add3A_741 = arith.addf %add3A_725, %mul3A_740 : vector<16xf32>
        %mul3A_742 = arith.mulf %unpack3A_732, %unpack3A_739 : vector<16xf32>
        %add3A_743 = arith.addf %add3A_741, %mul3A_742 : vector<16xf32>
        %get3A_744 = arith.index_cast %rem3A_39 : i32 to index
        %get3A_745 = arith.index_cast %add3A_705 : i32 to index
        %get3A_746 = arith.constant 32 : index
        %get3A_747 = tpu.vector_load %arg8[%get3A_744, %get3A_745, %get3A_746] {strides = array<i32>} : memref<2x200x128xi32, #tpu.memory_space<vmem>>, vector<16xi32>,
        %bitcast3A_748 = vector.bitcast %get3A_747 : vector<16xi32> to vector<32xbf16>
        %unpack3A_749 = tpu.unpack_subelements %bitcast3A_748, 0 {pack_format = #tpu.pack_format<interleaved>} : vector<32xbf16> -> vector<16xf32>
        %unpack3A_750 = tpu.unpack_subelements %bitcast3A_748, 1 {pack_format = #tpu.pack_format<interleaved>} : vector<32xbf16> -> vector<16xf32>
        %get3A_751 = arith.index_cast %rem3A_39 : i32 to index
        %get3A_752 = arith.index_cast %add3A_705 : i32 to index
        %get3A_753 = arith.constant 32 : index
        %get3A_754 = tpu.vector_load %arg9[%get3A_751, %get3A_752, %get3A_753] {strides = array<i32>} : memref<2x200x128xi32, #tpu.memory_space<vmem>>, vector<16xi32>,
        %bitcast3A_755 = vector.bitcast %get3A_754 : vector<16xi32> to vector<32xbf16>
        %unpack3A_756 = tpu.unpack_subelements %bitcast3A_755, 0 {pack_format = #tpu.pack_format<interleaved>} : vector<32xbf16> -> vector<16xf32>
        %unpack3A_757 = tpu.unpack_subelements %bitcast3A_755, 1 {pack_format = #tpu.pack_format<interleaved>} : vector<32xbf16> -> vector<16xf32>
        %mul3A_758 = arith.mulf %unpack3A_749, %unpack3A_756 : vector<16xf32>
        %add3A_759 = arith.addf %add3A_743, %mul3A_758 : vector<16xf32>
        %mul3A_760 = arith.mulf %unpack3A_750, %unpack3A_757 : vector<16xf32>
        %add3A_761 = arith.addf %add3A_759, %mul3A_760 : vector<16xf32>
        %get3A_762 = arith.index_cast %rem3A_39 : i32 to index
        %get3A_763 = arith.index_cast %add3A_705 : i32 to index
        %get3A_764 = arith.constant 48 : index
        %get3A_765 = tpu.vector_load %arg8[%get3A_762, %get3A_763, %get3A_764] {strides = array<i32>} : memref<2x200x128xi32, #tpu.memory_space<vmem>>, vector<16xi32>,
        %bitcast3A_766 = vector.bitcast %get3A_765 : vector<16xi32> to vector<32xbf16>
        %unpack3A_767 = tpu.unpack_subelements %bitcast3A_766, 0 {pack_format = #tpu.pack_format<interleaved>} : vector<32xbf16> -> vector<16xf32>
        %unpack3A_768 = tpu.unpack_subelements %bitcast3A_766, 1 {pack_format = #tpu.pack_format<interleaved>} : vector<32xbf16> -> vector<16xf32>
        %get3A_769 = arith.index_cast %rem3A_39 : i32 to index
        %get3A_770 = arith.index_cast %add3A_705 : i32 to index
        %get3A_771 = arith.constant 48 : index
        %get3A_772 = tpu.vector_load %arg9[%get3A_769, %get3A_770, %get3A_771] {strides = array<i32>} : memref<2x200x128xi32, #tpu.memory_space<vmem>>, vector<16xi32>,
        %bitcast3A_773 = vector.bitcast %get3A_772 : vector<16xi32> to vector<32xbf16>
        %unpack3A_774 = tpu.unpack_subelements %bitcast3A_773, 0 {pack_format = #tpu.pack_format<interleaved>} : vector<32xbf16> -> vector<16xf32>
        %unpack3A_775 = tpu.unpack_subelements %bitcast3A_773, 1 {pack_format = #tpu.pack_format<interleaved>} : vector<32xbf16> -> vector<16xf32>
        %mul3A_776 = arith.mulf %unpack3A_767, %unpack3A_774 : vector<16xf32>
        %add3A_777 = arith.addf %add3A_761, %mul3A_776 : vector<16xf32>
        %mul3A_778 = arith.mulf %unpack3A_768, %unpack3A_775 : vector<16xf32>
        %add3A_779 = arith.addf %add3A_777, %mul3A_778 : vector<16xf32>
        %get3A_780 = arith.index_cast %rem3A_39 : i32 to index
        %get3A_781 = arith.index_cast %add3A_705 : i32 to index
        %get3A_782 = arith.constant 64 : index
        %get3A_783 = tpu.vector_load %arg8[%get3A_780, %get3A_781, %get3A_782] {strides = array<i32>} : memref<2x200x128xi32, #tpu.memory_space<vmem>>, vector<16xi32>,
        %bitcast3A_784 = vector.bitcast %get3A_783 : vector<16xi32> to vector<32xbf16>
        %unpack3A_785 = tpu.unpack_subelements %bitcast3A_784, 0 {pack_format = #tpu.pack_format<interleaved>} : vector<32xbf16> -> vector<16xf32>
        %unpack3A_786 = tpu.unpack_subelements %bitcast3A_784, 1 {pack_format = #tpu.pack_format<interleaved>} : vector<32xbf16> -> vector<16xf32>
        %get3A_787 = arith.index_cast %rem3A_39 : i32 to index
        %get3A_788 = arith.index_cast %add3A_705 : i32 to index
        %get3A_789 = arith.constant 64 : index
        %get3A_790 = tpu.vector_load %arg9[%get3A_787, %get3A_788, %get3A_789] {strides = array<i32>} : memref<2x200x128xi32, #tpu.memory_space<vmem>>, vector<16xi32>,
        %bitcast3A_791 = vector.bitcast %get3A_790 : vector<16xi32> to vector<32xbf16>
        %unpack3A_792 = tpu.unpack_subelements %bitcast3A_791, 0 {pack_format = #tpu.pack_format<interleaved>} : vector<32xbf16> -> vector<16xf32>
        %unpack3A_793 = tpu.unpack_subelements %bitcast3A_791, 1 {pack_format = #tpu.pack_format<interleaved>} : vector<32xbf16> -> vector<16xf32>
        %mul3A_794 = arith.mulf %unpack3A_785, %unpack3A_792 : vector<16xf32>
        %add3A_795 = arith.addf %add3A_779, %mul3A_794 : vector<16xf32>
        %mul3A_796 = arith.mulf %unpack3A_786, %unpack3A_793 : vector<16xf32>
        %add3A_797 = arith.addf %add3A_795, %mul3A_796 : vector<16xf32>
        %get3A_798 = arith.index_cast %rem3A_39 : i32 to index
        %get3A_799 = arith.index_cast %add3A_705 : i32 to index
        %get3A_800 = arith.constant 80 : index
        %get3A_801 = tpu.vector_load %arg8[%get3A_798, %get3A_799, %get3A_800] {strides = array<i32>} : memref<2x200x128xi32, #tpu.memory_space<vmem>>, vector<16xi32>,
        %bitcast3A_802 = vector.bitcast %get3A_801 : vector<16xi32> to vector<32xbf16>
        %unpack3A_803 = tpu.unpack_subelements %bitcast3A_802, 0 {pack_format = #tpu.pack_format<interleaved>} : vector<32xbf16> -> vector<16xf32>
        %unpack3A_804 = tpu.unpack_subelements %bitcast3A_802, 1 {pack_format = #tpu.pack_format<interleaved>} : vector<32xbf16> -> vector<16xf32>
        %get3A_805 = arith.index_cast %rem3A_39 : i32 to index
        %get3A_806 = arith.index_cast %add3A_705 : i32 to index
        %get3A_807 = arith.constant 80 : index
        %get3A_808 = tpu.vector_load %arg9[%get3A_805, %get3A_806, %get3A_807] {strides = array<i32>} : memref<2x200x128xi32, #tpu.memory_space<vmem>>, vector<16xi32>,
        %bitcast3A_809 = vector.bitcast %get3A_808 : vector<16xi32> to vector<32xbf16>
        %unpack3A_810 = tpu.unpack_subelements %bitcast3A_809, 0 {pack_format = #tpu.pack_format<interleaved>} : vector<32xbf16> -> vector<16xf32>
        %unpack3A_811 = tpu.unpack_subelements %bitcast3A_809, 1 {pack_format = #tpu.pack_format<interleaved>} : vector<32xbf16> -> vector<16xf32>
        %mul3A_812 = arith.mulf %unpack3A_803, %unpack3A_810 : vector<16xf32>
        %add3A_813 = arith.addf %add3A_797, %mul3A_812 : vector<16xf32>
        %mul3A_814 = arith.mulf %unpack3A_804, %unpack3A_811 : vector<16xf32>
        %add3A_815 = arith.addf %add3A_813, %mul3A_814 : vector<16xf32>
        %get3A_816 = arith.index_cast %rem3A_39 : i32 to index
        %get3A_817 = arith.index_cast %add3A_705 : i32 to index
        %get3A_818 = arith.constant 96 : index
        %get3A_819 = tpu.vector_load %arg8[%get3A_816, %get3A_817, %get3A_818] {strides = array<i32>} : memref<2x200x128xi32, #tpu.memory_space<vmem>>, vector<16xi32>,
        %bitcast3A_820 = vector.bitcast %get3A_819 : vector<16xi32> to vector<32xbf16>
        %unpack3A_821 = tpu.unpack_subelements %bitcast3A_820, 0 {pack_format = #tpu.pack_format<interleaved>} : vector<32xbf16> -> vector<16xf32>
        %unpack3A_822 = tpu.unpack_subelements %bitcast3A_820, 1 {pack_format = #tpu.pack_format<interleaved>} : vector<32xbf16> -> vector<16xf32>
        %get3A_823 = arith.index_cast %rem3A_39 : i32 to index
        %get3A_824 = arith.index_cast %add3A_705 : i32 to index
        %get3A_825 = arith.constant 96 : index
        %get3A_826 = tpu.vector_load %arg9[%get3A_823, %get3A_824, %get3A_825] {strides = array<i32>} : memref<2x200x128xi32, #tpu.memory_space<vmem>>, vector<16xi32>,
        %bitcast3A_827 = vector.bitcast %get3A_826 : vector<16xi32> to vector<32xbf16>
        %unpack3A_828 = tpu.unpack_subelements %bitcast3A_827, 0 {pack_format = #tpu.pack_format<interleaved>} : vector<32xbf16> -> vector<16xf32>
        %unpack3A_829 = tpu.unpack_subelements %bitcast3A_827, 1 {pack_format = #tpu.pack_format<interleaved>} : vector<32xbf16> -> vector<16xf32>
        %mul3A_830 = arith.mulf %unpack3A_821, %unpack3A_828 : vector<16xf32>
        %add3A_831 = arith.addf %add3A_815, %mul3A_830 : vector<16xf32>
        %mul3A_832 = arith.mulf %unpack3A_822, %unpack3A_829 : vector<16xf32>
        %add3A_833 = arith.addf %add3A_831, %mul3A_832 : vector<16xf32>
        %get3A_834 = arith.index_cast %rem3A_39 : i32 to index
        %get3A_835 = arith.index_cast %add3A_705 : i32 to index
        %get3A_836 = arith.constant 112 : index
        %get3A_837 = tpu.vector_load %arg8[%get3A_834, %get3A_835, %get3A_836] {strides = array<i32>} : memref<2x200x128xi32, #tpu.memory_space<vmem>>, vector<16xi32>,
        %bitcast3A_838 = vector.bitcast %get3A_837 : vector<16xi32> to vector<32xbf16>
        %unpack3A_839 = tpu.unpack_subelements %bitcast3A_838, 0 {pack_format = #tpu.pack_format<interleaved>} : vector<32xbf16> -> vector<16xf32>
        %unpack3A_840 = tpu.unpack_subelements %bitcast3A_838, 1 {pack_format = #tpu.pack_format<interleaved>} : vector<32xbf16> -> vector<16xf32>
        %get3A_841 = arith.index_cast %rem3A_39 : i32 to index
        %get3A_842 = arith.index_cast %add3A_705 : i32 to index
        %get3A_843 = arith.constant 112 : index
        %get3A_844 = tpu.vector_load %arg9[%get3A_841, %get3A_842, %get3A_843] {strides = array<i32>} : memref<2x200x128xi32, #tpu.memory_space<vmem>>, vector<16xi32>,
        %bitcast3A_845 = vector.bitcast %get3A_844 : vector<16xi32> to vector<32xbf16>
        %unpack3A_846 = tpu.unpack_subelements %bitcast3A_845, 0 {pack_format = #tpu.pack_format<interleaved>} : vector<32xbf16> -> vector<16xf32>
        %unpack3A_847 = tpu.unpack_subelements %bitcast3A_845, 1 {pack_format = #tpu.pack_format<interleaved>} : vector<32xbf16> -> vector<16xf32>
        %mul3A_848 = arith.mulf %unpack3A_839, %unpack3A_846 : vector<16xf32>
        %add3A_849 = arith.addf %add3A_833, %mul3A_848 : vector<16xf32>
        %mul3A_850 = arith.mulf %unpack3A_840, %unpack3A_847 : vector<16xf32>
        %add3A_851 = arith.addf %add3A_849, %mul3A_850 : vector<16xf32>
        %eq3A_852 = arith.constant 4 : i32
        %eq3A_853 = vector.broadcast %eq3A_852 : i32 to vector<16xi32>
        %eq3A_854 = arith.cmpi eq, %iota3A, %eq3A_853 : vector<16xi32>
        %reduce_sum3A_855 = arith.constant true
        %reduce_sum3A_856 = vector.broadcast %reduce_sum3A_855 : i1 to vector<16xi1>
        %reduce_sum3A_857 = tpu.scan <sum>, %add3A_851 masked %reduce_sum3A_856 : vector<16xf32>, vector<16xi1> -> vector<16xf32>
        %reduce_sum3A_858 = vector.extract %reduce_sum3A_857[15] : f32 from vector<16xf32>
        %broadcast_in_dim3A_859 = vector.broadcast %reduce_sum3A_858 : f32 to vector<16xf32>
        %select_n3A_860 = arith.select %eq3A_854, %broadcast_in_dim3A_859, %select_n3A_703 : vector<16xi1>, vector<16xf32>
        %add3A_861 = arith.constant 5 : i32
        %add3A_862 = arith.addi %min3A_80, %add3A_861 : i32
        %broadcast_in_dim3A_863 = arith.constant 0.000000e+00 : f32
        %broadcast_in_dim3A_864 = vector.broadcast %broadcast_in_dim3A_863 : f32 to vector<16xf32>
        %get3A_865 = arith.index_cast %rem3A_39 : i32 to index
        %get3A_866 = arith.index_cast %add3A_862 : i32 to index
        %get3A_867 = arith.constant 0 : index
        %get3A_868 = tpu.vector_load %arg8[%get3A_865, %get3A_866, %get3A_867] {strides = array<i32>} : memref<2x200x128xi32, #tpu.memory_space<vmem>>, vector<16xi32>,
        %bitcast3A_869 = vector.bitcast %get3A_868 : vector<16xi32> to vector<32xbf16>
        %unpack3A_870 = tpu.unpack_subelements %bitcast3A_869, 0 {pack_format = #tpu.pack_format<interleaved>} : vector<32xbf16> -> vector<16xf32>
        %unpack3A_871 = tpu.unpack_subelements %bitcast3A_869, 1 {pack_format = #tpu.pack_format<interleaved>} : vector<32xbf16> -> vector<16xf32>
        %get3A_872 = arith.index_cast %rem3A_39 : i32 to index
        %get3A_873 = arith.index_cast %add3A_862 : i32 to index
        %get3A_874 = arith.constant 0 : index
        %get3A_875 = tpu.vector_load %arg9[%get3A_872, %get3A_873, %get3A_874] {strides = array<i32>} : memref<2x200x128xi32, #tpu.memory_space<vmem>>, vector<16xi32>,
        %bitcast3A_876 = vector.bitcast %get3A_875 : vector<16xi32> to vector<32xbf16>
        %unpack3A_877 = tpu.unpack_subelements %bitcast3A_876, 0 {pack_format = #tpu.pack_format<interleaved>} : vector<32xbf16> -> vector<16xf32>
        %unpack3A_878 = tpu.unpack_subelements %bitcast3A_876, 1 {pack_format = #tpu.pack_format<interleaved>} : vector<32xbf16> -> vector<16xf32>
        %mul3A_879 = arith.mulf %unpack3A_870, %unpack3A_877 : vector<16xf32>
        %add3A_880 = arith.addf %broadcast_in_dim3A_864, %mul3A_879 : vector<16xf32>
        %mul3A_881 = arith.mulf %unpack3A_871, %unpack3A_878 : vector<16xf32>
        %add3A_882 = arith.addf %add3A_880, %mul3A_881 : vector<16xf32>
        %get3A_883 = arith.index_cast %rem3A_39 : i32 to index
        %get3A_884 = arith.index_cast %add3A_862 : i32 to index
        %get3A_885 = arith.constant 16 : index
        %get3A_886 = tpu.vector_load %arg8[%get3A_883, %get3A_884, %get3A_885] {strides = array<i32>} : memref<2x200x128xi32, #tpu.memory_space<vmem>>, vector<16xi32>,
        %bitcast3A_887 = vector.bitcast %get3A_886 : vector<16xi32> to vector<32xbf16>
        %unpack3A_888 = tpu.unpack_subelements %bitcast3A_887, 0 {pack_format = #tpu.pack_format<interleaved>} : vector<32xbf16> -> vector<16xf32>
        %unpack3A_889 = tpu.unpack_subelements %bitcast3A_887, 1 {pack_format = #tpu.pack_format<interleaved>} : vector<32xbf16> -> vector<16xf32>
        %get3A_890 = arith.index_cast %rem3A_39 : i32 to index
        %get3A_891 = arith.index_cast %add3A_862 : i32 to index
        %get3A_892 = arith.constant 16 : index
        %get3A_893 = tpu.vector_load %arg9[%get3A_890, %get3A_891, %get3A_892] {strides = array<i32>} : memref<2x200x128xi32, #tpu.memory_space<vmem>>, vector<16xi32>,
        %bitcast3A_894 = vector.bitcast %get3A_893 : vector<16xi32> to vector<32xbf16>
        %unpack3A_895 = tpu.unpack_subelements %bitcast3A_894, 0 {pack_format = #tpu.pack_format<interleaved>} : vector<32xbf16> -> vector<16xf32>
        %unpack3A_896 = tpu.unpack_subelements %bitcast3A_894, 1 {pack_format = #tpu.pack_format<interleaved>} : vector<32xbf16> -> vector<16xf32>
        %mul3A_897 = arith.mulf %unpack3A_888, %unpack3A_895 : vector<16xf32>
        %add3A_898 = arith.addf %add3A_882, %mul3A_897 : vector<16xf32>
        %mul3A_899 = arith.mulf %unpack3A_889, %unpack3A_896 : vector<16xf32>
        %add3A_900 = arith.addf %add3A_898, %mul3A_899 : vector<16xf32>
        %get3A_901 = arith.index_cast %rem3A_39 : i32 to index
        %get3A_902 = arith.index_cast %add3A_862 : i32 to index
        %get3A_903 = arith.constant 32 : index
        %get3A_904 = tpu.vector_load %arg8[%get3A_901, %get3A_902, %get3A_903] {strides = array<i32>} : memref<2x200x128xi32, #tpu.memory_space<vmem>>, vector<16xi32>,
        %bitcast3A_905 = vector.bitcast %get3A_904 : vector<16xi32> to vector<32xbf16>
        %unpack3A_906 = tpu.unpack_subelements %bitcast3A_905, 0 {pack_format = #tpu.pack_format<interleaved>} : vector<32xbf16> -> vector<16xf32>
        %unpack3A_907 = tpu.unpack_subelements %bitcast3A_905, 1 {pack_format = #tpu.pack_format<interleaved>} : vector<32xbf16> -> vector<16xf32>
        %get3A_908 = arith.index_cast %rem3A_39 : i32 to index
        %get3A_909 = arith.index_cast %add3A_862 : i32 to index
        %get3A_910 = arith.constant 32 : index
        %get3A_911 = tpu.vector_load %arg9[%get3A_908, %get3A_909, %get3A_910] {strides = array<i32>} : memref<2x200x128xi32, #tpu.memory_space<vmem>>, vector<16xi32>,
        %bitcast3A_912 = vector.bitcast %get3A_911 : vector<16xi32> to vector<32xbf16>
        %unpack3A_913 = tpu.unpack_subelements %bitcast3A_912, 0 {pack_format = #tpu.pack_format<interleaved>} : vector<32xbf16> -> vector<16xf32>
        %unpack3A_914 = tpu.unpack_subelements %bitcast3A_912, 1 {pack_format = #tpu.pack_format<interleaved>} : vector<32xbf16> -> vector<16xf32>
        %mul3A_915 = arith.mulf %unpack3A_906, %unpack3A_913 : vector<16xf32>
        %add3A_916 = arith.addf %add3A_900, %mul3A_915 : vector<16xf32>
        %mul3A_917 = arith.mulf %unpack3A_907, %unpack3A_914 : vector<16xf32>
        %add3A_918 = arith.addf %add3A_916, %mul3A_917 : vector<16xf32>
        %get3A_919 = arith.index_cast %rem3A_39 : i32 to index
        %get3A_920 = arith.index_cast %add3A_862 : i32 to index
        %get3A_921 = arith.constant 48 : index
        %get3A_922 = tpu.vector_load %arg8[%get3A_919, %get3A_920, %get3A_921] {strides = array<i32>} : memref<2x200x128xi32, #tpu.memory_space<vmem>>, vector<16xi32>,
        %bitcast3A_923 = vector.bitcast %get3A_922 : vector<16xi32> to vector<32xbf16>
        %unpack3A_924 = tpu.unpack_subelements %bitcast3A_923, 0 {pack_format = #tpu.pack_format<interleaved>} : vector<32xbf16> -> vector<16xf32>
        %unpack3A_925 = tpu.unpack_subelements %bitcast3A_923, 1 {pack_format = #tpu.pack_format<interleaved>} : vector<32xbf16> -> vector<16xf32>
        %get3A_926 = arith.index_cast %rem3A_39 : i32 to index
        %get3A_927 = arith.index_cast %add3A_862 : i32 to index
        %get3A_928 = arith.constant 48 : index
        %get3A_929 = tpu.vector_load %arg9[%get3A_926, %get3A_927, %get3A_928] {strides = array<i32>} : memref<2x200x128xi32, #tpu.memory_space<vmem>>, vector<16xi32>,
        %bitcast3A_930 = vector.bitcast %get3A_929 : vector<16xi32> to vector<32xbf16>
        %unpack3A_931 = tpu.unpack_subelements %bitcast3A_930, 0 {pack_format = #tpu.pack_format<interleaved>} : vector<32xbf16> -> vector<16xf32>
        %unpack3A_932 = tpu.unpack_subelements %bitcast3A_930, 1 {pack_format = #tpu.pack_format<interleaved>} : vector<32xbf16> -> vector<16xf32>
        %mul3A_933 = arith.mulf %unpack3A_924, %unpack3A_931 : vector<16xf32>
        %add3A_934 = arith.addf %add3A_918, %mul3A_933 : vector<16xf32>
        %mul3A_935 = arith.mulf %unpack3A_925, %unpack3A_932 : vector<16xf32>
        %add3A_936 = arith.addf %add3A_934, %mul3A_935 : vector<16xf32>
        %get3A_937 = arith.index_cast %rem3A_39 : i32 to index
        %get3A_938 = arith.index_cast %add3A_862 : i32 to index
        %get3A_939 = arith.constant 64 : index
        %get3A_940 = tpu.vector_load %arg8[%get3A_937, %get3A_938, %get3A_939] {strides = array<i32>} : memref<2x200x128xi32, #tpu.memory_space<vmem>>, vector<16xi32>,
        %bitcast3A_941 = vector.bitcast %get3A_940 : vector<16xi32> to vector<32xbf16>
        %unpack3A_942 = tpu.unpack_subelements %bitcast3A_941, 0 {pack_format = #tpu.pack_format<interleaved>} : vector<32xbf16> -> vector<16xf32>
        %unpack3A_943 = tpu.unpack_subelements %bitcast3A_941, 1 {pack_format = #tpu.pack_format<interleaved>} : vector<32xbf16> -> vector<16xf32>
        %get3A_944 = arith.index_cast %rem3A_39 : i32 to index
        %get3A_945 = arith.index_cast %add3A_862 : i32 to index
        %get3A_946 = arith.constant 64 : index
        %get3A_947 = tpu.vector_load %arg9[%get3A_944, %get3A_945, %get3A_946] {strides = array<i32>} : memref<2x200x128xi32, #tpu.memory_space<vmem>>, vector<16xi32>,
        %bitcast3A_948 = vector.bitcast %get3A_947 : vector<16xi32> to vector<32xbf16>
        %unpack3A_949 = tpu.unpack_subelements %bitcast3A_948, 0 {pack_format = #tpu.pack_format<interleaved>} : vector<32xbf16> -> vector<16xf32>
        %unpack3A_950 = tpu.unpack_subelements %bitcast3A_948, 1 {pack_format = #tpu.pack_format<interleaved>} : vector<32xbf16> -> vector<16xf32>
        %mul3A_951 = arith.mulf %unpack3A_942, %unpack3A_949 : vector<16xf32>
        %add3A_952 = arith.addf %add3A_936, %mul3A_951 : vector<16xf32>
        %mul3A_953 = arith.mulf %unpack3A_943, %unpack3A_950 : vector<16xf32>
        %add3A_954 = arith.addf %add3A_952, %mul3A_953 : vector<16xf32>
        %get3A_955 = arith.index_cast %rem3A_39 : i32 to index
        %get3A_956 = arith.index_cast %add3A_862 : i32 to index
        %get3A_957 = arith.constant 80 : index
        %get3A_958 = tpu.vector_load %arg8[%get3A_955, %get3A_956, %get3A_957] {strides = array<i32>} : memref<2x200x128xi32, #tpu.memory_space<vmem>>, vector<16xi32>,
        %bitcast3A_959 = vector.bitcast %get3A_958 : vector<16xi32> to vector<32xbf16>
        %unpack3A_960 = tpu.unpack_subelements %bitcast3A_959, 0 {pack_format = #tpu.pack_format<interleaved>} : vector<32xbf16> -> vector<16xf32>
        %unpack3A_961 = tpu.unpack_subelements %bitcast3A_959, 1 {pack_format = #tpu.pack_format<interleaved>} : vector<32xbf16> -> vector<16xf32>
        %get3A_962 = arith.index_cast %rem3A_39 : i32 to index
        %get3A_963 = arith.index_cast %add3A_862 : i32 to index
        %get3A_964 = arith.constant 80 : index
        %get3A_965 = tpu.vector_load %arg9[%get3A_962, %get3A_963, %get3A_964] {strides = array<i32>} : memref<2x200x128xi32, #tpu.memory_space<vmem>>, vector<16xi32>,
        %bitcast3A_966 = vector.bitcast %get3A_965 : vector<16xi32> to vector<32xbf16>
        %unpack3A_967 = tpu.unpack_subelements %bitcast3A_966, 0 {pack_format = #tpu.pack_format<interleaved>} : vector<32xbf16> -> vector<16xf32>
        %unpack3A_968 = tpu.unpack_subelements %bitcast3A_966, 1 {pack_format = #tpu.pack_format<interleaved>} : vector<32xbf16> -> vector<16xf32>
        %mul3A_969 = arith.mulf %unpack3A_960, %unpack3A_967 : vector<16xf32>
        %add3A_970 = arith.addf %add3A_954, %mul3A_969 : vector<16xf32>
        %mul3A_971 = arith.mulf %unpack3A_961, %unpack3A_968 : vector<16xf32>
        %add3A_972 = arith.addf %add3A_970, %mul3A_971 : vector<16xf32>
        %get3A_973 = arith.index_cast %rem3A_39 : i32 to index
        %get3A_974 = arith.index_cast %add3A_862 : i32 to index
        %get3A_975 = arith.constant 96 : index
        %get3A_976 = tpu.vector_load %arg8[%get3A_973, %get3A_974, %get3A_975] {strides = array<i32>} : memref<2x200x128xi32, #tpu.memory_space<vmem>>, vector<16xi32>,
        %bitcast3A_977 = vector.bitcast %get3A_976 : vector<16xi32> to vector<32xbf16>
        %unpack3A_978 = tpu.unpack_subelements %bitcast3A_977, 0 {pack_format = #tpu.pack_format<interleaved>} : vector<32xbf16> -> vector<16xf32>
        %unpack3A_979 = tpu.unpack_subelements %bitcast3A_977, 1 {pack_format = #tpu.pack_format<interleaved>} : vector<32xbf16> -> vector<16xf32>
        %get3A_980 = arith.index_cast %rem3A_39 : i32 to index
        %get3A_981 = arith.index_cast %add3A_862 : i32 to index
        %get3A_982 = arith.constant 96 : index
        %get3A_983 = tpu.vector_load %arg9[%get3A_980, %get3A_981, %get3A_982] {strides = array<i32>} : memref<2x200x128xi32, #tpu.memory_space<vmem>>, vector<16xi32>,
        %bitcast3A_984 = vector.bitcast %get3A_983 : vector<16xi32> to vector<32xbf16>
        %unpack3A_985 = tpu.unpack_subelements %bitcast3A_984, 0 {pack_format = #tpu.pack_format<interleaved>} : vector<32xbf16> -> vector<16xf32>
        %unpack3A_986 = tpu.unpack_subelements %bitcast3A_984, 1 {pack_format = #tpu.pack_format<interleaved>} : vector<32xbf16> -> vector<16xf32>
        %mul3A_987 = arith.mulf %unpack3A_978, %unpack3A_985 : vector<16xf32>
        %add3A_988 = arith.addf %add3A_972, %mul3A_987 : vector<16xf32>
        %mul3A_989 = arith.mulf %unpack3A_979, %unpack3A_986 : vector<16xf32>
        %add3A_990 = arith.addf %add3A_988, %mul3A_989 : vector<16xf32>
        %get3A_991 = arith.index_cast %rem3A_39 : i32 to index
        %get3A_992 = arith.index_cast %add3A_862 : i32 to index
        %get3A_993 = arith.constant 112 : index
        %get3A_994 = tpu.vector_load %arg8[%get3A_991, %get3A_992, %get3A_993] {strides = array<i32>} : memref<2x200x128xi32, #tpu.memory_space<vmem>>, vector<16xi32>,
        %bitcast3A_995 = vector.bitcast %get3A_994 : vector<16xi32> to vector<32xbf16>
        %unpack3A_996 = tpu.unpack_subelements %bitcast3A_995, 0 {pack_format = #tpu.pack_format<interleaved>} : vector<32xbf16> -> vector<16xf32>
        %unpack3A_997 = tpu.unpack_subelements %bitcast3A_995, 1 {pack_format = #tpu.pack_format<interleaved>} : vector<32xbf16> -> vector<16xf32>
        %get3A_998 = arith.index_cast %rem3A_39 : i32 to index
        %get3A_999 = arith.index_cast %add3A_862 : i32 to index
        %get3A_1000 = arith.constant 112 : index
        %get3A_1001 = tpu.vector_load %arg9[%get3A_998, %get3A_999, %get3A_1000] {strides = array<i32>} : memref<2x200x128xi32, #tpu.memory_space<vmem>>, vector<16xi32>,
        %bitcast3A_1002 = vector.bitcast %get3A_1001 : vector<16xi32> to vector<32xbf16>
        %unpack3A_1003 = tpu.unpack_subelements %bitcast3A_1002, 0 {pack_format = #tpu.pack_format<interleaved>} : vector<32xbf16> -> vector<16xf32>
        %unpack3A_1004 = tpu.unpack_subelements %bitcast3A_1002, 1 {pack_format = #tpu.pack_format<interleaved>} : vector<32xbf16> -> vector<16xf32>
        %mul3A_1005 = arith.mulf %unpack3A_996, %unpack3A_1003 : vector<16xf32>
        %add3A_1006 = arith.addf %add3A_990, %mul3A_1005 : vector<16xf32>
        %mul3A_1007 = arith.mulf %unpack3A_997, %unpack3A_1004 : vector<16xf32>
        %add3A_1008 = arith.addf %add3A_1006, %mul3A_1007 : vector<16xf32>
        %eq3A_1009 = arith.constant 5 : i32
        %eq3A_1010 = vector.broadcast %eq3A_1009 : i32 to vector<16xi32>
        %eq3A_1011 = arith.cmpi eq, %iota3A, %eq3A_1010 : vector<16xi32>
        %reduce_sum3A_1012 = arith.constant true
        %reduce_sum3A_1013 = vector.broadcast %reduce_sum3A_1012 : i1 to vector<16xi1>
        %reduce_sum3A_1014 = tpu.scan <sum>, %add3A_1008 masked %reduce_sum3A_1013 : vector<16xf32>, vector<16xi1> -> vector<16xf32>
        %reduce_sum3A_1015 = vector.extract %reduce_sum3A_1014[15] : f32 from vector<16xf32>
        %broadcast_in_dim3A_1016 = vector.broadcast %reduce_sum3A_1015 : f32 to vector<16xf32>
        %select_n3A_1017 = arith.select %eq3A_1011, %broadcast_in_dim3A_1016, %select_n3A_860 : vector<16xi1>, vector<16xf32>
        %add3A_1018 = arith.constant 6 : i32
        %add3A_1019 = arith.addi %min3A_80, %add3A_1018 : i32
        %broadcast_in_dim3A_1020 = arith.constant 0.000000e+00 : f32
        %broadcast_in_dim3A_1021 = vector.broadcast %broadcast_in_dim3A_1020 : f32 to vector<16xf32>
        %get3A_1022 = arith.index_cast %rem3A_39 : i32 to index
        %get3A_1023 = arith.index_cast %add3A_1019 : i32 to index
        %get3A_1024 = arith.constant 0 : index
        %get3A_1025 = tpu.vector_load %arg8[%get3A_1022, %get3A_1023, %get3A_1024] {strides = array<i32>} : memref<2x200x128xi32, #tpu.memory_space<vmem>>, vector<16xi32>,
        %bitcast3A_1026 = vector.bitcast %get3A_1025 : vector<16xi32> to vector<32xbf16>
        %unpack3A_1027 = tpu.unpack_subelements %bitcast3A_1026, 0 {pack_format = #tpu.pack_format<interleaved>} : vector<32xbf16> -> vector<16xf32>
        %unpack3A_1028 = tpu.unpack_subelements %bitcast3A_1026, 1 {pack_format = #tpu.pack_format<interleaved>} : vector<32xbf16> -> vector<16xf32>
        %get3A_1029 = arith.index_cast %rem3A_39 : i32 to index
        %get3A_1030 = arith.index_cast %add3A_1019 : i32 to index
        %get3A_1031 = arith.constant 0 : index
        %get3A_1032 = tpu.vector_load %arg9[%get3A_1029, %get3A_1030, %get3A_1031] {strides = array<i32>} : memref<2x200x128xi32, #tpu.memory_space<vmem>>, vector<16xi32>,
        %bitcast3A_1033 = vector.bitcast %get3A_1032 : vector<16xi32> to vector<32xbf16>
        %unpack3A_1034 = tpu.unpack_subelements %bitcast3A_1033, 0 {pack_format = #tpu.pack_format<interleaved>} : vector<32xbf16> -> vector<16xf32>
        %unpack3A_1035 = tpu.unpack_subelements %bitcast3A_1033, 1 {pack_format = #tpu.pack_format<interleaved>} : vector<32xbf16> -> vector<16xf32>
        %mul3A_1036 = arith.mulf %unpack3A_1027, %unpack3A_1034 : vector<16xf32>
        %add3A_1037 = arith.addf %broadcast_in_dim3A_1021, %mul3A_1036 : vector<16xf32>
        %mul3A_1038 = arith.mulf %unpack3A_1028, %unpack3A_1035 : vector<16xf32>
        %add3A_1039 = arith.addf %add3A_1037, %mul3A_1038 : vector<16xf32>
        %get3A_1040 = arith.index_cast %rem3A_39 : i32 to index
        %get3A_1041 = arith.index_cast %add3A_1019 : i32 to index
        %get3A_1042 = arith.constant 16 : index
        %get3A_1043 = tpu.vector_load %arg8[%get3A_1040, %get3A_1041, %get3A_1042] {strides = array<i32>} : memref<2x200x128xi32, #tpu.memory_space<vmem>>, vector<16xi32>,
        %bitcast3A_1044 = vector.bitcast %get3A_1043 : vector<16xi32> to vector<32xbf16>
        %unpack3A_1045 = tpu.unpack_subelements %bitcast3A_1044, 0 {pack_format = #tpu.pack_format<interleaved>} : vector<32xbf16> -> vector<16xf32>
        %unpack3A_1046 = tpu.unpack_subelements %bitcast3A_1044, 1 {pack_format = #tpu.pack_format<interleaved>} : vector<32xbf16> -> vector<16xf32>
        %get3A_1047 = arith.index_cast %rem3A_39 : i32 to index
        %get3A_1048 = arith.index_cast %add3A_1019 : i32 to index
        %get3A_1049 = arith.constant 16 : index
        %get3A_1050 = tpu.vector_load %arg9[%get3A_1047, %get3A_1048, %get3A_1049] {strides = array<i32>} : memref<2x200x128xi32, #tpu.memory_space<vmem>>, vector<16xi32>,
        %bitcast3A_1051 = vector.bitcast %get3A_1050 : vector<16xi32> to vector<32xbf16>
        %unpack3A_1052 = tpu.unpack_subelements %bitcast3A_1051, 0 {pack_format = #tpu.pack_format<interleaved>} : vector<32xbf16> -> vector<16xf32>
        %unpack3A_1053 = tpu.unpack_subelements %bitcast3A_1051, 1 {pack_format = #tpu.pack_format<interleaved>} : vector<32xbf16> -> vector<16xf32>
        %mul3A_1054 = arith.mulf %unpack3A_1045, %unpack3A_1052 : vector<16xf32>
        %add3A_1055 = arith.addf %add3A_1039, %mul3A_1054 : vector<16xf32>
        %mul3A_1056 = arith.mulf %unpack3A_1046, %unpack3A_1053 : vector<16xf32>
        %add3A_1057 = arith.addf %add3A_1055, %mul3A_1056 : vector<16xf32>
        %get3A_1058 = arith.index_cast %rem3A_39 : i32 to index
        %get3A_1059 = arith.index_cast %add3A_1019 : i32 to index
        %get3A_1060 = arith.constant 32 : index
        %get3A_1061 = tpu.vector_load %arg8[%get3A_1058, %get3A_1059, %get3A_1060] {strides = array<i32>} : memref<2x200x128xi32, #tpu.memory_space<vmem>>, vector<16xi32>,
        %bitcast3A_1062 = vector.bitcast %get3A_1061 : vector<16xi32> to vector<32xbf16>
        %unpack3A_1063 = tpu.unpack_subelements %bitcast3A_1062, 0 {pack_format = #tpu.pack_format<interleaved>} : vector<32xbf16> -> vector<16xf32>
        %unpack3A_1064 = tpu.unpack_subelements %bitcast3A_1062, 1 {pack_format = #tpu.pack_format<interleaved>} : vector<32xbf16> -> vector<16xf32>
        %get3A_1065 = arith.index_cast %rem3A_39 : i32 to index
        %get3A_1066 = arith.index_cast %add3A_1019 : i32 to index
        %get3A_1067 = arith.constant 32 : index
        %get3A_1068 = tpu.vector_load %arg9[%get3A_1065, %get3A_1066, %get3A_1067] {strides = array<i32>} : memref<2x200x128xi32, #tpu.memory_space<vmem>>, vector<16xi32>,
        %bitcast3A_1069 = vector.bitcast %get3A_1068 : vector<16xi32> to vector<32xbf16>
        %unpack3A_1070 = tpu.unpack_subelements %bitcast3A_1069, 0 {pack_format = #tpu.pack_format<interleaved>} : vector<32xbf16> -> vector<16xf32>
        %unpack3A_1071 = tpu.unpack_subelements %bitcast3A_1069, 1 {pack_format = #tpu.pack_format<interleaved>} : vector<32xbf16> -> vector<16xf32>
        %mul3A_1072 = arith.mulf %unpack3A_1063, %unpack3A_1070 : vector<16xf32>
        %add3A_1073 = arith.addf %add3A_1057, %mul3A_1072 : vector<16xf32>
        %mul3A_1074 = arith.mulf %unpack3A_1064, %unpack3A_1071 : vector<16xf32>
        %add3A_1075 = arith.addf %add3A_1073, %mul3A_1074 : vector<16xf32>
        %get3A_1076 = arith.index_cast %rem3A_39 : i32 to index
        %get3A_1077 = arith.index_cast %add3A_1019 : i32 to index
        %get3A_1078 = arith.constant 48 : index
        %get3A_1079 = tpu.vector_load %arg8[%get3A_1076, %get3A_1077, %get3A_1078] {strides = array<i32>} : memref<2x200x128xi32, #tpu.memory_space<vmem>>, vector<16xi32>,
        %bitcast3A_1080 = vector.bitcast %get3A_1079 : vector<16xi32> to vector<32xbf16>
        %unpack3A_1081 = tpu.unpack_subelements %bitcast3A_1080, 0 {pack_format = #tpu.pack_format<interleaved>} : vector<32xbf16> -> vector<16xf32>
        %unpack3A_1082 = tpu.unpack_subelements %bitcast3A_1080, 1 {pack_format = #tpu.pack_format<interleaved>} : vector<32xbf16> -> vector<16xf32>
        %get3A_1083 = arith.index_cast %rem3A_39 : i32 to index
        %get3A_1084 = arith.index_cast %add3A_1019 : i32 to index
        %get3A_1085 = arith.constant 48 : index
        %get3A_1086 = tpu.vector_load %arg9[%get3A_1083, %get3A_1084, %get3A_1085] {strides = array<i32>} : memref<2x200x128xi32, #tpu.memory_space<vmem>>, vector<16xi32>,
        %bitcast3A_1087 = vector.bitcast %get3A_1086 : vector<16xi32> to vector<32xbf16>
        %unpack3A_1088 = tpu.unpack_subelements %bitcast3A_1087, 0 {pack_format = #tpu.pack_format<interleaved>} : vector<32xbf16> -> vector<16xf32>
        %unpack3A_1089 = tpu.unpack_subelements %bitcast3A_1087, 1 {pack_format = #tpu.pack_format<interleaved>} : vector<32xbf16> -> vector<16xf32>
        %mul3A_1090 = arith.mulf %unpack3A_1081, %unpack3A_1088 : vector<16xf32>
        %add3A_1091 = arith.addf %add3A_1075, %mul3A_1090 : vector<16xf32>
        %mul3A_1092 = arith.mulf %unpack3A_1082, %unpack3A_1089 : vector<16xf32>
        %add3A_1093 = arith.addf %add3A_1091, %mul3A_1092 : vector<16xf32>
        %get3A_1094 = arith.index_cast %rem3A_39 : i32 to index
        %get3A_1095 = arith.index_cast %add3A_1019 : i32 to index
        %get3A_1096 = arith.constant 64 : index
        %get3A_1097 = tpu.vector_load %arg8[%get3A_1094, %get3A_1095, %get3A_1096] {strides = array<i32>} : memref<2x200x128xi32, #tpu.memory_space<vmem>>, vector<16xi32>,
        %bitcast3A_1098 = vector.bitcast %get3A_1097 : vector<16xi32> to vector<32xbf16>
        %unpack3A_1099 = tpu.unpack_subelements %bitcast3A_1098, 0 {pack_format = #tpu.pack_format<interleaved>} : vector<32xbf16> -> vector<16xf32>
        %unpack3A_1100 = tpu.unpack_subelements %bitcast3A_1098, 1 {pack_format = #tpu.pack_format<interleaved>} : vector<32xbf16> -> vector<16xf32>
        %get3A_1101 = arith.index_cast %rem3A_39 : i32 to index
        %get3A_1102 = arith.index_cast %add3A_1019 : i32 to index
        %get3A_1103 = arith.constant 64 : index
        %get3A_1104 = tpu.vector_load %arg9[%get3A_1101, %get3A_1102, %get3A_1103] {strides = array<i32>} : memref<2x200x128xi32, #tpu.memory_space<vmem>>, vector<16xi32>,
        %bitcast3A_1105 = vector.bitcast %get3A_1104 : vector<16xi32> to vector<32xbf16>
        %unpack3A_1106 = tpu.unpack_subelements %bitcast3A_1105, 0 {pack_format = #tpu.pack_format<interleaved>} : vector<32xbf16> -> vector<16xf32>
        %unpack3A_1107 = tpu.unpack_subelements %bitcast3A_1105, 1 {pack_format = #tpu.pack_format<interleaved>} : vector<32xbf16> -> vector<16xf32>
        %mul3A_1108 = arith.mulf %unpack3A_1099, %unpack3A_1106 : vector<16xf32>
        %add3A_1109 = arith.addf %add3A_1093, %mul3A_1108 : vector<16xf32>
        %mul3A_1110 = arith.mulf %unpack3A_1100, %unpack3A_1107 : vector<16xf32>
        %add3A_1111 = arith.addf %add3A_1109, %mul3A_1110 : vector<16xf32>
        %get3A_1112 = arith.index_cast %rem3A_39 : i32 to index
        %get3A_1113 = arith.index_cast %add3A_1019 : i32 to index
        %get3A_1114 = arith.constant 80 : index
        %get3A_1115 = tpu.vector_load %arg8[%get3A_1112, %get3A_1113, %get3A_1114] {strides = array<i32>} : memref<2x200x128xi32, #tpu.memory_space<vmem>>, vector<16xi32>,
        %bitcast3A_1116 = vector.bitcast %get3A_1115 : vector<16xi32> to vector<32xbf16>
        %unpack3A_1117 = tpu.unpack_subelements %bitcast3A_1116, 0 {pack_format = #tpu.pack_format<interleaved>} : vector<32xbf16> -> vector<16xf32>
        %unpack3A_1118 = tpu.unpack_subelements %bitcast3A_1116, 1 {pack_format = #tpu.pack_format<interleaved>} : vector<32xbf16> -> vector<16xf32>
        %get3A_1119 = arith.index_cast %rem3A_39 : i32 to index
        %get3A_1120 = arith.index_cast %add3A_1019 : i32 to index
        %get3A_1121 = arith.constant 80 : index
        %get3A_1122 = tpu.vector_load %arg9[%get3A_1119, %get3A_1120, %get3A_1121] {strides = array<i32>} : memref<2x200x128xi32, #tpu.memory_space<vmem>>, vector<16xi32>,
        %bitcast3A_1123 = vector.bitcast %get3A_1122 : vector<16xi32> to vector<32xbf16>
        %unpack3A_1124 = tpu.unpack_subelements %bitcast3A_1123, 0 {pack_format = #tpu.pack_format<interleaved>} : vector<32xbf16> -> vector<16xf32>
        %unpack3A_1125 = tpu.unpack_subelements %bitcast3A_1123, 1 {pack_format = #tpu.pack_format<interleaved>} : vector<32xbf16> -> vector<16xf32>
        %mul3A_1126 = arith.mulf %unpack3A_1117, %unpack3A_1124 : vector<16xf32>
        %add3A_1127 = arith.addf %add3A_1111, %mul3A_1126 : vector<16xf32>
        %mul3A_1128 = arith.mulf %unpack3A_1118, %unpack3A_1125 : vector<16xf32>
        %add3A_1129 = arith.addf %add3A_1127, %mul3A_1128 : vector<16xf32>
        %get3A_1130 = arith.index_cast %rem3A_39 : i32 to index
        %get3A_1131 = arith.index_cast %add3A_1019 : i32 to index
        %get3A_1132 = arith.constant 96 : index
        %get3A_1133 = tpu.vector_load %arg8[%get3A_1130, %get3A_1131, %get3A_1132] {strides = array<i32>} : memref<2x200x128xi32, #tpu.memory_space<vmem>>, vector<16xi32>,
        %bitcast3A_1134 = vector.bitcast %get3A_1133 : vector<16xi32> to vector<32xbf16>
        %unpack3A_1135 = tpu.unpack_subelements %bitcast3A_1134, 0 {pack_format = #tpu.pack_format<interleaved>} : vector<32xbf16> -> vector<16xf32>
        %unpack3A_1136 = tpu.unpack_subelements %bitcast3A_1134, 1 {pack_format = #tpu.pack_format<interleaved>} : vector<32xbf16> -> vector<16xf32>
        %get3A_1137 = arith.index_cast %rem3A_39 : i32 to index
        %get3A_1138 = arith.index_cast %add3A_1019 : i32 to index
        %get3A_1139 = arith.constant 96 : index
        %get3A_1140 = tpu.vector_load %arg9[%get3A_1137, %get3A_1138, %get3A_1139] {strides = array<i32>} : memref<2x200x128xi32, #tpu.memory_space<vmem>>, vector<16xi32>,
        %bitcast3A_1141 = vector.bitcast %get3A_1140 : vector<16xi32> to vector<32xbf16>
        %unpack3A_1142 = tpu.unpack_subelements %bitcast3A_1141, 0 {pack_format = #tpu.pack_format<interleaved>} : vector<32xbf16> -> vector<16xf32>
        %unpack3A_1143 = tpu.unpack_subelements %bitcast3A_1141, 1 {pack_format = #tpu.pack_format<interleaved>} : vector<32xbf16> -> vector<16xf32>
        %mul3A_1144 = arith.mulf %unpack3A_1135, %unpack3A_1142 : vector<16xf32>
        %add3A_1145 = arith.addf %add3A_1129, %mul3A_1144 : vector<16xf32>
        %mul3A_1146 = arith.mulf %unpack3A_1136, %unpack3A_1143 : vector<16xf32>
        %add3A_1147 = arith.addf %add3A_1145, %mul3A_1146 : vector<16xf32>
        %get3A_1148 = arith.index_cast %rem3A_39 : i32 to index
        %get3A_1149 = arith.index_cast %add3A_1019 : i32 to index
        %get3A_1150 = arith.constant 112 : index
        %get3A_1151 = tpu.vector_load %arg8[%get3A_1148, %get3A_1149, %get3A_1150] {strides = array<i32>} : memref<2x200x128xi32, #tpu.memory_space<vmem>>, vector<16xi32>,
        %bitcast3A_1152 = vector.bitcast %get3A_1151 : vector<16xi32> to vector<32xbf16>
        %unpack3A_1153 = tpu.unpack_subelements %bitcast3A_1152, 0 {pack_format = #tpu.pack_format<interleaved>} : vector<32xbf16> -> vector<16xf32>
        %unpack3A_1154 = tpu.unpack_subelements %bitcast3A_1152, 1 {pack_format = #tpu.pack_format<interleaved>} : vector<32xbf16> -> vector<16xf32>
        %get3A_1155 = arith.index_cast %rem3A_39 : i32 to index
        %get3A_1156 = arith.index_cast %add3A_1019 : i32 to index
        %get3A_1157 = arith.constant 112 : index
        %get3A_1158 = tpu.vector_load %arg9[%get3A_1155, %get3A_1156, %get3A_1157] {strides = array<i32>} : memref<2x200x128xi32, #tpu.memory_space<vmem>>, vector<16xi32>,
        %bitcast3A_1159 = vector.bitcast %get3A_1158 : vector<16xi32> to vector<32xbf16>
        %unpack3A_1160 = tpu.unpack_subelements %bitcast3A_1159, 0 {pack_format = #tpu.pack_format<interleaved>} : vector<32xbf16> -> vector<16xf32>
        %unpack3A_1161 = tpu.unpack_subelements %bitcast3A_1159, 1 {pack_format = #tpu.pack_format<interleaved>} : vector<32xbf16> -> vector<16xf32>
        %mul3A_1162 = arith.mulf %unpack3A_1153, %unpack3A_1160 : vector<16xf32>
        %add3A_1163 = arith.addf %add3A_1147, %mul3A_1162 : vector<16xf32>
        %mul3A_1164 = arith.mulf %unpack3A_1154, %unpack3A_1161 : vector<16xf32>
        %add3A_1165 = arith.addf %add3A_1163, %mul3A_1164 : vector<16xf32>
        %eq3A_1166 = arith.constant 6 : i32
        %eq3A_1167 = vector.broadcast %eq3A_1166 : i32 to vector<16xi32>
        %eq3A_1168 = arith.cmpi eq, %iota3A, %eq3A_1167 : vector<16xi32>
        %reduce_sum3A_1169 = arith.constant true
        %reduce_sum3A_1170 = vector.broadcast %reduce_sum3A_1169 : i1 to vector<16xi1>
        %reduce_sum3A_1171 = tpu.scan <sum>, %add3A_1165 masked %reduce_sum3A_1170 : vector<16xf32>, vector<16xi1> -> vector<16xf32>
        %reduce_sum3A_1172 = vector.extract %reduce_sum3A_1171[15] : f32 from vector<16xf32>
        %broadcast_in_dim3A_1173 = vector.broadcast %reduce_sum3A_1172 : f32 to vector<16xf32>
        %select_n3A_1174 = arith.select %eq3A_1168, %broadcast_in_dim3A_1173, %select_n3A_1017 : vector<16xi1>, vector<16xf32>
        %add3A_1175 = arith.constant 7 : i32
        %add3A_1176 = arith.addi %min3A_80, %add3A_1175 : i32
        %broadcast_in_dim3A_1177 = arith.constant 0.000000e+00 : f32
        %broadcast_in_dim3A_1178 = vector.broadcast %broadcast_in_dim3A_1177 : f32 to vector<16xf32>
        %get3A_1179 = arith.index_cast %rem3A_39 : i32 to index
        %get3A_1180 = arith.index_cast %add3A_1176 : i32 to index
        %get3A_1181 = arith.constant 0 : index
        %get3A_1182 = tpu.vector_load %arg8[%get3A_1179, %get3A_1180, %get3A_1181] {strides = array<i32>} : memref<2x200x128xi32, #tpu.memory_space<vmem>>, vector<16xi32>,
        %bitcast3A_1183 = vector.bitcast %get3A_1182 : vector<16xi32> to vector<32xbf16>
        %unpack3A_1184 = tpu.unpack_subelements %bitcast3A_1183, 0 {pack_format = #tpu.pack_format<interleaved>} : vector<32xbf16> -> vector<16xf32>
        %unpack3A_1185 = tpu.unpack_subelements %bitcast3A_1183, 1 {pack_format = #tpu.pack_format<interleaved>} : vector<32xbf16> -> vector<16xf32>
        %get3A_1186 = arith.index_cast %rem3A_39 : i32 to index
        %get3A_1187 = arith.index_cast %add3A_1176 : i32 to index
        %get3A_1188 = arith.constant 0 : index
        %get3A_1189 = tpu.vector_load %arg9[%get3A_1186, %get3A_1187, %get3A_1188] {strides = array<i32>} : memref<2x200x128xi32, #tpu.memory_space<vmem>>, vector<16xi32>,
        %bitcast3A_1190 = vector.bitcast %get3A_1189 : vector<16xi32> to vector<32xbf16>
        %unpack3A_1191 = tpu.unpack_subelements %bitcast3A_1190, 0 {pack_format = #tpu.pack_format<interleaved>} : vector<32xbf16> -> vector<16xf32>
        %unpack3A_1192 = tpu.unpack_subelements %bitcast3A_1190, 1 {pack_format = #tpu.pack_format<interleaved>} : vector<32xbf16> -> vector<16xf32>
        %mul3A_1193 = arith.mulf %unpack3A_1184, %unpack3A_1191 : vector<16xf32>
        %add3A_1194 = arith.addf %broadcast_in_dim3A_1178, %mul3A_1193 : vector<16xf32>
        %mul3A_1195 = arith.mulf %unpack3A_1185, %unpack3A_1192 : vector<16xf32>
        %add3A_1196 = arith.addf %add3A_1194, %mul3A_1195 : vector<16xf32>
        %get3A_1197 = arith.index_cast %rem3A_39 : i32 to index
        %get3A_1198 = arith.index_cast %add3A_1176 : i32 to index
        %get3A_1199 = arith.constant 16 : index
        %get3A_1200 = tpu.vector_load %arg8[%get3A_1197, %get3A_1198, %get3A_1199] {strides = array<i32>} : memref<2x200x128xi32, #tpu.memory_space<vmem>>, vector<16xi32>,
        %bitcast3A_1201 = vector.bitcast %get3A_1200 : vector<16xi32> to vector<32xbf16>
        %unpack3A_1202 = tpu.unpack_subelements %bitcast3A_1201, 0 {pack_format = #tpu.pack_format<interleaved>} : vector<32xbf16> -> vector<16xf32>
        %unpack3A_1203 = tpu.unpack_subelements %bitcast3A_1201, 1 {pack_format = #tpu.pack_format<interleaved>} : vector<32xbf16> -> vector<16xf32>
        %get3A_1204 = arith.index_cast %rem3A_39 : i32 to index
        %get3A_1205 = arith.index_cast %add3A_1176 : i32 to index
        %get3A_1206 = arith.constant 16 : index
        %get3A_1207 = tpu.vector_load %arg9[%get3A_1204, %get3A_1205, %get3A_1206] {strides = array<i32>} : memref<2x200x128xi32, #tpu.memory_space<vmem>>, vector<16xi32>,
        %bitcast3A_1208 = vector.bitcast %get3A_1207 : vector<16xi32> to vector<32xbf16>
        %unpack3A_1209 = tpu.unpack_subelements %bitcast3A_1208, 0 {pack_format = #tpu.pack_format<interleaved>} : vector<32xbf16> -> vector<16xf32>
        %unpack3A_1210 = tpu.unpack_subelements %bitcast3A_1208, 1 {pack_format = #tpu.pack_format<interleaved>} : vector<32xbf16> -> vector<16xf32>
        %mul3A_1211 = arith.mulf %unpack3A_1202, %unpack3A_1209 : vector<16xf32>
        %add3A_1212 = arith.addf %add3A_1196, %mul3A_1211 : vector<16xf32>
        %mul3A_1213 = arith.mulf %unpack3A_1203, %unpack3A_1210 : vector<16xf32>
        %add3A_1214 = arith.addf %add3A_1212, %mul3A_1213 : vector<16xf32>
        %get3A_1215 = arith.index_cast %rem3A_39 : i32 to index
        %get3A_1216 = arith.index_cast %add3A_1176 : i32 to index
        %get3A_1217 = arith.constant 32 : index
        %get3A_1218 = tpu.vector_load %arg8[%get3A_1215, %get3A_1216, %get3A_1217] {strides = array<i32>} : memref<2x200x128xi32, #tpu.memory_space<vmem>>, vector<16xi32>,
        %bitcast3A_1219 = vector.bitcast %get3A_1218 : vector<16xi32> to vector<32xbf16>
        %unpack3A_1220 = tpu.unpack_subelements %bitcast3A_1219, 0 {pack_format = #tpu.pack_format<interleaved>} : vector<32xbf16> -> vector<16xf32>
        %unpack3A_1221 = tpu.unpack_subelements %bitcast3A_1219, 1 {pack_format = #tpu.pack_format<interleaved>} : vector<32xbf16> -> vector<16xf32>
        %get3A_1222 = arith.index_cast %rem3A_39 : i32 to index
        %get3A_1223 = arith.index_cast %add3A_1176 : i32 to index
        %get3A_1224 = arith.constant 32 : index
        %get3A_1225 = tpu.vector_load %arg9[%get3A_1222, %get3A_1223, %get3A_1224] {strides = array<i32>} : memref<2x200x128xi32, #tpu.memory_space<vmem>>, vector<16xi32>,
        %bitcast3A_1226 = vector.bitcast %get3A_1225 : vector<16xi32> to vector<32xbf16>
        %unpack3A_1227 = tpu.unpack_subelements %bitcast3A_1226, 0 {pack_format = #tpu.pack_format<interleaved>} : vector<32xbf16> -> vector<16xf32>
        %unpack3A_1228 = tpu.unpack_subelements %bitcast3A_1226, 1 {pack_format = #tpu.pack_format<interleaved>} : vector<32xbf16> -> vector<16xf32>
        %mul3A_1229 = arith.mulf %unpack3A_1220, %unpack3A_1227 : vector<16xf32>
        %add3A_1230 = arith.addf %add3A_1214, %mul3A_1229 : vector<16xf32>
        %mul3A_1231 = arith.mulf %unpack3A_1221, %unpack3A_1228 : vector<16xf32>
        %add3A_1232 = arith.addf %add3A_1230, %mul3A_1231 : vector<16xf32>
        %get3A_1233 = arith.index_cast %rem3A_39 : i32 to index
        %get3A_1234 = arith.index_cast %add3A_1176 : i32 to index
        %get3A_1235 = arith.constant 48 : index
        %get3A_1236 = tpu.vector_load %arg8[%get3A_1233, %get3A_1234, %get3A_1235] {strides = array<i32>} : memref<2x200x128xi32, #tpu.memory_space<vmem>>, vector<16xi32>,
        %bitcast3A_1237 = vector.bitcast %get3A_1236 : vector<16xi32> to vector<32xbf16>
        %unpack3A_1238 = tpu.unpack_subelements %bitcast3A_1237, 0 {pack_format = #tpu.pack_format<interleaved>} : vector<32xbf16> -> vector<16xf32>
        %unpack3A_1239 = tpu.unpack_subelements %bitcast3A_1237, 1 {pack_format = #tpu.pack_format<interleaved>} : vector<32xbf16> -> vector<16xf32>
        %get3A_1240 = arith.index_cast %rem3A_39 : i32 to index
        %get3A_1241 = arith.index_cast %add3A_1176 : i32 to index
        %get3A_1242 = arith.constant 48 : index
        %get3A_1243 = tpu.vector_load %arg9[%get3A_1240, %get3A_1241, %get3A_1242] {strides = array<i32>} : memref<2x200x128xi32, #tpu.memory_space<vmem>>, vector<16xi32>,
        %bitcast3A_1244 = vector.bitcast %get3A_1243 : vector<16xi32> to vector<32xbf16>
        %unpack3A_1245 = tpu.unpack_subelements %bitcast3A_1244, 0 {pack_format = #tpu.pack_format<interleaved>} : vector<32xbf16> -> vector<16xf32>
        %unpack3A_1246 = tpu.unpack_subelements %bitcast3A_1244, 1 {pack_format = #tpu.pack_format<interleaved>} : vector<32xbf16> -> vector<16xf32>
        %mul3A_1247 = arith.mulf %unpack3A_1238, %unpack3A_1245 : vector<16xf32>
        %add3A_1248 = arith.addf %add3A_1232, %mul3A_1247 : vector<16xf32>
        %mul3A_1249 = arith.mulf %unpack3A_1239, %unpack3A_1246 : vector<16xf32>
        %add3A_1250 = arith.addf %add3A_1248, %mul3A_1249 : vector<16xf32>
        %get3A_1251 = arith.index_cast %rem3A_39 : i32 to index
        %get3A_1252 = arith.index_cast %add3A_1176 : i32 to index
        %get3A_1253 = arith.constant 64 : index
        %get3A_1254 = tpu.vector_load %arg8[%get3A_1251, %get3A_1252, %get3A_1253] {strides = array<i32>} : memref<2x200x128xi32, #tpu.memory_space<vmem>>, vector<16xi32>,
        %bitcast3A_1255 = vector.bitcast %get3A_1254 : vector<16xi32> to vector<32xbf16>
        %unpack3A_1256 = tpu.unpack_subelements %bitcast3A_1255, 0 {pack_format = #tpu.pack_format<interleaved>} : vector<32xbf16> -> vector<16xf32>
        %unpack3A_1257 = tpu.unpack_subelements %bitcast3A_1255, 1 {pack_format = #tpu.pack_format<interleaved>} : vector<32xbf16> -> vector<16xf32>
        %get3A_1258 = arith.index_cast %rem3A_39 : i32 to index
        %get3A_1259 = arith.index_cast %add3A_1176 : i32 to index
        %get3A_1260 = arith.constant 64 : index
        %get3A_1261 = tpu.vector_load %arg9[%get3A_1258, %get3A_1259, %get3A_1260] {strides = array<i32>} : memref<2x200x128xi32, #tpu.memory_space<vmem>>, vector<16xi32>,
        %bitcast3A_1262 = vector.bitcast %get3A_1261 : vector<16xi32> to vector<32xbf16>
        %unpack3A_1263 = tpu.unpack_subelements %bitcast3A_1262, 0 {pack_format = #tpu.pack_format<interleaved>} : vector<32xbf16> -> vector<16xf32>
        %unpack3A_1264 = tpu.unpack_subelements %bitcast3A_1262, 1 {pack_format = #tpu.pack_format<interleaved>} : vector<32xbf16> -> vector<16xf32>
        %mul3A_1265 = arith.mulf %unpack3A_1256, %unpack3A_1263 : vector<16xf32>
        %add3A_1266 = arith.addf %add3A_1250, %mul3A_1265 : vector<16xf32>
        %mul3A_1267 = arith.mulf %unpack3A_1257, %unpack3A_1264 : vector<16xf32>
        %add3A_1268 = arith.addf %add3A_1266, %mul3A_1267 : vector<16xf32>
        %get3A_1269 = arith.index_cast %rem3A_39 : i32 to index
        %get3A_1270 = arith.index_cast %add3A_1176 : i32 to index
        %get3A_1271 = arith.constant 80 : index
        %get3A_1272 = tpu.vector_load %arg8[%get3A_1269, %get3A_1270, %get3A_1271] {strides = array<i32>} : memref<2x200x128xi32, #tpu.memory_space<vmem>>, vector<16xi32>,
        %bitcast3A_1273 = vector.bitcast %get3A_1272 : vector<16xi32> to vector<32xbf16>
        %unpack3A_1274 = tpu.unpack_subelements %bitcast3A_1273, 0 {pack_format = #tpu.pack_format<interleaved>} : vector<32xbf16> -> vector<16xf32>
        %unpack3A_1275 = tpu.unpack_subelements %bitcast3A_1273, 1 {pack_format = #tpu.pack_format<interleaved>} : vector<32xbf16> -> vector<16xf32>
        %get3A_1276 = arith.index_cast %rem3A_39 : i32 to index
        %get3A_1277 = arith.index_cast %add3A_1176 : i32 to index
        %get3A_1278 = arith.constant 80 : index
        %get3A_1279 = tpu.vector_load %arg9[%get3A_1276, %get3A_1277, %get3A_1278] {strides = array<i32>} : memref<2x200x128xi32, #tpu.memory_space<vmem>>, vector<16xi32>,
        %bitcast3A_1280 = vector.bitcast %get3A_1279 : vector<16xi32> to vector<32xbf16>
        %unpack3A_1281 = tpu.unpack_subelements %bitcast3A_1280, 0 {pack_format = #tpu.pack_format<interleaved>} : vector<32xbf16> -> vector<16xf32>
        %unpack3A_1282 = tpu.unpack_subelements %bitcast3A_1280, 1 {pack_format = #tpu.pack_format<interleaved>} : vector<32xbf16> -> vector<16xf32>
        %mul3A_1283 = arith.mulf %unpack3A_1274, %unpack3A_1281 : vector<16xf32>
        %add3A_1284 = arith.addf %add3A_1268, %mul3A_1283 : vector<16xf32>
        %mul3A_1285 = arith.mulf %unpack3A_1275, %unpack3A_1282 : vector<16xf32>
        %add3A_1286 = arith.addf %add3A_1284, %mul3A_1285 : vector<16xf32>
        %get3A_1287 = arith.index_cast %rem3A_39 : i32 to index
        %get3A_1288 = arith.index_cast %add3A_1176 : i32 to index
        %get3A_1289 = arith.constant 96 : index
        %get3A_1290 = tpu.vector_load %arg8[%get3A_1287, %get3A_1288, %get3A_1289] {strides = array<i32>} : memref<2x200x128xi32, #tpu.memory_space<vmem>>, vector<16xi32>,
        %bitcast3A_1291 = vector.bitcast %get3A_1290 : vector<16xi32> to vector<32xbf16>
        %unpack3A_1292 = tpu.unpack_subelements %bitcast3A_1291, 0 {pack_format = #tpu.pack_format<interleaved>} : vector<32xbf16> -> vector<16xf32>
        %unpack3A_1293 = tpu.unpack_subelements %bitcast3A_1291, 1 {pack_format = #tpu.pack_format<interleaved>} : vector<32xbf16> -> vector<16xf32>
        %get3A_1294 = arith.index_cast %rem3A_39 : i32 to index
        %get3A_1295 = arith.index_cast %add3A_1176 : i32 to index
        %get3A_1296 = arith.constant 96 : index
        %get3A_1297 = tpu.vector_load %arg9[%get3A_1294, %get3A_1295, %get3A_1296] {strides = array<i32>} : memref<2x200x128xi32, #tpu.memory_space<vmem>>, vector<16xi32>,
        %bitcast3A_1298 = vector.bitcast %get3A_1297 : vector<16xi32> to vector<32xbf16>
        %unpack3A_1299 = tpu.unpack_subelements %bitcast3A_1298, 0 {pack_format = #tpu.pack_format<interleaved>} : vector<32xbf16> -> vector<16xf32>
        %unpack3A_1300 = tpu.unpack_subelements %bitcast3A_1298, 1 {pack_format = #tpu.pack_format<interleaved>} : vector<32xbf16> -> vector<16xf32>
        %mul3A_1301 = arith.mulf %unpack3A_1292, %unpack3A_1299 : vector<16xf32>
        %add3A_1302 = arith.addf %add3A_1286, %mul3A_1301 : vector<16xf32>
        %mul3A_1303 = arith.mulf %unpack3A_1293, %unpack3A_1300 : vector<16xf32>
        %add3A_1304 = arith.addf %add3A_1302, %mul3A_1303 : vector<16xf32>
        %get3A_1305 = arith.index_cast %rem3A_39 : i32 to index
        %get3A_1306 = arith.index_cast %add3A_1176 : i32 to index
        %get3A_1307 = arith.constant 112 : index
        %get3A_1308 = tpu.vector_load %arg8[%get3A_1305, %get3A_1306, %get3A_1307] {strides = array<i32>} : memref<2x200x128xi32, #tpu.memory_space<vmem>>, vector<16xi32>,
        %bitcast3A_1309 = vector.bitcast %get3A_1308 : vector<16xi32> to vector<32xbf16>
        %unpack3A_1310 = tpu.unpack_subelements %bitcast3A_1309, 0 {pack_format = #tpu.pack_format<interleaved>} : vector<32xbf16> -> vector<16xf32>
        %unpack3A_1311 = tpu.unpack_subelements %bitcast3A_1309, 1 {pack_format = #tpu.pack_format<interleaved>} : vector<32xbf16> -> vector<16xf32>
        %get3A_1312 = arith.index_cast %rem3A_39 : i32 to index
        %get3A_1313 = arith.index_cast %add3A_1176 : i32 to index
        %get3A_1314 = arith.constant 112 : index
        %get3A_1315 = tpu.vector_load %arg9[%get3A_1312, %get3A_1313, %get3A_1314] {strides = array<i32>} : memref<2x200x128xi32, #tpu.memory_space<vmem>>, vector<16xi32>,
        %bitcast3A_1316 = vector.bitcast %get3A_1315 : vector<16xi32> to vector<32xbf16>
        %unpack3A_1317 = tpu.unpack_subelements %bitcast3A_1316, 0 {pack_format = #tpu.pack_format<interleaved>} : vector<32xbf16> -> vector<16xf32>
        %unpack3A_1318 = tpu.unpack_subelements %bitcast3A_1316, 1 {pack_format = #tpu.pack_format<interleaved>} : vector<32xbf16> -> vector<16xf32>
        %mul3A_1319 = arith.mulf %unpack3A_1310, %unpack3A_1317 : vector<16xf32>
        %add3A_1320 = arith.addf %add3A_1304, %mul3A_1319 : vector<16xf32>
        %mul3A_1321 = arith.mulf %unpack3A_1311, %unpack3A_1318 : vector<16xf32>
        %add3A_1322 = arith.addf %add3A_1320, %mul3A_1321 : vector<16xf32>
        %eq3A_1323 = arith.constant 7 : i32
        %eq3A_1324 = vector.broadcast %eq3A_1323 : i32 to vector<16xi32>
        %eq3A_1325 = arith.cmpi eq, %iota3A, %eq3A_1324 : vector<16xi32>
        %reduce_sum3A_1326 = arith.constant true
        %reduce_sum3A_1327 = vector.broadcast %reduce_sum3A_1326 : i1 to vector<16xi1>
        %reduce_sum3A_1328 = tpu.scan <sum>, %add3A_1322 masked %reduce_sum3A_1327 : vector<16xf32>, vector<16xi1> -> vector<16xf32>
        %reduce_sum3A_1329 = vector.extract %reduce_sum3A_1328[15] : f32 from vector<16xf32>
        %broadcast_in_dim3A_1330 = vector.broadcast %reduce_sum3A_1329 : f32 to vector<16xf32>
        %select_n3A_1331 = arith.select %eq3A_1325, %broadcast_in_dim3A_1330, %select_n3A_1174 : vector<16xi1>, vector<16xf32>
        %add3A_1332 = arith.constant 8 : i32
        %add3A_1333 = arith.addi %min3A_80, %add3A_1332 : i32
        %broadcast_in_dim3A_1334 = arith.constant 0.000000e+00 : f32
        %broadcast_in_dim3A_1335 = vector.broadcast %broadcast_in_dim3A_1334 : f32 to vector<16xf32>
        %get3A_1336 = arith.index_cast %rem3A_39 : i32 to index
        %get3A_1337 = arith.index_cast %add3A_1333 : i32 to index
        %get3A_1338 = arith.constant 0 : index
        %get3A_1339 = tpu.vector_load %arg8[%get3A_1336, %get3A_1337, %get3A_1338] {strides = array<i32>} : memref<2x200x128xi32, #tpu.memory_space<vmem>>, vector<16xi32>,
        %bitcast3A_1340 = vector.bitcast %get3A_1339 : vector<16xi32> to vector<32xbf16>
        %unpack3A_1341 = tpu.unpack_subelements %bitcast3A_1340, 0 {pack_format = #tpu.pack_format<interleaved>} : vector<32xbf16> -> vector<16xf32>
        %unpack3A_1342 = tpu.unpack_subelements %bitcast3A_1340, 1 {pack_format = #tpu.pack_format<interleaved>} : vector<32xbf16> -> vector<16xf32>
        %get3A_1343 = arith.index_cast %rem3A_39 : i32 to index
        %get3A_1344 = arith.index_cast %add3A_1333 : i32 to index
        %get3A_1345 = arith.constant 0 : index
        %get3A_1346 = tpu.vector_load %arg9[%get3A_1343, %get3A_1344, %get3A_1345] {strides = array<i32>} : memref<2x200x128xi32, #tpu.memory_space<vmem>>, vector<16xi32>,
        %bitcast3A_1347 = vector.bitcast %get3A_1346 : vector<16xi32> to vector<32xbf16>
        %unpack3A_1348 = tpu.unpack_subelements %bitcast3A_1347, 0 {pack_format = #tpu.pack_format<interleaved>} : vector<32xbf16> -> vector<16xf32>
        %unpack3A_1349 = tpu.unpack_subelements %bitcast3A_1347, 1 {pack_format = #tpu.pack_format<interleaved>} : vector<32xbf16> -> vector<16xf32>
        %mul3A_1350 = arith.mulf %unpack3A_1341, %unpack3A_1348 : vector<16xf32>
        %add3A_1351 = arith.addf %broadcast_in_dim3A_1335, %mul3A_1350 : vector<16xf32>
        %mul3A_1352 = arith.mulf %unpack3A_1342, %unpack3A_1349 : vector<16xf32>
        %add3A_1353 = arith.addf %add3A_1351, %mul3A_1352 : vector<16xf32>
        %get3A_1354 = arith.index_cast %rem3A_39 : i32 to index
        %get3A_1355 = arith.index_cast %add3A_1333 : i32 to index
        %get3A_1356 = arith.constant 16 : index
        %get3A_1357 = tpu.vector_load %arg8[%get3A_1354, %get3A_1355, %get3A_1356] {strides = array<i32>} : memref<2x200x128xi32, #tpu.memory_space<vmem>>, vector<16xi32>,
        %bitcast3A_1358 = vector.bitcast %get3A_1357 : vector<16xi32> to vector<32xbf16>
        %unpack3A_1359 = tpu.unpack_subelements %bitcast3A_1358, 0 {pack_format = #tpu.pack_format<interleaved>} : vector<32xbf16> -> vector<16xf32>
        %unpack3A_1360 = tpu.unpack_subelements %bitcast3A_1358, 1 {pack_format = #tpu.pack_format<interleaved>} : vector<32xbf16> -> vector<16xf32>
        %get3A_1361 = arith.index_cast %rem3A_39 : i32 to index
        %get3A_1362 = arith.index_cast %add3A_1333 : i32 to index
        %get3A_1363 = arith.constant 16 : index
        %get3A_1364 = tpu.vector_load %arg9[%get3A_1361, %get3A_1362, %get3A_1363] {strides = array<i32>} : memref<2x200x128xi32, #tpu.memory_space<vmem>>, vector<16xi32>,
        %bitcast3A_1365 = vector.bitcast %get3A_1364 : vector<16xi32> to vector<32xbf16>
        %unpack3A_1366 = tpu.unpack_subelements %bitcast3A_1365, 0 {pack_format = #tpu.pack_format<interleaved>} : vector<32xbf16> -> vector<16xf32>
        %unpack3A_1367 = tpu.unpack_subelements %bitcast3A_1365, 1 {pack_format = #tpu.pack_format<interleaved>} : vector<32xbf16> -> vector<16xf32>
        %mul3A_1368 = arith.mulf %unpack3A_1359, %unpack3A_1366 : vector<16xf32>
        %add3A_1369 = arith.addf %add3A_1353, %mul3A_1368 : vector<16xf32>
        %mul3A_1370 = arith.mulf %unpack3A_1360, %unpack3A_1367 : vector<16xf32>
        %add3A_1371 = arith.addf %add3A_1369, %mul3A_1370 : vector<16xf32>
        %get3A_1372 = arith.index_cast %rem3A_39 : i32 to index
        %get3A_1373 = arith.index_cast %add3A_1333 : i32 to index
        %get3A_1374 = arith.constant 32 : index
        %get3A_1375 = tpu.vector_load %arg8[%get3A_1372, %get3A_1373, %get3A_1374] {strides = array<i32>} : memref<2x200x128xi32, #tpu.memory_space<vmem>>, vector<16xi32>,
        %bitcast3A_1376 = vector.bitcast %get3A_1375 : vector<16xi32> to vector<32xbf16>
        %unpack3A_1377 = tpu.unpack_subelements %bitcast3A_1376, 0 {pack_format = #tpu.pack_format<interleaved>} : vector<32xbf16> -> vector<16xf32>
        %unpack3A_1378 = tpu.unpack_subelements %bitcast3A_1376, 1 {pack_format = #tpu.pack_format<interleaved>} : vector<32xbf16> -> vector<16xf32>
        %get3A_1379 = arith.index_cast %rem3A_39 : i32 to index
        %get3A_1380 = arith.index_cast %add3A_1333 : i32 to index
        %get3A_1381 = arith.constant 32 : index
        %get3A_1382 = tpu.vector_load %arg9[%get3A_1379, %get3A_1380, %get3A_1381] {strides = array<i32>} : memref<2x200x128xi32, #tpu.memory_space<vmem>>, vector<16xi32>,
        %bitcast3A_1383 = vector.bitcast %get3A_1382 : vector<16xi32> to vector<32xbf16>
        %unpack3A_1384 = tpu.unpack_subelements %bitcast3A_1383, 0 {pack_format = #tpu.pack_format<interleaved>} : vector<32xbf16> -> vector<16xf32>
        %unpack3A_1385 = tpu.unpack_subelements %bitcast3A_1383, 1 {pack_format = #tpu.pack_format<interleaved>} : vector<32xbf16> -> vector<16xf32>
        %mul3A_1386 = arith.mulf %unpack3A_1377, %unpack3A_1384 : vector<16xf32>
        %add3A_1387 = arith.addf %add3A_1371, %mul3A_1386 : vector<16xf32>
        %mul3A_1388 = arith.mulf %unpack3A_1378, %unpack3A_1385 : vector<16xf32>
        %add3A_1389 = arith.addf %add3A_1387, %mul3A_1388 : vector<16xf32>
        %get3A_1390 = arith.index_cast %rem3A_39 : i32 to index
        %get3A_1391 = arith.index_cast %add3A_1333 : i32 to index
        %get3A_1392 = arith.constant 48 : index
        %get3A_1393 = tpu.vector_load %arg8[%get3A_1390, %get3A_1391, %get3A_1392] {strides = array<i32>} : memref<2x200x128xi32, #tpu.memory_space<vmem>>, vector<16xi32>,
        %bitcast3A_1394 = vector.bitcast %get3A_1393 : vector<16xi32> to vector<32xbf16>
        %unpack3A_1395 = tpu.unpack_subelements %bitcast3A_1394, 0 {pack_format = #tpu.pack_format<interleaved>} : vector<32xbf16> -> vector<16xf32>
        %unpack3A_1396 = tpu.unpack_subelements %bitcast3A_1394, 1 {pack_format = #tpu.pack_format<interleaved>} : vector<32xbf16> -> vector<16xf32>
        %get3A_1397 = arith.index_cast %rem3A_39 : i32 to index
        %get3A_1398 = arith.index_cast %add3A_1333 : i32 to index
        %get3A_1399 = arith.constant 48 : index
        %get3A_1400 = tpu.vector_load %arg9[%get3A_1397, %get3A_1398, %get3A_1399] {strides = array<i32>} : memref<2x200x128xi32, #tpu.memory_space<vmem>>, vector<16xi32>,
        %bitcast3A_1401 = vector.bitcast %get3A_1400 : vector<16xi32> to vector<32xbf16>
        %unpack3A_1402 = tpu.unpack_subelements %bitcast3A_1401, 0 {pack_format = #tpu.pack_format<interleaved>} : vector<32xbf16> -> vector<16xf32>
        %unpack3A_1403 = tpu.unpack_subelements %bitcast3A_1401, 1 {pack_format = #tpu.pack_format<interleaved>} : vector<32xbf16> -> vector<16xf32>
        %mul3A_1404 = arith.mulf %unpack3A_1395, %unpack3A_1402 : vector<16xf32>
        %add3A_1405 = arith.addf %add3A_1389, %mul3A_1404 : vector<16xf32>
        %mul3A_1406 = arith.mulf %unpack3A_1396, %unpack3A_1403 : vector<16xf32>
        %add3A_1407 = arith.addf %add3A_1405, %mul3A_1406 : vector<16xf32>
        %get3A_1408 = arith.index_cast %rem3A_39 : i32 to index
        %get3A_1409 = arith.index_cast %add3A_1333 : i32 to index
        %get3A_1410 = arith.constant 64 : index
        %get3A_1411 = tpu.vector_load %arg8[%get3A_1408, %get3A_1409, %get3A_1410] {strides = array<i32>} : memref<2x200x128xi32, #tpu.memory_space<vmem>>, vector<16xi32>,
        %bitcast3A_1412 = vector.bitcast %get3A_1411 : vector<16xi32> to vector<32xbf16>
        %unpack3A_1413 = tpu.unpack_subelements %bitcast3A_1412, 0 {pack_format = #tpu.pack_format<interleaved>} : vector<32xbf16> -> vector<16xf32>
        %unpack3A_1414 = tpu.unpack_subelements %bitcast3A_1412, 1 {pack_format = #tpu.pack_format<interleaved>} : vector<32xbf16> -> vector<16xf32>
        %get3A_1415 = arith.index_cast %rem3A_39 : i32 to index
        %get3A_1416 = arith.index_cast %add3A_1333 : i32 to index
        %get3A_1417 = arith.constant 64 : index
        %get3A_1418 = tpu.vector_load %arg9[%get3A_1415, %get3A_1416, %get3A_1417] {strides = array<i32>} : memref<2x200x128xi32, #tpu.memory_space<vmem>>, vector<16xi32>,
        %bitcast3A_1419 = vector.bitcast %get3A_1418 : vector<16xi32> to vector<32xbf16>
        %unpack3A_1420 = tpu.unpack_subelements %bitcast3A_1419, 0 {pack_format = #tpu.pack_format<interleaved>} : vector<32xbf16> -> vector<16xf32>
        %unpack3A_1421 = tpu.unpack_subelements %bitcast3A_1419, 1 {pack_format = #tpu.pack_format<interleaved>} : vector<32xbf16> -> vector<16xf32>
        %mul3A_1422 = arith.mulf %unpack3A_1413, %unpack3A_1420 : vector<16xf32>
        %add3A_1423 = arith.addf %add3A_1407, %mul3A_1422 : vector<16xf32>
        %mul3A_1424 = arith.mulf %unpack3A_1414, %unpack3A_1421 : vector<16xf32>
        %add3A_1425 = arith.addf %add3A_1423, %mul3A_1424 : vector<16xf32>
        %get3A_1426 = arith.index_cast %rem3A_39 : i32 to index
        %get3A_1427 = arith.index_cast %add3A_1333 : i32 to index
        %get3A_1428 = arith.constant 80 : index
        %get3A_1429 = tpu.vector_load %arg8[%get3A_1426, %get3A_1427, %get3A_1428] {strides = array<i32>} : memref<2x200x128xi32, #tpu.memory_space<vmem>>, vector<16xi32>,
        %bitcast3A_1430 = vector.bitcast %get3A_1429 : vector<16xi32> to vector<32xbf16>
        %unpack3A_1431 = tpu.unpack_subelements %bitcast3A_1430, 0 {pack_format = #tpu.pack_format<interleaved>} : vector<32xbf16> -> vector<16xf32>
        %unpack3A_1432 = tpu.unpack_subelements %bitcast3A_1430, 1 {pack_format = #tpu.pack_format<interleaved>} : vector<32xbf16> -> vector<16xf32>
        %get3A_1433 = arith.index_cast %rem3A_39 : i32 to index
        %get3A_1434 = arith.index_cast %add3A_1333 : i32 to index
        %get3A_1435 = arith.constant 80 : index
        %get3A_1436 = tpu.vector_load %arg9[%get3A_1433, %get3A_1434, %get3A_1435] {strides = array<i32>} : memref<2x200x128xi32, #tpu.memory_space<vmem>>, vector<16xi32>,
        %bitcast3A_1437 = vector.bitcast %get3A_1436 : vector<16xi32> to vector<32xbf16>
        %unpack3A_1438 = tpu.unpack_subelements %bitcast3A_1437, 0 {pack_format = #tpu.pack_format<interleaved>} : vector<32xbf16> -> vector<16xf32>
        %unpack3A_1439 = tpu.unpack_subelements %bitcast3A_1437, 1 {pack_format = #tpu.pack_format<interleaved>} : vector<32xbf16> -> vector<16xf32>
        %mul3A_1440 = arith.mulf %unpack3A_1431, %unpack3A_1438 : vector<16xf32>
        %add3A_1441 = arith.addf %add3A_1425, %mul3A_1440 : vector<16xf32>
        %mul3A_1442 = arith.mulf %unpack3A_1432, %unpack3A_1439 : vector<16xf32>
        %add3A_1443 = arith.addf %add3A_1441, %mul3A_1442 : vector<16xf32>
        %get3A_1444 = arith.index_cast %rem3A_39 : i32 to index
        %get3A_1445 = arith.index_cast %add3A_1333 : i32 to index
        %get3A_1446 = arith.constant 96 : index
        %get3A_1447 = tpu.vector_load %arg8[%get3A_1444, %get3A_1445, %get3A_1446] {strides = array<i32>} : memref<2x200x128xi32, #tpu.memory_space<vmem>>, vector<16xi32>,
        %bitcast3A_1448 = vector.bitcast %get3A_1447 : vector<16xi32> to vector<32xbf16>
        %unpack3A_1449 = tpu.unpack_subelements %bitcast3A_1448, 0 {pack_format = #tpu.pack_format<interleaved>} : vector<32xbf16> -> vector<16xf32>
        %unpack3A_1450 = tpu.unpack_subelements %bitcast3A_1448, 1 {pack_format = #tpu.pack_format<interleaved>} : vector<32xbf16> -> vector<16xf32>
        %get3A_1451 = arith.index_cast %rem3A_39 : i32 to index
        %get3A_1452 = arith.index_cast %add3A_1333 : i32 to index
        %get3A_1453 = arith.constant 96 : index
        %get3A_1454 = tpu.vector_load %arg9[%get3A_1451, %get3A_1452, %get3A_1453] {strides = array<i32>} : memref<2x200x128xi32, #tpu.memory_space<vmem>>, vector<16xi32>,
        %bitcast3A_1455 = vector.bitcast %get3A_1454 : vector<16xi32> to vector<32xbf16>
        %unpack3A_1456 = tpu.unpack_subelements %bitcast3A_1455, 0 {pack_format = #tpu.pack_format<interleaved>} : vector<32xbf16> -> vector<16xf32>
        %unpack3A_1457 = tpu.unpack_subelements %bitcast3A_1455, 1 {pack_format = #tpu.pack_format<interleaved>} : vector<32xbf16> -> vector<16xf32>
        %mul3A_1458 = arith.mulf %unpack3A_1449, %unpack3A_1456 : vector<16xf32>
        %add3A_1459 = arith.addf %add3A_1443, %mul3A_1458 : vector<16xf32>
        %mul3A_1460 = arith.mulf %unpack3A_1450, %unpack3A_1457 : vector<16xf32>
        %add3A_1461 = arith.addf %add3A_1459, %mul3A_1460 : vector<16xf32>
        %get3A_1462 = arith.index_cast %rem3A_39 : i32 to index
        %get3A_1463 = arith.index_cast %add3A_1333 : i32 to index
        %get3A_1464 = arith.constant 112 : index
        %get3A_1465 = tpu.vector_load %arg8[%get3A_1462, %get3A_1463, %get3A_1464] {strides = array<i32>} : memref<2x200x128xi32, #tpu.memory_space<vmem>>, vector<16xi32>,
        %bitcast3A_1466 = vector.bitcast %get3A_1465 : vector<16xi32> to vector<32xbf16>
        %unpack3A_1467 = tpu.unpack_subelements %bitcast3A_1466, 0 {pack_format = #tpu.pack_format<interleaved>} : vector<32xbf16> -> vector<16xf32>
        %unpack3A_1468 = tpu.unpack_subelements %bitcast3A_1466, 1 {pack_format = #tpu.pack_format<interleaved>} : vector<32xbf16> -> vector<16xf32>
        %get3A_1469 = arith.index_cast %rem3A_39 : i32 to index
        %get3A_1470 = arith.index_cast %add3A_1333 : i32 to index
        %get3A_1471 = arith.constant 112 : index
        %get3A_1472 = tpu.vector_load %arg9[%get3A_1469, %get3A_1470, %get3A_1471] {strides = array<i32>} : memref<2x200x128xi32, #tpu.memory_space<vmem>>, vector<16xi32>,
        %bitcast3A_1473 = vector.bitcast %get3A_1472 : vector<16xi32> to vector<32xbf16>
        %unpack3A_1474 = tpu.unpack_subelements %bitcast3A_1473, 0 {pack_format = #tpu.pack_format<interleaved>} : vector<32xbf16> -> vector<16xf32>
        %unpack3A_1475 = tpu.unpack_subelements %bitcast3A_1473, 1 {pack_format = #tpu.pack_format<interleaved>} : vector<32xbf16> -> vector<16xf32>
        %mul3A_1476 = arith.mulf %unpack3A_1467, %unpack3A_1474 : vector<16xf32>
        %add3A_1477 = arith.addf %add3A_1461, %mul3A_1476 : vector<16xf32>
        %mul3A_1478 = arith.mulf %unpack3A_1468, %unpack3A_1475 : vector<16xf32>
        %add3A_1479 = arith.addf %add3A_1477, %mul3A_1478 : vector<16xf32>
        %eq3A_1480 = arith.constant 8 : i32
        %eq3A_1481 = vector.broadcast %eq3A_1480 : i32 to vector<16xi32>
        %eq3A_1482 = arith.cmpi eq, %iota3A, %eq3A_1481 : vector<16xi32>
        %reduce_sum3A_1483 = arith.constant true
        %reduce_sum3A_1484 = vector.broadcast %reduce_sum3A_1483 : i1 to vector<16xi1>
        %reduce_sum3A_1485 = tpu.scan <sum>, %add3A_1479 masked %reduce_sum3A_1484 : vector<16xf32>, vector<16xi1> -> vector<16xf32>
        %reduce_sum3A_1486 = vector.extract %reduce_sum3A_1485[15] : f32 from vector<16xf32>
        %broadcast_in_dim3A_1487 = vector.broadcast %reduce_sum3A_1486 : f32 to vector<16xf32>
        %select_n3A_1488 = arith.select %eq3A_1482, %broadcast_in_dim3A_1487, %select_n3A_1331 : vector<16xi1>, vector<16xf32>
        %add3A_1489 = arith.constant 9 : i32
        %add3A_1490 = arith.addi %min3A_80, %add3A_1489 : i32
        %broadcast_in_dim3A_1491 = arith.constant 0.000000e+00 : f32
        %broadcast_in_dim3A_1492 = vector.broadcast %broadcast_in_dim3A_1491 : f32 to vector<16xf32>
        %get3A_1493 = arith.index_cast %rem3A_39 : i32 to index
        %get3A_1494 = arith.index_cast %add3A_1490 : i32 to index
        %get3A_1495 = arith.constant 0 : index
        %get3A_1496 = tpu.vector_load %arg8[%get3A_1493, %get3A_1494, %get3A_1495] {strides = array<i32>} : memref<2x200x128xi32, #tpu.memory_space<vmem>>, vector<16xi32>,
        %bitcast3A_1497 = vector.bitcast %get3A_1496 : vector<16xi32> to vector<32xbf16>
        %unpack3A_1498 = tpu.unpack_subelements %bitcast3A_1497, 0 {pack_format = #tpu.pack_format<interleaved>} : vector<32xbf16> -> vector<16xf32>
        %unpack3A_1499 = tpu.unpack_subelements %bitcast3A_1497, 1 {pack_format = #tpu.pack_format<interleaved>} : vector<32xbf16> -> vector<16xf32>
        %get3A_1500 = arith.index_cast %rem3A_39 : i32 to index
        %get3A_1501 = arith.index_cast %add3A_1490 : i32 to index
        %get3A_1502 = arith.constant 0 : index
        %get3A_1503 = tpu.vector_load %arg9[%get3A_1500, %get3A_1501, %get3A_1502] {strides = array<i32>} : memref<2x200x128xi32, #tpu.memory_space<vmem>>, vector<16xi32>,
        %bitcast3A_1504 = vector.bitcast %get3A_1503 : vector<16xi32> to vector<32xbf16>
        %unpack3A_1505 = tpu.unpack_subelements %bitcast3A_1504, 0 {pack_format = #tpu.pack_format<interleaved>} : vector<32xbf16> -> vector<16xf32>
        %unpack3A_1506 = tpu.unpack_subelements %bitcast3A_1504, 1 {pack_format = #tpu.pack_format<interleaved>} : vector<32xbf16> -> vector<16xf32>
        %mul3A_1507 = arith.mulf %unpack3A_1498, %unpack3A_1505 : vector<16xf32>
        %add3A_1508 = arith.addf %broadcast_in_dim3A_1492, %mul3A_1507 : vector<16xf32>
        %mul3A_1509 = arith.mulf %unpack3A_1499, %unpack3A_1506 : vector<16xf32>
        %add3A_1510 = arith.addf %add3A_1508, %mul3A_1509 : vector<16xf32>
        %get3A_1511 = arith.index_cast %rem3A_39 : i32 to index
        %get3A_1512 = arith.index_cast %add3A_1490 : i32 to index
        %get3A_1513 = arith.constant 16 : index
        %get3A_1514 = tpu.vector_load %arg8[%get3A_1511, %get3A_1512, %get3A_1513] {strides = array<i32>} : memref<2x200x128xi32, #tpu.memory_space<vmem>>, vector<16xi32>,
        %bitcast3A_1515 = vector.bitcast %get3A_1514 : vector<16xi32> to vector<32xbf16>
        %unpack3A_1516 = tpu.unpack_subelements %bitcast3A_1515, 0 {pack_format = #tpu.pack_format<interleaved>} : vector<32xbf16> -> vector<16xf32>
        %unpack3A_1517 = tpu.unpack_subelements %bitcast3A_1515, 1 {pack_format = #tpu.pack_format<interleaved>} : vector<32xbf16> -> vector<16xf32>
        %get3A_1518 = arith.index_cast %rem3A_39 : i32 to index
        %get3A_1519 = arith.index_cast %add3A_1490 : i32 to index
        %get3A_1520 = arith.constant 16 : index
        %get3A_1521 = tpu.vector_load %arg9[%get3A_1518, %get3A_1519, %get3A_1520] {strides = array<i32>} : memref<2x200x128xi32, #tpu.memory_space<vmem>>, vector<16xi32>,
        %bitcast3A_1522 = vector.bitcast %get3A_1521 : vector<16xi32> to vector<32xbf16>
        %unpack3A_1523 = tpu.unpack_subelements %bitcast3A_1522, 0 {pack_format = #tpu.pack_format<interleaved>} : vector<32xbf16> -> vector<16xf32>
        %unpack3A_1524 = tpu.unpack_subelements %bitcast3A_1522, 1 {pack_format = #tpu.pack_format<interleaved>} : vector<32xbf16> -> vector<16xf32>
        %mul3A_1525 = arith.mulf %unpack3A_1516, %unpack3A_1523 : vector<16xf32>
        %add3A_1526 = arith.addf %add3A_1510, %mul3A_1525 : vector<16xf32>
        %mul3A_1527 = arith.mulf %unpack3A_1517, %unpack3A_1524 : vector<16xf32>
        %add3A_1528 = arith.addf %add3A_1526, %mul3A_1527 : vector<16xf32>
        %get3A_1529 = arith.index_cast %rem3A_39 : i32 to index
        %get3A_1530 = arith.index_cast %add3A_1490 : i32 to index
        %get3A_1531 = arith.constant 32 : index
        %get3A_1532 = tpu.vector_load %arg8[%get3A_1529, %get3A_1530, %get3A_1531] {strides = array<i32>} : memref<2x200x128xi32, #tpu.memory_space<vmem>>, vector<16xi32>,
        %bitcast3A_1533 = vector.bitcast %get3A_1532 : vector<16xi32> to vector<32xbf16>
        %unpack3A_1534 = tpu.unpack_subelements %bitcast3A_1533, 0 {pack_format = #tpu.pack_format<interleaved>} : vector<32xbf16> -> vector<16xf32>
        %unpack3A_1535 = tpu.unpack_subelements %bitcast3A_1533, 1 {pack_format = #tpu.pack_format<interleaved>} : vector<32xbf16> -> vector<16xf32>
        %get3A_1536 = arith.index_cast %rem3A_39 : i32 to index
        %get3A_1537 = arith.index_cast %add3A_1490 : i32 to index
        %get3A_1538 = arith.constant 32 : index
        %get3A_1539 = tpu.vector_load %arg9[%get3A_1536, %get3A_1537, %get3A_1538] {strides = array<i32>} : memref<2x200x128xi32, #tpu.memory_space<vmem>>, vector<16xi32>,
        %bitcast3A_1540 = vector.bitcast %get3A_1539 : vector<16xi32> to vector<32xbf16>
        %unpack3A_1541 = tpu.unpack_subelements %bitcast3A_1540, 0 {pack_format = #tpu.pack_format<interleaved>} : vector<32xbf16> -> vector<16xf32>
        %unpack3A_1542 = tpu.unpack_subelements %bitcast3A_1540, 1 {pack_format = #tpu.pack_format<interleaved>} : vector<32xbf16> -> vector<16xf32>
        %mul3A_1543 = arith.mulf %unpack3A_1534, %unpack3A_1541 : vector<16xf32>
        %add3A_1544 = arith.addf %add3A_1528, %mul3A_1543 : vector<16xf32>
        %mul3A_1545 = arith.mulf %unpack3A_1535, %unpack3A_1542 : vector<16xf32>
        %add3A_1546 = arith.addf %add3A_1544, %mul3A_1545 : vector<16xf32>
        %get3A_1547 = arith.index_cast %rem3A_39 : i32 to index
        %get3A_1548 = arith.index_cast %add3A_1490 : i32 to index
        %get3A_1549 = arith.constant 48 : index
        %get3A_1550 = tpu.vector_load %arg8[%get3A_1547, %get3A_1548, %get3A_1549] {strides = array<i32>} : memref<2x200x128xi32, #tpu.memory_space<vmem>>, vector<16xi32>,
        %bitcast3A_1551 = vector.bitcast %get3A_1550 : vector<16xi32> to vector<32xbf16>
        %unpack3A_1552 = tpu.unpack_subelements %bitcast3A_1551, 0 {pack_format = #tpu.pack_format<interleaved>} : vector<32xbf16> -> vector<16xf32>
        %unpack3A_1553 = tpu.unpack_subelements %bitcast3A_1551, 1 {pack_format = #tpu.pack_format<interleaved>} : vector<32xbf16> -> vector<16xf32>
        %get3A_1554 = arith.index_cast %rem3A_39 : i32 to index
        %get3A_1555 = arith.index_cast %add3A_1490 : i32 to index
        %get3A_1556 = arith.constant 48 : index
        %get3A_1557 = tpu.vector_load %arg9[%get3A_1554, %get3A_1555, %get3A_1556] {strides = array<i32>} : memref<2x200x128xi32, #tpu.memory_space<vmem>>, vector<16xi32>,
        %bitcast3A_1558 = vector.bitcast %get3A_1557 : vector<16xi32> to vector<32xbf16>
        %unpack3A_1559 = tpu.unpack_subelements %bitcast3A_1558, 0 {pack_format = #tpu.pack_format<interleaved>} : vector<32xbf16> -> vector<16xf32>
        %unpack3A_1560 = tpu.unpack_subelements %bitcast3A_1558, 1 {pack_format = #tpu.pack_format<interleaved>} : vector<32xbf16> -> vector<16xf32>
        %mul3A_1561 = arith.mulf %unpack3A_1552, %unpack3A_1559 : vector<16xf32>
        %add3A_1562 = arith.addf %add3A_1546, %mul3A_1561 : vector<16xf32>
        %mul3A_1563 = arith.mulf %unpack3A_1553, %unpack3A_1560 : vector<16xf32>
        %add3A_1564 = arith.addf %add3A_1562, %mul3A_1563 : vector<16xf32>
        %get3A_1565 = arith.index_cast %rem3A_39 : i32 to index
        %get3A_1566 = arith.index_cast %add3A_1490 : i32 to index
        %get3A_1567 = arith.constant 64 : index
        %get3A_1568 = tpu.vector_load %arg8[%get3A_1565, %get3A_1566, %get3A_1567] {strides = array<i32>} : memref<2x200x128xi32, #tpu.memory_space<vmem>>, vector<16xi32>,
        %bitcast3A_1569 = vector.bitcast %get3A_1568 : vector<16xi32> to vector<32xbf16>
        %unpack3A_1570 = tpu.unpack_subelements %bitcast3A_1569, 0 {pack_format = #tpu.pack_format<interleaved>} : vector<32xbf16> -> vector<16xf32>
        %unpack3A_1571 = tpu.unpack_subelements %bitcast3A_1569, 1 {pack_format = #tpu.pack_format<interleaved>} : vector<32xbf16> -> vector<16xf32>
        %get3A_1572 = arith.index_cast %rem3A_39 : i32 to index
        %get3A_1573 = arith.index_cast %add3A_1490 : i32 to index
        %get3A_1574 = arith.constant 64 : index
        %get3A_1575 = tpu.vector_load %arg9[%get3A_1572, %get3A_1573, %get3A_1574] {strides = array<i32>} : memref<2x200x128xi32, #tpu.memory_space<vmem>>, vector<16xi32>,
        %bitcast3A_1576 = vector.bitcast %get3A_1575 : vector<16xi32> to vector<32xbf16>
        %unpack3A_1577 = tpu.unpack_subelements %bitcast3A_1576, 0 {pack_format = #tpu.pack_format<interleaved>} : vector<32xbf16> -> vector<16xf32>
        %unpack3A_1578 = tpu.unpack_subelements %bitcast3A_1576, 1 {pack_format = #tpu.pack_format<interleaved>} : vector<32xbf16> -> vector<16xf32>
        %mul3A_1579 = arith.mulf %unpack3A_1570, %unpack3A_1577 : vector<16xf32>
        %add3A_1580 = arith.addf %add3A_1564, %mul3A_1579 : vector<16xf32>
        %mul3A_1581 = arith.mulf %unpack3A_1571, %unpack3A_1578 : vector<16xf32>
        %add3A_1582 = arith.addf %add3A_1580, %mul3A_1581 : vector<16xf32>
        %get3A_1583 = arith.index_cast %rem3A_39 : i32 to index
        %get3A_1584 = arith.index_cast %add3A_1490 : i32 to index
        %get3A_1585 = arith.constant 80 : index
        %get3A_1586 = tpu.vector_load %arg8[%get3A_1583, %get3A_1584, %get3A_1585] {strides = array<i32>} : memref<2x200x128xi32, #tpu.memory_space<vmem>>, vector<16xi32>,
        %bitcast3A_1587 = vector.bitcast %get3A_1586 : vector<16xi32> to vector<32xbf16>
        %unpack3A_1588 = tpu.unpack_subelements %bitcast3A_1587, 0 {pack_format = #tpu.pack_format<interleaved>} : vector<32xbf16> -> vector<16xf32>
        %unpack3A_1589 = tpu.unpack_subelements %bitcast3A_1587, 1 {pack_format = #tpu.pack_format<interleaved>} : vector<32xbf16> -> vector<16xf32>
        %get3A_1590 = arith.index_cast %rem3A_39 : i32 to index
        %get3A_1591 = arith.index_cast %add3A_1490 : i32 to index
        %get3A_1592 = arith.constant 80 : index
        %get3A_1593 = tpu.vector_load %arg9[%get3A_1590, %get3A_1591, %get3A_1592] {strides = array<i32>} : memref<2x200x128xi32, #tpu.memory_space<vmem>>, vector<16xi32>,
        %bitcast3A_1594 = vector.bitcast %get3A_1593 : vector<16xi32> to vector<32xbf16>
        %unpack3A_1595 = tpu.unpack_subelements %bitcast3A_1594, 0 {pack_format = #tpu.pack_format<interleaved>} : vector<32xbf16> -> vector<16xf32>
        %unpack3A_1596 = tpu.unpack_subelements %bitcast3A_1594, 1 {pack_format = #tpu.pack_format<interleaved>} : vector<32xbf16> -> vector<16xf32>
        %mul3A_1597 = arith.mulf %unpack3A_1588, %unpack3A_1595 : vector<16xf32>
        %add3A_1598 = arith.addf %add3A_1582, %mul3A_1597 : vector<16xf32>
        %mul3A_1599 = arith.mulf %unpack3A_1589, %unpack3A_1596 : vector<16xf32>
        %add3A_1600 = arith.addf %add3A_1598, %mul3A_1599 : vector<16xf32>
        %get3A_1601 = arith.index_cast %rem3A_39 : i32 to index
        %get3A_1602 = arith.index_cast %add3A_1490 : i32 to index
        %get3A_1603 = arith.constant 96 : index
        %get3A_1604 = tpu.vector_load %arg8[%get3A_1601, %get3A_1602, %get3A_1603] {strides = array<i32>} : memref<2x200x128xi32, #tpu.memory_space<vmem>>, vector<16xi32>,
        %bitcast3A_1605 = vector.bitcast %get3A_1604 : vector<16xi32> to vector<32xbf16>
        %unpack3A_1606 = tpu.unpack_subelements %bitcast3A_1605, 0 {pack_format = #tpu.pack_format<interleaved>} : vector<32xbf16> -> vector<16xf32>
        %unpack3A_1607 = tpu.unpack_subelements %bitcast3A_1605, 1 {pack_format = #tpu.pack_format<interleaved>} : vector<32xbf16> -> vector<16xf32>
        %get3A_1608 = arith.index_cast %rem3A_39 : i32 to index
        %get3A_1609 = arith.index_cast %add3A_1490 : i32 to index
        %get3A_1610 = arith.constant 96 : index
        %get3A_1611 = tpu.vector_load %arg9[%get3A_1608, %get3A_1609, %get3A_1610] {strides = array<i32>} : memref<2x200x128xi32, #tpu.memory_space<vmem>>, vector<16xi32>,
        %bitcast3A_1612 = vector.bitcast %get3A_1611 : vector<16xi32> to vector<32xbf16>
        %unpack3A_1613 = tpu.unpack_subelements %bitcast3A_1612, 0 {pack_format = #tpu.pack_format<interleaved>} : vector<32xbf16> -> vector<16xf32>
        %unpack3A_1614 = tpu.unpack_subelements %bitcast3A_1612, 1 {pack_format = #tpu.pack_format<interleaved>} : vector<32xbf16> -> vector<16xf32>
        %mul3A_1615 = arith.mulf %unpack3A_1606, %unpack3A_1613 : vector<16xf32>
        %add3A_1616 = arith.addf %add3A_1600, %mul3A_1615 : vector<16xf32>
        %mul3A_1617 = arith.mulf %unpack3A_1607, %unpack3A_1614 : vector<16xf32>
        %add3A_1618 = arith.addf %add3A_1616, %mul3A_1617 : vector<16xf32>
        %get3A_1619 = arith.index_cast %rem3A_39 : i32 to index
        %get3A_1620 = arith.index_cast %add3A_1490 : i32 to index
        %get3A_1621 = arith.constant 112 : index
        %get3A_1622 = tpu.vector_load %arg8[%get3A_1619, %get3A_1620, %get3A_1621] {strides = array<i32>} : memref<2x200x128xi32, #tpu.memory_space<vmem>>, vector<16xi32>,
        %bitcast3A_1623 = vector.bitcast %get3A_1622 : vector<16xi32> to vector<32xbf16>
        %unpack3A_1624 = tpu.unpack_subelements %bitcast3A_1623, 0 {pack_format = #tpu.pack_format<interleaved>} : vector<32xbf16> -> vector<16xf32>
        %unpack3A_1625 = tpu.unpack_subelements %bitcast3A_1623, 1 {pack_format = #tpu.pack_format<interleaved>} : vector<32xbf16> -> vector<16xf32>
        %get3A_1626 = arith.index_cast %rem3A_39 : i32 to index
        %get3A_1627 = arith.index_cast %add3A_1490 : i32 to index
        %get3A_1628 = arith.constant 112 : index
        %get3A_1629 = tpu.vector_load %arg9[%get3A_1626, %get3A_1627, %get3A_1628] {strides = array<i32>} : memref<2x200x128xi32, #tpu.memory_space<vmem>>, vector<16xi32>,
        %bitcast3A_1630 = vector.bitcast %get3A_1629 : vector<16xi32> to vector<32xbf16>
        %unpack3A_1631 = tpu.unpack_subelements %bitcast3A_1630, 0 {pack_format = #tpu.pack_format<interleaved>} : vector<32xbf16> -> vector<16xf32>
        %unpack3A_1632 = tpu.unpack_subelements %bitcast3A_1630, 1 {pack_format = #tpu.pack_format<interleaved>} : vector<32xbf16> -> vector<16xf32>
        %mul3A_1633 = arith.mulf %unpack3A_1624, %unpack3A_1631 : vector<16xf32>
        %add3A_1634 = arith.addf %add3A_1618, %mul3A_1633 : vector<16xf32>
        %mul3A_1635 = arith.mulf %unpack3A_1625, %unpack3A_1632 : vector<16xf32>
        %add3A_1636 = arith.addf %add3A_1634, %mul3A_1635 : vector<16xf32>
        %eq3A_1637 = arith.constant 9 : i32
        %eq3A_1638 = vector.broadcast %eq3A_1637 : i32 to vector<16xi32>
        %eq3A_1639 = arith.cmpi eq, %iota3A, %eq3A_1638 : vector<16xi32>
        %reduce_sum3A_1640 = arith.constant true
        %reduce_sum3A_1641 = vector.broadcast %reduce_sum3A_1640 : i1 to vector<16xi1>
        %reduce_sum3A_1642 = tpu.scan <sum>, %add3A_1636 masked %reduce_sum3A_1641 : vector<16xf32>, vector<16xi1> -> vector<16xf32>
        %reduce_sum3A_1643 = vector.extract %reduce_sum3A_1642[15] : f32 from vector<16xf32>
        %broadcast_in_dim3A_1644 = vector.broadcast %reduce_sum3A_1643 : f32 to vector<16xf32>
        %select_n3A_1645 = arith.select %eq3A_1639, %broadcast_in_dim3A_1644, %select_n3A_1488 : vector<16xi1>, vector<16xf32>
        %add3A_1646 = arith.constant 10 : i32
        %add3A_1647 = arith.addi %min3A_80, %add3A_1646 : i32
        %broadcast_in_dim3A_1648 = arith.constant 0.000000e+00 : f32
        %broadcast_in_dim3A_1649 = vector.broadcast %broadcast_in_dim3A_1648 : f32 to vector<16xf32>
        %get3A_1650 = arith.index_cast %rem3A_39 : i32 to index
        %get3A_1651 = arith.index_cast %add3A_1647 : i32 to index
        %get3A_1652 = arith.constant 0 : index
        %get3A_1653 = tpu.vector_load %arg8[%get3A_1650, %get3A_1651, %get3A_1652] {strides = array<i32>} : memref<2x200x128xi32, #tpu.memory_space<vmem>>, vector<16xi32>,
        %bitcast3A_1654 = vector.bitcast %get3A_1653 : vector<16xi32> to vector<32xbf16>
        %unpack3A_1655 = tpu.unpack_subelements %bitcast3A_1654, 0 {pack_format = #tpu.pack_format<interleaved>} : vector<32xbf16> -> vector<16xf32>
        %unpack3A_1656 = tpu.unpack_subelements %bitcast3A_1654, 1 {pack_format = #tpu.pack_format<interleaved>} : vector<32xbf16> -> vector<16xf32>
        %get3A_1657 = arith.index_cast %rem3A_39 : i32 to index
        %get3A_1658 = arith.index_cast %add3A_1647 : i32 to index
        %get3A_1659 = arith.constant 0 : index
        %get3A_1660 = tpu.vector_load %arg9[%get3A_1657, %get3A_1658, %get3A_1659] {strides = array<i32>} : memref<2x200x128xi32, #tpu.memory_space<vmem>>, vector<16xi32>,
        %bitcast3A_1661 = vector.bitcast %get3A_1660 : vector<16xi32> to vector<32xbf16>
        %unpack3A_1662 = tpu.unpack_subelements %bitcast3A_1661, 0 {pack_format = #tpu.pack_format<interleaved>} : vector<32xbf16> -> vector<16xf32>
        %unpack3A_1663 = tpu.unpack_subelements %bitcast3A_1661, 1 {pack_format = #tpu.pack_format<interleaved>} : vector<32xbf16> -> vector<16xf32>
        %mul3A_1664 = arith.mulf %unpack3A_1655, %unpack3A_1662 : vector<16xf32>
        %add3A_1665 = arith.addf %broadcast_in_dim3A_1649, %mul3A_1664 : vector<16xf32>
        %mul3A_1666 = arith.mulf %unpack3A_1656, %unpack3A_1663 : vector<16xf32>
        %add3A_1667 = arith.addf %add3A_1665, %mul3A_1666 : vector<16xf32>
        %get3A_1668 = arith.index_cast %rem3A_39 : i32 to index
        %get3A_1669 = arith.index_cast %add3A_1647 : i32 to index
        %get3A_1670 = arith.constant 16 : index
        %get3A_1671 = tpu.vector_load %arg8[%get3A_1668, %get3A_1669, %get3A_1670] {strides = array<i32>} : memref<2x200x128xi32, #tpu.memory_space<vmem>>, vector<16xi32>,
        %bitcast3A_1672 = vector.bitcast %get3A_1671 : vector<16xi32> to vector<32xbf16>
        %unpack3A_1673 = tpu.unpack_subelements %bitcast3A_1672, 0 {pack_format = #tpu.pack_format<interleaved>} : vector<32xbf16> -> vector<16xf32>
        %unpack3A_1674 = tpu.unpack_subelements %bitcast3A_1672, 1 {pack_format = #tpu.pack_format<interleaved>} : vector<32xbf16> -> vector<16xf32>
        %get3A_1675 = arith.index_cast %rem3A_39 : i32 to index
        %get3A_1676 = arith.index_cast %add3A_1647 : i32 to index
        %get3A_1677 = arith.constant 16 : index
        %get3A_1678 = tpu.vector_load %arg9[%get3A_1675, %get3A_1676, %get3A_1677] {strides = array<i32>} : memref<2x200x128xi32, #tpu.memory_space<vmem>>, vector<16xi32>,
        %bitcast3A_1679 = vector.bitcast %get3A_1678 : vector<16xi32> to vector<32xbf16>
        %unpack3A_1680 = tpu.unpack_subelements %bitcast3A_1679, 0 {pack_format = #tpu.pack_format<interleaved>} : vector<32xbf16> -> vector<16xf32>
        %unpack3A_1681 = tpu.unpack_subelements %bitcast3A_1679, 1 {pack_format = #tpu.pack_format<interleaved>} : vector<32xbf16> -> vector<16xf32>
        %mul3A_1682 = arith.mulf %unpack3A_1673, %unpack3A_1680 : vector<16xf32>
        %add3A_1683 = arith.addf %add3A_1667, %mul3A_1682 : vector<16xf32>
        %mul3A_1684 = arith.mulf %unpack3A_1674, %unpack3A_1681 : vector<16xf32>
        %add3A_1685 = arith.addf %add3A_1683, %mul3A_1684 : vector<16xf32>
        %get3A_1686 = arith.index_cast %rem3A_39 : i32 to index
        %get3A_1687 = arith.index_cast %add3A_1647 : i32 to index
        %get3A_1688 = arith.constant 32 : index
        %get3A_1689 = tpu.vector_load %arg8[%get3A_1686, %get3A_1687, %get3A_1688] {strides = array<i32>} : memref<2x200x128xi32, #tpu.memory_space<vmem>>, vector<16xi32>,
        %bitcast3A_1690 = vector.bitcast %get3A_1689 : vector<16xi32> to vector<32xbf16>
        %unpack3A_1691 = tpu.unpack_subelements %bitcast3A_1690, 0 {pack_format = #tpu.pack_format<interleaved>} : vector<32xbf16> -> vector<16xf32>
        %unpack3A_1692 = tpu.unpack_subelements %bitcast3A_1690, 1 {pack_format = #tpu.pack_format<interleaved>} : vector<32xbf16> -> vector<16xf32>
        %get3A_1693 = arith.index_cast %rem3A_39 : i32 to index
        %get3A_1694 = arith.index_cast %add3A_1647 : i32 to index
        %get3A_1695 = arith.constant 32 : index
        %get3A_1696 = tpu.vector_load %arg9[%get3A_1693, %get3A_1694, %get3A_1695] {strides = array<i32>} : memref<2x200x128xi32, #tpu.memory_space<vmem>>, vector<16xi32>,
        %bitcast3A_1697 = vector.bitcast %get3A_1696 : vector<16xi32> to vector<32xbf16>
        %unpack3A_1698 = tpu.unpack_subelements %bitcast3A_1697, 0 {pack_format = #tpu.pack_format<interleaved>} : vector<32xbf16> -> vector<16xf32>
        %unpack3A_1699 = tpu.unpack_subelements %bitcast3A_1697, 1 {pack_format = #tpu.pack_format<interleaved>} : vector<32xbf16> -> vector<16xf32>
        %mul3A_1700 = arith.mulf %unpack3A_1691, %unpack3A_1698 : vector<16xf32>
        %add3A_1701 = arith.addf %add3A_1685, %mul3A_1700 : vector<16xf32>
        %mul3A_1702 = arith.mulf %unpack3A_1692, %unpack3A_1699 : vector<16xf32>
        %add3A_1703 = arith.addf %add3A_1701, %mul3A_1702 : vector<16xf32>
        %get3A_1704 = arith.index_cast %rem3A_39 : i32 to index
        %get3A_1705 = arith.index_cast %add3A_1647 : i32 to index
        %get3A_1706 = arith.constant 48 : index
        %get3A_1707 = tpu.vector_load %arg8[%get3A_1704, %get3A_1705, %get3A_1706] {strides = array<i32>} : memref<2x200x128xi32, #tpu.memory_space<vmem>>, vector<16xi32>,
        %bitcast3A_1708 = vector.bitcast %get3A_1707 : vector<16xi32> to vector<32xbf16>
        %unpack3A_1709 = tpu.unpack_subelements %bitcast3A_1708, 0 {pack_format = #tpu.pack_format<interleaved>} : vector<32xbf16> -> vector<16xf32>
        %unpack3A_1710 = tpu.unpack_subelements %bitcast3A_1708, 1 {pack_format = #tpu.pack_format<interleaved>} : vector<32xbf16> -> vector<16xf32>
        %get3A_1711 = arith.index_cast %rem3A_39 : i32 to index
        %get3A_1712 = arith.index_cast %add3A_1647 : i32 to index
        %get3A_1713 = arith.constant 48 : index
        %get3A_1714 = tpu.vector_load %arg9[%get3A_1711, %get3A_1712, %get3A_1713] {strides = array<i32>} : memref<2x200x128xi32, #tpu.memory_space<vmem>>, vector<16xi32>,
        %bitcast3A_1715 = vector.bitcast %get3A_1714 : vector<16xi32> to vector<32xbf16>
        %unpack3A_1716 = tpu.unpack_subelements %bitcast3A_1715, 0 {pack_format = #tpu.pack_format<interleaved>} : vector<32xbf16> -> vector<16xf32>
        %unpack3A_1717 = tpu.unpack_subelements %bitcast3A_1715, 1 {pack_format = #tpu.pack_format<interleaved>} : vector<32xbf16> -> vector<16xf32>
        %mul3A_1718 = arith.mulf %unpack3A_1709, %unpack3A_1716 : vector<16xf32>
        %add3A_1719 = arith.addf %add3A_1703, %mul3A_1718 : vector<16xf32>
        %mul3A_1720 = arith.mulf %unpack3A_1710, %unpack3A_1717 : vector<16xf32>
        %add3A_1721 = arith.addf %add3A_1719, %mul3A_1720 : vector<16xf32>
        %get3A_1722 = arith.index_cast %rem3A_39 : i32 to index
        %get3A_1723 = arith.index_cast %add3A_1647 : i32 to index
        %get3A_1724 = arith.constant 64 : index
        %get3A_1725 = tpu.vector_load %arg8[%get3A_1722, %get3A_1723, %get3A_1724] {strides = array<i32>} : memref<2x200x128xi32, #tpu.memory_space<vmem>>, vector<16xi32>,
        %bitcast3A_1726 = vector.bitcast %get3A_1725 : vector<16xi32> to vector<32xbf16>
        %unpack3A_1727 = tpu.unpack_subelements %bitcast3A_1726, 0 {pack_format = #tpu.pack_format<interleaved>} : vector<32xbf16> -> vector<16xf32>
        %unpack3A_1728 = tpu.unpack_subelements %bitcast3A_1726, 1 {pack_format = #tpu.pack_format<interleaved>} : vector<32xbf16> -> vector<16xf32>
        %get3A_1729 = arith.index_cast %rem3A_39 : i32 to index
        %get3A_1730 = arith.index_cast %add3A_1647 : i32 to index
        %get3A_1731 = arith.constant 64 : index
        %get3A_1732 = tpu.vector_load %arg9[%get3A_1729, %get3A_1730, %get3A_1731] {strides = array<i32>} : memref<2x200x128xi32, #tpu.memory_space<vmem>>, vector<16xi32>,
        %bitcast3A_1733 = vector.bitcast %get3A_1732 : vector<16xi32> to vector<32xbf16>
        %unpack3A_1734 = tpu.unpack_subelements %bitcast3A_1733, 0 {pack_format = #tpu.pack_format<interleaved>} : vector<32xbf16> -> vector<16xf32>
        %unpack3A_1735 = tpu.unpack_subelements %bitcast3A_1733, 1 {pack_format = #tpu.pack_format<interleaved>} : vector<32xbf16> -> vector<16xf32>
        %mul3A_1736 = arith.mulf %unpack3A_1727, %unpack3A_1734 : vector<16xf32>
        %add3A_1737 = arith.addf %add3A_1721, %mul3A_1736 : vector<16xf32>
        %mul3A_1738 = arith.mulf %unpack3A_1728, %unpack3A_1735 : vector<16xf32>
        %add3A_1739 = arith.addf %add3A_1737, %mul3A_1738 : vector<16xf32>
        %get3A_1740 = arith.index_cast %rem3A_39 : i32 to index
        %get3A_1741 = arith.index_cast %add3A_1647 : i32 to index
        %get3A_1742 = arith.constant 80 : index
        %get3A_1743 = tpu.vector_load %arg8[%get3A_1740, %get3A_1741, %get3A_1742] {strides = array<i32>} : memref<2x200x128xi32, #tpu.memory_space<vmem>>, vector<16xi32>,
        %bitcast3A_1744 = vector.bitcast %get3A_1743 : vector<16xi32> to vector<32xbf16>
        %unpack3A_1745 = tpu.unpack_subelements %bitcast3A_1744, 0 {pack_format = #tpu.pack_format<interleaved>} : vector<32xbf16> -> vector<16xf32>
        %unpack3A_1746 = tpu.unpack_subelements %bitcast3A_1744, 1 {pack_format = #tpu.pack_format<interleaved>} : vector<32xbf16> -> vector<16xf32>
        %get3A_1747 = arith.index_cast %rem3A_39 : i32 to index
        %get3A_1748 = arith.index_cast %add3A_1647 : i32 to index
        %get3A_1749 = arith.constant 80 : index
        %get3A_1750 = tpu.vector_load %arg9[%get3A_1747, %get3A_1748, %get3A_1749] {strides = array<i32>} : memref<2x200x128xi32, #tpu.memory_space<vmem>>, vector<16xi32>,
        %bitcast3A_1751 = vector.bitcast %get3A_1750 : vector<16xi32> to vector<32xbf16>
        %unpack3A_1752 = tpu.unpack_subelements %bitcast3A_1751, 0 {pack_format = #tpu.pack_format<interleaved>} : vector<32xbf16> -> vector<16xf32>
        %unpack3A_1753 = tpu.unpack_subelements %bitcast3A_1751, 1 {pack_format = #tpu.pack_format<interleaved>} : vector<32xbf16> -> vector<16xf32>
        %mul3A_1754 = arith.mulf %unpack3A_1745, %unpack3A_1752 : vector<16xf32>
        %add3A_1755 = arith.addf %add3A_1739, %mul3A_1754 : vector<16xf32>
        %mul3A_1756 = arith.mulf %unpack3A_1746, %unpack3A_1753 : vector<16xf32>
        %add3A_1757 = arith.addf %add3A_1755, %mul3A_1756 : vector<16xf32>
        %get3A_1758 = arith.index_cast %rem3A_39 : i32 to index
        %get3A_1759 = arith.index_cast %add3A_1647 : i32 to index
        %get3A_1760 = arith.constant 96 : index
        %get3A_1761 = tpu.vector_load %arg8[%get3A_1758, %get3A_1759, %get3A_1760] {strides = array<i32>} : memref<2x200x128xi32, #tpu.memory_space<vmem>>, vector<16xi32>,
        %bitcast3A_1762 = vector.bitcast %get3A_1761 : vector<16xi32> to vector<32xbf16>
        %unpack3A_1763 = tpu.unpack_subelements %bitcast3A_1762, 0 {pack_format = #tpu.pack_format<interleaved>} : vector<32xbf16> -> vector<16xf32>
        %unpack3A_1764 = tpu.unpack_subelements %bitcast3A_1762, 1 {pack_format = #tpu.pack_format<interleaved>} : vector<32xbf16> -> vector<16xf32>
        %get3A_1765 = arith.index_cast %rem3A_39 : i32 to index
        %get3A_1766 = arith.index_cast %add3A_1647 : i32 to index
        %get3A_1767 = arith.constant 96 : index
        %get3A_1768 = tpu.vector_load %arg9[%get3A_1765, %get3A_1766, %get3A_1767] {strides = array<i32>} : memref<2x200x128xi32, #tpu.memory_space<vmem>>, vector<16xi32>,
        %bitcast3A_1769 = vector.bitcast %get3A_1768 : vector<16xi32> to vector<32xbf16>
        %unpack3A_1770 = tpu.unpack_subelements %bitcast3A_1769, 0 {pack_format = #tpu.pack_format<interleaved>} : vector<32xbf16> -> vector<16xf32>
        %unpack3A_1771 = tpu.unpack_subelements %bitcast3A_1769, 1 {pack_format = #tpu.pack_format<interleaved>} : vector<32xbf16> -> vector<16xf32>
        %mul3A_1772 = arith.mulf %unpack3A_1763, %unpack3A_1770 : vector<16xf32>
        %add3A_1773 = arith.addf %add3A_1757, %mul3A_1772 : vector<16xf32>
        %mul3A_1774 = arith.mulf %unpack3A_1764, %unpack3A_1771 : vector<16xf32>
        %add3A_1775 = arith.addf %add3A_1773, %mul3A_1774 : vector<16xf32>
        %get3A_1776 = arith.index_cast %rem3A_39 : i32 to index
        %get3A_1777 = arith.index_cast %add3A_1647 : i32 to index
        %get3A_1778 = arith.constant 112 : index
        %get3A_1779 = tpu.vector_load %arg8[%get3A_1776, %get3A_1777, %get3A_1778] {strides = array<i32>} : memref<2x200x128xi32, #tpu.memory_space<vmem>>, vector<16xi32>,
        %bitcast3A_1780 = vector.bitcast %get3A_1779 : vector<16xi32> to vector<32xbf16>
        %unpack3A_1781 = tpu.unpack_subelements %bitcast3A_1780, 0 {pack_format = #tpu.pack_format<interleaved>} : vector<32xbf16> -> vector<16xf32>
        %unpack3A_1782 = tpu.unpack_subelements %bitcast3A_1780, 1 {pack_format = #tpu.pack_format<interleaved>} : vector<32xbf16> -> vector<16xf32>
        %get3A_1783 = arith.index_cast %rem3A_39 : i32 to index
        %get3A_1784 = arith.index_cast %add3A_1647 : i32 to index
        %get3A_1785 = arith.constant 112 : index
        %get3A_1786 = tpu.vector_load %arg9[%get3A_1783, %get3A_1784, %get3A_1785] {strides = array<i32>} : memref<2x200x128xi32, #tpu.memory_space<vmem>>, vector<16xi32>,
        %bitcast3A_1787 = vector.bitcast %get3A_1786 : vector<16xi32> to vector<32xbf16>
        %unpack3A_1788 = tpu.unpack_subelements %bitcast3A_1787, 0 {pack_format = #tpu.pack_format<interleaved>} : vector<32xbf16> -> vector<16xf32>
        %unpack3A_1789 = tpu.unpack_subelements %bitcast3A_1787, 1 {pack_format = #tpu.pack_format<interleaved>} : vector<32xbf16> -> vector<16xf32>
        %mul3A_1790 = arith.mulf %unpack3A_1781, %unpack3A_1788 : vector<16xf32>
        %add3A_1791 = arith.addf %add3A_1775, %mul3A_1790 : vector<16xf32>
        %mul3A_1792 = arith.mulf %unpack3A_1782, %unpack3A_1789 : vector<16xf32>
        %add3A_1793 = arith.addf %add3A_1791, %mul3A_1792 : vector<16xf32>
        %eq3A_1794 = arith.constant 10 : i32
        %eq3A_1795 = vector.broadcast %eq3A_1794 : i32 to vector<16xi32>
        %eq3A_1796 = arith.cmpi eq, %iota3A, %eq3A_1795 : vector<16xi32>
        %reduce_sum3A_1797 = arith.constant true
        %reduce_sum3A_1798 = vector.broadcast %reduce_sum3A_1797 : i1 to vector<16xi1>
        %reduce_sum3A_1799 = tpu.scan <sum>, %add3A_1793 masked %reduce_sum3A_1798 : vector<16xf32>, vector<16xi1> -> vector<16xf32>
        %reduce_sum3A_1800 = vector.extract %reduce_sum3A_1799[15] : f32 from vector<16xf32>
        %broadcast_in_dim3A_1801 = vector.broadcast %reduce_sum3A_1800 : f32 to vector<16xf32>
        %select_n3A_1802 = arith.select %eq3A_1796, %broadcast_in_dim3A_1801, %select_n3A_1645 : vector<16xi1>, vector<16xf32>
        %add3A_1803 = arith.constant 11 : i32
        %add3A_1804 = arith.addi %min3A_80, %add3A_1803 : i32
        %broadcast_in_dim3A_1805 = arith.constant 0.000000e+00 : f32
        %broadcast_in_dim3A_1806 = vector.broadcast %broadcast_in_dim3A_1805 : f32 to vector<16xf32>
        %get3A_1807 = arith.index_cast %rem3A_39 : i32 to index
        %get3A_1808 = arith.index_cast %add3A_1804 : i32 to index
        %get3A_1809 = arith.constant 0 : index
        %get3A_1810 = tpu.vector_load %arg8[%get3A_1807, %get3A_1808, %get3A_1809] {strides = array<i32>} : memref<2x200x128xi32, #tpu.memory_space<vmem>>, vector<16xi32>,
        %bitcast3A_1811 = vector.bitcast %get3A_1810 : vector<16xi32> to vector<32xbf16>
        %unpack3A_1812 = tpu.unpack_subelements %bitcast3A_1811, 0 {pack_format = #tpu.pack_format<interleaved>} : vector<32xbf16> -> vector<16xf32>
        %unpack3A_1813 = tpu.unpack_subelements %bitcast3A_1811, 1 {pack_format = #tpu.pack_format<interleaved>} : vector<32xbf16> -> vector<16xf32>
        %get3A_1814 = arith.index_cast %rem3A_39 : i32 to index
        %get3A_1815 = arith.index_cast %add3A_1804 : i32 to index
        %get3A_1816 = arith.constant 0 : index
        %get3A_1817 = tpu.vector_load %arg9[%get3A_1814, %get3A_1815, %get3A_1816] {strides = array<i32>} : memref<2x200x128xi32, #tpu.memory_space<vmem>>, vector<16xi32>,
        %bitcast3A_1818 = vector.bitcast %get3A_1817 : vector<16xi32> to vector<32xbf16>
        %unpack3A_1819 = tpu.unpack_subelements %bitcast3A_1818, 0 {pack_format = #tpu.pack_format<interleaved>} : vector<32xbf16> -> vector<16xf32>
        %unpack3A_1820 = tpu.unpack_subelements %bitcast3A_1818, 1 {pack_format = #tpu.pack_format<interleaved>} : vector<32xbf16> -> vector<16xf32>
        %mul3A_1821 = arith.mulf %unpack3A_1812, %unpack3A_1819 : vector<16xf32>
        %add3A_1822 = arith.addf %broadcast_in_dim3A_1806, %mul3A_1821 : vector<16xf32>
        %mul3A_1823 = arith.mulf %unpack3A_1813, %unpack3A_1820 : vector<16xf32>
        %add3A_1824 = arith.addf %add3A_1822, %mul3A_1823 : vector<16xf32>
        %get3A_1825 = arith.index_cast %rem3A_39 : i32 to index
        %get3A_1826 = arith.index_cast %add3A_1804 : i32 to index
        %get3A_1827 = arith.constant 16 : index
        %get3A_1828 = tpu.vector_load %arg8[%get3A_1825, %get3A_1826, %get3A_1827] {strides = array<i32>} : memref<2x200x128xi32, #tpu.memory_space<vmem>>, vector<16xi32>,
        %bitcast3A_1829 = vector.bitcast %get3A_1828 : vector<16xi32> to vector<32xbf16>
        %unpack3A_1830 = tpu.unpack_subelements %bitcast3A_1829, 0 {pack_format = #tpu.pack_format<interleaved>} : vector<32xbf16> -> vector<16xf32>
        %unpack3A_1831 = tpu.unpack_subelements %bitcast3A_1829, 1 {pack_format = #tpu.pack_format<interleaved>} : vector<32xbf16> -> vector<16xf32>
        %get3A_1832 = arith.index_cast %rem3A_39 : i32 to index
        %get3A_1833 = arith.index_cast %add3A_1804 : i32 to index
        %get3A_1834 = arith.constant 16 : index
        %get3A_1835 = tpu.vector_load %arg9[%get3A_1832, %get3A_1833, %get3A_1834] {strides = array<i32>} : memref<2x200x128xi32, #tpu.memory_space<vmem>>, vector<16xi32>,
        %bitcast3A_1836 = vector.bitcast %get3A_1835 : vector<16xi32> to vector<32xbf16>
        %unpack3A_1837 = tpu.unpack_subelements %bitcast3A_1836, 0 {pack_format = #tpu.pack_format<interleaved>} : vector<32xbf16> -> vector<16xf32>
        %unpack3A_1838 = tpu.unpack_subelements %bitcast3A_1836, 1 {pack_format = #tpu.pack_format<interleaved>} : vector<32xbf16> -> vector<16xf32>
        %mul3A_1839 = arith.mulf %unpack3A_1830, %unpack3A_1837 : vector<16xf32>
        %add3A_1840 = arith.addf %add3A_1824, %mul3A_1839 : vector<16xf32>
        %mul3A_1841 = arith.mulf %unpack3A_1831, %unpack3A_1838 : vector<16xf32>
        %add3A_1842 = arith.addf %add3A_1840, %mul3A_1841 : vector<16xf32>
        %get3A_1843 = arith.index_cast %rem3A_39 : i32 to index
        %get3A_1844 = arith.index_cast %add3A_1804 : i32 to index
        %get3A_1845 = arith.constant 32 : index
        %get3A_1846 = tpu.vector_load %arg8[%get3A_1843, %get3A_1844, %get3A_1845] {strides = array<i32>} : memref<2x200x128xi32, #tpu.memory_space<vmem>>, vector<16xi32>,
        %bitcast3A_1847 = vector.bitcast %get3A_1846 : vector<16xi32> to vector<32xbf16>
        %unpack3A_1848 = tpu.unpack_subelements %bitcast3A_1847, 0 {pack_format = #tpu.pack_format<interleaved>} : vector<32xbf16> -> vector<16xf32>
        %unpack3A_1849 = tpu.unpack_subelements %bitcast3A_1847, 1 {pack_format = #tpu.pack_format<interleaved>} : vector<32xbf16> -> vector<16xf32>
        %get3A_1850 = arith.index_cast %rem3A_39 : i32 to index
        %get3A_1851 = arith.index_cast %add3A_1804 : i32 to index
        %get3A_1852 = arith.constant 32 : index
        %get3A_1853 = tpu.vector_load %arg9[%get3A_1850, %get3A_1851, %get3A_1852] {strides = array<i32>} : memref<2x200x128xi32, #tpu.memory_space<vmem>>, vector<16xi32>,
        %bitcast3A_1854 = vector.bitcast %get3A_1853 : vector<16xi32> to vector<32xbf16>
        %unpack3A_1855 = tpu.unpack_subelements %bitcast3A_1854, 0 {pack_format = #tpu.pack_format<interleaved>} : vector<32xbf16> -> vector<16xf32>
        %unpack3A_1856 = tpu.unpack_subelements %bitcast3A_1854, 1 {pack_format = #tpu.pack_format<interleaved>} : vector<32xbf16> -> vector<16xf32>
        %mul3A_1857 = arith.mulf %unpack3A_1848, %unpack3A_1855 : vector<16xf32>
        %add3A_1858 = arith.addf %add3A_1842, %mul3A_1857 : vector<16xf32>
        %mul3A_1859 = arith.mulf %unpack3A_1849, %unpack3A_1856 : vector<16xf32>
        %add3A_1860 = arith.addf %add3A_1858, %mul3A_1859 : vector<16xf32>
        %get3A_1861 = arith.index_cast %rem3A_39 : i32 to index
        %get3A_1862 = arith.index_cast %add3A_1804 : i32 to index
        %get3A_1863 = arith.constant 48 : index
        %get3A_1864 = tpu.vector_load %arg8[%get3A_1861, %get3A_1862, %get3A_1863] {strides = array<i32>} : memref<2x200x128xi32, #tpu.memory_space<vmem>>, vector<16xi32>,
        %bitcast3A_1865 = vector.bitcast %get3A_1864 : vector<16xi32> to vector<32xbf16>
        %unpack3A_1866 = tpu.unpack_subelements %bitcast3A_1865, 0 {pack_format = #tpu.pack_format<interleaved>} : vector<32xbf16> -> vector<16xf32>
        %unpack3A_1867 = tpu.unpack_subelements %bitcast3A_1865, 1 {pack_format = #tpu.pack_format<interleaved>} : vector<32xbf16> -> vector<16xf32>
        %get3A_1868 = arith.index_cast %rem3A_39 : i32 to index
        %get3A_1869 = arith.index_cast %add3A_1804 : i32 to index
        %get3A_1870 = arith.constant 48 : index
        %get3A_1871 = tpu.vector_load %arg9[%get3A_1868, %get3A_1869, %get3A_1870] {strides = array<i32>} : memref<2x200x128xi32, #tpu.memory_space<vmem>>, vector<16xi32>,
        %bitcast3A_1872 = vector.bitcast %get3A_1871 : vector<16xi32> to vector<32xbf16>
        %unpack3A_1873 = tpu.unpack_subelements %bitcast3A_1872, 0 {pack_format = #tpu.pack_format<interleaved>} : vector<32xbf16> -> vector<16xf32>
        %unpack3A_1874 = tpu.unpack_subelements %bitcast3A_1872, 1 {pack_format = #tpu.pack_format<interleaved>} : vector<32xbf16> -> vector<16xf32>
        %mul3A_1875 = arith.mulf %unpack3A_1866, %unpack3A_1873 : vector<16xf32>
        %add3A_1876 = arith.addf %add3A_1860, %mul3A_1875 : vector<16xf32>
        %mul3A_1877 = arith.mulf %unpack3A_1867, %unpack3A_1874 : vector<16xf32>
        %add3A_1878 = arith.addf %add3A_1876, %mul3A_1877 : vector<16xf32>
        %get3A_1879 = arith.index_cast %rem3A_39 : i32 to index
        %get3A_1880 = arith.index_cast %add3A_1804 : i32 to index
        %get3A_1881 = arith.constant 64 : index
        %get3A_1882 = tpu.vector_load %arg8[%get3A_1879, %get3A_1880, %get3A_1881] {strides = array<i32>} : memref<2x200x128xi32, #tpu.memory_space<vmem>>, vector<16xi32>,
        %bitcast3A_1883 = vector.bitcast %get3A_1882 : vector<16xi32> to vector<32xbf16>
        %unpack3A_1884 = tpu.unpack_subelements %bitcast3A_1883, 0 {pack_format = #tpu.pack_format<interleaved>} : vector<32xbf16> -> vector<16xf32>
        %unpack3A_1885 = tpu.unpack_subelements %bitcast3A_1883, 1 {pack_format = #tpu.pack_format<interleaved>} : vector<32xbf16> -> vector<16xf32>
        %get3A_1886 = arith.index_cast %rem3A_39 : i32 to index
        %get3A_1887 = arith.index_cast %add3A_1804 : i32 to index
        %get3A_1888 = arith.constant 64 : index
        %get3A_1889 = tpu.vector_load %arg9[%get3A_1886, %get3A_1887, %get3A_1888] {strides = array<i32>} : memref<2x200x128xi32, #tpu.memory_space<vmem>>, vector<16xi32>,
        %bitcast3A_1890 = vector.bitcast %get3A_1889 : vector<16xi32> to vector<32xbf16>
        %unpack3A_1891 = tpu.unpack_subelements %bitcast3A_1890, 0 {pack_format = #tpu.pack_format<interleaved>} : vector<32xbf16> -> vector<16xf32>
        %unpack3A_1892 = tpu.unpack_subelements %bitcast3A_1890, 1 {pack_format = #tpu.pack_format<interleaved>} : vector<32xbf16> -> vector<16xf32>
        %mul3A_1893 = arith.mulf %unpack3A_1884, %unpack3A_1891 : vector<16xf32>
        %add3A_1894 = arith.addf %add3A_1878, %mul3A_1893 : vector<16xf32>
        %mul3A_1895 = arith.mulf %unpack3A_1885, %unpack3A_1892 : vector<16xf32>
        %add3A_1896 = arith.addf %add3A_1894, %mul3A_1895 : vector<16xf32>
        %get3A_1897 = arith.index_cast %rem3A_39 : i32 to index
        %get3A_1898 = arith.index_cast %add3A_1804 : i32 to index
        %get3A_1899 = arith.constant 80 : index
        %get3A_1900 = tpu.vector_load %arg8[%get3A_1897, %get3A_1898, %get3A_1899] {strides = array<i32>} : memref<2x200x128xi32, #tpu.memory_space<vmem>>, vector<16xi32>,
        %bitcast3A_1901 = vector.bitcast %get3A_1900 : vector<16xi32> to vector<32xbf16>
        %unpack3A_1902 = tpu.unpack_subelements %bitcast3A_1901, 0 {pack_format = #tpu.pack_format<interleaved>} : vector<32xbf16> -> vector<16xf32>
        %unpack3A_1903 = tpu.unpack_subelements %bitcast3A_1901, 1 {pack_format = #tpu.pack_format<interleaved>} : vector<32xbf16> -> vector<16xf32>
        %get3A_1904 = arith.index_cast %rem3A_39 : i32 to index
        %get3A_1905 = arith.index_cast %add3A_1804 : i32 to index
        %get3A_1906 = arith.constant 80 : index
        %get3A_1907 = tpu.vector_load %arg9[%get3A_1904, %get3A_1905, %get3A_1906] {strides = array<i32>} : memref<2x200x128xi32, #tpu.memory_space<vmem>>, vector<16xi32>,
        %bitcast3A_1908 = vector.bitcast %get3A_1907 : vector<16xi32> to vector<32xbf16>
        %unpack3A_1909 = tpu.unpack_subelements %bitcast3A_1908, 0 {pack_format = #tpu.pack_format<interleaved>} : vector<32xbf16> -> vector<16xf32>
        %unpack3A_1910 = tpu.unpack_subelements %bitcast3A_1908, 1 {pack_format = #tpu.pack_format<interleaved>} : vector<32xbf16> -> vector<16xf32>
        %mul3A_1911 = arith.mulf %unpack3A_1902, %unpack3A_1909 : vector<16xf32>
        %add3A_1912 = arith.addf %add3A_1896, %mul3A_1911 : vector<16xf32>
        %mul3A_1913 = arith.mulf %unpack3A_1903, %unpack3A_1910 : vector<16xf32>
        %add3A_1914 = arith.addf %add3A_1912, %mul3A_1913 : vector<16xf32>
        %get3A_1915 = arith.index_cast %rem3A_39 : i32 to index
        %get3A_1916 = arith.index_cast %add3A_1804 : i32 to index
        %get3A_1917 = arith.constant 96 : index
        %get3A_1918 = tpu.vector_load %arg8[%get3A_1915, %get3A_1916, %get3A_1917] {strides = array<i32>} : memref<2x200x128xi32, #tpu.memory_space<vmem>>, vector<16xi32>,
        %bitcast3A_1919 = vector.bitcast %get3A_1918 : vector<16xi32> to vector<32xbf16>
        %unpack3A_1920 = tpu.unpack_subelements %bitcast3A_1919, 0 {pack_format = #tpu.pack_format<interleaved>} : vector<32xbf16> -> vector<16xf32>
        %unpack3A_1921 = tpu.unpack_subelements %bitcast3A_1919, 1 {pack_format = #tpu.pack_format<interleaved>} : vector<32xbf16> -> vector<16xf32>
        %get3A_1922 = arith.index_cast %rem3A_39 : i32 to index
        %get3A_1923 = arith.index_cast %add3A_1804 : i32 to index
        %get3A_1924 = arith.constant 96 : index
        %get3A_1925 = tpu.vector_load %arg9[%get3A_1922, %get3A_1923, %get3A_1924] {strides = array<i32>} : memref<2x200x128xi32, #tpu.memory_space<vmem>>, vector<16xi32>,
        %bitcast3A_1926 = vector.bitcast %get3A_1925 : vector<16xi32> to vector<32xbf16>
        %unpack3A_1927 = tpu.unpack_subelements %bitcast3A_1926, 0 {pack_format = #tpu.pack_format<interleaved>} : vector<32xbf16> -> vector<16xf32>
        %unpack3A_1928 = tpu.unpack_subelements %bitcast3A_1926, 1 {pack_format = #tpu.pack_format<interleaved>} : vector<32xbf16> -> vector<16xf32>
        %mul3A_1929 = arith.mulf %unpack3A_1920, %unpack3A_1927 : vector<16xf32>
        %add3A_1930 = arith.addf %add3A_1914, %mul3A_1929 : vector<16xf32>
        %mul3A_1931 = arith.mulf %unpack3A_1921, %unpack3A_1928 : vector<16xf32>
        %add3A_1932 = arith.addf %add3A_1930, %mul3A_1931 : vector<16xf32>
        %get3A_1933 = arith.index_cast %rem3A_39 : i32 to index
        %get3A_1934 = arith.index_cast %add3A_1804 : i32 to index
        %get3A_1935 = arith.constant 112 : index
        %get3A_1936 = tpu.vector_load %arg8[%get3A_1933, %get3A_1934, %get3A_1935] {strides = array<i32>} : memref<2x200x128xi32, #tpu.memory_space<vmem>>, vector<16xi32>,
        %bitcast3A_1937 = vector.bitcast %get3A_1936 : vector<16xi32> to vector<32xbf16>
        %unpack3A_1938 = tpu.unpack_subelements %bitcast3A_1937, 0 {pack_format = #tpu.pack_format<interleaved>} : vector<32xbf16> -> vector<16xf32>
        %unpack3A_1939 = tpu.unpack_subelements %bitcast3A_1937, 1 {pack_format = #tpu.pack_format<interleaved>} : vector<32xbf16> -> vector<16xf32>
        %get3A_1940 = arith.index_cast %rem3A_39 : i32 to index
        %get3A_1941 = arith.index_cast %add3A_1804 : i32 to index
        %get3A_1942 = arith.constant 112 : index
        %get3A_1943 = tpu.vector_load %arg9[%get3A_1940, %get3A_1941, %get3A_1942] {strides = array<i32>} : memref<2x200x128xi32, #tpu.memory_space<vmem>>, vector<16xi32>,
        %bitcast3A_1944 = vector.bitcast %get3A_1943 : vector<16xi32> to vector<32xbf16>
        %unpack3A_1945 = tpu.unpack_subelements %bitcast3A_1944, 0 {pack_format = #tpu.pack_format<interleaved>} : vector<32xbf16> -> vector<16xf32>
        %unpack3A_1946 = tpu.unpack_subelements %bitcast3A_1944, 1 {pack_format = #tpu.pack_format<interleaved>} : vector<32xbf16> -> vector<16xf32>
        %mul3A_1947 = arith.mulf %unpack3A_1938, %unpack3A_1945 : vector<16xf32>
        %add3A_1948 = arith.addf %add3A_1932, %mul3A_1947 : vector<16xf32>
        %mul3A_1949 = arith.mulf %unpack3A_1939, %unpack3A_1946 : vector<16xf32>
        %add3A_1950 = arith.addf %add3A_1948, %mul3A_1949 : vector<16xf32>
        %eq3A_1951 = arith.constant 11 : i32
        %eq3A_1952 = vector.broadcast %eq3A_1951 : i32 to vector<16xi32>
        %eq3A_1953 = arith.cmpi eq, %iota3A, %eq3A_1952 : vector<16xi32>
        %reduce_sum3A_1954 = arith.constant true
        %reduce_sum3A_1955 = vector.broadcast %reduce_sum3A_1954 : i1 to vector<16xi1>
        %reduce_sum3A_1956 = tpu.scan <sum>, %add3A_1950 masked %reduce_sum3A_1955 : vector<16xf32>, vector<16xi1> -> vector<16xf32>
        %reduce_sum3A_1957 = vector.extract %reduce_sum3A_1956[15] : f32 from vector<16xf32>
        %broadcast_in_dim3A_1958 = vector.broadcast %reduce_sum3A_1957 : f32 to vector<16xf32>
        %select_n3A_1959 = arith.select %eq3A_1953, %broadcast_in_dim3A_1958, %select_n3A_1802 : vector<16xi1>, vector<16xf32>
        %add3A_1960 = arith.constant 12 : i32
        %add3A_1961 = arith.addi %min3A_80, %add3A_1960 : i32
        %broadcast_in_dim3A_1962 = arith.constant 0.000000e+00 : f32
        %broadcast_in_dim3A_1963 = vector.broadcast %broadcast_in_dim3A_1962 : f32 to vector<16xf32>
        %get3A_1964 = arith.index_cast %rem3A_39 : i32 to index
        %get3A_1965 = arith.index_cast %add3A_1961 : i32 to index
        %get3A_1966 = arith.constant 0 : index
        %get3A_1967 = tpu.vector_load %arg8[%get3A_1964, %get3A_1965, %get3A_1966] {strides = array<i32>} : memref<2x200x128xi32, #tpu.memory_space<vmem>>, vector<16xi32>,
        %bitcast3A_1968 = vector.bitcast %get3A_1967 : vector<16xi32> to vector<32xbf16>
        %unpack3A_1969 = tpu.unpack_subelements %bitcast3A_1968, 0 {pack_format = #tpu.pack_format<interleaved>} : vector<32xbf16> -> vector<16xf32>
        %unpack3A_1970 = tpu.unpack_subelements %bitcast3A_1968, 1 {pack_format = #tpu.pack_format<interleaved>} : vector<32xbf16> -> vector<16xf32>
        %get3A_1971 = arith.index_cast %rem3A_39 : i32 to index
        %get3A_1972 = arith.index_cast %add3A_1961 : i32 to index
        %get3A_1973 = arith.constant 0 : index
        %get3A_1974 = tpu.vector_load %arg9[%get3A_1971, %get3A_1972, %get3A_1973] {strides = array<i32>} : memref<2x200x128xi32, #tpu.memory_space<vmem>>, vector<16xi32>,
        %bitcast3A_1975 = vector.bitcast %get3A_1974 : vector<16xi32> to vector<32xbf16>
        %unpack3A_1976 = tpu.unpack_subelements %bitcast3A_1975, 0 {pack_format = #tpu.pack_format<interleaved>} : vector<32xbf16> -> vector<16xf32>
        %unpack3A_1977 = tpu.unpack_subelements %bitcast3A_1975, 1 {pack_format = #tpu.pack_format<interleaved>} : vector<32xbf16> -> vector<16xf32>
        %mul3A_1978 = arith.mulf %unpack3A_1969, %unpack3A_1976 : vector<16xf32>
        %add3A_1979 = arith.addf %broadcast_in_dim3A_1963, %mul3A_1978 : vector<16xf32>
        %mul3A_1980 = arith.mulf %unpack3A_1970, %unpack3A_1977 : vector<16xf32>
        %add3A_1981 = arith.addf %add3A_1979, %mul3A_1980 : vector<16xf32>
        %get3A_1982 = arith.index_cast %rem3A_39 : i32 to index
        %get3A_1983 = arith.index_cast %add3A_1961 : i32 to index
        %get3A_1984 = arith.constant 16 : index
        %get3A_1985 = tpu.vector_load %arg8[%get3A_1982, %get3A_1983, %get3A_1984] {strides = array<i32>} : memref<2x200x128xi32, #tpu.memory_space<vmem>>, vector<16xi32>,
        %bitcast3A_1986 = vector.bitcast %get3A_1985 : vector<16xi32> to vector<32xbf16>
        %unpack3A_1987 = tpu.unpack_subelements %bitcast3A_1986, 0 {pack_format = #tpu.pack_format<interleaved>} : vector<32xbf16> -> vector<16xf32>
        %unpack3A_1988 = tpu.unpack_subelements %bitcast3A_1986, 1 {pack_format = #tpu.pack_format<interleaved>} : vector<32xbf16> -> vector<16xf32>
        %get3A_1989 = arith.index_cast %rem3A_39 : i32 to index
        %get3A_1990 = arith.index_cast %add3A_1961 : i32 to index
        %get3A_1991 = arith.constant 16 : index
        %get3A_1992 = tpu.vector_load %arg9[%get3A_1989, %get3A_1990, %get3A_1991] {strides = array<i32>} : memref<2x200x128xi32, #tpu.memory_space<vmem>>, vector<16xi32>,
        %bitcast3A_1993 = vector.bitcast %get3A_1992 : vector<16xi32> to vector<32xbf16>
        %unpack3A_1994 = tpu.unpack_subelements %bitcast3A_1993, 0 {pack_format = #tpu.pack_format<interleaved>} : vector<32xbf16> -> vector<16xf32>
        %unpack3A_1995 = tpu.unpack_subelements %bitcast3A_1993, 1 {pack_format = #tpu.pack_format<interleaved>} : vector<32xbf16> -> vector<16xf32>
        %mul3A_1996 = arith.mulf %unpack3A_1987, %unpack3A_1994 : vector<16xf32>
        %add3A_1997 = arith.addf %add3A_1981, %mul3A_1996 : vector<16xf32>
        %mul3A_1998 = arith.mulf %unpack3A_1988, %unpack3A_1995 : vector<16xf32>
        %add3A_1999 = arith.addf %add3A_1997, %mul3A_1998 : vector<16xf32>
        %get3A_2000 = arith.index_cast %rem3A_39 : i32 to index
        %get3A_2001 = arith.index_cast %add3A_1961 : i32 to index
        %get3A_2002 = arith.constant 32 : index
        %get3A_2003 = tpu.vector_load %arg8[%get3A_2000, %get3A_2001, %get3A_2002] {strides = array<i32>} : memref<2x200x128xi32, #tpu.memory_space<vmem>>, vector<16xi32>,
        %bitcast3A_2004 = vector.bitcast %get3A_2003 : vector<16xi32> to vector<32xbf16>
        %unpack3A_2005 = tpu.unpack_subelements %bitcast3A_2004, 0 {pack_format = #tpu.pack_format<interleaved>} : vector<32xbf16> -> vector<16xf32>
        %unpack3A_2006 = tpu.unpack_subelements %bitcast3A_2004, 1 {pack_format = #tpu.pack_format<interleaved>} : vector<32xbf16> -> vector<16xf32>
        %get3A_2007 = arith.index_cast %rem3A_39 : i32 to index
        %get3A_2008 = arith.index_cast %add3A_1961 : i32 to index
        %get3A_2009 = arith.constant 32 : index
        %get3A_2010 = tpu.vector_load %arg9[%get3A_2007, %get3A_2008, %get3A_2009] {strides = array<i32>} : memref<2x200x128xi32, #tpu.memory_space<vmem>>, vector<16xi32>,
        %bitcast3A_2011 = vector.bitcast %get3A_2010 : vector<16xi32> to vector<32xbf16>
        %unpack3A_2012 = tpu.unpack_subelements %bitcast3A_2011, 0 {pack_format = #tpu.pack_format<interleaved>} : vector<32xbf16> -> vector<16xf32>
        %unpack3A_2013 = tpu.unpack_subelements %bitcast3A_2011, 1 {pack_format = #tpu.pack_format<interleaved>} : vector<32xbf16> -> vector<16xf32>
        %mul3A_2014 = arith.mulf %unpack3A_2005, %unpack3A_2012 : vector<16xf32>
        %add3A_2015 = arith.addf %add3A_1999, %mul3A_2014 : vector<16xf32>
        %mul3A_2016 = arith.mulf %unpack3A_2006, %unpack3A_2013 : vector<16xf32>
        %add3A_2017 = arith.addf %add3A_2015, %mul3A_2016 : vector<16xf32>
        %get3A_2018 = arith.index_cast %rem3A_39 : i32 to index
        %get3A_2019 = arith.index_cast %add3A_1961 : i32 to index
        %get3A_2020 = arith.constant 48 : index
        %get3A_2021 = tpu.vector_load %arg8[%get3A_2018, %get3A_2019, %get3A_2020] {strides = array<i32>} : memref<2x200x128xi32, #tpu.memory_space<vmem>>, vector<16xi32>,
        %bitcast3A_2022 = vector.bitcast %get3A_2021 : vector<16xi32> to vector<32xbf16>
        %unpack3A_2023 = tpu.unpack_subelements %bitcast3A_2022, 0 {pack_format = #tpu.pack_format<interleaved>} : vector<32xbf16> -> vector<16xf32>
        %unpack3A_2024 = tpu.unpack_subelements %bitcast3A_2022, 1 {pack_format = #tpu.pack_format<interleaved>} : vector<32xbf16> -> vector<16xf32>
        %get3A_2025 = arith.index_cast %rem3A_39 : i32 to index
        %get3A_2026 = arith.index_cast %add3A_1961 : i32 to index
        %get3A_2027 = arith.constant 48 : index
        %get3A_2028 = tpu.vector_load %arg9[%get3A_2025, %get3A_2026, %get3A_2027] {strides = array<i32>} : memref<2x200x128xi32, #tpu.memory_space<vmem>>, vector<16xi32>,
        %bitcast3A_2029 = vector.bitcast %get3A_2028 : vector<16xi32> to vector<32xbf16>
        %unpack3A_2030 = tpu.unpack_subelements %bitcast3A_2029, 0 {pack_format = #tpu.pack_format<interleaved>} : vector<32xbf16> -> vector<16xf32>
        %unpack3A_2031 = tpu.unpack_subelements %bitcast3A_2029, 1 {pack_format = #tpu.pack_format<interleaved>} : vector<32xbf16> -> vector<16xf32>
        %mul3A_2032 = arith.mulf %unpack3A_2023, %unpack3A_2030 : vector<16xf32>
        %add3A_2033 = arith.addf %add3A_2017, %mul3A_2032 : vector<16xf32>
        %mul3A_2034 = arith.mulf %unpack3A_2024, %unpack3A_2031 : vector<16xf32>
        %add3A_2035 = arith.addf %add3A_2033, %mul3A_2034 : vector<16xf32>
        %get3A_2036 = arith.index_cast %rem3A_39 : i32 to index
        %get3A_2037 = arith.index_cast %add3A_1961 : i32 to index
        %get3A_2038 = arith.constant 64 : index
        %get3A_2039 = tpu.vector_load %arg8[%get3A_2036, %get3A_2037, %get3A_2038] {strides = array<i32>} : memref<2x200x128xi32, #tpu.memory_space<vmem>>, vector<16xi32>,
        %bitcast3A_2040 = vector.bitcast %get3A_2039 : vector<16xi32> to vector<32xbf16>
        %unpack3A_2041 = tpu.unpack_subelements %bitcast3A_2040, 0 {pack_format = #tpu.pack_format<interleaved>} : vector<32xbf16> -> vector<16xf32>
        %unpack3A_2042 = tpu.unpack_subelements %bitcast3A_2040, 1 {pack_format = #tpu.pack_format<interleaved>} : vector<32xbf16> -> vector<16xf32>
        %get3A_2043 = arith.index_cast %rem3A_39 : i32 to index
        %get3A_2044 = arith.index_cast %add3A_1961 : i32 to index
        %get3A_2045 = arith.constant 64 : index
        %get3A_2046 = tpu.vector_load %arg9[%get3A_2043, %get3A_2044, %get3A_2045] {strides = array<i32>} : memref<2x200x128xi32, #tpu.memory_space<vmem>>, vector<16xi32>,
        %bitcast3A_2047 = vector.bitcast %get3A_2046 : vector<16xi32> to vector<32xbf16>
        %unpack3A_2048 = tpu.unpack_subelements %bitcast3A_2047, 0 {pack_format = #tpu.pack_format<interleaved>} : vector<32xbf16> -> vector<16xf32>
        %unpack3A_2049 = tpu.unpack_subelements %bitcast3A_2047, 1 {pack_format = #tpu.pack_format<interleaved>} : vector<32xbf16> -> vector<16xf32>
        %mul3A_2050 = arith.mulf %unpack3A_2041, %unpack3A_2048 : vector<16xf32>
        %add3A_2051 = arith.addf %add3A_2035, %mul3A_2050 : vector<16xf32>
        %mul3A_2052 = arith.mulf %unpack3A_2042, %unpack3A_2049 : vector<16xf32>
        %add3A_2053 = arith.addf %add3A_2051, %mul3A_2052 : vector<16xf32>
        %get3A_2054 = arith.index_cast %rem3A_39 : i32 to index
        %get3A_2055 = arith.index_cast %add3A_1961 : i32 to index
        %get3A_2056 = arith.constant 80 : index
        %get3A_2057 = tpu.vector_load %arg8[%get3A_2054, %get3A_2055, %get3A_2056] {strides = array<i32>} : memref<2x200x128xi32, #tpu.memory_space<vmem>>, vector<16xi32>,
        %bitcast3A_2058 = vector.bitcast %get3A_2057 : vector<16xi32> to vector<32xbf16>
        %unpack3A_2059 = tpu.unpack_subelements %bitcast3A_2058, 0 {pack_format = #tpu.pack_format<interleaved>} : vector<32xbf16> -> vector<16xf32>
        %unpack3A_2060 = tpu.unpack_subelements %bitcast3A_2058, 1 {pack_format = #tpu.pack_format<interleaved>} : vector<32xbf16> -> vector<16xf32>
        %get3A_2061 = arith.index_cast %rem3A_39 : i32 to index
        %get3A_2062 = arith.index_cast %add3A_1961 : i32 to index
        %get3A_2063 = arith.constant 80 : index
        %get3A_2064 = tpu.vector_load %arg9[%get3A_2061, %get3A_2062, %get3A_2063] {strides = array<i32>} : memref<2x200x128xi32, #tpu.memory_space<vmem>>, vector<16xi32>,
        %bitcast3A_2065 = vector.bitcast %get3A_2064 : vector<16xi32> to vector<32xbf16>
        %unpack3A_2066 = tpu.unpack_subelements %bitcast3A_2065, 0 {pack_format = #tpu.pack_format<interleaved>} : vector<32xbf16> -> vector<16xf32>
        %unpack3A_2067 = tpu.unpack_subelements %bitcast3A_2065, 1 {pack_format = #tpu.pack_format<interleaved>} : vector<32xbf16> -> vector<16xf32>
        %mul3A_2068 = arith.mulf %unpack3A_2059, %unpack3A_2066 : vector<16xf32>
        %add3A_2069 = arith.addf %add3A_2053, %mul3A_2068 : vector<16xf32>
        %mul3A_2070 = arith.mulf %unpack3A_2060, %unpack3A_2067 : vector<16xf32>
        %add3A_2071 = arith.addf %add3A_2069, %mul3A_2070 : vector<16xf32>
        %get3A_2072 = arith.index_cast %rem3A_39 : i32 to index
        %get3A_2073 = arith.index_cast %add3A_1961 : i32 to index
        %get3A_2074 = arith.constant 96 : index
        %get3A_2075 = tpu.vector_load %arg8[%get3A_2072, %get3A_2073, %get3A_2074] {strides = array<i32>} : memref<2x200x128xi32, #tpu.memory_space<vmem>>, vector<16xi32>,
        %bitcast3A_2076 = vector.bitcast %get3A_2075 : vector<16xi32> to vector<32xbf16>
        %unpack3A_2077 = tpu.unpack_subelements %bitcast3A_2076, 0 {pack_format = #tpu.pack_format<interleaved>} : vector<32xbf16> -> vector<16xf32>
        %unpack3A_2078 = tpu.unpack_subelements %bitcast3A_2076, 1 {pack_format = #tpu.pack_format<interleaved>} : vector<32xbf16> -> vector<16xf32>
        %get3A_2079 = arith.index_cast %rem3A_39 : i32 to index
        %get3A_2080 = arith.index_cast %add3A_1961 : i32 to index
        %get3A_2081 = arith.constant 96 : index
        %get3A_2082 = tpu.vector_load %arg9[%get3A_2079, %get3A_2080, %get3A_2081] {strides = array<i32>} : memref<2x200x128xi32, #tpu.memory_space<vmem>>, vector<16xi32>,
        %bitcast3A_2083 = vector.bitcast %get3A_2082 : vector<16xi32> to vector<32xbf16>
        %unpack3A_2084 = tpu.unpack_subelements %bitcast3A_2083, 0 {pack_format = #tpu.pack_format<interleaved>} : vector<32xbf16> -> vector<16xf32>
        %unpack3A_2085 = tpu.unpack_subelements %bitcast3A_2083, 1 {pack_format = #tpu.pack_format<interleaved>} : vector<32xbf16> -> vector<16xf32>
        %mul3A_2086 = arith.mulf %unpack3A_2077, %unpack3A_2084 : vector<16xf32>
        %add3A_2087 = arith.addf %add3A_2071, %mul3A_2086 : vector<16xf32>
        %mul3A_2088 = arith.mulf %unpack3A_2078, %unpack3A_2085 : vector<16xf32>
        %add3A_2089 = arith.addf %add3A_2087, %mul3A_2088 : vector<16xf32>
        %get3A_2090 = arith.index_cast %rem3A_39 : i32 to index
        %get3A_2091 = arith.index_cast %add3A_1961 : i32 to index
        %get3A_2092 = arith.constant 112 : index
        %get3A_2093 = tpu.vector_load %arg8[%get3A_2090, %get3A_2091, %get3A_2092] {strides = array<i32>} : memref<2x200x128xi32, #tpu.memory_space<vmem>>, vector<16xi32>,
        %bitcast3A_2094 = vector.bitcast %get3A_2093 : vector<16xi32> to vector<32xbf16>
        %unpack3A_2095 = tpu.unpack_subelements %bitcast3A_2094, 0 {pack_format = #tpu.pack_format<interleaved>} : vector<32xbf16> -> vector<16xf32>
        %unpack3A_2096 = tpu.unpack_subelements %bitcast3A_2094, 1 {pack_format = #tpu.pack_format<interleaved>} : vector<32xbf16> -> vector<16xf32>
        %get3A_2097 = arith.index_cast %rem3A_39 : i32 to index
        %get3A_2098 = arith.index_cast %add3A_1961 : i32 to index
        %get3A_2099 = arith.constant 112 : index
        %get3A_2100 = tpu.vector_load %arg9[%get3A_2097, %get3A_2098, %get3A_2099] {strides = array<i32>} : memref<2x200x128xi32, #tpu.memory_space<vmem>>, vector<16xi32>,
        %bitcast3A_2101 = vector.bitcast %get3A_2100 : vector<16xi32> to vector<32xbf16>
        %unpack3A_2102 = tpu.unpack_subelements %bitcast3A_2101, 0 {pack_format = #tpu.pack_format<interleaved>} : vector<32xbf16> -> vector<16xf32>
        %unpack3A_2103 = tpu.unpack_subelements %bitcast3A_2101, 1 {pack_format = #tpu.pack_format<interleaved>} : vector<32xbf16> -> vector<16xf32>
        %mul3A_2104 = arith.mulf %unpack3A_2095, %unpack3A_2102 : vector<16xf32>
        %add3A_2105 = arith.addf %add3A_2089, %mul3A_2104 : vector<16xf32>
        %mul3A_2106 = arith.mulf %unpack3A_2096, %unpack3A_2103 : vector<16xf32>
        %add3A_2107 = arith.addf %add3A_2105, %mul3A_2106 : vector<16xf32>
        %eq3A_2108 = arith.constant 12 : i32
        %eq3A_2109 = vector.broadcast %eq3A_2108 : i32 to vector<16xi32>
        %eq3A_2110 = arith.cmpi eq, %iota3A, %eq3A_2109 : vector<16xi32>
        %reduce_sum3A_2111 = arith.constant true
        %reduce_sum3A_2112 = vector.broadcast %reduce_sum3A_2111 : i1 to vector<16xi1>
        %reduce_sum3A_2113 = tpu.scan <sum>, %add3A_2107 masked %reduce_sum3A_2112 : vector<16xf32>, vector<16xi1> -> vector<16xf32>
        %reduce_sum3A_2114 = vector.extract %reduce_sum3A_2113[15] : f32 from vector<16xf32>
        %broadcast_in_dim3A_2115 = vector.broadcast %reduce_sum3A_2114 : f32 to vector<16xf32>
        %select_n3A_2116 = arith.select %eq3A_2110, %broadcast_in_dim3A_2115, %select_n3A_1959 : vector<16xi1>, vector<16xf32>
        %add3A_2117 = arith.constant 13 : i32
        %add3A_2118 = arith.addi %min3A_80, %add3A_2117 : i32
        %broadcast_in_dim3A_2119 = arith.constant 0.000000e+00 : f32
        %broadcast_in_dim3A_2120 = vector.broadcast %broadcast_in_dim3A_2119 : f32 to vector<16xf32>
        %get3A_2121 = arith.index_cast %rem3A_39 : i32 to index
        %get3A_2122 = arith.index_cast %add3A_2118 : i32 to index
        %get3A_2123 = arith.constant 0 : index
        %get3A_2124 = tpu.vector_load %arg8[%get3A_2121, %get3A_2122, %get3A_2123] {strides = array<i32>} : memref<2x200x128xi32, #tpu.memory_space<vmem>>, vector<16xi32>,
        %bitcast3A_2125 = vector.bitcast %get3A_2124 : vector<16xi32> to vector<32xbf16>
        %unpack3A_2126 = tpu.unpack_subelements %bitcast3A_2125, 0 {pack_format = #tpu.pack_format<interleaved>} : vector<32xbf16> -> vector<16xf32>
        %unpack3A_2127 = tpu.unpack_subelements %bitcast3A_2125, 1 {pack_format = #tpu.pack_format<interleaved>} : vector<32xbf16> -> vector<16xf32>
        %get3A_2128 = arith.index_cast %rem3A_39 : i32 to index
        %get3A_2129 = arith.index_cast %add3A_2118 : i32 to index
        %get3A_2130 = arith.constant 0 : index
        %get3A_2131 = tpu.vector_load %arg9[%get3A_2128, %get3A_2129, %get3A_2130] {strides = array<i32>} : memref<2x200x128xi32, #tpu.memory_space<vmem>>, vector<16xi32>,
        %bitcast3A_2132 = vector.bitcast %get3A_2131 : vector<16xi32> to vector<32xbf16>
        %unpack3A_2133 = tpu.unpack_subelements %bitcast3A_2132, 0 {pack_format = #tpu.pack_format<interleaved>} : vector<32xbf16> -> vector<16xf32>
        %unpack3A_2134 = tpu.unpack_subelements %bitcast3A_2132, 1 {pack_format = #tpu.pack_format<interleaved>} : vector<32xbf16> -> vector<16xf32>
        %mul3A_2135 = arith.mulf %unpack3A_2126, %unpack3A_2133 : vector<16xf32>
        %add3A_2136 = arith.addf %broadcast_in_dim3A_2120, %mul3A_2135 : vector<16xf32>
        %mul3A_2137 = arith.mulf %unpack3A_2127, %unpack3A_2134 : vector<16xf32>
        %add3A_2138 = arith.addf %add3A_2136, %mul3A_2137 : vector<16xf32>
        %get3A_2139 = arith.index_cast %rem3A_39 : i32 to index
        %get3A_2140 = arith.index_cast %add3A_2118 : i32 to index
        %get3A_2141 = arith.constant 16 : index
        %get3A_2142 = tpu.vector_load %arg8[%get3A_2139, %get3A_2140, %get3A_2141] {strides = array<i32>} : memref<2x200x128xi32, #tpu.memory_space<vmem>>, vector<16xi32>,
        %bitcast3A_2143 = vector.bitcast %get3A_2142 : vector<16xi32> to vector<32xbf16>
        %unpack3A_2144 = tpu.unpack_subelements %bitcast3A_2143, 0 {pack_format = #tpu.pack_format<interleaved>} : vector<32xbf16> -> vector<16xf32>
        %unpack3A_2145 = tpu.unpack_subelements %bitcast3A_2143, 1 {pack_format = #tpu.pack_format<interleaved>} : vector<32xbf16> -> vector<16xf32>
        %get3A_2146 = arith.index_cast %rem3A_39 : i32 to index
        %get3A_2147 = arith.index_cast %add3A_2118 : i32 to index
        %get3A_2148 = arith.constant 16 : index
        %get3A_2149 = tpu.vector_load %arg9[%get3A_2146, %get3A_2147, %get3A_2148] {strides = array<i32>} : memref<2x200x128xi32, #tpu.memory_space<vmem>>, vector<16xi32>,
        %bitcast3A_2150 = vector.bitcast %get3A_2149 : vector<16xi32> to vector<32xbf16>
        %unpack3A_2151 = tpu.unpack_subelements %bitcast3A_2150, 0 {pack_format = #tpu.pack_format<interleaved>} : vector<32xbf16> -> vector<16xf32>
        %unpack3A_2152 = tpu.unpack_subelements %bitcast3A_2150, 1 {pack_format = #tpu.pack_format<interleaved>} : vector<32xbf16> -> vector<16xf32>
        %mul3A_2153 = arith.mulf %unpack3A_2144, %unpack3A_2151 : vector<16xf32>
        %add3A_2154 = arith.addf %add3A_2138, %mul3A_2153 : vector<16xf32>
        %mul3A_2155 = arith.mulf %unpack3A_2145, %unpack3A_2152 : vector<16xf32>
        %add3A_2156 = arith.addf %add3A_2154, %mul3A_2155 : vector<16xf32>
        %get3A_2157 = arith.index_cast %rem3A_39 : i32 to index
        %get3A_2158 = arith.index_cast %add3A_2118 : i32 to index
        %get3A_2159 = arith.constant 32 : index
        %get3A_2160 = tpu.vector_load %arg8[%get3A_2157, %get3A_2158, %get3A_2159] {strides = array<i32>} : memref<2x200x128xi32, #tpu.memory_space<vmem>>, vector<16xi32>,
        %bitcast3A_2161 = vector.bitcast %get3A_2160 : vector<16xi32> to vector<32xbf16>
        %unpack3A_2162 = tpu.unpack_subelements %bitcast3A_2161, 0 {pack_format = #tpu.pack_format<interleaved>} : vector<32xbf16> -> vector<16xf32>
        %unpack3A_2163 = tpu.unpack_subelements %bitcast3A_2161, 1 {pack_format = #tpu.pack_format<interleaved>} : vector<32xbf16> -> vector<16xf32>
        %get3A_2164 = arith.index_cast %rem3A_39 : i32 to index
        %get3A_2165 = arith.index_cast %add3A_2118 : i32 to index
        %get3A_2166 = arith.constant 32 : index
        %get3A_2167 = tpu.vector_load %arg9[%get3A_2164, %get3A_2165, %get3A_2166] {strides = array<i32>} : memref<2x200x128xi32, #tpu.memory_space<vmem>>, vector<16xi32>,
        %bitcast3A_2168 = vector.bitcast %get3A_2167 : vector<16xi32> to vector<32xbf16>
        %unpack3A_2169 = tpu.unpack_subelements %bitcast3A_2168, 0 {pack_format = #tpu.pack_format<interleaved>} : vector<32xbf16> -> vector<16xf32>
        %unpack3A_2170 = tpu.unpack_subelements %bitcast3A_2168, 1 {pack_format = #tpu.pack_format<interleaved>} : vector<32xbf16> -> vector<16xf32>
        %mul3A_2171 = arith.mulf %unpack3A_2162, %unpack3A_2169 : vector<16xf32>
        %add3A_2172 = arith.addf %add3A_2156, %mul3A_2171 : vector<16xf32>
        %mul3A_2173 = arith.mulf %unpack3A_2163, %unpack3A_2170 : vector<16xf32>
        %add3A_2174 = arith.addf %add3A_2172, %mul3A_2173 : vector<16xf32>
        %get3A_2175 = arith.index_cast %rem3A_39 : i32 to index
        %get3A_2176 = arith.index_cast %add3A_2118 : i32 to index
        %get3A_2177 = arith.constant 48 : index
        %get3A_2178 = tpu.vector_load %arg8[%get3A_2175, %get3A_2176, %get3A_2177] {strides = array<i32>} : memref<2x200x128xi32, #tpu.memory_space<vmem>>, vector<16xi32>,
        %bitcast3A_2179 = vector.bitcast %get3A_2178 : vector<16xi32> to vector<32xbf16>
        %unpack3A_2180 = tpu.unpack_subelements %bitcast3A_2179, 0 {pack_format = #tpu.pack_format<interleaved>} : vector<32xbf16> -> vector<16xf32>
        %unpack3A_2181 = tpu.unpack_subelements %bitcast3A_2179, 1 {pack_format = #tpu.pack_format<interleaved>} : vector<32xbf16> -> vector<16xf32>
        %get3A_2182 = arith.index_cast %rem3A_39 : i32 to index
        %get3A_2183 = arith.index_cast %add3A_2118 : i32 to index
        %get3A_2184 = arith.constant 48 : index
        %get3A_2185 = tpu.vector_load %arg9[%get3A_2182, %get3A_2183, %get3A_2184] {strides = array<i32>} : memref<2x200x128xi32, #tpu.memory_space<vmem>>, vector<16xi32>,
        %bitcast3A_2186 = vector.bitcast %get3A_2185 : vector<16xi32> to vector<32xbf16>
        %unpack3A_2187 = tpu.unpack_subelements %bitcast3A_2186, 0 {pack_format = #tpu.pack_format<interleaved>} : vector<32xbf16> -> vector<16xf32>
        %unpack3A_2188 = tpu.unpack_subelements %bitcast3A_2186, 1 {pack_format = #tpu.pack_format<interleaved>} : vector<32xbf16> -> vector<16xf32>
        %mul3A_2189 = arith.mulf %unpack3A_2180, %unpack3A_2187 : vector<16xf32>
        %add3A_2190 = arith.addf %add3A_2174, %mul3A_2189 : vector<16xf32>
        %mul3A_2191 = arith.mulf %unpack3A_2181, %unpack3A_2188 : vector<16xf32>
        %add3A_2192 = arith.addf %add3A_2190, %mul3A_2191 : vector<16xf32>
        %get3A_2193 = arith.index_cast %rem3A_39 : i32 to index
        %get3A_2194 = arith.index_cast %add3A_2118 : i32 to index
        %get3A_2195 = arith.constant 64 : index
        %get3A_2196 = tpu.vector_load %arg8[%get3A_2193, %get3A_2194, %get3A_2195] {strides = array<i32>} : memref<2x200x128xi32, #tpu.memory_space<vmem>>, vector<16xi32>,
        %bitcast3A_2197 = vector.bitcast %get3A_2196 : vector<16xi32> to vector<32xbf16>
        %unpack3A_2198 = tpu.unpack_subelements %bitcast3A_2197, 0 {pack_format = #tpu.pack_format<interleaved>} : vector<32xbf16> -> vector<16xf32>
        %unpack3A_2199 = tpu.unpack_subelements %bitcast3A_2197, 1 {pack_format = #tpu.pack_format<interleaved>} : vector<32xbf16> -> vector<16xf32>
        %get3A_2200 = arith.index_cast %rem3A_39 : i32 to index
        %get3A_2201 = arith.index_cast %add3A_2118 : i32 to index
        %get3A_2202 = arith.constant 64 : index
        %get3A_2203 = tpu.vector_load %arg9[%get3A_2200, %get3A_2201, %get3A_2202] {strides = array<i32>} : memref<2x200x128xi32, #tpu.memory_space<vmem>>, vector<16xi32>,
        %bitcast3A_2204 = vector.bitcast %get3A_2203 : vector<16xi32> to vector<32xbf16>
        %unpack3A_2205 = tpu.unpack_subelements %bitcast3A_2204, 0 {pack_format = #tpu.pack_format<interleaved>} : vector<32xbf16> -> vector<16xf32>
        %unpack3A_2206 = tpu.unpack_subelements %bitcast3A_2204, 1 {pack_format = #tpu.pack_format<interleaved>} : vector<32xbf16> -> vector<16xf32>
        %mul3A_2207 = arith.mulf %unpack3A_2198, %unpack3A_2205 : vector<16xf32>
        %add3A_2208 = arith.addf %add3A_2192, %mul3A_2207 : vector<16xf32>
        %mul3A_2209 = arith.mulf %unpack3A_2199, %unpack3A_2206 : vector<16xf32>
        %add3A_2210 = arith.addf %add3A_2208, %mul3A_2209 : vector<16xf32>
        %get3A_2211 = arith.index_cast %rem3A_39 : i32 to index
        %get3A_2212 = arith.index_cast %add3A_2118 : i32 to index
        %get3A_2213 = arith.constant 80 : index
        %get3A_2214 = tpu.vector_load %arg8[%get3A_2211, %get3A_2212, %get3A_2213] {strides = array<i32>} : memref<2x200x128xi32, #tpu.memory_space<vmem>>, vector<16xi32>,
        %bitcast3A_2215 = vector.bitcast %get3A_2214 : vector<16xi32> to vector<32xbf16>
        %unpack3A_2216 = tpu.unpack_subelements %bitcast3A_2215, 0 {pack_format = #tpu.pack_format<interleaved>} : vector<32xbf16> -> vector<16xf32>
        %unpack3A_2217 = tpu.unpack_subelements %bitcast3A_2215, 1 {pack_format = #tpu.pack_format<interleaved>} : vector<32xbf16> -> vector<16xf32>
        %get3A_2218 = arith.index_cast %rem3A_39 : i32 to index
        %get3A_2219 = arith.index_cast %add3A_2118 : i32 to index
        %get3A_2220 = arith.constant 80 : index
        %get3A_2221 = tpu.vector_load %arg9[%get3A_2218, %get3A_2219, %get3A_2220] {strides = array<i32>} : memref<2x200x128xi32, #tpu.memory_space<vmem>>, vector<16xi32>,
        %bitcast3A_2222 = vector.bitcast %get3A_2221 : vector<16xi32> to vector<32xbf16>
        %unpack3A_2223 = tpu.unpack_subelements %bitcast3A_2222, 0 {pack_format = #tpu.pack_format<interleaved>} : vector<32xbf16> -> vector<16xf32>
        %unpack3A_2224 = tpu.unpack_subelements %bitcast3A_2222, 1 {pack_format = #tpu.pack_format<interleaved>} : vector<32xbf16> -> vector<16xf32>
        %mul3A_2225 = arith.mulf %unpack3A_2216, %unpack3A_2223 : vector<16xf32>
        %add3A_2226 = arith.addf %add3A_2210, %mul3A_2225 : vector<16xf32>
        %mul3A_2227 = arith.mulf %unpack3A_2217, %unpack3A_2224 : vector<16xf32>
        %add3A_2228 = arith.addf %add3A_2226, %mul3A_2227 : vector<16xf32>
        %get3A_2229 = arith.index_cast %rem3A_39 : i32 to index
        %get3A_2230 = arith.index_cast %add3A_2118 : i32 to index
        %get3A_2231 = arith.constant 96 : index
        %get3A_2232 = tpu.vector_load %arg8[%get3A_2229, %get3A_2230, %get3A_2231] {strides = array<i32>} : memref<2x200x128xi32, #tpu.memory_space<vmem>>, vector<16xi32>,
        %bitcast3A_2233 = vector.bitcast %get3A_2232 : vector<16xi32> to vector<32xbf16>
        %unpack3A_2234 = tpu.unpack_subelements %bitcast3A_2233, 0 {pack_format = #tpu.pack_format<interleaved>} : vector<32xbf16> -> vector<16xf32>
        %unpack3A_2235 = tpu.unpack_subelements %bitcast3A_2233, 1 {pack_format = #tpu.pack_format<interleaved>} : vector<32xbf16> -> vector<16xf32>
        %get3A_2236 = arith.index_cast %rem3A_39 : i32 to index
        %get3A_2237 = arith.index_cast %add3A_2118 : i32 to index
        %get3A_2238 = arith.constant 96 : index
        %get3A_2239 = tpu.vector_load %arg9[%get3A_2236, %get3A_2237, %get3A_2238] {strides = array<i32>} : memref<2x200x128xi32, #tpu.memory_space<vmem>>, vector<16xi32>,
        %bitcast3A_2240 = vector.bitcast %get3A_2239 : vector<16xi32> to vector<32xbf16>
        %unpack3A_2241 = tpu.unpack_subelements %bitcast3A_2240, 0 {pack_format = #tpu.pack_format<interleaved>} : vector<32xbf16> -> vector<16xf32>
        %unpack3A_2242 = tpu.unpack_subelements %bitcast3A_2240, 1 {pack_format = #tpu.pack_format<interleaved>} : vector<32xbf16> -> vector<16xf32>
        %mul3A_2243 = arith.mulf %unpack3A_2234, %unpack3A_2241 : vector<16xf32>
        %add3A_2244 = arith.addf %add3A_2228, %mul3A_2243 : vector<16xf32>
        %mul3A_2245 = arith.mulf %unpack3A_2235, %unpack3A_2242 : vector<16xf32>
        %add3A_2246 = arith.addf %add3A_2244, %mul3A_2245 : vector<16xf32>
        %get3A_2247 = arith.index_cast %rem3A_39 : i32 to index
        %get3A_2248 = arith.index_cast %add3A_2118 : i32 to index
        %get3A_2249 = arith.constant 112 : index
        %get3A_2250 = tpu.vector_load %arg8[%get3A_2247, %get3A_2248, %get3A_2249] {strides = array<i32>} : memref<2x200x128xi32, #tpu.memory_space<vmem>>, vector<16xi32>,
        %bitcast3A_2251 = vector.bitcast %get3A_2250 : vector<16xi32> to vector<32xbf16>
        %unpack3A_2252 = tpu.unpack_subelements %bitcast3A_2251, 0 {pack_format = #tpu.pack_format<interleaved>} : vector<32xbf16> -> vector<16xf32>
        %unpack3A_2253 = tpu.unpack_subelements %bitcast3A_2251, 1 {pack_format = #tpu.pack_format<interleaved>} : vector<32xbf16> -> vector<16xf32>
        %get3A_2254 = arith.index_cast %rem3A_39 : i32 to index
        %get3A_2255 = arith.index_cast %add3A_2118 : i32 to index
        %get3A_2256 = arith.constant 112 : index
        %get3A_2257 = tpu.vector_load %arg9[%get3A_2254, %get3A_2255, %get3A_2256] {strides = array<i32>} : memref<2x200x128xi32, #tpu.memory_space<vmem>>, vector<16xi32>,
        %bitcast3A_2258 = vector.bitcast %get3A_2257 : vector<16xi32> to vector<32xbf16>
        %unpack3A_2259 = tpu.unpack_subelements %bitcast3A_2258, 0 {pack_format = #tpu.pack_format<interleaved>} : vector<32xbf16> -> vector<16xf32>
        %unpack3A_2260 = tpu.unpack_subelements %bitcast3A_2258, 1 {pack_format = #tpu.pack_format<interleaved>} : vector<32xbf16> -> vector<16xf32>
        %mul3A_2261 = arith.mulf %unpack3A_2252, %unpack3A_2259 : vector<16xf32>
        %add3A_2262 = arith.addf %add3A_2246, %mul3A_2261 : vector<16xf32>
        %mul3A_2263 = arith.mulf %unpack3A_2253, %unpack3A_2260 : vector<16xf32>
        %add3A_2264 = arith.addf %add3A_2262, %mul3A_2263 : vector<16xf32>
        %eq3A_2265 = arith.constant 13 : i32
        %eq3A_2266 = vector.broadcast %eq3A_2265 : i32 to vector<16xi32>
        %eq3A_2267 = arith.cmpi eq, %iota3A, %eq3A_2266 : vector<16xi32>
        %reduce_sum3A_2268 = arith.constant true
        %reduce_sum3A_2269 = vector.broadcast %reduce_sum3A_2268 : i1 to vector<16xi1>
        %reduce_sum3A_2270 = tpu.scan <sum>, %add3A_2264 masked %reduce_sum3A_2269 : vector<16xf32>, vector<16xi1> -> vector<16xf32>
        %reduce_sum3A_2271 = vector.extract %reduce_sum3A_2270[15] : f32 from vector<16xf32>
        %broadcast_in_dim3A_2272 = vector.broadcast %reduce_sum3A_2271 : f32 to vector<16xf32>
        %select_n3A_2273 = arith.select %eq3A_2267, %broadcast_in_dim3A_2272, %select_n3A_2116 : vector<16xi1>, vector<16xf32>
        %add3A_2274 = arith.constant 14 : i32
        %add3A_2275 = arith.addi %min3A_80, %add3A_2274 : i32
        %broadcast_in_dim3A_2276 = arith.constant 0.000000e+00 : f32
        %broadcast_in_dim3A_2277 = vector.broadcast %broadcast_in_dim3A_2276 : f32 to vector<16xf32>
        %get3A_2278 = arith.index_cast %rem3A_39 : i32 to index
        %get3A_2279 = arith.index_cast %add3A_2275 : i32 to index
        %get3A_2280 = arith.constant 0 : index
        %get3A_2281 = tpu.vector_load %arg8[%get3A_2278, %get3A_2279, %get3A_2280] {strides = array<i32>} : memref<2x200x128xi32, #tpu.memory_space<vmem>>, vector<16xi32>,
        %bitcast3A_2282 = vector.bitcast %get3A_2281 : vector<16xi32> to vector<32xbf16>
        %unpack3A_2283 = tpu.unpack_subelements %bitcast3A_2282, 0 {pack_format = #tpu.pack_format<interleaved>} : vector<32xbf16> -> vector<16xf32>
        %unpack3A_2284 = tpu.unpack_subelements %bitcast3A_2282, 1 {pack_format = #tpu.pack_format<interleaved>} : vector<32xbf16> -> vector<16xf32>
        %get3A_2285 = arith.index_cast %rem3A_39 : i32 to index
        %get3A_2286 = arith.index_cast %add3A_2275 : i32 to index
        %get3A_2287 = arith.constant 0 : index
        %get3A_2288 = tpu.vector_load %arg9[%get3A_2285, %get3A_2286, %get3A_2287] {strides = array<i32>} : memref<2x200x128xi32, #tpu.memory_space<vmem>>, vector<16xi32>,
        %bitcast3A_2289 = vector.bitcast %get3A_2288 : vector<16xi32> to vector<32xbf16>
        %unpack3A_2290 = tpu.unpack_subelements %bitcast3A_2289, 0 {pack_format = #tpu.pack_format<interleaved>} : vector<32xbf16> -> vector<16xf32>
        %unpack3A_2291 = tpu.unpack_subelements %bitcast3A_2289, 1 {pack_format = #tpu.pack_format<interleaved>} : vector<32xbf16> -> vector<16xf32>
        %mul3A_2292 = arith.mulf %unpack3A_2283, %unpack3A_2290 : vector<16xf32>
        %add3A_2293 = arith.addf %broadcast_in_dim3A_2277, %mul3A_2292 : vector<16xf32>
        %mul3A_2294 = arith.mulf %unpack3A_2284, %unpack3A_2291 : vector<16xf32>
        %add3A_2295 = arith.addf %add3A_2293, %mul3A_2294 : vector<16xf32>
        %get3A_2296 = arith.index_cast %rem3A_39 : i32 to index
        %get3A_2297 = arith.index_cast %add3A_2275 : i32 to index
        %get3A_2298 = arith.constant 16 : index
        %get3A_2299 = tpu.vector_load %arg8[%get3A_2296, %get3A_2297, %get3A_2298] {strides = array<i32>} : memref<2x200x128xi32, #tpu.memory_space<vmem>>, vector<16xi32>,
        %bitcast3A_2300 = vector.bitcast %get3A_2299 : vector<16xi32> to vector<32xbf16>
        %unpack3A_2301 = tpu.unpack_subelements %bitcast3A_2300, 0 {pack_format = #tpu.pack_format<interleaved>} : vector<32xbf16> -> vector<16xf32>
        %unpack3A_2302 = tpu.unpack_subelements %bitcast3A_2300, 1 {pack_format = #tpu.pack_format<interleaved>} : vector<32xbf16> -> vector<16xf32>
        %get3A_2303 = arith.index_cast %rem3A_39 : i32 to index
        %get3A_2304 = arith.index_cast %add3A_2275 : i32 to index
        %get3A_2305 = arith.constant 16 : index
        %get3A_2306 = tpu.vector_load %arg9[%get3A_2303, %get3A_2304, %get3A_2305] {strides = array<i32>} : memref<2x200x128xi32, #tpu.memory_space<vmem>>, vector<16xi32>,
        %bitcast3A_2307 = vector.bitcast %get3A_2306 : vector<16xi32> to vector<32xbf16>
        %unpack3A_2308 = tpu.unpack_subelements %bitcast3A_2307, 0 {pack_format = #tpu.pack_format<interleaved>} : vector<32xbf16> -> vector<16xf32>
        %unpack3A_2309 = tpu.unpack_subelements %bitcast3A_2307, 1 {pack_format = #tpu.pack_format<interleaved>} : vector<32xbf16> -> vector<16xf32>
        %mul3A_2310 = arith.mulf %unpack3A_2301, %unpack3A_2308 : vector<16xf32>
        %add3A_2311 = arith.addf %add3A_2295, %mul3A_2310 : vector<16xf32>
        %mul3A_2312 = arith.mulf %unpack3A_2302, %unpack3A_2309 : vector<16xf32>
        %add3A_2313 = arith.addf %add3A_2311, %mul3A_2312 : vector<16xf32>
        %get3A_2314 = arith.index_cast %rem3A_39 : i32 to index
        %get3A_2315 = arith.index_cast %add3A_2275 : i32 to index
        %get3A_2316 = arith.constant 32 : index
        %get3A_2317 = tpu.vector_load %arg8[%get3A_2314, %get3A_2315, %get3A_2316] {strides = array<i32>} : memref<2x200x128xi32, #tpu.memory_space<vmem>>, vector<16xi32>,
        %bitcast3A_2318 = vector.bitcast %get3A_2317 : vector<16xi32> to vector<32xbf16>
        %unpack3A_2319 = tpu.unpack_subelements %bitcast3A_2318, 0 {pack_format = #tpu.pack_format<interleaved>} : vector<32xbf16> -> vector<16xf32>
        %unpack3A_2320 = tpu.unpack_subelements %bitcast3A_2318, 1 {pack_format = #tpu.pack_format<interleaved>} : vector<32xbf16> -> vector<16xf32>
        %get3A_2321 = arith.index_cast %rem3A_39 : i32 to index
        %get3A_2322 = arith.index_cast %add3A_2275 : i32 to index
        %get3A_2323 = arith.constant 32 : index
        %get3A_2324 = tpu.vector_load %arg9[%get3A_2321, %get3A_2322, %get3A_2323] {strides = array<i32>} : memref<2x200x128xi32, #tpu.memory_space<vmem>>, vector<16xi32>,
        %bitcast3A_2325 = vector.bitcast %get3A_2324 : vector<16xi32> to vector<32xbf16>
        %unpack3A_2326 = tpu.unpack_subelements %bitcast3A_2325, 0 {pack_format = #tpu.pack_format<interleaved>} : vector<32xbf16> -> vector<16xf32>
        %unpack3A_2327 = tpu.unpack_subelements %bitcast3A_2325, 1 {pack_format = #tpu.pack_format<interleaved>} : vector<32xbf16> -> vector<16xf32>
        %mul3A_2328 = arith.mulf %unpack3A_2319, %unpack3A_2326 : vector<16xf32>
        %add3A_2329 = arith.addf %add3A_2313, %mul3A_2328 : vector<16xf32>
        %mul3A_2330 = arith.mulf %unpack3A_2320, %unpack3A_2327 : vector<16xf32>
        %add3A_2331 = arith.addf %add3A_2329, %mul3A_2330 : vector<16xf32>
        %get3A_2332 = arith.index_cast %rem3A_39 : i32 to index
        %get3A_2333 = arith.index_cast %add3A_2275 : i32 to index
        %get3A_2334 = arith.constant 48 : index
        %get3A_2335 = tpu.vector_load %arg8[%get3A_2332, %get3A_2333, %get3A_2334] {strides = array<i32>} : memref<2x200x128xi32, #tpu.memory_space<vmem>>, vector<16xi32>,
        %bitcast3A_2336 = vector.bitcast %get3A_2335 : vector<16xi32> to vector<32xbf16>
        %unpack3A_2337 = tpu.unpack_subelements %bitcast3A_2336, 0 {pack_format = #tpu.pack_format<interleaved>} : vector<32xbf16> -> vector<16xf32>
        %unpack3A_2338 = tpu.unpack_subelements %bitcast3A_2336, 1 {pack_format = #tpu.pack_format<interleaved>} : vector<32xbf16> -> vector<16xf32>
        %get3A_2339 = arith.index_cast %rem3A_39 : i32 to index
        %get3A_2340 = arith.index_cast %add3A_2275 : i32 to index
        %get3A_2341 = arith.constant 48 : index
        %get3A_2342 = tpu.vector_load %arg9[%get3A_2339, %get3A_2340, %get3A_2341] {strides = array<i32>} : memref<2x200x128xi32, #tpu.memory_space<vmem>>, vector<16xi32>,
        %bitcast3A_2343 = vector.bitcast %get3A_2342 : vector<16xi32> to vector<32xbf16>
        %unpack3A_2344 = tpu.unpack_subelements %bitcast3A_2343, 0 {pack_format = #tpu.pack_format<interleaved>} : vector<32xbf16> -> vector<16xf32>
        %unpack3A_2345 = tpu.unpack_subelements %bitcast3A_2343, 1 {pack_format = #tpu.pack_format<interleaved>} : vector<32xbf16> -> vector<16xf32>
        %mul3A_2346 = arith.mulf %unpack3A_2337, %unpack3A_2344 : vector<16xf32>
        %add3A_2347 = arith.addf %add3A_2331, %mul3A_2346 : vector<16xf32>
        %mul3A_2348 = arith.mulf %unpack3A_2338, %unpack3A_2345 : vector<16xf32>
        %add3A_2349 = arith.addf %add3A_2347, %mul3A_2348 : vector<16xf32>
        %get3A_2350 = arith.index_cast %rem3A_39 : i32 to index
        %get3A_2351 = arith.index_cast %add3A_2275 : i32 to index
        %get3A_2352 = arith.constant 64 : index
        %get3A_2353 = tpu.vector_load %arg8[%get3A_2350, %get3A_2351, %get3A_2352] {strides = array<i32>} : memref<2x200x128xi32, #tpu.memory_space<vmem>>, vector<16xi32>,
        %bitcast3A_2354 = vector.bitcast %get3A_2353 : vector<16xi32> to vector<32xbf16>
        %unpack3A_2355 = tpu.unpack_subelements %bitcast3A_2354, 0 {pack_format = #tpu.pack_format<interleaved>} : vector<32xbf16> -> vector<16xf32>
        %unpack3A_2356 = tpu.unpack_subelements %bitcast3A_2354, 1 {pack_format = #tpu.pack_format<interleaved>} : vector<32xbf16> -> vector<16xf32>
        %get3A_2357 = arith.index_cast %rem3A_39 : i32 to index
        %get3A_2358 = arith.index_cast %add3A_2275 : i32 to index
        %get3A_2359 = arith.constant 64 : index
        %get3A_2360 = tpu.vector_load %arg9[%get3A_2357, %get3A_2358, %get3A_2359] {strides = array<i32>} : memref<2x200x128xi32, #tpu.memory_space<vmem>>, vector<16xi32>,
        %bitcast3A_2361 = vector.bitcast %get3A_2360 : vector<16xi32> to vector<32xbf16>
        %unpack3A_2362 = tpu.unpack_subelements %bitcast3A_2361, 0 {pack_format = #tpu.pack_format<interleaved>} : vector<32xbf16> -> vector<16xf32>
        %unpack3A_2363 = tpu.unpack_subelements %bitcast3A_2361, 1 {pack_format = #tpu.pack_format<interleaved>} : vector<32xbf16> -> vector<16xf32>
        %mul3A_2364 = arith.mulf %unpack3A_2355, %unpack3A_2362 : vector<16xf32>
        %add3A_2365 = arith.addf %add3A_2349, %mul3A_2364 : vector<16xf32>
        %mul3A_2366 = arith.mulf %unpack3A_2356, %unpack3A_2363 : vector<16xf32>
        %add3A_2367 = arith.addf %add3A_2365, %mul3A_2366 : vector<16xf32>
        %get3A_2368 = arith.index_cast %rem3A_39 : i32 to index
        %get3A_2369 = arith.index_cast %add3A_2275 : i32 to index
        %get3A_2370 = arith.constant 80 : index
        %get3A_2371 = tpu.vector_load %arg8[%get3A_2368, %get3A_2369, %get3A_2370] {strides = array<i32>} : memref<2x200x128xi32, #tpu.memory_space<vmem>>, vector<16xi32>,
        %bitcast3A_2372 = vector.bitcast %get3A_2371 : vector<16xi32> to vector<32xbf16>
        %unpack3A_2373 = tpu.unpack_subelements %bitcast3A_2372, 0 {pack_format = #tpu.pack_format<interleaved>} : vector<32xbf16> -> vector<16xf32>
        %unpack3A_2374 = tpu.unpack_subelements %bitcast3A_2372, 1 {pack_format = #tpu.pack_format<interleaved>} : vector<32xbf16> -> vector<16xf32>
        %get3A_2375 = arith.index_cast %rem3A_39 : i32 to index
        %get3A_2376 = arith.index_cast %add3A_2275 : i32 to index
        %get3A_2377 = arith.constant 80 : index
        %get3A_2378 = tpu.vector_load %arg9[%get3A_2375, %get3A_2376, %get3A_2377] {strides = array<i32>} : memref<2x200x128xi32, #tpu.memory_space<vmem>>, vector<16xi32>,
        %bitcast3A_2379 = vector.bitcast %get3A_2378 : vector<16xi32> to vector<32xbf16>
        %unpack3A_2380 = tpu.unpack_subelements %bitcast3A_2379, 0 {pack_format = #tpu.pack_format<interleaved>} : vector<32xbf16> -> vector<16xf32>
        %unpack3A_2381 = tpu.unpack_subelements %bitcast3A_2379, 1 {pack_format = #tpu.pack_format<interleaved>} : vector<32xbf16> -> vector<16xf32>
        %mul3A_2382 = arith.mulf %unpack3A_2373, %unpack3A_2380 : vector<16xf32>
        %add3A_2383 = arith.addf %add3A_2367, %mul3A_2382 : vector<16xf32>
        %mul3A_2384 = arith.mulf %unpack3A_2374, %unpack3A_2381 : vector<16xf32>
        %add3A_2385 = arith.addf %add3A_2383, %mul3A_2384 : vector<16xf32>
        %get3A_2386 = arith.index_cast %rem3A_39 : i32 to index
        %get3A_2387 = arith.index_cast %add3A_2275 : i32 to index
        %get3A_2388 = arith.constant 96 : index
        %get3A_2389 = tpu.vector_load %arg8[%get3A_2386, %get3A_2387, %get3A_2388] {strides = array<i32>} : memref<2x200x128xi32, #tpu.memory_space<vmem>>, vector<16xi32>,
        %bitcast3A_2390 = vector.bitcast %get3A_2389 : vector<16xi32> to vector<32xbf16>
        %unpack3A_2391 = tpu.unpack_subelements %bitcast3A_2390, 0 {pack_format = #tpu.pack_format<interleaved>} : vector<32xbf16> -> vector<16xf32>
        %unpack3A_2392 = tpu.unpack_subelements %bitcast3A_2390, 1 {pack_format = #tpu.pack_format<interleaved>} : vector<32xbf16> -> vector<16xf32>
        %get3A_2393 = arith.index_cast %rem3A_39 : i32 to index
        %get3A_2394 = arith.index_cast %add3A_2275 : i32 to index
        %get3A_2395 = arith.constant 96 : index
        %get3A_2396 = tpu.vector_load %arg9[%get3A_2393, %get3A_2394, %get3A_2395] {strides = array<i32>} : memref<2x200x128xi32, #tpu.memory_space<vmem>>, vector<16xi32>,
        %bitcast3A_2397 = vector.bitcast %get3A_2396 : vector<16xi32> to vector<32xbf16>
        %unpack3A_2398 = tpu.unpack_subelements %bitcast3A_2397, 0 {pack_format = #tpu.pack_format<interleaved>} : vector<32xbf16> -> vector<16xf32>
        %unpack3A_2399 = tpu.unpack_subelements %bitcast3A_2397, 1 {pack_format = #tpu.pack_format<interleaved>} : vector<32xbf16> -> vector<16xf32>
        %mul3A_2400 = arith.mulf %unpack3A_2391, %unpack3A_2398 : vector<16xf32>
        %add3A_2401 = arith.addf %add3A_2385, %mul3A_2400 : vector<16xf32>
        %mul3A_2402 = arith.mulf %unpack3A_2392, %unpack3A_2399 : vector<16xf32>
        %add3A_2403 = arith.addf %add3A_2401, %mul3A_2402 : vector<16xf32>
        %get3A_2404 = arith.index_cast %rem3A_39 : i32 to index
        %get3A_2405 = arith.index_cast %add3A_2275 : i32 to index
        %get3A_2406 = arith.constant 112 : index
        %get3A_2407 = tpu.vector_load %arg8[%get3A_2404, %get3A_2405, %get3A_2406] {strides = array<i32>} : memref<2x200x128xi32, #tpu.memory_space<vmem>>, vector<16xi32>,
        %bitcast3A_2408 = vector.bitcast %get3A_2407 : vector<16xi32> to vector<32xbf16>
        %unpack3A_2409 = tpu.unpack_subelements %bitcast3A_2408, 0 {pack_format = #tpu.pack_format<interleaved>} : vector<32xbf16> -> vector<16xf32>
        %unpack3A_2410 = tpu.unpack_subelements %bitcast3A_2408, 1 {pack_format = #tpu.pack_format<interleaved>} : vector<32xbf16> -> vector<16xf32>
        %get3A_2411 = arith.index_cast %rem3A_39 : i32 to index
        %get3A_2412 = arith.index_cast %add3A_2275 : i32 to index
        %get3A_2413 = arith.constant 112 : index
        %get3A_2414 = tpu.vector_load %arg9[%get3A_2411, %get3A_2412, %get3A_2413] {strides = array<i32>} : memref<2x200x128xi32, #tpu.memory_space<vmem>>, vector<16xi32>,
        %bitcast3A_2415 = vector.bitcast %get3A_2414 : vector<16xi32> to vector<32xbf16>
        %unpack3A_2416 = tpu.unpack_subelements %bitcast3A_2415, 0 {pack_format = #tpu.pack_format<interleaved>} : vector<32xbf16> -> vector<16xf32>
        %unpack3A_2417 = tpu.unpack_subelements %bitcast3A_2415, 1 {pack_format = #tpu.pack_format<interleaved>} : vector<32xbf16> -> vector<16xf32>
        %mul3A_2418 = arith.mulf %unpack3A_2409, %unpack3A_2416 : vector<16xf32>
        %add3A_2419 = arith.addf %add3A_2403, %mul3A_2418 : vector<16xf32>
        %mul3A_2420 = arith.mulf %unpack3A_2410, %unpack3A_2417 : vector<16xf32>
        %add3A_2421 = arith.addf %add3A_2419, %mul3A_2420 : vector<16xf32>
        %eq3A_2422 = arith.constant 14 : i32
        %eq3A_2423 = vector.broadcast %eq3A_2422 : i32 to vector<16xi32>
        %eq3A_2424 = arith.cmpi eq, %iota3A, %eq3A_2423 : vector<16xi32>
        %reduce_sum3A_2425 = arith.constant true
        %reduce_sum3A_2426 = vector.broadcast %reduce_sum3A_2425 : i1 to vector<16xi1>
        %reduce_sum3A_2427 = tpu.scan <sum>, %add3A_2421 masked %reduce_sum3A_2426 : vector<16xf32>, vector<16xi1> -> vector<16xf32>
        %reduce_sum3A_2428 = vector.extract %reduce_sum3A_2427[15] : f32 from vector<16xf32>
        %broadcast_in_dim3A_2429 = vector.broadcast %reduce_sum3A_2428 : f32 to vector<16xf32>
        %select_n3A_2430 = arith.select %eq3A_2424, %broadcast_in_dim3A_2429, %select_n3A_2273 : vector<16xi1>, vector<16xf32>
        %add3A_2431 = arith.constant 15 : i32
        %add3A_2432 = arith.addi %min3A_80, %add3A_2431 : i32
        %broadcast_in_dim3A_2433 = arith.constant 0.000000e+00 : f32
        %broadcast_in_dim3A_2434 = vector.broadcast %broadcast_in_dim3A_2433 : f32 to vector<16xf32>
        %get3A_2435 = arith.index_cast %rem3A_39 : i32 to index
        %get3A_2436 = arith.index_cast %add3A_2432 : i32 to index
        %get3A_2437 = arith.constant 0 : index
        %get3A_2438 = tpu.vector_load %arg8[%get3A_2435, %get3A_2436, %get3A_2437] {strides = array<i32>} : memref<2x200x128xi32, #tpu.memory_space<vmem>>, vector<16xi32>,
        %bitcast3A_2439 = vector.bitcast %get3A_2438 : vector<16xi32> to vector<32xbf16>
        %unpack3A_2440 = tpu.unpack_subelements %bitcast3A_2439, 0 {pack_format = #tpu.pack_format<interleaved>} : vector<32xbf16> -> vector<16xf32>
        %unpack3A_2441 = tpu.unpack_subelements %bitcast3A_2439, 1 {pack_format = #tpu.pack_format<interleaved>} : vector<32xbf16> -> vector<16xf32>
        %get3A_2442 = arith.index_cast %rem3A_39 : i32 to index
        %get3A_2443 = arith.index_cast %add3A_2432 : i32 to index
        %get3A_2444 = arith.constant 0 : index
        %get3A_2445 = tpu.vector_load %arg9[%get3A_2442, %get3A_2443, %get3A_2444] {strides = array<i32>} : memref<2x200x128xi32, #tpu.memory_space<vmem>>, vector<16xi32>,
        %bitcast3A_2446 = vector.bitcast %get3A_2445 : vector<16xi32> to vector<32xbf16>
        %unpack3A_2447 = tpu.unpack_subelements %bitcast3A_2446, 0 {pack_format = #tpu.pack_format<interleaved>} : vector<32xbf16> -> vector<16xf32>
        %unpack3A_2448 = tpu.unpack_subelements %bitcast3A_2446, 1 {pack_format = #tpu.pack_format<interleaved>} : vector<32xbf16> -> vector<16xf32>
        %mul3A_2449 = arith.mulf %unpack3A_2440, %unpack3A_2447 : vector<16xf32>
        %add3A_2450 = arith.addf %broadcast_in_dim3A_2434, %mul3A_2449 : vector<16xf32>
        %mul3A_2451 = arith.mulf %unpack3A_2441, %unpack3A_2448 : vector<16xf32>
        %add3A_2452 = arith.addf %add3A_2450, %mul3A_2451 : vector<16xf32>
        %get3A_2453 = arith.index_cast %rem3A_39 : i32 to index
        %get3A_2454 = arith.index_cast %add3A_2432 : i32 to index
        %get3A_2455 = arith.constant 16 : index
        %get3A_2456 = tpu.vector_load %arg8[%get3A_2453, %get3A_2454, %get3A_2455] {strides = array<i32>} : memref<2x200x128xi32, #tpu.memory_space<vmem>>, vector<16xi32>,
        %bitcast3A_2457 = vector.bitcast %get3A_2456 : vector<16xi32> to vector<32xbf16>
        %unpack3A_2458 = tpu.unpack_subelements %bitcast3A_2457, 0 {pack_format = #tpu.pack_format<interleaved>} : vector<32xbf16> -> vector<16xf32>
        %unpack3A_2459 = tpu.unpack_subelements %bitcast3A_2457, 1 {pack_format = #tpu.pack_format<interleaved>} : vector<32xbf16> -> vector<16xf32>
        %get3A_2460 = arith.index_cast %rem3A_39 : i32 to index
        %get3A_2461 = arith.index_cast %add3A_2432 : i32 to index
        %get3A_2462 = arith.constant 16 : index
        %get3A_2463 = tpu.vector_load %arg9[%get3A_2460, %get3A_2461, %get3A_2462] {strides = array<i32>} : memref<2x200x128xi32, #tpu.memory_space<vmem>>, vector<16xi32>,
        %bitcast3A_2464 = vector.bitcast %get3A_2463 : vector<16xi32> to vector<32xbf16>
        %unpack3A_2465 = tpu.unpack_subelements %bitcast3A_2464, 0 {pack_format = #tpu.pack_format<interleaved>} : vector<32xbf16> -> vector<16xf32>
        %unpack3A_2466 = tpu.unpack_subelements %bitcast3A_2464, 1 {pack_format = #tpu.pack_format<interleaved>} : vector<32xbf16> -> vector<16xf32>
        %mul3A_2467 = arith.mulf %unpack3A_2458, %unpack3A_2465 : vector<16xf32>
        %add3A_2468 = arith.addf %add3A_2452, %mul3A_2467 : vector<16xf32>
        %mul3A_2469 = arith.mulf %unpack3A_2459, %unpack3A_2466 : vector<16xf32>
        %add3A_2470 = arith.addf %add3A_2468, %mul3A_2469 : vector<16xf32>
        %get3A_2471 = arith.index_cast %rem3A_39 : i32 to index
        %get3A_2472 = arith.index_cast %add3A_2432 : i32 to index
        %get3A_2473 = arith.constant 32 : index
        %get3A_2474 = tpu.vector_load %arg8[%get3A_2471, %get3A_2472, %get3A_2473] {strides = array<i32>} : memref<2x200x128xi32, #tpu.memory_space<vmem>>, vector<16xi32>,
        %bitcast3A_2475 = vector.bitcast %get3A_2474 : vector<16xi32> to vector<32xbf16>
        %unpack3A_2476 = tpu.unpack_subelements %bitcast3A_2475, 0 {pack_format = #tpu.pack_format<interleaved>} : vector<32xbf16> -> vector<16xf32>
        %unpack3A_2477 = tpu.unpack_subelements %bitcast3A_2475, 1 {pack_format = #tpu.pack_format<interleaved>} : vector<32xbf16> -> vector<16xf32>
        %get3A_2478 = arith.index_cast %rem3A_39 : i32 to index
        %get3A_2479 = arith.index_cast %add3A_2432 : i32 to index
        %get3A_2480 = arith.constant 32 : index
        %get3A_2481 = tpu.vector_load %arg9[%get3A_2478, %get3A_2479, %get3A_2480] {strides = array<i32>} : memref<2x200x128xi32, #tpu.memory_space<vmem>>, vector<16xi32>,
        %bitcast3A_2482 = vector.bitcast %get3A_2481 : vector<16xi32> to vector<32xbf16>
        %unpack3A_2483 = tpu.unpack_subelements %bitcast3A_2482, 0 {pack_format = #tpu.pack_format<interleaved>} : vector<32xbf16> -> vector<16xf32>
        %unpack3A_2484 = tpu.unpack_subelements %bitcast3A_2482, 1 {pack_format = #tpu.pack_format<interleaved>} : vector<32xbf16> -> vector<16xf32>
        %mul3A_2485 = arith.mulf %unpack3A_2476, %unpack3A_2483 : vector<16xf32>
        %add3A_2486 = arith.addf %add3A_2470, %mul3A_2485 : vector<16xf32>
        %mul3A_2487 = arith.mulf %unpack3A_2477, %unpack3A_2484 : vector<16xf32>
        %add3A_2488 = arith.addf %add3A_2486, %mul3A_2487 : vector<16xf32>
        %get3A_2489 = arith.index_cast %rem3A_39 : i32 to index
        %get3A_2490 = arith.index_cast %add3A_2432 : i32 to index
        %get3A_2491 = arith.constant 48 : index
        %get3A_2492 = tpu.vector_load %arg8[%get3A_2489, %get3A_2490, %get3A_2491] {strides = array<i32>} : memref<2x200x128xi32, #tpu.memory_space<vmem>>, vector<16xi32>,
        %bitcast3A_2493 = vector.bitcast %get3A_2492 : vector<16xi32> to vector<32xbf16>
        %unpack3A_2494 = tpu.unpack_subelements %bitcast3A_2493, 0 {pack_format = #tpu.pack_format<interleaved>} : vector<32xbf16> -> vector<16xf32>
        %unpack3A_2495 = tpu.unpack_subelements %bitcast3A_2493, 1 {pack_format = #tpu.pack_format<interleaved>} : vector<32xbf16> -> vector<16xf32>
        %get3A_2496 = arith.index_cast %rem3A_39 : i32 to index
        %get3A_2497 = arith.index_cast %add3A_2432 : i32 to index
        %get3A_2498 = arith.constant 48 : index
        %get3A_2499 = tpu.vector_load %arg9[%get3A_2496, %get3A_2497, %get3A_2498] {strides = array<i32>} : memref<2x200x128xi32, #tpu.memory_space<vmem>>, vector<16xi32>,
        %bitcast3A_2500 = vector.bitcast %get3A_2499 : vector<16xi32> to vector<32xbf16>
        %unpack3A_2501 = tpu.unpack_subelements %bitcast3A_2500, 0 {pack_format = #tpu.pack_format<interleaved>} : vector<32xbf16> -> vector<16xf32>
        %unpack3A_2502 = tpu.unpack_subelements %bitcast3A_2500, 1 {pack_format = #tpu.pack_format<interleaved>} : vector<32xbf16> -> vector<16xf32>
        %mul3A_2503 = arith.mulf %unpack3A_2494, %unpack3A_2501 : vector<16xf32>
        %add3A_2504 = arith.addf %add3A_2488, %mul3A_2503 : vector<16xf32>
        %mul3A_2505 = arith.mulf %unpack3A_2495, %unpack3A_2502 : vector<16xf32>
        %add3A_2506 = arith.addf %add3A_2504, %mul3A_2505 : vector<16xf32>
        %get3A_2507 = arith.index_cast %rem3A_39 : i32 to index
        %get3A_2508 = arith.index_cast %add3A_2432 : i32 to index
        %get3A_2509 = arith.constant 64 : index
        %get3A_2510 = tpu.vector_load %arg8[%get3A_2507, %get3A_2508, %get3A_2509] {strides = array<i32>} : memref<2x200x128xi32, #tpu.memory_space<vmem>>, vector<16xi32>,
        %bitcast3A_2511 = vector.bitcast %get3A_2510 : vector<16xi32> to vector<32xbf16>
        %unpack3A_2512 = tpu.unpack_subelements %bitcast3A_2511, 0 {pack_format = #tpu.pack_format<interleaved>} : vector<32xbf16> -> vector<16xf32>
        %unpack3A_2513 = tpu.unpack_subelements %bitcast3A_2511, 1 {pack_format = #tpu.pack_format<interleaved>} : vector<32xbf16> -> vector<16xf32>
        %get3A_2514 = arith.index_cast %rem3A_39 : i32 to index
        %get3A_2515 = arith.index_cast %add3A_2432 : i32 to index
        %get3A_2516 = arith.constant 64 : index
        %get3A_2517 = tpu.vector_load %arg9[%get3A_2514, %get3A_2515, %get3A_2516] {strides = array<i32>} : memref<2x200x128xi32, #tpu.memory_space<vmem>>, vector<16xi32>,
        %bitcast3A_2518 = vector.bitcast %get3A_2517 : vector<16xi32> to vector<32xbf16>
        %unpack3A_2519 = tpu.unpack_subelements %bitcast3A_2518, 0 {pack_format = #tpu.pack_format<interleaved>} : vector<32xbf16> -> vector<16xf32>
        %unpack3A_2520 = tpu.unpack_subelements %bitcast3A_2518, 1 {pack_format = #tpu.pack_format<interleaved>} : vector<32xbf16> -> vector<16xf32>
        %mul3A_2521 = arith.mulf %unpack3A_2512, %unpack3A_2519 : vector<16xf32>
        %add3A_2522 = arith.addf %add3A_2506, %mul3A_2521 : vector<16xf32>
        %mul3A_2523 = arith.mulf %unpack3A_2513, %unpack3A_2520 : vector<16xf32>
        %add3A_2524 = arith.addf %add3A_2522, %mul3A_2523 : vector<16xf32>
        %get3A_2525 = arith.index_cast %rem3A_39 : i32 to index
        %get3A_2526 = arith.index_cast %add3A_2432 : i32 to index
        %get3A_2527 = arith.constant 80 : index
        %get3A_2528 = tpu.vector_load %arg8[%get3A_2525, %get3A_2526, %get3A_2527] {strides = array<i32>} : memref<2x200x128xi32, #tpu.memory_space<vmem>>, vector<16xi32>,
        %bitcast3A_2529 = vector.bitcast %get3A_2528 : vector<16xi32> to vector<32xbf16>
        %unpack3A_2530 = tpu.unpack_subelements %bitcast3A_2529, 0 {pack_format = #tpu.pack_format<interleaved>} : vector<32xbf16> -> vector<16xf32>
        %unpack3A_2531 = tpu.unpack_subelements %bitcast3A_2529, 1 {pack_format = #tpu.pack_format<interleaved>} : vector<32xbf16> -> vector<16xf32>
        %get3A_2532 = arith.index_cast %rem3A_39 : i32 to index
        %get3A_2533 = arith.index_cast %add3A_2432 : i32 to index
        %get3A_2534 = arith.constant 80 : index
        %get3A_2535 = tpu.vector_load %arg9[%get3A_2532, %get3A_2533, %get3A_2534] {strides = array<i32>} : memref<2x200x128xi32, #tpu.memory_space<vmem>>, vector<16xi32>,
        %bitcast3A_2536 = vector.bitcast %get3A_2535 : vector<16xi32> to vector<32xbf16>
        %unpack3A_2537 = tpu.unpack_subelements %bitcast3A_2536, 0 {pack_format = #tpu.pack_format<interleaved>} : vector<32xbf16> -> vector<16xf32>
        %unpack3A_2538 = tpu.unpack_subelements %bitcast3A_2536, 1 {pack_format = #tpu.pack_format<interleaved>} : vector<32xbf16> -> vector<16xf32>
        %mul3A_2539 = arith.mulf %unpack3A_2530, %unpack3A_2537 : vector<16xf32>
        %add3A_2540 = arith.addf %add3A_2524, %mul3A_2539 : vector<16xf32>
        %mul3A_2541 = arith.mulf %unpack3A_2531, %unpack3A_2538 : vector<16xf32>
        %add3A_2542 = arith.addf %add3A_2540, %mul3A_2541 : vector<16xf32>
        %get3A_2543 = arith.index_cast %rem3A_39 : i32 to index
        %get3A_2544 = arith.index_cast %add3A_2432 : i32 to index
        %get3A_2545 = arith.constant 96 : index
        %get3A_2546 = tpu.vector_load %arg8[%get3A_2543, %get3A_2544, %get3A_2545] {strides = array<i32>} : memref<2x200x128xi32, #tpu.memory_space<vmem>>, vector<16xi32>,
        %bitcast3A_2547 = vector.bitcast %get3A_2546 : vector<16xi32> to vector<32xbf16>
        %unpack3A_2548 = tpu.unpack_subelements %bitcast3A_2547, 0 {pack_format = #tpu.pack_format<interleaved>} : vector<32xbf16> -> vector<16xf32>
        %unpack3A_2549 = tpu.unpack_subelements %bitcast3A_2547, 1 {pack_format = #tpu.pack_format<interleaved>} : vector<32xbf16> -> vector<16xf32>
        %get3A_2550 = arith.index_cast %rem3A_39 : i32 to index
        %get3A_2551 = arith.index_cast %add3A_2432 : i32 to index
        %get3A_2552 = arith.constant 96 : index
        %get3A_2553 = tpu.vector_load %arg9[%get3A_2550, %get3A_2551, %get3A_2552] {strides = array<i32>} : memref<2x200x128xi32, #tpu.memory_space<vmem>>, vector<16xi32>,
        %bitcast3A_2554 = vector.bitcast %get3A_2553 : vector<16xi32> to vector<32xbf16>
        %unpack3A_2555 = tpu.unpack_subelements %bitcast3A_2554, 0 {pack_format = #tpu.pack_format<interleaved>} : vector<32xbf16> -> vector<16xf32>
        %unpack3A_2556 = tpu.unpack_subelements %bitcast3A_2554, 1 {pack_format = #tpu.pack_format<interleaved>} : vector<32xbf16> -> vector<16xf32>
        %mul3A_2557 = arith.mulf %unpack3A_2548, %unpack3A_2555 : vector<16xf32>
        %add3A_2558 = arith.addf %add3A_2542, %mul3A_2557 : vector<16xf32>
        %mul3A_2559 = arith.mulf %unpack3A_2549, %unpack3A_2556 : vector<16xf32>
        %add3A_2560 = arith.addf %add3A_2558, %mul3A_2559 : vector<16xf32>
        %get3A_2561 = arith.index_cast %rem3A_39 : i32 to index
        %get3A_2562 = arith.index_cast %add3A_2432 : i32 to index
        %get3A_2563 = arith.constant 112 : index
        %get3A_2564 = tpu.vector_load %arg8[%get3A_2561, %get3A_2562, %get3A_2563] {strides = array<i32>} : memref<2x200x128xi32, #tpu.memory_space<vmem>>, vector<16xi32>,
        %bitcast3A_2565 = vector.bitcast %get3A_2564 : vector<16xi32> to vector<32xbf16>
        %unpack3A_2566 = tpu.unpack_subelements %bitcast3A_2565, 0 {pack_format = #tpu.pack_format<interleaved>} : vector<32xbf16> -> vector<16xf32>
        %unpack3A_2567 = tpu.unpack_subelements %bitcast3A_2565, 1 {pack_format = #tpu.pack_format<interleaved>} : vector<32xbf16> -> vector<16xf32>
        %get3A_2568 = arith.index_cast %rem3A_39 : i32 to index
        %get3A_2569 = arith.index_cast %add3A_2432 : i32 to index
        %get3A_2570 = arith.constant 112 : index
        %get3A_2571 = tpu.vector_load %arg9[%get3A_2568, %get3A_2569, %get3A_2570] {strides = array<i32>} : memref<2x200x128xi32, #tpu.memory_space<vmem>>, vector<16xi32>,
        %bitcast3A_2572 = vector.bitcast %get3A_2571 : vector<16xi32> to vector<32xbf16>
        %unpack3A_2573 = tpu.unpack_subelements %bitcast3A_2572, 0 {pack_format = #tpu.pack_format<interleaved>} : vector<32xbf16> -> vector<16xf32>
        %unpack3A_2574 = tpu.unpack_subelements %bitcast3A_2572, 1 {pack_format = #tpu.pack_format<interleaved>} : vector<32xbf16> -> vector<16xf32>
        %mul3A_2575 = arith.mulf %unpack3A_2566, %unpack3A_2573 : vector<16xf32>
        %add3A_2576 = arith.addf %add3A_2560, %mul3A_2575 : vector<16xf32>
        %mul3A_2577 = arith.mulf %unpack3A_2567, %unpack3A_2574 : vector<16xf32>
        %add3A_2578 = arith.addf %add3A_2576, %mul3A_2577 : vector<16xf32>
        %eq3A_2579 = arith.constant 15 : i32
        %eq3A_2580 = vector.broadcast %eq3A_2579 : i32 to vector<16xi32>
        %eq3A_2581 = arith.cmpi eq, %iota3A, %eq3A_2580 : vector<16xi32>
        %reduce_sum3A_2582 = arith.constant true
        %reduce_sum3A_2583 = vector.broadcast %reduce_sum3A_2582 : i1 to vector<16xi1>
        %reduce_sum3A_2584 = tpu.scan <sum>, %add3A_2578 masked %reduce_sum3A_2583 : vector<16xf32>, vector<16xi1> -> vector<16xf32>
        %reduce_sum3A_2585 = vector.extract %reduce_sum3A_2584[15] : f32 from vector<16xf32>
        %broadcast_in_dim3A_2586 = vector.broadcast %reduce_sum3A_2585 : f32 to vector<16xf32>
        %select_n3A_2587 = arith.select %eq3A_2581, %broadcast_in_dim3A_2586, %select_n3A_2430 : vector<16xi1>, vector<16xf32>
        %add3A_2588 = arith.addi %mul3A_67, %min3A_80 : i32
        %swap3A = arith.index_cast %add3A_2588 : i32 to index
        %swap3A_2589 = tpu.vector_load %arg10[%swap3A] {strides = array<i32>} : memref<5000xf32, #tpu.memory_space<vmem>>, vector<16xf32>,
        tpu.vector_store %arg10[%swap3A], %select_n3A_2587 {strides = array<i32>} : memref<5000xf32, #tpu.memory_space<vmem>>, vector<16xf32>,
      }
      %scan3A_72 = arith.constant 13 : i32
    }
    %scan3A_33 = arith.constant 25 : i32
    "tpu.region"() ({
      %run_scoped3A = tpu.sem_alloc : memref<!tpu.dma_semaphore, #tpu.memory_space<semaphore_mem>>
      %dma_start3A_34 = tpu.memref_slice %arg5[%mul3A_2] : memref<160000xf32, #tpu.memory_space<hbm>> -> memref<5000xf32, #tpu.memory_space<hbm>>
      %dma_start3A_35 = tpu.memref_slice %arg5[%mul3A_2] : memref<160000xf32, #tpu.memory_space<hbm>> -> memref<5000xf32, #tpu.memory_space<hbm>>
      tpu.enqueue_dma source(%arg10 : memref<5000xf32, #tpu.memory_space<vmem>>) target(%dma_start3A_35 : memref<5000xf32, #tpu.memory_space<hbm>>) target_semaphore(%run_scoped3A : memref<!tpu.dma_semaphore, #tpu.memory_space<semaphore_mem>>)
      %dma_wait3A = tpu.memref_slice %arg5[%mul3A_2] : memref<160000xf32, #tpu.memory_space<hbm>> -> memref<5000xf32, #tpu.memory_space<hbm>>
      %dma_wait3A_36 = tpu.memref_slice %arg5[%mul3A_2] : memref<160000xf32, #tpu.memory_space<hbm>> -> memref<5000xf32, #tpu.memory_space<hbm>>
      tpu.wait_dma2 semaphore(%run_scoped3A : memref<!tpu.dma_semaphore, #tpu.memory_space<semaphore_mem>>) src(%arg10 : memref<5000xf32, #tpu.memory_space<vmem>>) dst(%dma_wait3A_36 : memref<5000xf32, #tpu.memory_space<hbm>>)
      tpu.yield
    }) : () -> ()
    return
  }
}

</mosaic_0001>

<sc_bundles>
// kernel: kernel.3.cloned.1.call-start
scs
__scs_entry_jumppad:
0x0: {  	(pc) =	sbr.rel $0x88, $3  }
0x1: {  	(tag) =	ssettag $0x0;
	lr =	simm.s32 $0x1  }
0x2: {  	[smem:$0x3F9E] =	sst lr;
	_ =	strace $0xD0000000  }
0x3: {  	_ = 	snop  }
0x4: {  	_ = 	snop  }
0x5: {  	_ = 	snop  }
0x6: {  	_ = 	snop  }
0x7: {  	_ = 	snop  }
__scs_overlays_trampoline_lowered:
0x8: {  	[smem:$0x3FAD] =	sst s0  }
0x9: {  	[smem:$0x3FAE] =	sst s1  }
0xa: {  	[smem:$0x3FAF] =	sst s2  }
0xb: {  	[smem:$0x3FB0] =	sst s3  }
0xc: {  	[smem:$0x3FB1] =	sst s4  }
0xd: {  	[smem:$0x3FB2] =	sst s5  }
0xe: {  	[smem:$0x3FB3] =	sst s6  }
0xf: {  	[smem:$0x3FB4] =	sst s7  }
0x10: {  	[smem:$0x3FB5] =	sst s8  }
0x11: {  	[smem:$0x3FB6] =	sst s9;
	s0 =	simm.s32 @!p0 $0x0  }
0x12: {  	s1 =	sld [smem:$0x3F9C];
	s0 =	simm.s32 @p0 $0x1  }
0x13: {  	[smem:$0x3FB7] =	sst s0;
	s0 =	simm.s32 @!p1 $0x0  }
0x14: {  	s2 =	sld [smem:$0x3F9B];
	s0 =	simm.s32 @p1 $0x1  }
0x15: {  	[smem:$0x3FB8] =	sst s0;
	s0 =	simm.s32 @!p2 $0x0  }
0x16: {  	s3 =	sld [smem:$0x3FDB];
	s0 =	simm.s32 @p2 $0x1  }
0x17: {  	s4 =	simm.s32 $0x1BF5;
	[smem:$0x3FBA] =	sst s0  }
0x18: {  	s0 =	sld [smem:$0x3F9D];
	_ =	swait.ge [sflag:s4], $0x0  }
0x19: {  	s7 =	sld [smem:$0x3F9E]  }
0x1a: {  	s8 =	sadd.s32 $0xFFFFE003, lr  }
0x1b: {  	s9 =	sadd.s32 $0xFFFFFEF7, lr;
	s5 =	simm.s32 $0xFFFFFFFF;
	p2 =	slt.u32 s8, $0xFFFFF086  }
0x1c: {  	p1 =	slt.u32 s9, $0xF7A;
	s5 =	simm.s32 @!p2 $0x0  }
0x1d: {  	s5 =	simm.s32 @p1 $0x1;
	p0 =	seq.s32 s7, s2  }
0x1e: {  	s7 =	smul.u32 @!p0 $0xF7A, s2;
	p2 =	seq.s32 @!p0 s5, $0x0  }
0x1f: {  	s9 =	smul.u32 $0xF7A, s1;
	s8 =	simm.s32 @!p0 $0x1BF5;
	p2 =	por !p2, p0  }
0x20: {  	[sflag:s8] =	ssyncset.s32 @!p0 $0xFFFFF086;
	s6 =	sadd.s32 @!p0 s3, s7;
	s7 =	simm.s32 @!p0 $0x108  }
0x21: {  	s3 =	sadd.s32 s3, s9;
	s6 =	sadd.s32 @!p0 $0x88, s6;
	s7 =	simm.s32 @p2 $0x1082  }
0x22: {  	[simem:s7], [sflag:s8] =	dma.local @!p0 [hbm:s6], $0xF7A  }
0x23: {  	s9 =	sor.u32 $0xD0000000, s2;
	s6 =	simm.s32 $0x108;
	_ =	swait.ge @!p0 [sflag:s8], $0x0  }
0x24: {  	s3 =	sadd.s32 $0x88, s3;
	s6 =	simm.s32 @!p1 $0x1082;
	[sflag:s4] =	ssyncset.s32 $0xFFFFF086  }
0x25: {  	[simem:s6], [sflag:s4] =	dma.local [hbm:s3], $0xF7A  }
0x26: {  	[smem:$0x3F9E] =	sst s1;
	(tag) =	ssettag s2;
	_ =	strace s9  }
0x27: {  	s1 =	sld [smem:$0x3FAE]  }
0x28: {  	s2 =	sld [smem:$0x3FAF]  }
0x29: {  	s4 =	sld [smem:$0x3FB1]  }
0x2a: {  	p0 =	seq.s32 s5, $0x0;
	s5 =	sld [smem:$0x3FB2]  }
0x2b: {  	s6 =	sld [smem:$0x3FB3]  }
0x2c: {  	s7 =	sld [smem:$0x3FB4]  }
0x2d: {  	s3 =	simm.s32 $0x108;
	s8 =	sld [smem:$0x3FB5]  }
0x2e: {  	s3 =	simm.s32 @!p0 $0x1082;
	s9 =	sld [smem:$0x3FB6]  }
0x2f: {  	lr =	sadd.s32 s0, s3;
	s0 =	sld [smem:$0x3FAD]  }
0x30: {  	s3 =	sld [smem:$0x3FB0]  }
0x31: {  	[smem:$0x3FB9] =	sst s10  }
0x32: {  	s10 =	sld [smem:$0x3FB7];
	_ =	sdelay $0x3  }
0x33: {  	p0 =	seq.s32 s10, $0x1;
	s10 =	sld [smem:$0x3FB9];
	_ =	sdelay $0x3  }
0x34: {  	[smem:$0x3FB9] =	sst s10  }
0x35: {  	s10 =	sld [smem:$0x3FB8];
	_ =	sdelay $0x3  }
0x36: {  	p1 =	seq.s32 s10, $0x1;
	s10 =	sld [smem:$0x3FB9];
	_ =	sdelay $0x3  }
0x37: {  	[smem:$0x3FB9] =	sst s10  }
0x38: {  	s10 =	sld [smem:$0x3FBA]  }
0x39: {  	_ = 	snop;
	(pc) =	sbr.ind lr, $3  }
0x3a: {  	_ = 	snop  }
0x3b: {  	_ = 	snop  }
0x3c: {  	p2 =	seq.s32 s10, $0x1;
	s10 =	sld [smem:$0x3FB9]  }
0x3d: {  	_ =	shalt  }
0x3e: {  	_ =	shalt  }
0x3f: {  	_ =	shalt  }
0x40: {  	_ =	shalt  }
0x41: {  	_ =	shalt  }
0x42: {  	_ =	shalt  }
0x43: {  	_ =	shalt  }
0x44: {  	_ =	shalt  }
0x45: {  	_ =	shalt  }
0x46: {  	_ =	shalt  }
0x47: {  	_ =	shalt  }
0x48: {  	_ =	shalt  }
0x49: {  	_ =	shalt  }
0x4a: {  	_ =	shalt  }
0x4b: {  	_ =	shalt  }
0x4c: {  	_ =	shalt  }
0x4d: {  	_ =	shalt  }
0x4e: {  	_ =	shalt  }
0x4f: {  	_ =	shalt  }
0x50: {  	_ =	shalt  }
0x51: {  	_ =	shalt  }
0x52: {  	_ =	shalt  }
0x53: {  	_ =	shalt  }
0x54: {  	_ =	shalt  }
0x55: {  	_ =	shalt  }
0x56: {  	_ =	shalt  }
0x57: {  	_ =	shalt  }
0x58: {  	_ =	shalt  }
0x59: {  	_ =	shalt  }
0x5a: {  	_ =	shalt  }
0x5b: {  	_ =	shalt  }
0x5c: {  	_ =	shalt  }
0x5d: {  	_ =	shalt  }
0x5e: {  	_ =	shalt  }
0x5f: {  	_ =	shalt  }
0x60: {  	_ =	shalt  }
0x61: {  	_ =	shalt  }
0x62: {  	_ =	shalt  }
0x63: {  	_ =	shalt  }
0x64: {  	_ =	shalt  }
0x65: {  	_ =	shalt  }
0x66: {  	_ =	shalt  }
0x67: {  	_ =	shalt  }
0x68: {  	_ =	shalt  }
0x69: {  	_ =	shalt  }
0x6a: {  	_ =	shalt  }
0x6b: {  	_ =	shalt  }
0x6c: {  	_ =	shalt  }
0x6d: {  	_ =	shalt  }
0x6e: {  	_ =	shalt  }
0x6f: {  	_ =	shalt  }
0x70: {  	_ =	shalt  }
0x71: {  	_ =	shalt  }
0x72: {  	_ =	shalt  }
0x73: {  	_ =	shalt  }
0x74: {  	_ =	shalt  }
0x75: {  	_ =	shalt  }
0x76: {  	_ =	shalt  }
0x77: {  	_ =	shalt  }
0x78: {  	_ =	shalt  }
0x79: {  	_ =	shalt  }
0x7a: {  	_ =	shalt  }
0x7b: {  	_ =	shalt  }
0x7c: {  	_ =	shalt  }
0x7d: {  	_ =	shalt  }
0x7e: {  	_ =	shalt  }
0x7f: {  	_ =	shalt  }
0x80: {  	_ =	shalt  }
0x81: {  	_ =	shalt  }
0x82: {  	_ =	shalt  }
0x83: {  	_ =	shalt  }
0x84: {  	_ =	shalt  }
0x85: {  	_ =	shalt  }
0x86: {  	_ =	shalt  }
0x87: {  	_ =	shalt  }
.Lfunc_end0:
.L_simem_size_0:
called_computation_lowered:
.L_overlay_start_0:
0x88: {  	s2 =	sld [smem:$0x3FD9]  }
0x89: {  	s3 =	sld [smem:$0x3FFE];
	_ =	sdelay $0x1  }
0x8a: {  	s1 =	srdreg.scid  }
0x8b: {  	s0 =	sand.u32 $0x1, s1  }
0x8c: {  	s17 =	sshll.u32 s0, $0xA;
	s2 =	sadd.s32 s3, s2  }
0x8d: {  	s2 =	sadd.s32 s2, s17  }
0x8e: {  	[smem:$0x3FC5] =	sst s2  }
0x8f: {  	_ = 	snop  }
0x90: {  	s2 =	sld [smem:$0x3FD0];
	(tm) =	ssettm $0x1  }
0x91: {  	s18 =	sld [smem:$0x3FFB];
	_ =	sdelay $0x3  }
0x92: {  	_ =	strace s18  }
0x93: {  	s3 =	sld [smem:$0x3FFC];
	_ =	sdelay $0x3  }
0x94: {  	_ =	strace s3  }
0x95: {  	s3 =	sld [smem:$0x3FFD];
	_ =	sdelay $0x3  }
0x96: {  	_ =	strace s3  }
0x97: {  	_ =	strace $0x8FFFFFFF  }
0x98: {  	s19 =	sld [smem:$0x3FDB];
	_ =	sdelay $0x1  }
0x99: {  	s4 =	simm.s32 $_scs_section_size  }
0x9a: {  	s5 =	simm.s32 $_size__tile_overlayer_lowered;
	s6 =	simm.s32 $_tile_overlayer_lowered  }
0x9b: {  	s22 =	simm.s32 $0x1BFF;
	s21 =	sshll.u32 s6, $0x1;
	s3 =	sadd.s32 s4, s19  }
0x9c: {  	s7 =	simm.s32 $0x0;
	s20 =	sshll.u32 s5, $0x1;
	s5 =	sadd.s32 s21, s3  }
0x9d: {  	[timem:s7], [sflag:s22] =	dma.local [hbm:s5], s20  }
0x9e: {  	_ =	swait.ge [sflag:s22], s20  }
0x9f: {  	s4 =	ssub.s32 $0x0, s20;
	[sflag:s22] =	ssyncset.done $0x0  }
0xa0: {  	[sflag:s22] =	ssyncadd.s32 s4;
	_ =	sdelay $0x1  }
0xa1: {  	s23 =	simm.s32 $0x1B8B  }
0xa2: {  	_ =	swait.ge [sflag:s23], $0x1  }
0xa3: {  	[sflag:s23] =	ssyncset.done $0x0  }
0xa4: {  	s25 =	simm.s32 $0x1B8E;
	s24 =	sld [smem:$0x3FFE];
	[sflag:s23] =	ssyncadd.s32 $0xFFFFFFFF  }
0xa5: {  	s26 =	simm.s32 $execute0_lowered;
	[smem:$0x3FD2] =	sst s25  }
0xa6: {  	s5 =	sshll.u32 s26, $0x1;
	_ =	strace $0x80000046;
	[dreg:$0x1] =	wrdreg $0xFFFFFFFF  }
0xa7: {  	s28 =	simm.s32 $_size_execute0_lowered;
	s3 =	sadd.s32 s3, s5;
	[dreg:$0x0] =	wrdreg $0x0  }
0xa8: {  	s5 =	sshll.u32 s28, $0x1;
	[dreg:$0x2] =	wrdreg s3  }
0xa9: {  	[dreg:$0x3] =	wrdreg s5  }
0xaa: {  	[dreg:$0x4] =	wrdreg $0xC0  }
0xab: {  	_ =	task [dreg:s7], $0x5FFFF  }
0xac: {  	[dreg:$0x1] =	wrdreg $0xFFFFFFFF  }
0xad: {  	[dreg:$0x0] =	wrdreg $0x60  }
0xae: {  	[dreg:$0x2] =	wrdreg s24  }
0xaf: {  	[dreg:$0x3] =	wrdreg s2  }
0xb0: {  	[dreg:$0x4] =	wrdreg $0x9  }
0xb1: {  	_ =	task.clear_ibuf [dreg:s7], $0x5FFFF;
	_ =	strace $0x90000046  }
0xb2: {  	s29 =	simm.s32 $0x9;
	_ =	strace $0x80000048  }
0xb3: {  	_ =	swait.ge [sflag:s29], $0x1  }
0xb4: {  	[sflag:s29] =	ssyncadd.s32 $0xFFFFFFFF  }
0xb5: {  	_ =	strace $0x90000048  }
0xb6: {  	_ =	sfence  }
0xb7: {  	s30 =	sld [smem:$0x0];
	_ =	sdelay $0x2  }
0xb8: {  	s31 =	sshll.u32 s1, $0xD;
	s1 =	sshrl.u32 s1, $0x2  }
0xb9: {  	s3 =	sand.u32 $0x4000, s31;
	s1 =	sadd.s32 s1, s30  }
0xba: {  	s0 =	sor.u32 s3, s0;
	s1 =	sshll.u32 s1, $0x11  }
0xbb: {  	s0 =	sor.u32 s1, s0  }
0xbc: {  	s0 =	sadd.s32 $0x8F2B, s0  }
0xbd: {  	[sflag:s0] =	ssyncadd.remote.s32 $0x1  }
0xbe: {  	_ =	sfence.sel $0xFFFF  }
0xbf: {  	[dreg:$0x0] =	wrdreg $0xFFFFFFFF;
	(pc) =	sbr.abs _section_cstart, $3  }
0xc0: {  	[dreg:$0x1] =	wrdreg $0xFFFFFFFF  }
0xc1: {  	_ =	task.clear_ibuf [dreg:s7], $0x2FFFF;
	_ =	strace $0x9FFFFFFF  }
0xc2: {  	(tm) =	ssettm $0x7FFFFFFF  }
0xc3: {  	_ =	shalt  }
tec
execute0_lowered:
.L_overlay_start_1:
0x0: {  	(tag) =	ssettag $0x1  }
0x1: {  	s5 =	rddreg [dreg:$0x0]  }
0x2: {  	s0 =	srdreg.scid;
	s7 =	rddreg [dreg:$0x1]  }
0x3: {  	s1 =	stileid.u32;
	s2 =	simm.s32 $0x0;
	s4 =	sand.u32 $0x1, s0  }
0x4: {  	s11 =	simm.s32 $0xC8;
	s12 =	simm.s32 $0x2800;
	s3 =	sshll.u32 s4, $0x4  }
0x5: {  	s13 =	simm.s32 $0xF000;
	s14 =	simm.s32 $0x1B800;
	s3 =	sor.u32 s1, s3  }
0x6: {  	s15 =	simm.s32 $0x0;
	[smem:$0x7FF] =	sst s2;
	s6 =	smul.u32 $0x1388, s3  }
0x7: {  	vm0 =	vmmov $0x1;
	vm1 =	vmmov $0x3;
	vm2 =	vmmov $0x7;
	s0 =	rddreg [dreg:$0x2];
	_ =	strace $0x80000047;
	s30 =	ssub.s32 $0x2, s4  }
0x8: {  	vm3 =	vmmov $0xf;
	vm4 =	vmmov $0x1f;
	vm5 =	vmmov $0x3f;
	s4 =	sadd.s32 $0xA400, s5;
	s31 =	sshrl.u32 s30, $0x1;
	s8 =	sshrl.u32 s6, $0x3  }
0x9: {  	vm6 =	vmmov $0x7f;
	vm7 =	vmmov $0xff;
	vm8 =	vmmov $0x1ff;
	s3 =	sadd.s32 $0x31600, s5;
	s10 =	ssub.s32 s30, s31;
	s9 =	sadd.s32 s8, s5  }
0xa: {  	vm9 =	vmmov $0x3ff;
	vm10 =	vmmov $0x7ff;
	vm11 =	vmmov $0xfff;
	s7 =	sadd.s32 s7, s8;
	s8 =	smax.u32 s10, $0x1;
	s10 =	simm.s32 $0x1400  }
0xb: {  	vm12 =	vmmov $0x1fff;
	vm13 =	vmmov $0x3fff;
	vm14 =	vmmov $0x7fff;
	s5 =	sadd.s32 $0x5420, s9;
	s6 =	sadd.s32 $0x600, s9;
	s9 =	simm.s32 $0x3  }
.LBB2_1:
0xc: {  	[tilespmem:s2], [sflag:$0x3] =	stream.linear.gather [hbm4b:s5+s2], $0x1388, $0x38;
	[tilespmem:$0x1CC00] =	vst v63  }
0xd: {  	_ =	swait.ge [sflag:s9], $0x1388  }
0xe: {  	[sflag:s9] =	ssyncset.done $0x0  }
0xf: {  	[sflag:s9] =	ssyncadd.s32 $0xFFFFEC78  }
0x10: {  	[tilespmem:s10], [sflag:$0x3] =	stream.linear.gather [hbm4b:s6+s2], $0x1388, $0x38;
	[tilespmem:$0x1CC00] =	vst v63  }
0x11: {  	_ =	swait.ge [sflag:s9], $0x1388  }
0x12: {  	[sflag:s9] =	ssyncset.done $0x0  }
0x13: {  	[sflag:s9] =	ssyncadd.s32 $0xFFFFEC78  }
0x14: {  	[tilespmem:s12], [sflag:$0x1] =	stream.indirect.gather [hbm4b:s3+s11], $0x80, s2, s11, $0xb8;
	[tilespmem:$0x1CC00] =	vst v63  }
0x15: {  	s16 =	simm.s32 $0x0  }
0x16: {  	[tilespmem:s13], [sflag:$0x1] =	stream.indirect.gather [hbm4b:s4+s11], $0x80, s10, s11, $0xb8;
	[tilespmem:$0x1CC00] =	vst v63  }
.LBB2_3:
0x17: {  	s17 =	smov.u32 s16  }
0x18: {  	s16 =	sadd.s32 $0x1, s16;
	p0 =	seq.s32 s17, $0x18  }
0x19: {  	s25 =	sand.u32 $0x1, s17;
	s17 =	smul.u32 $0x320, s17;
	s18 =	sand.u32 @!p0 $0x1, s16  }
0x1a: {  	s19 =	smul.u32 @!p0 $0x6400, s18  }
0x1b: {  	s20 =	smul.u32 @!p0 $0xC8, s16  }
0x1c: {  	s22 =	simm.s32 @!p0 $0xC8;
	s18 =	sadd.s32 @!p0 $0x1, s18;
	s21 =	sadd.s32 @!p0 $0x2800, s19  }
0x1d: {  	[tilespmem:s21], [sflag:s18] =	stream.indirect.gather @!p0 [hbm4b:s3+s22], $0x80, s20, s22, $0xb8;
	[tilespmem:$0x1CC00] =	vst v63  }
0x1e: {  	s26 =	smul.u32 $0x6400, s25;
	s19 =	sadd.s32 @!p0 $0xF000, s19;
	s20 =	sadd.s32 @!p0 $0x1400, s20  }
0x1f: {  	[tilespmem:s19], [sflag:s18] =	stream.indirect.gather @!p0 [hbm4b:s4+s22], $0x80, s20, s22, $0xb8;
	[tilespmem:$0x1CC00] =	vst v63  }
0x20: {  	s18 =	sadd.s32 $0x1, s25  }
0x21: {  	s17 =	sshra.s32 s17, $0x2;
	s28 =	sadd.s32 $0x400, s26;
	_ =	swait.ge [sflag:s18], $0x6400  }
0x22: {  	s29 =	sadd.s32 $0x500, s26;
	s23 =	sadd.s32 $0x580, s26;
	[sflag:s18] =	ssyncset.done $0x0  }
0x23: {  	v0 =	vmov s26;
	s24 =	sadd.s32 $0x600, s26;
	s30 =	sadd.s32 $0x700, s26;
	[sflag:s18] =	ssyncadd.s32 $0xFFFF9C00  }
0x24: {  	s31 =	sadd.s32 $0x1B800, s17;
	v1 =	vmov s28;
	v3 =	vmov s29;
	v4 =	vmov s23;
	s21 =	sadd.s32 $0x480, s26;
	_ =	swait.ge [sflag:s18], $0x6400  }
0x25: {  	v5 =	vmov s24;
	v7 =	vmov s30;
	v9 =	vmov s31;
	s25 =	sadd.s32 $0x680, s26;
	s19 =	sadd.s32 $0x780, s26;
	[sflag:s18] =	ssyncset.done $0x0  }
0x26: {  	s17 =	simm.s32 $0x0;
	v2 =	vmov s21;
	v6 =	vmov s25;
	v8 =	vmov s19;
	[sflag:s18] =	ssyncadd.s32 $0xFFFF9C00  }
.LBB2_4:
0x27: {  	s18 =	smin.u32 s17, $0xB8  }
0x28: {  	s19 =	sshll.u32 s18, $0x7  }
0x29: {  	v10 =	vld.idx.msk [tilespmem:v0+s19+$0x2800 ss:$0x1], $0xffff  }
0x2a: {  	v11 =	vld.idx.msk [tilespmem:v0+s19+$0xF000 ss:$0x1], $0xffff  }
0x2b: {  	v12 =	vld.idx.msk [tilespmem:v0+s19+$0x2810 ss:$0x1], $0xffff  }
0x2c: {  	v13 =	vld.idx.msk [tilespmem:v0+s19+$0xF010 ss:$0x1], $0xffff  }
0x2d: {  	v42 =	vld.idx.msk [tilespmem:v0+s19+$0x2820 ss:$0x1], $0xffff  }
0x2e: {  	v44 =	vld.idx.msk [tilespmem:v0+s19+$0x2830 ss:$0x1], $0xffff  }
0x2f: {  	v45 =	vld.idx.msk [tilespmem:v0+s19+$0xF030 ss:$0x1], $0xffff  }
0x30: {  	v50 =	vld.idx.msk [tilespmem:v0+s19+$0x2840 ss:$0x1], $0xffff  }
0x31: {  	v51 =	vld.idx.msk [tilespmem:v0+s19+$0xF040 ss:$0x1], $0xffff  }
0x32: {  	v55 =	vld.idx.msk [tilespmem:v0+s19+$0x2880 ss:$0x1], $0xffff  }
0x33: {  	v56 =	vld.idx.msk [tilespmem:v0+s19+$0xF080 ss:$0x1], $0xffff  }
0x34: {  	v18 =	vld.idx.msk [tilespmem:v0+s19+$0x2850 ss:$0x1], $0xffff  }
0x35: {  	v59 =	vld.idx.msk [tilespmem:v0+s19+$0xF050 ss:$0x1], $0xffff  }
0x36: {  	v60 =	vld.idx.msk [tilespmem:v0+s19+$0x2890 ss:$0x1], $0xffff  }
0x37: {  	v61 =	vld.idx.msk [tilespmem:v0+s19+$0xF090 ss:$0x1], $0xffff;
	v14 =	vunpack.i.l.bf16.f32 v10;
	v15 =	vunpack.i.l.bf16.f32 v11  }
0x38: {  	v24 =	vld.idx.msk [tilespmem:v0+s19+$0x28A0 ss:$0x1], $0xffff;
	v10 =	vunpack.i.u.bf16.f32 v10;
	v11 =	vunpack.i.u.bf16.f32 v11;
	v16 =	vunpack.i.l.bf16.f32 v12  }
0x39: {  	v25 =	vld.idx.msk [tilespmem:v0+s19+$0xF0A0 ss:$0x1], $0xffff;
	v17 =	vunpack.i.l.bf16.f32 v13;
	v12 =	vunpack.i.u.bf16.f32 v12;
	v13 =	vunpack.i.u.bf16.f32 v13  }
0x3a: {  	v26 =	vld.idx.msk [tilespmem:v0+s19+$0x2860 ss:$0x1], $0xffff;
	v46 =	vunpack.i.l.bf16.f32 v42;
	v49 =	vunpack.i.u.bf16.f32 v42;
	v52 =	vunpack.i.l.bf16.f32 v44  }
0x3b: {  	v28 =	vld.idx.msk [tilespmem:v0+s19+$0x28B0 ss:$0x1], $0xffff;
	v53 =	vunpack.i.l.bf16.f32 v45;
	v54 =	vunpack.i.u.bf16.f32 v44;
	v57 =	vunpack.i.l.bf16.f32 v50  }
0x3c: {  	v29 =	vld.idx.msk [tilespmem:v0+s19+$0xF0B0 ss:$0x1], $0xffff;
	v58 =	vunpack.i.l.bf16.f32 v51;
	v62 =	vunpack.i.l.bf16.f32 v55;
	v19 =	vunpack.i.l.bf16.f32 v56  }
0x3d: {  	v30 =	vld.idx.msk [tilespmem:v0+s19+$0xF060 ss:$0x1], $0xffff;
	v63 =	vunpack.i.u.bf16.f32 v18;
	v18 =	vunpack.i.l.bf16.f32 v18;
	v20 =	vunpack.i.l.bf16.f32 v59  }
0x3e: {  	v21 =	vunpack.i.l.bf16.f32 v60;
	v22 =	vunpack.i.l.bf16.f32 v61;
	v31 =	vunpack.i.l.bf16.f32 v24  }
0x3f: {  	v32 =	vunpack.i.l.bf16.f32 v25;
	v34 =	vunpack.i.u.bf16.f32 v24;
	v14 =	vmul.f32 v15, v14  }
0x40: {  	v35 =	vld.idx.msk [tilespmem:v0+s19+$0x28C0 ss:$0x1], $0xffff;
	v36 =	vunpack.i.u.bf16.f32 v26;
	v39 =	vunpack.i.l.bf16.f32 v26;
	v40 =	vunpack.i.l.bf16.f32 v28  }
0x41: {  	v41 =	vunpack.i.l.bf16.f32 v29;
	v10 =	vmul.f32 v11, v10;
	v11 =	vld.idx.msk [tilespmem:v0+s19+$0xF020 ss:$0x1], $0xffff;
	v14 =	vadd.f32 $0.0e+00, v14  }
0x42: {  	v23 =	vld.idx.msk [tilespmem:v0+s19+$0x2870 ss:$0x1], $0xffff;
	v42 =	vunpack.i.l.bf16.f32 v30;
	v43 =	vmul.f32 v17, v16;
	v12 =	vmul.f32 v13, v12  }
0x43: {  	v13 =	vunpack.i.u.bf16.f32 v45;
	v15 =	vunpack.i.u.bf16.f32 v50;
	v50 =	vld.idx.msk [tilespmem:v0+s19+$0x2900 ss:$0x1], $0xffff;
	v10 =	vadd.f32 v14, v10  }
0x44: {  	v38 =	vld.idx.msk [tilespmem:v0+s19+$0xF0C0 ss:$0x1], $0xffff;
	v16 =	vunpack.i.u.bf16.f32 v55;
	v18 =	vmul.f32 v20, v18;
	v27 =	vmul.f32 v22, v21  }
0x45: {  	v33 =	vmul.f32 v32, v31;
	v31 =	vld.idx.msk [tilespmem:v0+s19+$0xF0E0 ss:$0x1], $0xffff;
	v14 =	vunpack.i.u.bf16.f32 v59;
	v10 =	vadd.f32 v43, v10  }
0x46: {  	v17 =	vunpack.i.u.bf16.f32 v60;
	v47 =	vunpack.i.l.bf16.f32 v11;
	v14 =	vmul.f32 v14, v63;
	v63 =	vld.idx.msk [tilespmem:v0+s19+$0x2920 ss:$0x1], $0xffff  }
0x47: {  	v45 =	vunpack.i.u.bf16.f32 v28;
	v48 =	vmul.f32 v47, v46;
	v47 =	vld.idx.msk [tilespmem:v0+s19+$0x28D0 ss:$0x1], $0xffff;
	v10 =	vadd.f32 v10, v12  }
0x48: {  	v55 =	vunpack.i.u.bf16.f32 v23;
	v11 =	vunpack.i.u.bf16.f32 v11;
	v21 =	vunpack.i.u.bf16.f32 v50  }
0x49: {  	v11 =	vmul.f32 v11, v49;
	v43 =	vmul.f32 v41, v40;
	v10 =	vadd.f32 v48, v10  }
0x4a: {  	v44 =	vld.idx.msk [tilespmem:v0+s19+$0xF070 ss:$0x1], $0xffff;
	v49 =	vunpack.i.l.bf16.f32 v38;
	v40 =	vunpack.i.l.bf16.f32 v31;
	v12 =	vunpack.i.u.bf16.f32 v51  }
0x4b: {  	v48 =	vunpack.i.l.bf16.f32 v35;
	v10 =	vadd.f32 v10, v11;
	v11 =	vmul.f32 v53, v52;
	v53 =	vld.idx.msk [tilespmem:v0+s19+$0xF0D0 ss:$0x1], $0xffff  }
0x4c: {  	v41 =	vunpack.i.u.bf16.f32 v63;
	v51 =	vmul.f32 v49, v48;
	v60 =	vunpack.i.u.bf16.f32 v47  }
0x4d: {  	v59 =	vld.idx.msk [tilespmem:v0+s19+$0xF110 ss:$0x1], $0xffff;
	v10 =	vadd.f32 v11, v10;
	v11 =	vmul.f32 v13, v54;
	v13 =	vunpack.i.u.bf16.f32 v56  }
0x4e: {  	v56 =	vunpack.i.l.bf16.f32 v23;
	v13 =	vmul.f32 v13, v16;
	v16 =	vunpack.i.u.bf16.f32 v25  }
0x4f: {  	v52 =	vld.idx.msk [tilespmem:v0+s19+$0xF100 ss:$0x1], $0xffff;
	v10 =	vadd.f32 v10, v11;
	v11 =	vmul.f32 v58, v57;
	v37 =	vmul.f32 v16, v34  }
0x50: {  	v25 =	vld.idx.msk [tilespmem:v0+s19+$0x28E0 ss:$0x1], $0xffff;
	v16 =	vmul.f32 v42, v39;
	v57 =	vunpack.i.l.bf16.f32 v44;
	v24 =	vunpack.i.l.bf16.f32 v53  }
0x51: {  	v58 =	vld.idx.msk [tilespmem:v0+s19+$0x2910 ss:$0x1], $0xffff;
	v10 =	vadd.f32 v11, v10;
	v11 =	vmul.f32 v12, v15;
	v12 =	vunpack.i.u.bf16.f32 v61  }
0x52: {  	v42 =	vld.idx.msk [tilespmem:v0+s19+$0x2940 ss:$0x1], $0xffff;
	v15 =	vunpack.i.u.bf16.f32 v30;
	v61 =	vunpack.i.l.bf16.f32 v50;
	v30 =	vunpack.i.l.bf16.f32 v59  }
0x53: {  	v12 =	vmul.f32 v12, v17;
	v15 =	vmul.f32 v15, v36;
	v17 =	vunpack.i.u.bf16.f32 v35  }
0x54: {  	v10 =	vadd.f32 v10, v11;
	v11 =	vmul.f32 v19, v62;
	v62 =	vunpack.i.l.bf16.f32 v52  }
0x55: {  	v36 =	vunpack.i.l.bf16.f32 v63;
	v19 =	vunpack.i.u.bf16.f32 v44;
	v22 =	vmul.f32 v62, v61  }
0x56: {  	v48 =	vld.idx.msk [tilespmem:v0+s19+$0xF0F0 ss:$0x1], $0xffff;
	v35 =	vunpack.i.u.bf16.f32 v25;
	v11 =	vadd.f32 $0.0e+00, v11;
	v10 =	vadd.f32 v18, v10  }
0x57: {  	v34 =	vld.idx.msk [tilespmem:v0+s19+$0xF130 ss:$0x1], $0xffff;
	v32 =	vunpack.i.u.bf16.f32 v58;
	v23 =	vunpack.i.u.bf16.f32 v42;
	v22 =	vadd.f32 $0.0e+00, v22  }
0x58: {  	v44 =	vld.idx.msk [tilespmem:v0+s19+$0xF140 ss:$0x1], $0xffff;
	v18 =	vunpack.i.u.bf16.f32 v53;
	v11 =	vadd.f32 v11, v13;
	v10 =	vadd.f32 v10, v14  }
0x59: {  	v13 =	vunpack.i.u.bf16.f32 v29;
	v14 =	vunpack.i.u.bf16.f32 v38;
	v29 =	vunpack.i.l.bf16.f32 v58  }
0x5a: {  	v38 =	vunpack.i.l.bf16.f32 v25;
	v46 =	vmul.f32 v13, v45;
	v54 =	vmul.f32 v14, v17  }
0x5b: {  	v28 =	vld.idx.msk [tilespmem:v0+s19+$0xF120 ss:$0x1], $0xffff;
	v13 =	vunpack.i.l.bf16.f32 v47;
	v17 =	vmul.f32 v18, v60;
	v18 =	vunpack.i.u.bf16.f32 v31  }
0x5c: {  	v47 =	vunpack.i.l.bf16.f32 v34;
	v14 =	vmul.f32 v19, v55;
	v11 =	vadd.f32 v27, v11  }
0x5d: {  	v45 =	vld.idx.msk [tilespmem:v0+s19+$0x28F0 ss:$0x1], $0xffff;
	v55 =	vunpack.i.l.bf16.f32 v44;
	v60 =	vunpack.i.l.bf16.f32 v48;
	v10 =	vadd.f32 v16, v10  }
0x5e: {  	v13 =	vmul.f32 v24, v13;
	v16 =	vunpack.i.u.bf16.f32 v52;
	v11 =	vadd.f32 v11, v12  }
0x5f: {  	v16 =	vmul.f32 v16, v21;
	v10 =	vadd.f32 v10, v15;
	v15 =	vmul.f32 v57, v56;
	v56 =	vld.idx.msk [tilespmem:v0+s19+$0x2980 ss:$0x1], $0xffff  }
0x60: {  	v21 =	vunpack.i.u.bf16.f32 v28;
	v12 =	vunpack.i.u.bf16.f32 v59;
	v59 =	vld.idx.msk [tilespmem:v0+s19+$0xF180 ss:$0x1], $0xffff;
	v11 =	vadd.f32 v33, v11  }
0x61: {  	v16 =	vadd.f32 v22, v16;
	v12 =	vmul.f32 v12, v32;
	v10 =	vadd.f32 v15, v10;
	v33 =	vld.idx.msk [tilespmem:v0+s19+$0x2930 ss:$0x1], $0xffff  }
0x62: {  	v63 =	vld.idx.msk [tilespmem:v0+s19+$0x2990 ss:$0x1], $0xffff;
	v15 =	vunpack.i.u.bf16.f32 v34;
	v57 =	vunpack.i.l.bf16.f32 v45;
	v11 =	vadd.f32 v11, v37  }
0x63: {  	v62 =	vunpack.i.u.bf16.f32 v45;
	v45 =	vld.idx.msk [tilespmem:v0+s19+$0xF1B0 ss:$0x1], $0xffff;
	v37 =	vunpack.i.l.bf16.f32 v28;
	v10 =	vadd.f32 v10, v14  }
0x64: {  	v53 =	vld.idx.msk [tilespmem:v0+s19+$0xF150 ss:$0x1], $0xffff;
	v39 =	vmul.f32 v37, v36;
	v31 =	vunpack.i.l.bf16.f32 v56;
	v11 =	vadd.f32 v43, v11  }
0x65: {  	v34 =	vld.idx.msk [tilespmem:v0+s19+$0x29A0 ss:$0x1], $0xffff;
	v32 =	vunpack.i.l.bf16.f32 v59;
	v43 =	vmul.f32 v21, v41;
	v21 =	vunpack.i.u.bf16.f32 v44  }
0x66: {  	v50 =	vunpack.i.u.bf16.f32 v33;
	v11 =	vadd.f32 v11, v46;
	v46 =	vunpack.i.l.bf16.f32 v33;
	v33 =	vld.idx.msk [tilespmem:v0+s19+$0x2960 ss:$0x1], $0xffff  }
0x67: {  	v19 =	vunpack.i.u.bf16.f32 v56;
	v41 =	vunpack.i.u.bf16.f32 v63;
	v61 =	vmul.f32 v21, v23  }
0x68: {  	v23 =	vmul.f32 v32, v31;
	v56 =	vunpack.i.l.bf16.f32 v45;
	v11 =	vadd.f32 v51, v11;
	v51 =	vld.idx.msk [tilespmem:v0+s19+$0x2950 ss:$0x1], $0xffff  }
0x69: {  	v52 =	vmul.f32 v15, v50;
	v15 =	vunpack.i.u.bf16.f32 v53;
	v49 =	vmul.f32 v47, v46  }
0x6a: {  	v47 =	vunpack.i.l.bf16.f32 v34;
	v11 =	vadd.f32 v11, v54;
	v54 =	vunpack.i.l.bf16.f32 v42  }
0x6b: {  	v37 =	vld.idx.msk [tilespmem:v0+s19+$0xF160 ss:$0x1], $0xffff;
	v58 =	vmul.f32 v55, v54;
	v44 =	vunpack.i.u.bf16.f32 v33;
	v46 =	vunpack.i.l.bf16.f32 v33  }
0x6c: {  	v26 =	vld.idx.msk [tilespmem:v0+s19+$0x2970 ss:$0x1], $0xffff;
	v11 =	vadd.f32 v13, v11;
	v13 =	vmul.f32 v30, v29;
	v30 =	vunpack.i.l.bf16.f32 v53  }
0x6d: {  	v36 =	vld.idx.msk [tilespmem:v0+s19+$0xF1A0 ss:$0x1], $0xffff;
	v28 =	vunpack.i.l.bf16.f32 v51;
	v20 =	vunpack.i.u.bf16.f32 v51;
	v51 =	vunpack.i.u.bf16.f32 v34  }
0x6e: {  	v54 =	vld.idx.msk [tilespmem:v0+s19+$0xF1C0 ss:$0x1], $0xffff;
	v11 =	vadd.f32 v11, v17;
	v13 =	vadd.f32 v13, v16;
	v17 =	vmul.f32 v40, v38  }
0x6f: {  	v29 =	vld.idx.msk [tilespmem:v0+s19+$0xF190 ss:$0x1], $0xffff;
	v16 =	vmul.f32 v18, v35;
	v18 =	vmul.f32 v60, v57;
	v35 =	vadd.f32 $0.0e+00, v23  }
0x70: {  	v15 =	vmul.f32 v15, v20;
	v38 =	vunpack.i.l.bf16.f32 v63;
	v20 =	vunpack.i.u.bf16.f32 v37  }
0x71: {  	v34 =	vld.idx.msk [tilespmem:v0+s19+$0x2A10 ss:$0x1], $0xffff;
	v20 =	vmul.f32 v20, v44;
	v12 =	vadd.f32 v13, v12;
	v11 =	vadd.f32 v17, v11  }
0x72: {  	v17 =	vunpack.i.u.bf16.f32 v48;
	v13 =	vmul.f32 v30, v28;
	v48 =	vunpack.i.l.bf16.f32 v36  }
0x73: {  	v57 =	vld.idx.msk [tilespmem:v0+s19+$0xF170 ss:$0x1], $0xffff;
	v28 =	vunpack.i.l.bf16.f32 v54;
	v30 =	vunpack.i.l.bf16.f32 v26;
	v14 =	vmul.f32 v17, v62  }
0x74: {  	v32 =	vld.idx.msk [tilespmem:v0+s19+$0xF1D0 ss:$0x1], $0xffff;
	v42 =	vunpack.i.u.bf16.f32 v29;
	v50 =	vmul.f32 v48, v47;
	v12 =	vadd.f32 v39, v12  }
0x75: {  	v60 =	vld.idx.msk [tilespmem:v0+s19+$0x2A00 ss:$0x1], $0xffff;
	v62 =	vunpack.i.u.bf16.f32 v26;
	v11 =	vadd.f32 v11, v16;
	v16 =	vunpack.i.u.bf16.f32 v59  }
0x76: {  	v39 =	vunpack.i.l.bf16.f32 v29;
	v29 =	vld.idx.msk [tilespmem:v0+s19+$0x29D0 ss:$0x1], $0xffff;
	v44 =	vunpack.i.l.bf16.f32 v34;
	v12 =	vadd.f32 v12, v43  }
0x77: {  	v25 =	vunpack.i.u.bf16.f32 v34;
	v16 =	vmul.f32 v16, v19;
	v19 =	vunpack.i.u.bf16.f32 v36;
	v36 =	vld.idx.msk [tilespmem:v0+s19+$0xF210 ss:$0x1], $0xffff  }
0x78: {  	v40 =	vmul.f32 v39, v38;
	v33 =	vunpack.i.l.bf16.f32 v57;
	v43 =	vld.idx.msk [tilespmem:v0+s19+$0x29B0 ss:$0x1], $0xffff;
	v12 =	vadd.f32 v49, v12  }
0x79: {  	v21 =	vunpack.i.u.bf16.f32 v57;
	v11 =	vadd.f32 v18, v11;
	v53 =	vmul.f32 v19, v51  }
0x7a: {  	v47 =	vld.idx.msk [tilespmem:v0+s19+$0x2A30 ss:$0x1], $0xffff;
	v19 =	vunpack.i.u.bf16.f32 v54;
	v18 =	vunpack.i.u.bf16.f32 v32;
	v12 =	vadd.f32 v12, v52  }
0x7b: {  	v49 =	vunpack.i.l.bf16.f32 v37;
	v11 =	vadd.f32 v11, v14;
	v37 =	vunpack.i.l.bf16.f32 v60;
	v52 =	vld.idx.msk [tilespmem:v0+s19+$0x29C0 ss:$0x1], $0xffff  }
0x7c: {  	v17 =	vmul.f32 v49, v46;
	v22 =	vunpack.i.l.bf16.f32 v29;
	v12 =	vadd.f32 v58, v12  }
0x7d: {  	v27 =	vunpack.i.l.bf16.f32 v36;
	v55 =	vunpack.i.l.bf16.f32 v43;
	v59 =	vunpack.i.u.bf16.f32 v43  }
0x7e: {  	v43 =	vunpack.i.l.bf16.f32 v32;
	v46 =	vmul.f32 v27, v44;
	v12 =	vadd.f32 v12, v61  }
0x7f: {  	v49 =	vld.idx.msk [tilespmem:v0+s19+$0xF230 ss:$0x1], $0xffff;
	v32 =	vunpack.i.u.bf16.f32 v47;
	v58 =	vmul.f32 v56, v55;
	v22 =	vmul.f32 v43, v22  }
0x80: {  	v61 =	vld.idx.msk [tilespmem:v0+s19+$0xF200 ss:$0x1], $0xffff;
	v63 =	vunpack.i.l.bf16.f32 v52;
	v23 =	vunpack.i.u.bf16.f32 v52;
	v12 =	vadd.f32 v13, v12  }
0x81: {  	v55 =	vld.idx.msk [tilespmem:v0+s19+$0x2A40 ss:$0x1], $0xffff;
	v13 =	vadd.f32 v35, v16;
	v16 =	vunpack.i.u.bf16.f32 v45;
	v31 =	vmul.f32 v28, v63  }
0x82: {  	v35 =	vmul.f32 v19, v23;
	v19 =	vunpack.i.u.bf16.f32 v36;
	v14 =	vmul.f32 v16, v59  }
0x83: {  	v45 =	vld.idx.msk [tilespmem:v0+s19+$0x29E0 ss:$0x1], $0xffff;
	v48 =	vmul.f32 v19, v25;
	v16 =	vmul.f32 v21, v62;
	v12 =	vadd.f32 v12, v15  }
0x84: {  	v63 =	vld.idx.msk [tilespmem:v0+s19+$0x29F0 ss:$0x1], $0xffff;
	v13 =	vadd.f32 v40, v13;
	v15 =	vmul.f32 v42, v41;
	v40 =	vunpack.i.u.bf16.f32 v29  }
0x85: {  	v28 =	vld.idx.msk [tilespmem:v0+s19+$0x2A60 ss:$0x1], $0xffff;
	v19 =	vunpack.i.u.bf16.f32 v49;
	v38 =	vunpack.i.l.bf16.f32 v61;
	v18 =	vmul.f32 v18, v40  }
0x86: {  	v34 =	vld.idx.msk [tilespmem:v0+s19+$0x2A50 ss:$0x1], $0xffff;
	v40 =	vunpack.i.u.bf16.f32 v55;
	v13 =	vadd.f32 v13, v15;
	v12 =	vadd.f32 v17, v12  }
0x87: {  	v41 =	vld.idx.msk [tilespmem:v0+s19+$0x2A20 ss:$0x1], $0xffff;
	v39 =	vmul.f32 v38, v37;
	v17 =	vunpack.i.u.bf16.f32 v60;
	v15 =	vunpack.i.u.bf16.f32 v61  }
0x88: {  	v42 =	vld.idx.msk [tilespmem:v0+s19+$0xF220 ss:$0x1], $0xffff;
	v60 =	vunpack.i.l.bf16.f32 v47;
	v61 =	vunpack.i.l.bf16.f32 v49;
	v15 =	vmul.f32 v15, v17  }
0x89: {  	v56 =	vunpack.i.u.bf16.f32 v45;
	v59 =	vunpack.i.l.bf16.f32 v45;
	v43 =	vunpack.i.u.bf16.f32 v63  }
0x8a: {  	v37 =	vld.idx.msk [tilespmem:v0+s19+$0x2A80 ss:$0x1], $0xffff;
	v44 =	vunpack.i.l.bf16.f32 v63;
	v63 =	vunpack.i.l.bf16.f32 v28;
	v13 =	vadd.f32 v50, v13  }
0x8b: {  	v12 =	vadd.f32 v12, v20;
	v20 =	vmul.f32 v33, v30;
	v50 =	vld.idx.msk [tilespmem:v0+s19+$0xF1E0 ss:$0x1], $0xffff;
	v30 =	vmul.f32 v61, v60  }
0x8c: {  	v33 =	vmul.f32 v19, v32;
	v19 =	vunpack.i.l.bf16.f32 v34;
	v60 =	vunpack.i.u.bf16.f32 v28;
	v32 =	vld.idx.msk [tilespmem:v0+s19+$0x2AC0 ss:$0x1], $0xffff  }
0x8d: {  	v51 =	vunpack.i.l.bf16.f32 v41;
	v52 =	vunpack.i.l.bf16.f32 v42;
	v54 =	vunpack.i.u.bf16.f32 v41;
	v41 =	vld.idx.msk [tilespmem:v0+s19+$0xF250 ss:$0x1], $0xffff  }
0x8e: {  	v47 =	vld.idx.msk [tilespmem:v0+s19+$0xF290 ss:$0x1], $0xffff;
	v17 =	vunpack.i.u.bf16.f32 v42;
	v13 =	vadd.f32 v13, v53;
	v12 =	vadd.f32 v20, v12  }
0x8f: {  	v53 =	vmul.f32 v52, v51;
	v57 =	vmul.f32 v17, v54;
	v52 =	vld.idx.msk [tilespmem:v0+s19+$0x2AA0 ss:$0x1], $0xffff;
	v49 =	vunpack.i.l.bf16.f32 v37  }
0x90: {  	v25 =	vunpack.i.u.bf16.f32 v37;
	v13 =	vadd.f32 v58, v13;
	v58 =	vld.idx.msk [tilespmem:v0+s19+$0xF240 ss:$0x1], $0xffff;
	v12 =	vadd.f32 v12, v16  }
0x91: {  	v62 =	vunpack.i.l.bf16.f32 v50;
	v20 =	vunpack.i.u.bf16.f32 v50;
	v26 =	vunpack.i.u.bf16.f32 v32  }
0x92: {  	v13 =	vadd.f32 v13, v14;
	v14 =	vadd.f32 $0.0e+00, v39;
	v51 =	vunpack.i.l.bf16.f32 v41  }
0x93: {  	v20 =	vmul.f32 v20, v56;
	v39 =	vld.idx.msk [tilespmem:v0+s19+$0xF280 ss:$0x1], $0xffff;
	v21 =	vunpack.i.u.bf16.f32 v41;
	v19 =	vmul.f32 v51, v19  }
0x94: {  	v41 =	vld.idx.msk [tilespmem:v0+s19+$0x2AD0 ss:$0x1], $0xffff;
	v61 =	vunpack.i.l.bf16.f32 v52;
	v13 =	vadd.f32 v31, v13;
	v14 =	vadd.f32 v14, v15  }
0x95: {  	v31 =	vld.idx.msk [tilespmem:v0+s19+$0xF1F0 ss:$0x1], $0xffff;
	v15 =	vunpack.i.u.bf16.f32 v47;
	v36 =	vunpack.i.l.bf16.f32 v58;
	v17 =	vunpack.i.u.bf16.f32 v58  }
0x96: {  	v13 =	vadd.f32 v13, v35;
	v14 =	vadd.f32 v46, v14;
	v35 =	vunpack.i.l.bf16.f32 v55  }
0x97: {  	v58 =	vld.idx.msk [tilespmem:v0+s19+$0x2AB0 ss:$0x1], $0xffff;
	v42 =	vmul.f32 v17, v40;
	v55 =	vunpack.i.l.bf16.f32 v47;
	v38 =	vmul.f32 v36, v35  }
0x98: {  	v50 =	vunpack.i.l.bf16.f32 v39;
	v13 =	vadd.f32 v22, v13;
	v14 =	vadd.f32 v14, v48  }
0x99: {  	v46 =	vld.idx.msk [tilespmem:v0+s19+$0x2A90 ss:$0x1], $0xffff;
	v48 =	vunpack.i.u.bf16.f32 v34;
	v24 =	vmul.f32 v50, v49;
	v22 =	vunpack.i.u.bf16.f32 v41  }
0x9a: {  	v35 =	vld.idx.msk [tilespmem:v0+s19+$0x2A70 ss:$0x1], $0xffff;
	v45 =	vunpack.i.l.bf16.f32 v31;
	v23 =	vunpack.i.u.bf16.f32 v31;
	v31 =	vunpack.i.u.bf16.f32 v52  }
0x9b: {  	v13 =	vadd.f32 v13, v18;
	v14 =	vadd.f32 v53, v14;
	v18 =	vmul.f32 v62, v59  }
0x9c: {  	v34 =	vld.idx.msk [tilespmem:v0+s19+$0xF2C0 ss:$0x1], $0xffff;
	v17 =	vmul.f32 v45, v44;
	v24 =	vadd.f32 $0.0e+00, v24;
	v36 =	vunpack.i.l.bf16.f32 v58  }
0x9d: {  	v56 =	vld.idx.msk [tilespmem:v0+s19+$0xF260 ss:$0x1], $0xffff;
	v40 =	vunpack.i.u.bf16.f32 v58;
	v16 =	vmul.f32 v23, v43;
	v43 =	vunpack.i.l.bf16.f32 v32  }
0x9e: {  	v53 =	vld.idx.msk [tilespmem:v0+s19+$0xF2A0 ss:$0x1], $0xffff;
	v54 =	vunpack.i.l.bf16.f32 v46;
	v14 =	vadd.f32 v14, v57;
	v13 =	vadd.f32 v18, v13  }
0x9f: {  	v59 =	vld.idx.msk [tilespmem:v0+s19+$0xF2B0 ss:$0x1], $0xffff;
	v18 =	vunpack.i.u.bf16.f32 v39;
	v57 =	vunpack.i.u.bf16.f32 v46;
	v46 =	vunpack.i.l.bf16.f32 v35  }
0xa0: {  	v45 =	vld.idx.msk [tilespmem:v0+s19+$0x2B00 ss:$0x1], $0xffff;
	v51 =	vunpack.i.u.bf16.f32 v35;
	v18 =	vmul.f32 v18, v25;
	v15 =	vmul.f32 v15, v57  }
0xa1: {  	v44 =	vunpack.i.l.bf16.f32 v34;
	v14 =	vadd.f32 v30, v14;
	v13 =	vadd.f32 v13, v20  }
0xa2: {  	v52 =	vld.idx.msk [tilespmem:v0+s19+$0x2B10 ss:$0x1], $0xffff;
	v20 =	vmul.f32 v21, v48;
	v30 =	vunpack.i.l.bf16.f32 v56;
	v21 =	vunpack.i.u.bf16.f32 v56  }
0xa3: {  	v58 =	vld.idx.msk [tilespmem:v0+s19+$0x2AE0 ss:$0x1], $0xffff;
	v47 =	vmul.f32 v44, v43;
	v18 =	vadd.f32 v24, v18;
	v62 =	vunpack.i.l.bf16.f32 v53  }
0xa4: {  	v48 =	vld.idx.msk [tilespmem:v0+s19+$0xF300 ss:$0x1], $0xffff;
	v25 =	vunpack.i.u.bf16.f32 v53;
	v37 =	vunpack.i.l.bf16.f32 v59;
	v24 =	vunpack.i.u.bf16.f32 v34  }
0xa5: {  	v56 =	vunpack.i.l.bf16.f32 v45;
	v23 =	vunpack.i.u.bf16.f32 v45;
	v45 =	vld.idx.msk [tilespmem:v0+s19+$0x2B40 ss:$0x1], $0xffff;
	v14 =	vadd.f32 v14, v33  }
0xa6: {  	v53 =	vunpack.i.l.bf16.f32 v41;
	v13 =	vadd.f32 v17, v13;
	v17 =	vunpack.i.u.bf16.f32 v59;
	v59 =	vld.idx.msk [tilespmem:v0+s19+$0x2B20 ss:$0x1], $0xffff  }
0xa7: {  	v29 =	vmul.f32 v62, v61;
	v33 =	vmul.f32 v25, v31;
	v61 =	vld.idx.msk [tilespmem:v0+s19+$0xF320 ss:$0x1], $0xffff;
	v14 =	vadd.f32 v38, v14  }
0xa8: {  	v34 =	vunpack.i.u.bf16.f32 v52;
	v39 =	vmul.f32 v37, v36;
	v50 =	vmul.f32 v24, v26;
	v38 =	vld.idx.msk [tilespmem:v0+s19+$0xF270 ss:$0x1], $0xffff  }
0xa9: {  	v37 =	vunpack.i.u.bf16.f32 v58;
	v57 =	vunpack.i.l.bf16.f32 v48;
	v14 =	vadd.f32 v14, v42  }
0xaa: {  	v36 =	vld.idx.msk [tilespmem:v0+s19+$0x2B30 ss:$0x1], $0xffff;
	v17 =	vmul.f32 v17, v40;
	v13 =	vadd.f32 v13, v16;
	v26 =	vmul.f32 v57, v56  }
0xab: {  	v42 =	vld.idx.msk [tilespmem:v0+s19+$0xF2D0 ss:$0x1], $0xffff;
	v56 =	vunpack.i.l.bf16.f32 v45;
	v40 =	vunpack.i.l.bf16.f32 v59;
	v14 =	vadd.f32 v19, v14  }
0xac: {  	v41 =	vunpack.i.l.bf16.f32 v61;
	v44 =	vunpack.i.u.bf16.f32 v59;
	v19 =	vmul.f32 v55, v54  }
0xad: {  	v62 =	vld.idx.msk [tilespmem:v0+s19+$0xF2E0 ss:$0x1], $0xffff;
	v43 =	vmul.f32 v41, v40;
	v49 =	vunpack.i.l.bf16.f32 v38;
	v14 =	vadd.f32 v14, v20  }
0xae: {  	v54 =	vld.idx.msk [tilespmem:v0+s19+$0xF310 ss:$0x1], $0xffff;
	v18 =	vadd.f32 v19, v18;
	v20 =	vmul.f32 v30, v63;
	v19 =	vmul.f32 v21, v60  }
0xaf: {  	v21 =	vmul.f32 v49, v46;
	v60 =	vadd.f32 $0.0e+00, v26;
	v63 =	vunpack.i.l.bf16.f32 v52  }
0xb0: {  	v52 =	vunpack.i.u.bf16.f32 v36;
	v26 =	vunpack.i.u.bf16.f32 v45;
	v55 =	vunpack.i.l.bf16.f32 v42  }
0xb1: {  	v15 =	vadd.f32 v18, v15;
	v14 =	vadd.f32 v20, v14;
	v18 =	vunpack.i.u.bf16.f32 v42  }
0xb2: {  	v45 =	vld.idx.msk [tilespmem:v0+s19+$0x2BB0 ss:$0x1], $0xffff;
	v20 =	vunpack.i.u.bf16.f32 v38;
	v42 =	vunpack.i.l.bf16.f32 v62;
	v18 =	vmul.f32 v18, v22  }
0xb3: {  	v38 =	vld.idx.msk [tilespmem:v0+s19+$0xF330 ss:$0x1], $0xffff;
	v32 =	vunpack.i.l.bf16.f32 v54;
	v16 =	vmul.f32 v20, v51;
	v15 =	vadd.f32 v29, v15  }
0xb4: {  	v35 =	vunpack.i.u.bf16.f32 v54;
	v22 =	vunpack.i.u.bf16.f32 v62;
	v54 =	vld.idx.msk [tilespmem:v0+s19+$0xF380 ss:$0x1], $0xffff;
	v14 =	vadd.f32 v14, v19  }
0xb5: {  	v19 =	vunpack.i.u.bf16.f32 v48;
	v29 =	vld.idx.msk [tilespmem:v0+s19+$0x2AF0 ss:$0x1], $0xffff;
	v48 =	vunpack.i.l.bf16.f32 v36;
	v15 =	vadd.f32 v15, v33  }
0xb6: {  	v22 =	vmul.f32 v22, v37;
	v19 =	vmul.f32 v19, v23;
	v23 =	vunpack.i.u.bf16.f32 v61;
	v61 =	vld.idx.msk [tilespmem:v0+s19+$0xF350 ss:$0x1], $0xffff  }
0xb7: {  	v14 =	vadd.f32 v21, v14;
	v33 =	vmul.f32 v32, v63;
	v63 =	vld.idx.msk [tilespmem:v0+s19+$0x2B90 ss:$0x1], $0xffff;
	v15 =	vadd.f32 v39, v15  }
0xb8: {  	v46 =	vmul.f32 v23, v44;
	v32 =	vunpack.i.u.bf16.f32 v45;
	v39 =	vunpack.i.l.bf16.f32 v58;
	v58 =	vld.idx.msk [tilespmem:v0+s19+$0x2B50 ss:$0x1], $0xffff  }
0xb9: {  	v49 =	vunpack.i.l.bf16.f32 v38;
	v20 =	vmul.f32 v42, v39;
	v39 =	vld.idx.msk [tilespmem:v0+s19+$0x2BA0 ss:$0x1], $0xffff;
	v15 =	vadd.f32 v15, v17  }
0xba: {  	v51 =	vmul.f32 v49, v48;
	v14 =	vadd.f32 v14, v16;
	v36 =	vunpack.i.l.bf16.f32 v54  }
0xbb: {  	v59 =	vunpack.i.l.bf16.f32 v29;
	v17 =	vmul.f32 v55, v53;
	v15 =	vadd.f32 v47, v15  }
0xbc: {  	v55 =	vunpack.i.u.bf16.f32 v29;
	v41 =	vunpack.i.l.bf16.f32 v61;
	v21 =	vunpack.i.u.bf16.f32 v61;
	v47 =	vld.idx.msk [tilespmem:v0+s19+$0xF340 ss:$0x1], $0xffff  }
0xbd: {  	v53 =	vld.idx.msk [tilespmem:v0+s19+$0x2B80 ss:$0x1], $0xffff;
	v42 =	vunpack.i.l.bf16.f32 v63;
	v25 =	vunpack.i.l.bf16.f32 v58;
	v15 =	vadd.f32 v15, v50  }
0xbe: {  	v28 =	vunpack.i.u.bf16.f32 v63;
	v63 =	vld.idx.msk [tilespmem:v0+s19+$0xF370 ss:$0x1], $0xffff;
	v25 =	vmul.f32 v41, v25;
	v49 =	vunpack.i.l.bf16.f32 v39  }
0xbf: {  	v50 =	vld.idx.msk [tilespmem:v0+s19+$0xF2F0 ss:$0x1], $0xffff;
	v15 =	vadd.f32 v17, v15;
	v17 =	vadd.f32 v60, v19;
	v19 =	vunpack.i.u.bf16.f32 v38  }
0xc0: {  	v40 =	vld.idx.msk [tilespmem:v0+s19+$0xF3A0 ss:$0x1], $0xffff;
	v38 =	vunpack.i.u.bf16.f32 v58;
	v58 =	vunpack.i.l.bf16.f32 v45;
	v16 =	vmul.f32 v19, v52  }
0xc1: {  	v57 =	vunpack.i.l.bf16.f32 v47;
	v23 =	vunpack.i.u.bf16.f32 v47;
	v21 =	vmul.f32 v21, v38  }
0xc2: {  	v41 =	vld.idx.msk [tilespmem:v0+s19+$0xF3D0 ss:$0x1], $0xffff;
	v52 =	vunpack.i.u.bf16.f32 v39;
	v15 =	vadd.f32 v15, v18;
	v18 =	vmul.f32 v35, v34  }
0xc3: {  	v31 =	vld.idx.msk [tilespmem:v0+s19+$0x2BE0 ss:$0x1], $0xffff;
	v17 =	vadd.f32 v33, v17;
	v60 =	vmul.f32 v57, v56;
	v33 =	vmul.f32 v23, v26  }
0xc4: {  	v47 =	vld.idx.msk [tilespmem:v0+s19+$0xF3B0 ss:$0x1], $0xffff;
	v35 =	vunpack.i.l.bf16.f32 v53;
	v26 =	vunpack.i.u.bf16.f32 v63;
	v62 =	vunpack.i.l.bf16.f32 v50  }
0xc5: {  	v34 =	vld.idx.msk [tilespmem:v0+s19+$0xF390 ss:$0x1], $0xffff;
	v24 =	vunpack.i.u.bf16.f32 v50;
	v37 =	vmul.f32 v36, v35;
	v50 =	vunpack.i.l.bf16.f32 v40  }
0xc6: {  	v56 =	vld.idx.msk [tilespmem:v0+s19+$0xF3C0 ss:$0x1], $0xffff;
	v17 =	vadd.f32 v17, v18;
	v15 =	vadd.f32 v20, v15;
	v20 =	vunpack.i.u.bf16.f32 v53  }
0xc7: {  	v45 =	vld.idx.msk [tilespmem:v1+s19+$0x2810 ss:$0x1], $0xffff;
	v18 =	vunpack.i.u.bf16.f32 v54;
	v19 =	vmul.f32 v24, v55;
	v24 =	vunpack.i.u.bf16.f32 v41  }
0xc8: {  	v48 =	vld.idx.msk [tilespmem:v0+s19+$0xF360 ss:$0x1], $0xffff;
	v18 =	vmul.f32 v18, v20;
	v20 =	vunpack.i.u.bf16.f32 v40;
	v17 =	vadd.f32 v43, v17  }
0xc9: {  	v53 =	vld.idx.msk [tilespmem:v0+s19+$0x2BC0 ss:$0x1], $0xffff;
	v15 =	vadd.f32 v15, v22;
	v22 =	vmul.f32 v62, v59;
	v55 =	vmul.f32 v20, v52  }
0xca: {  	v59 =	vunpack.i.l.bf16.f32 v47;
	v30 =	vunpack.i.l.bf16.f32 v34;
	v23 =	vunpack.i.u.bf16.f32 v34  }
0xcb: {  	v62 =	vmul.f32 v59, v58;
	v36 =	vunpack.i.l.bf16.f32 v56;
	v20 =	vunpack.i.u.bf16.f32 v56  }
0xcc: {  	v61 =	vld.idx.msk [tilespmem:v0+s19+$0x2B70 ss:$0x1], $0xffff;
	v56 =	vunpack.i.u.bf16.f32 v45;
	v59 =	vunpack.i.u.bf16.f32 v31;
	v17 =	vadd.f32 v17, v46  }
0xcd: {  	v39 =	vld.idx.msk [tilespmem:v1+s19+$0xF000 ss:$0x1], $0xffff;
	v15 =	vadd.f32 v22, v15;
	v44 =	vmul.f32 v30, v42;
	v46 =	vmul.f32 v23, v28  }
0xce: {  	v43 =	vld.idx.msk [tilespmem:v0+s19+$0x2B60 ss:$0x1], $0xffff;
	v23 =	vunpack.i.u.bf16.f32 v47;
	v22 =	vunpack.i.u.bf16.f32 v48;
	v35 =	vunpack.i.l.bf16.f32 v53  }
0xcf: {  	v40 =	vunpack.i.u.bf16.f32 v53;
	v53 =	vunpack.i.l.bf16.f32 v45;
	v17 =	vadd.f32 v51, v17  }
0xd0: {  	v34 =	vld.idx.msk [tilespmem:v0+s19+$0x2BD0 ss:$0x1], $0xffff;
	v51 =	vmul.f32 v50, v49;
	v38 =	vmul.f32 v36, v35;
	v15 =	vadd.f32 v15, v19  }
0xd1: {  	v42 =	vmul.f32 v20, v40;
	v19 =	vunpack.i.u.bf16.f32 v61;
	v16 =	vadd.f32 v17, v16  }
0xd2: {  	v49 =	vunpack.i.l.bf16.f32 v39;
	v50 =	vunpack.i.l.bf16.f32 v41;
	v17 =	vadd.f32 $0.0e+00, v37;
	v37 =	vld.idx.msk [tilespmem:v1+s19+$0x2800 ss:$0x1], $0xffff  }
0xd3: {  	v54 =	vunpack.i.u.bf16.f32 v43;
	v57 =	vunpack.i.l.bf16.f32 v43;
	v16 =	vadd.f32 v60, v16  }
0xd4: {  	v52 =	vld.idx.msk [tilespmem:v1+s19+$0xF020 ss:$0x1], $0xffff;
	v43 =	vunpack.i.l.bf16.f32 v61;
	v19 =	vmul.f32 v26, v19;
	v17 =	vadd.f32 v17, v18  }
0xd5: {  	v58 =	vld.idx.msk [tilespmem:v1+s19+$0xF030 ss:$0x1], $0xffff;
	v47 =	vunpack.i.u.bf16.f32 v34;
	v60 =	vunpack.i.l.bf16.f32 v48;
	v16 =	vadd.f32 v16, v33  }
0xd6: {  	v17 =	vadd.f32 v44, v17;
	v33 =	vmul.f32 v23, v32;
	v23 =	vunpack.i.l.bf16.f32 v34;
	v34 =	vld.idx.msk [tilespmem:v1+s19+$0x2840 ss:$0x1], $0xffff  }
0xd7: {  	v44 =	vunpack.i.l.bf16.f32 v63;
	v48 =	vunpack.i.l.bf16.f32 v37;
	v28 =	vunpack.i.u.bf16.f32 v37;
	v37 =	vld.idx.msk [tilespmem:v0+s19+$0x2BF0 ss:$0x1], $0xffff  }
0xd8: {  	v20 =	vmul.f32 v44, v43;
	v43 =	vld.idx.msk [tilespmem:v1+s19+$0x2850 ss:$0x1], $0xffff;
	v16 =	vadd.f32 v25, v16;
	v17 =	vadd.f32 v17, v46  }
0xd9: {  	v61 =	vunpack.i.l.bf16.f32 v52;
	v22 =	vmul.f32 v22, v54;
	v46 =	vld.idx.msk [tilespmem:v1+s19+$0xF010 ss:$0x1], $0xffff;
	v27 =	vmul.f32 v49, v48  }
0xda: {  	v36 =	vld.idx.msk [tilespmem:v1+s19+$0xF040 ss:$0x1], $0xffff;
	v16 =	vadd.f32 v16, v21;
	v17 =	vadd.f32 v51, v17;
	v21 =	vmul.f32 v60, v57  }
0xdb: {  	v23 =	vmul.f32 v50, v23;
	v27 =	vadd.f32 $0.0e+00, v27;
	v45 =	vunpack.i.l.bf16.f32 v34  }
0xdc: {  	v29 =	vunpack.i.u.bf16.f32 v34;
	v17 =	vadd.f32 v17, v55;
	v16 =	vadd.f32 v21, v16  }
0xdd: {  	v51 =	vld.idx.msk [tilespmem:v1+s19+$0x2820 ss:$0x1], $0xffff;
	v21 =	vunpack.i.u.bf16.f32 v39;
	v39 =	vunpack.i.l.bf16.f32 v58;
	v48 =	vunpack.i.l.bf16.f32 v37  }
0xde: {  	v25 =	vunpack.i.u.bf16.f32 v43;
	v21 =	vmul.f32 v21, v28;
	v54 =	vunpack.i.l.bf16.f32 v46  }
0xdf: {  	v40 =	vld.idx.msk [tilespmem:v0+s19+$0xF3F0 ss:$0x1], $0xffff;
	v18 =	vunpack.i.u.bf16.f32 v46;
	v28 =	vunpack.i.u.bf16.f32 v52;
	v46 =	vunpack.i.l.bf16.f32 v36  }
0xe0: {  	v55 =	vld.idx.msk [tilespmem:v0+s19+$0xF3E0 ss:$0x1], $0xffff;
	v17 =	vadd.f32 v62, v17;
	v16 =	vadd.f32 v16, v22;
	v22 =	vmul.f32 v24, v47  }
0xe1: {  	v57 =	vld.idx.msk [tilespmem:v1+s19+$0x2830 ss:$0x1], $0xffff;
	v18 =	vmul.f32 v18, v56;
	v62 =	vunpack.i.l.bf16.f32 v31;
	v49 =	vmul.f32 v46, v45  }
0xe2: {  	v44 =	vld.idx.msk [tilespmem:v1+s19+$0xF050 ss:$0x1], $0xffff;
	v21 =	vadd.f32 v27, v21;
	v60 =	vunpack.i.l.bf16.f32 v51;
	v27 =	vunpack.i.u.bf16.f32 v36  }
0xe3: {  	v47 =	vld.idx.msk [tilespmem:v2+s19+$0x2800 ss:$0x1], $0xffff;
	v17 =	vadd.f32 v17, v33;
	v16 =	vadd.f32 v20, v16;
	v63 =	vmul.f32 v61, v60  }
0xe4: {  	v56 =	vld.idx.msk [tilespmem:v2+s19+$0xF010 ss:$0x1], $0xffff;
	v33 =	vunpack.i.u.bf16.f32 v51;
	v20 =	vunpack.i.u.bf16.f32 v58;
	v51 =	vunpack.i.l.bf16.f32 v40  }
0xe5: {  	v52 =	vmul.f32 v27, v29;
	v60 =	vld.idx.msk [tilespmem:v1+s19+$0x2860 ss:$0x1], $0xffff;
	v32 =	vunpack.i.l.bf16.f32 v55;
	v35 =	vmul.f32 v28, v33  }
0xe6: {  	v61 =	vld.idx.msk [tilespmem:v2+s19+$0x2820 ss:$0x1], $0xffff;
	v24 =	vunpack.i.u.bf16.f32 v55;
	v17 =	vadd.f32 v38, v17;
	v38 =	vunpack.i.l.bf16.f32 v57  }
0xe7: {  	v55 =	vunpack.i.l.bf16.f32 v43;
	v33 =	vld.idx.msk [tilespmem:v2+s19+$0x2850 ss:$0x1], $0xffff;
	v16 =	vadd.f32 v16, v19;
	v41 =	vmul.f32 v39, v38  }
0xe8: {  	v50 =	vld.idx.msk [tilespmem:v2+s19+$0xF000 ss:$0x1], $0xffff;
	v58 =	vunpack.i.l.bf16.f32 v47;
	v26 =	vunpack.i.u.bf16.f32 v47;
	v17 =	vadd.f32 v17, v42  }
0xe9: {  	v36 =	vld.idx.msk [tilespmem:v1+s19+$0xF060 ss:$0x1], $0xffff;
	v38 =	vunpack.i.l.bf16.f32 v56;
	v42 =	vunpack.i.u.bf16.f32 v57;
	v57 =	vunpack.i.l.bf16.f32 v44  }
0xea: {  	v20 =	vmul.f32 v20, v42;
	v43 =	vunpack.i.u.bf16.f32 v60;
	v17 =	vadd.f32 v23, v17  }
0xeb: {  	v42 =	vld.idx.msk [tilespmem:v2+s19+$0x2830 ss:$0x1], $0xffff;
	v45 =	vunpack.i.l.bf16.f32 v60;
	v46 =	vunpack.i.l.bf16.f32 v61;
	v23 =	vmul.f32 v54, v53  }
0xec: {  	v53 =	vunpack.i.u.bf16.f32 v37;
	v54 =	vld.idx.msk [tilespmem:v2+s19+$0x2810 ss:$0x1], $0xffff;
	v28 =	vunpack.i.l.bf16.f32 v33;
	v17 =	vadd.f32 v17, v22  }
0xed: {  	v21 =	vadd.f32 v23, v21;
	v23 =	vmul.f32 v32, v62;
	v22 =	vmul.f32 v24, v59  }
0xee: {  	v24 =	vmul.f32 v51, v48;
	v59 =	vunpack.i.l.bf16.f32 v50;
	v48 =	vunpack.i.l.bf16.f32 v36  }
0xef: {  	v60 =	vld.idx.msk [tilespmem:v3+s19+$0xF000 ss:$0x1], $0xffff;
	v29 =	vmul.f32 v59, v58;
	v18 =	vadd.f32 v21, v18;
	v17 =	vadd.f32 v23, v17  }
0xf0: {  	v32 =	vld.idx.msk [tilespmem:v1+s19+$0x2870 ss:$0x1], $0xffff;
	v23 =	vunpack.i.u.bf16.f32 v40;
	v21 =	vunpack.i.u.bf16.f32 v44;
	v58 =	vunpack.i.u.bf16.f32 v42  }
0xf1: {  	v51 =	vld.idx.msk [tilespmem:v2+s19+$0x2840 ss:$0x1], $0xffff;
	v62 =	vadd.f32 $0.0e+00, v29;
	v21 =	vmul.f32 v21, v25;
	v37 =	vunpack.i.l.bf16.f32 v54  }
0xf2: {  	v19 =	vmul.f32 v23, v53;
	v40 =	vunpack.i.u.bf16.f32 v54;
	v23 =	vmul.f32 v48, v45;
	v53 =	vld.idx.msk [tilespmem:v2+s19+$0xF040 ss:$0x1], $0xffff  }
0xf3: {  	v25 =	vunpack.i.u.bf16.f32 v36;
	v54 =	vunpack.i.l.bf16.f32 v42;
	v36 =	vld.idx.msk [tilespmem:v2+s19+$0xF050 ss:$0x1], $0xffff;
	v18 =	vadd.f32 v63, v18  }
0xf4: {  	v42 =	vunpack.i.l.bf16.f32 v60;
	v17 =	vadd.f32 v17, v22;
	v22 =	vunpack.i.u.bf16.f32 v50;
	v63 =	vld.idx.msk [tilespmem:v2+s19+$0xF020 ss:$0x1], $0xffff  }
0xf5: {  	v39 =	vmul.f32 v38, v37;
	v50 =	vunpack.i.u.bf16.f32 v61;
	v38 =	vld.idx.msk [tilespmem:v3+s19+$0x2810 ss:$0x1], $0xffff;
	v18 =	vadd.f32 v18, v35  }
0xf6: {  	v44 =	vld.idx.msk [tilespmem:v2+s19+$0xF030 ss:$0x1], $0xffff;
	v25 =	vmul.f32 v25, v43;
	v22 =	vmul.f32 v22, v26;
	v17 =	vadd.f32 v24, v17  }
0xf7: {  	v45 =	vld.idx.msk [tilespmem:v3+s19+$0x2820 ss:$0x1], $0xffff;
	v61 =	vunpack.i.u.bf16.f32 v32;
	v34 =	vunpack.i.l.bf16.f32 v32;
	v18 =	vadd.f32 v41, v18  }
0xf8: {  	v29 =	vunpack.i.u.bf16.f32 v51;
	v41 =	vunpack.i.u.bf16.f32 v56;
	v17 =	vadd.f32 v17, v19  }
0xf9: {  	v56 =	vld.idx.msk [tilespmem:v1+s19+$0xF070 ss:$0x1], $0xffff;
	v24 =	vunpack.i.u.bf16.f32 v36;
	v47 =	vunpack.i.l.bf16.f32 v63;
	v18 =	vadd.f32 v18, v20  }
0xfa: {  	v26 =	vunpack.i.u.bf16.f32 v63;
	v63 =	vunpack.i.l.bf16.f32 v53;
	v48 =	vunpack.i.l.bf16.f32 v38  }
0xfb: {  	v20 =	vmul.f32 v57, v55;
	v55 =	vunpack.i.l.bf16.f32 v44;
	v18 =	vadd.f32 v49, v18  }
0xfc: {  	v31 =	vunpack.i.u.bf16.f32 v38;
	v57 =	vmul.f32 v55, v54;
	v54 =	vld.idx.msk [tilespmem:v2+s19+$0xF060 ss:$0x1], $0xffff;
	v55 =	vunpack.i.l.bf16.f32 v45  }
0xfd: {  	v49 =	vmul.f32 v47, v46;
	v46 =	vld.idx.msk [tilespmem:v3+s19+$0xF020 ss:$0x1], $0xffff;
	v47 =	vunpack.i.l.bf16.f32 v36;
	v18 =	vadd.f32 v18, v52  }
0xfe: {  	v37 =	vunpack.i.l.bf16.f32 v56;
	v27 =	vunpack.i.u.bf16.f32 v56;
	v28 =	vmul.f32 v47, v28  }
0xff: {  	v59 =	vld.idx.msk [tilespmem:v3+s19+$0x2800 ss:$0x1], $0xffff;
	v52 =	vmul.f32 v26, v50;
	v26 =	vunpack.i.u.bf16.f32 v53;
	v18 =	vadd.f32 v20, v18  }
0x100: {  	v20 =	vadd.f32 v62, v22;
	v22 =	vunpack.i.u.bf16.f32 v44;
	v62 =	vunpack.i.l.bf16.f32 v51  }
0x101: {  	v44 =	vunpack.i.u.bf16.f32 v33;
	v38 =	vunpack.i.l.bf16.f32 v54;
	v19 =	vmul.f32 v22, v58  }
0x102: {  	v51 =	vld.idx.msk [tilespmem:v3+s19+$0x2830 ss:$0x1], $0xffff;
	v35 =	vmul.f32 v63, v62;
	v24 =	vmul.f32 v24, v44;
	v56 =	vunpack.i.l.bf16.f32 v46  }
0x103: {  	v47 =	vld.idx.msk [tilespmem:v4+s19+$0x2800 ss:$0x1], $0xffff;
	v18 =	vadd.f32 v18, v21;
	v20 =	vadd.f32 v39, v20;
	v21 =	vmul.f32 v41, v40  }
0x104: {  	v53 =	vld.idx.msk [tilespmem:v3+s19+$0xF030 ss:$0x1], $0xffff;
	v22 =	vmul.f32 v27, v61;
	v58 =	vunpack.i.u.bf16.f32 v45;
	v41 =	vunpack.i.l.bf16.f32 v59  }
0x105: {  	v62 =	vld.idx.msk [tilespmem:v3+s19+$0xF040 ss:$0x1], $0xffff;
	v39 =	vmul.f32 v26, v29;
	v43 =	vmul.f32 v42, v41;
	v20 =	vadd.f32 v20, v21  }
0x106: {  	v40 =	vld.idx.msk [tilespmem:v3+s19+$0xF010 ss:$0x1], $0xffff;
	v18 =	vadd.f32 v23, v18;
	v23 =	vunpack.i.u.bf16.f32 v59;
	v21 =	vunpack.i.u.bf16.f32 v60  }
0x107: {  	v21 =	vmul.f32 v21, v23;
	v23 =	vunpack.i.u.bf16.f32 v46;
	v36 =	vunpack.i.l.bf16.f32 v51  }
0x108: {  	v42 =	vunpack.i.u.bf16.f32 v51;
	v20 =	vadd.f32 v49, v20;
	v18 =	vadd.f32 v18, v25  }
0x109: {  	v41 =	vld.idx.msk [tilespmem:v2+s19+$0xF070 ss:$0x1], $0xffff;
	v25 =	vmul.f32 v37, v34;
	v61 =	vmul.f32 v23, v58;
	v37 =	vunpack.i.l.bf16.f32 v53  }
0x10a: {  	v59 =	vld.idx.msk [tilespmem:v3+s19+$0x2840 ss:$0x1], $0xffff;
	v46 =	vunpack.i.l.bf16.f32 v62;
	v23 =	vunpack.i.u.bf16.f32 v62;
	v58 =	vunpack.i.l.bf16.f32 v47  }
0x10b: {  	v49 =	vld.idx.msk [tilespmem:v2+s19+$0x2860 ss:$0x1], $0xffff;
	v33 =	vunpack.i.l.bf16.f32 v40;
	v26 =	vunpack.i.u.bf16.f32 v40;
	v40 =	vmul.f32 v37, v36  }
0x10c: {  	v51 =	vld.idx.msk [tilespmem:v3+s19+$0xF050 ss:$0x1], $0xffff;
	v20 =	vadd.f32 v20, v52;
	v18 =	vadd.f32 v25, v18;
	v50 =	vmul.f32 v33, v48  }
0x10d: {  	v34 =	vld.idx.msk [tilespmem:v3+s19+$0x2860 ss:$0x1], $0xffff;
	v52 =	vmul.f32 v26, v31;
	v26 =	vunpack.i.u.bf16.f32 v53;
	v25 =	vunpack.i.u.bf16.f32 v54  }
0x10e: {  	v54 =	vunpack.i.l.bf16.f32 v41;
	v29 =	vunpack.i.u.bf16.f32 v41;
	v20 =	vadd.f32 v57, v20  }
0x10f: {  	v44 =	vld.idx.msk [tilespmem:v3+s19+$0x2850 ss:$0x1], $0xffff;
	v31 =	vunpack.i.u.bf16.f32 v47;
	v45 =	vunpack.i.l.bf16.f32 v59;
	v57 =	vmul.f32 v56, v55  }
0x110: {  	v60 =	vunpack.i.u.bf16.f32 v49;
	v63 =	vunpack.i.l.bf16.f32 v49;
	v49 =	vld.idx.msk [tilespmem:v4+s19+$0xF000 ss:$0x1], $0xffff;
	v19 =	vadd.f32 v20, v19  }
0x111: {  	v37 =	vld.idx.msk [tilespmem:v3+s19+$0xF060 ss:$0x1], $0xffff;
	v48 =	vmul.f32 v46, v45;
	v18 =	vadd.f32 v18, v22;
	v20 =	vadd.f32 $0.0e+00, v43  }
0x112: {  	v56 =	vld.idx.msk [tilespmem:v4+s19+$0xF010 ss:$0x1], $0xffff;
	v27 =	vunpack.i.u.bf16.f32 v51;
	v41 =	vunpack.i.u.bf16.f32 v34;
	v19 =	vadd.f32 v35, v19  }
0x113: {  	v43 =	vmul.f32 v26, v42;
	v25 =	vmul.f32 v25, v60;
	v20 =	vadd.f32 v20, v21  }
0x114: {  	v26 =	vunpack.i.l.bf16.f32 v44;
	v60 =	vunpack.i.l.bf16.f32 v51;
	v19 =	vadd.f32 v19, v39  }
0x115: {  	v55 =	vld.idx.msk [tilespmem:v4+s19+$0x2810 ss:$0x1], $0xffff;
	v20 =	vadd.f32 v50, v20;
	v50 =	vunpack.i.u.bf16.f32 v59;
	v59 =	vunpack.i.l.bf16.f32 v49  }
0x116: {  	v46 =	vunpack.i.l.bf16.f32 v37;
	v26 =	vmul.f32 v60, v26;
	v39 =	vld.idx.msk [tilespmem:v2+s19+$0x2870 ss:$0x1], $0xffff;
	v30 =	vmul.f32 v59, v58  }
0x117: {  	v36 =	vunpack.i.l.bf16.f32 v56;
	v19 =	vadd.f32 v28, v19;
	v20 =	vadd.f32 v20, v52  }
0x118: {  	v62 =	vld.idx.msk [tilespmem:v4+s19+$0xF020 ss:$0x1], $0xffff;
	v21 =	vunpack.i.u.bf16.f32 v56;
	v52 =	vmul.f32 v23, v50;
	v30 =	vadd.f32 $0.0e+00, v30  }
0x119: {  	v50 =	vld.idx.msk [tilespmem:v4+s19+$0xF040 ss:$0x1], $0xffff;
	v19 =	vadd.f32 v19, v24;
	v20 =	vadd.f32 v57, v20;
	v24 =	vmul.f32 v38, v63  }
0x11a: {  	v57 =	vunpack.i.u.bf16.f32 v44;
	v63 =	vunpack.i.l.bf16.f32 v55;
	v38 =	vunpack.i.u.bf16.f32 v55  }
0x11b: {  	v51 =	vld.idx.msk [tilespmem:v3+s19+$0x2870 ss:$0x1], $0xffff;
	v44 =	vunpack.i.l.bf16.f32 v34;
	v22 =	vunpack.i.u.bf16.f32 v39;
	v53 =	vunpack.i.l.bf16.f32 v39  }
0x11c: {  	v39 =	vld.idx.msk [tilespmem:v4+s19+$0x2830 ss:$0x1], $0xffff;
	v21 =	vmul.f32 v21, v38;
	v20 =	vadd.f32 v20, v61;
	v19 =	vadd.f32 v24, v19  }
0x11d: {  	v23 =	vmul.f32 v54, v53;
	v24 =	vunpack.i.u.bf16.f32 v49;
	v61 =	vld.idx.msk [tilespmem:v4+s19+$0x2820 ss:$0x1], $0xffff;
	v22 =	vmul.f32 v29, v22  }
0x11e: {  	v54 =	vld.idx.msk [tilespmem:v3+s19+$0xF070 ss:$0x1], $0xffff;
	v24 =	vmul.f32 v24, v31;
	v31 =	vunpack.i.u.bf16.f32 v62;
	v60 =	vunpack.i.l.bf16.f32 v50  }
0x11f: {  	v58 =	vld.idx.msk [tilespmem:v4+s19+$0xF050 ss:$0x1], $0xffff;
	v20 =	vadd.f32 v40, v20;
	v19 =	vadd.f32 v19, v25;
	v25 =	vmul.f32 v27, v57  }
0x120: {  	v40 =	vld.idx.msk [tilespmem:v4+s19+$0xF030 ss:$0x1], $0xffff;
	v27 =	vunpack.i.u.bf16.f32 v37;
	v24 =	vadd.f32 v30, v24;
	v30 =	vunpack.i.u.bf16.f32 v50  }
0x121: {  	v57 =	vld.idx.msk [tilespmem:v4+s19+$0x2850 ss:$0x1], $0xffff;
	v20 =	vadd.f32 v20, v43;
	v19 =	vadd.f32 v23, v19;
	v43 =	vunpack.i.l.bf16.f32 v62  }
0x122: {  	v56 =	vunpack.i.u.bf16.f32 v39;
	v62 =	vunpack.i.l.bf16.f32 v51;
	v42 =	vunpack.i.l.bf16.f32 v61  }
0x123: {  	v47 =	vunpack.i.u.bf16.f32 v61;
	v61 =	vld.idx.msk [tilespmem:v5+s19+$0x2800 ss:$0x1], $0xffff;
	v37 =	vunpack.i.l.bf16.f32 v54;
	v20 =	vadd.f32 v48, v20  }
0x124: {  	v45 =	vmul.f32 v43, v42;
	v48 =	vld.idx.msk [tilespmem:v4+s19+$0x2840 ss:$0x1], $0xffff;
	v49 =	vmul.f32 v31, v47;
	v19 =	vadd.f32 v19, v22  }
0x125: {  	v50 =	vld.idx.msk [tilespmem:v4+s19+$0xF060 ss:$0x1], $0xffff;
	v43 =	vunpack.i.l.bf16.f32 v58;
	v53 =	vunpack.i.l.bf16.f32 v40;
	v20 =	vadd.f32 v20, v52  }
0x126: {  	v42 =	vld.idx.msk [tilespmem:v5+s19+$0xF010 ss:$0x1], $0xffff;
	v23 =	vunpack.i.u.bf16.f32 v40;
	v28 =	vunpack.i.u.bf16.f32 v57;
	v52 =	vunpack.i.l.bf16.f32 v39  }
0x127: {  	v47 =	vld.idx.msk [tilespmem:v5+s19+$0x2820 ss:$0x1], $0xffff;
	v23 =	vmul.f32 v23, v56;
	v39 =	vunpack.i.u.bf16.f32 v51;
	v20 =	vadd.f32 v26, v20  }
0x128: {  	v40 =	vld.idx.msk [tilespmem:v5+s19+$0x2810 ss:$0x1], $0xffff;
	v55 =	vmul.f32 v53, v52;
	v26 =	vmul.f32 v36, v63;
	v29 =	vunpack.i.u.bf16.f32 v61  }
0x129: {  	v59 =	vunpack.i.l.bf16.f32 v48;
	v32 =	vunpack.i.u.bf16.f32 v48;
	v20 =	vadd.f32 v20, v25  }
0x12a: {  	v24 =	vadd.f32 v26, v24;
	v26 =	vmul.f32 v46, v44;
	v25 =	vmul.f32 v27, v41  }
0x12b: {  	v56 =	vld.idx.msk [tilespmem:v5+s19+$0x2830 ss:$0x1], $0xffff;
	v52 =	vunpack.i.l.bf16.f32 v42;
	v63 =	vmul.f32 v60, v59;
	v27 =	vmul.f32 v37, v62  }
0x12c: {  	v35 =	vld.idx.msk [tilespmem:v4+s19+$0x2870 ss:$0x1], $0xffff;
	v38 =	vmul.f32 v30, v32;
	v41 =	vunpack.i.l.bf16.f32 v57;
	v44 =	vunpack.i.l.bf16.f32 v61  }
0x12d: {  	v36 =	vld.idx.msk [tilespmem:v5+s19+$0xF000 ss:$0x1], $0xffff;
	v51 =	vunpack.i.l.bf16.f32 v40;
	v60 =	vunpack.i.l.bf16.f32 v47;
	v62 =	vunpack.i.l.bf16.f32 v50  }
0x12e: {  	v53 =	vmul.f32 v52, v51;
	v21 =	vadd.f32 v24, v21;
	v20 =	vadd.f32 v26, v20  }
0x12f: {  	v46 =	vld.idx.msk [tilespmem:v4+s19+$0x2860 ss:$0x1], $0xffff;
	v26 =	vunpack.i.u.bf16.f32 v54;
	v24 =	vunpack.i.u.bf16.f32 v58;
	v54 =	vunpack.i.u.bf16.f32 v40  }
0x130: {  	v37 =	vld.idx.msk [tilespmem:v5+s19+$0x2840 ss:$0x1], $0xffff;
	v40 =	vunpack.i.l.bf16.f32 v56;
	v24 =	vmul.f32 v24, v28;
	v22 =	vmul.f32 v26, v39  }
0x131: {  	v28 =	vunpack.i.u.bf16.f32 v50;
	v50 =	vunpack.i.l.bf16.f32 v35;
	v21 =	vadd.f32 v45, v21  }
0x132: {  	v52 =	vld.idx.msk [tilespmem:v5+s19+$0xF050 ss:$0x1], $0xffff;
	v20 =	vadd.f32 v20, v25;
	v45 =	vunpack.i.l.bf16.f32 v36;
	v25 =	vunpack.i.u.bf16.f32 v36  }
0x133: {  	v58 =	vld.idx.msk [tilespmem:v5+s19+$0xF030 ss:$0x1], $0xffff;
	v36 =	vunpack.i.u.bf16.f32 v47;
	v32 =	vmul.f32 v45, v44;
	v21 =	vadd.f32 v21, v49  }
0x134: {  	v25 =	vmul.f32 v25, v29;
	v57 =	vunpack.i.u.bf16.f32 v46;
	v59 =	vunpack.i.l.bf16.f32 v46;
	v45 =	vld.idx.msk [tilespmem:v6+s19+$0x2800 ss:$0x1], $0xffff  }
0x135: {  	v44 =	vunpack.i.u.bf16.f32 v56;
	v47 =	vunpack.i.l.bf16.f32 v37;
	v49 =	vld.idx.msk [tilespmem:v5+s19+$0xF020 ss:$0x1], $0xffff;
	v21 =	vadd.f32 v55, v21  }
0x136: {  	v39 =	vld.idx.msk [tilespmem:v5+s19+$0xF040 ss:$0x1], $0xffff;
	v20 =	vadd.f32 v27, v20;
	v26 =	vmul.f32 v62, v59;
	v28 =	vmul.f32 v28, v57  }
0x137: {  	v27 =	vunpack.i.u.bf16.f32 v52;
	v55 =	vunpack.i.u.bf16.f32 v42;
	v42 =	vld.idx.msk [tilespmem:v4+s19+$0xF070 ss:$0x1], $0xffff;
	v21 =	vadd.f32 v21, v23  }
0x138: {  	v56 =	vld.idx.msk [tilespmem:v6+s19+$0xF010 ss:$0x1], $0xffff;
	v48 =	vadd.f32 $0.0e+00, v32;
	v32 =	vunpack.i.u.bf16.f32 v37;
	v20 =	vadd.f32 v20, v22  }
0x139: {  	v46 =	vld.idx.msk [tilespmem:v6+s19+$0xF000 ss:$0x1], $0xffff;
	v23 =	vmul.f32 v43, v41;
	v41 =	vunpack.i.l.bf16.f32 v58;
	v21 =	vadd.f32 v63, v21  }
0x13a: {  	v57 =	vunpack.i.l.bf16.f32 v45;
	v61 =	vunpack.i.l.bf16.f32 v49;
	v29 =	vunpack.i.u.bf16.f32 v49;
	v49 =	vld.idx.msk [tilespmem:v5+s19+$0x2850 ss:$0x1], $0xffff  }
0x13b: {  	v62 =	vld.idx.msk [tilespmem:v6+s19+$0xF020 ss:$0x1], $0xffff;
	v43 =	vmul.f32 v41, v40;
	v63 =	vmul.f32 v61, v60;
	v21 =	vadd.f32 v21, v38  }
0x13c: {  	v61 =	vld.idx.msk [tilespmem:v6+s19+$0x2820 ss:$0x1], $0xffff;
	v30 =	vunpack.i.u.bf16.f32 v42;
	v38 =	vmul.f32 v29, v36;
	v29 =	vunpack.i.u.bf16.f32 v39  }
0x13d: {  	v36 =	vunpack.i.l.bf16.f32 v56;
	v21 =	vadd.f32 v23, v21;
	v23 =	vadd.f32 v48, v25  }
0x13e: {  	v25 =	vunpack.i.u.bf16.f32 v58;
	v48 =	vunpack.i.l.bf16.f32 v39;
	v58 =	vunpack.i.l.bf16.f32 v46  }
0x13f: {  	v60 =	vunpack.i.u.bf16.f32 v49;
	v31 =	vunpack.i.l.bf16.f32 v49;
	v22 =	vmul.f32 v25, v44  }
0x140: {  	v25 =	vunpack.i.u.bf16.f32 v35;
	v51 =	vmul.f32 v48, v47;
	v59 =	vmul.f32 v58, v57  }
0x141: {  	v27 =	vmul.f32 v27, v60;
	v47 =	vunpack.i.l.bf16.f32 v61;
	v48 =	vunpack.i.l.bf16.f32 v62  }
0x142: {  	v41 =	vld.idx.msk [tilespmem:v5+s19+$0x2860 ss:$0x1], $0xffff;
	v21 =	vadd.f32 v21, v24;
	v23 =	vadd.f32 v53, v23;
	v24 =	vmul.f32 v55, v54  }
0x143: {  	v53 =	vunpack.i.l.bf16.f32 v42;
	v54 =	vld.idx.msk [tilespmem:v6+s19+$0x2810 ss:$0x1], $0xffff;
	v55 =	vmul.f32 v29, v32;
	v29 =	vunpack.i.u.bf16.f32 v56  }
0x144: {  	v25 =	vmul.f32 v30, v25;
	v49 =	vmul.f32 v48, v47;
	v23 =	vadd.f32 v23, v24  }
0x145: {  	v37 =	vld.idx.msk [tilespmem:v6+s19+$0x2850 ss:$0x1], $0xffff;
	v21 =	vadd.f32 v26, v21;
	v26 =	vunpack.i.u.bf16.f32 v45;
	v24 =	vunpack.i.u.bf16.f32 v46  }
0x146: {  	v45 =	vld.idx.msk [tilespmem:v6+s19+$0xF030 ss:$0x1], $0xffff;
	v24 =	vmul.f32 v24, v26;
	v26 =	vunpack.i.u.bf16.f32 v62;
	v23 =	vadd.f32 v63, v23  }
0x147: {  	v46 =	vld.idx.msk [tilespmem:v5+s19+$0xF060 ss:$0x1], $0xffff;
	v21 =	vadd.f32 v21, v28;
	v28 =	vmul.f32 v53, v50;
	v63 =	vunpack.i.l.bf16.f32 v52  }
0x148: {  	v50 =	vunpack.i.u.bf16.f32 v61;
	v52 =	vunpack.i.u.bf16.f32 v41;
	v40 =	vunpack.i.l.bf16.f32 v54  }
0x149: {  	v61 =	vld.idx.msk [tilespmem:v5+s19+$0xF070 ss:$0x1], $0xffff;
	v31 =	vmul.f32 v63, v31;
	v34 =	vunpack.i.u.bf16.f32 v54;
	v23 =	vadd.f32 v23, v38  }
0x14a: {  	v53 =	vmul.f32 v26, v50;
	v54 =	vld.idx.msk [tilespmem:v6+s19+$0xF040 ss:$0x1], $0xffff;
	v50 =	vunpack.i.u.bf16.f32 v37;
	v21 =	vadd.f32 v28, v21  }
0x14b: {  	v42 =	vmul.f32 v36, v40;
	v44 =	vmul.f32 v29, v34;
	v40 =	vld.idx.msk [tilespmem:v7+s19+$0x2800 ss:$0x1], $0xffff;
	v23 =	vadd.f32 v43, v23  }
0x14c: {  	v57 =	vunpack.i.l.bf16.f32 v45;
	v58 =	vunpack.i.l.bf16.f32 v46;
	v28 =	vunpack.i.u.bf16.f32 v46;
	v43 =	vld.idx.msk [tilespmem:v6+s19+$0x2830 ss:$0x1], $0xffff  }
0x14d: {  	v29 =	vunpack.i.u.bf16.f32 v45;
	v28 =	vmul.f32 v28, v52;
	v22 =	vadd.f32 v23, v22  }
0x14e: {  	v48 =	vld.idx.msk [tilespmem:v7+s19+$0x2810 ss:$0x1], $0xffff;
	v21 =	vadd.f32 v21, v25;
	v47 =	vunpack.i.l.bf16.f32 v61;
	v23 =	vadd.f32 $0.0e+00, v59  }
0x14f: {  	v32 =	vunpack.i.u.bf16.f32 v61;
	v59 =	vld.idx.msk [tilespmem:v5+s19+$0x2870 ss:$0x1], $0xffff;
	v39 =	vunpack.i.l.bf16.f32 v54;
	v22 =	vadd.f32 v51, v22  }
0x150: {  	v26 =	vunpack.i.u.bf16.f32 v54;
	v34 =	vunpack.i.u.bf16.f32 v40;
	v23 =	vadd.f32 v23, v24  }
0x151: {  	v51 =	vld.idx.msk [tilespmem:v6+s19+$0x2840 ss:$0x1], $0xffff;
	v56 =	vunpack.i.l.bf16.f32 v43;
	v62 =	vunpack.i.u.bf16.f32 v43;
	v22 =	vadd.f32 v22, v55  }
0x152: {  	v23 =	vadd.f32 v42, v23;
	v55 =	vunpack.i.l.bf16.f32 v41;
	v60 =	vmul.f32 v57, v56  }
0x153: {  	v63 =	vmul.f32 v29, v62;
	v42 =	vld.idx.msk [tilespmem:v7+s19+$0xF000 ss:$0x1], $0xffff;
	v29 =	vunpack.i.l.bf16.f32 v37;
	v56 =	vunpack.i.l.bf16.f32 v48  }
0x154: {  	v37 =	vld.idx.msk [tilespmem:v6+s19+$0x2860 ss:$0x1], $0xffff;
	v25 =	vunpack.i.u.bf16.f32 v59;
	v46 =	vunpack.i.l.bf16.f32 v59;
	v23 =	vadd.f32 v23, v44  }
0x155: {  	v59 =	vunpack.i.u.bf16.f32 v48;
	v22 =	vadd.f32 v31, v22;
	v25 =	vmul.f32 v32, v25  }
0x156: {  	v44 =	vld.idx.msk [tilespmem:v6+s19+$0xF050 ss:$0x1], $0xffff;
	v38 =	vunpack.i.l.bf16.f32 v51;
	v43 =	vunpack.i.u.bf16.f32 v51;
	v23 =	vadd.f32 v49, v23  }
0x157: {  	v54 =	vld.idx.msk [tilespmem:v7+s19+$0x2820 ss:$0x1], $0xffff;
	v51 =	vunpack.i.l.bf16.f32 v40;
	v22 =	vadd.f32 v22, v27;
	v27 =	vmul.f32 v58, v55  }
0x158: {  	v41 =	vmul.f32 v39, v38;
	v45 =	vmul.f32 v26, v43;
	v49 =	vld.idx.msk [tilespmem:v7+s19+$0xF010 ss:$0x1], $0xffff;
	v23 =	vadd.f32 v23, v53  }
0x159: {  	v26 =	vmul.f32 v47, v46;
	v55 =	vld.idx.msk [tilespmem:v7+s19+$0xF020 ss:$0x1], $0xffff;
	v52 =	vunpack.i.l.bf16.f32 v42;
	v62 =	vunpack.i.u.bf16.f32 v37  }
0x15a: {  	v58 =	vld.idx.msk [tilespmem:v6+s19+$0xF060 ss:$0x1], $0xffff;
	v22 =	vadd.f32 v27, v22;
	v33 =	vmul.f32 v52, v51;
	v23 =	vadd.f32 v60, v23  }
0x15b: {  	v61 =	vld.idx.msk [tilespmem:v7+s19+$0xF030 ss:$0x1], $0xffff;
	v27 =	vunpack.i.u.bf16.f32 v42;
	v53 =	vunpack.i.l.bf16.f32 v44;
	v30 =	vunpack.i.u.bf16.f32 v44  }
0x15c: {  	v47 =	vld.idx.msk [tilespmem:v7+s19+$0xF040 ss:$0x1], $0xffff;
	v27 =	vmul.f32 v27, v34;
	v44 =	vunpack.i.u.bf16.f32 v54;
	v23 =	vadd.f32 v23, v63  }
0x15d: {  	v22 =	vadd.f32 v22, v28;
	v29 =	vmul.f32 v53, v29;
	v33 =	vadd.f32 $0.0e+00, v33  }
0x15e: {  	v39 =	vld.idx.msk [tilespmem:v6+s19+$0xF070 ss:$0x1], $0xffff;
	v28 =	vmul.f32 v30, v50;
	v57 =	vunpack.i.l.bf16.f32 v49;
	v23 =	vadd.f32 v41, v23  }
0x15f: {  	v52 =	vld.idx.msk [tilespmem:v8+s19+$0xF000 ss:$0x1], $0xffff;
	v24 =	vunpack.i.u.bf16.f32 v49;
	v40 =	vunpack.i.l.bf16.f32 v55;
	v43 =	vunpack.i.l.bf16.f32 v58  }
0x160: {  	v60 =	vld.idx.msk [tilespmem:v7+s19+$0x2830 ss:$0x1], $0xffff;
	v34 =	vunpack.i.u.bf16.f32 v55;
	v30 =	vunpack.i.u.bf16.f32 v58;
	v23 =	vadd.f32 v23, v45  }
0x161: {  	v50 =	vld.idx.msk [tilespmem:v8+s19+$0x2800 ss:$0x1], $0xffff;
	v49 =	vunpack.i.l.bf16.f32 v61;
	v55 =	vunpack.i.l.bf16.f32 v47;
	v27 =	vadd.f32 v33, v27  }
0x162: {  	v53 =	vld.idx.msk [tilespmem:v7+s19+$0x2850 ss:$0x1], $0xffff;
	v22 =	vadd.f32 v26, v22;
	v23 =	vadd.f32 v29, v23;
	v29 =	vmul.f32 v57, v56  }
0x163: {  	v58 =	vld.idx.msk [tilespmem:v8+s19+$0xF010 ss:$0x1], $0xffff;
	v24 =	vmul.f32 v24, v59;
	v63 =	vunpack.i.l.bf16.f32 v54;
	v46 =	vmul.f32 v34, v44  }
0x164: {  	v26 =	vunpack.i.u.bf16.f32 v61;
	v33 =	vunpack.i.u.bf16.f32 v47;
	v59 =	vld.idx.msk [tilespmem:v7+s19+$0xF050 ss:$0x1], $0xffff;
	v27 =	vadd.f32 v29, v27  }
0x165: {  	v42 =	vmul.f32 v40, v63;
	v61 =	vunpack.i.l.bf16.f32 v52;
	v41 =	vunpack.i.l.bf16.f32 v37  }
0x166: {  	v48 =	vunpack.i.l.bf16.f32 v60;
	v31 =	vunpack.i.u.bf16.f32 v60;
	v24 =	vadd.f32 v27, v24  }
0x167: {  	v60 =	vunpack.i.l.bf16.f32 v50;
	v47 =	vunpack.i.l.bf16.f32 v53;
	v45 =	vld.idx.msk [tilespmem:v7+s19+$0x2840 ss:$0x1], $0xffff;
	v51 =	vmul.f32 v49, v48  }
0x168: {  	v26 =	vmul.f32 v26, v31;
	v38 =	vunpack.i.l.bf16.f32 v58;
	v24 =	vadd.f32 v42, v24  }
0x169: {  	v31 =	vunpack.i.u.bf16.f32 v58;
	v58 =	vunpack.i.l.bf16.f32 v39;
	v49 =	vunpack.i.l.bf16.f32 v59  }
0x16a: {  	v56 =	vld.idx.msk [tilespmem:v8+s19+$0x2810 ss:$0x1], $0xffff;
	v23 =	vadd.f32 v23, v28;
	v29 =	vmul.f32 v43, v41;
	v24 =	vadd.f32 v24, v46  }
0x16b: {  	v34 =	vunpack.i.u.bf16.f32 v59;
	v28 =	vmul.f32 v30, v62;
	v62 =	vmul.f32 v61, v60  }
0x16c: {  	v59 =	vld.idx.msk [tilespmem:v8+s19+$0xF040 ss:$0x1], $0xffff;
	v54 =	vunpack.i.l.bf16.f32 v45;
	v23 =	vadd.f32 v29, v23;
	v24 =	vadd.f32 v51, v24  }
0x16d: {  	v57 =	vunpack.i.u.bf16.f32 v45;
	v29 =	vunpack.i.u.bf16.f32 v52;
	v44 =	vadd.f32 $0.0e+00, v62  }
0x16e: {  	v30 =	vld.idx.msk [tilespmem:v6+s19+$0x2870 ss:$0x1], $0xffff;
	v23 =	vadd.f32 v23, v28;
	v28 =	vmul.f32 v55, v54;
	v24 =	vadd.f32 v24, v26  }
0x16f: {  	v43 =	vld.idx.msk [tilespmem:v8+s19+$0x2820 ss:$0x1], $0xffff;
	v27 =	vunpack.i.u.bf16.f32 v53;
	v48 =	vunpack.i.l.bf16.f32 v56;
	v42 =	vunpack.i.u.bf16.f32 v50  }
0x170: {  	v45 =	vmul.f32 v29, v42;
	v46 =	vld.idx.msk [tilespmem:v8+s19+$0xF020 ss:$0x1], $0xffff;
	v26 =	vmul.f32 v33, v57;
	v24 =	vadd.f32 v28, v24  }
0x171: {  	v32 =	vunpack.i.u.bf16.f32 v56;
	v27 =	vmul.f32 v34, v27;
	v34 =	vunpack.i.u.bf16.f32 v59;
	v50 =	vld.idx.msk [tilespmem:v8+s19+$0x2830 ss:$0x1], $0xffff  }
0x172: {  	v37 =	vmul.f32 v38, v48;
	v55 =	vld.idx.msk [tilespmem:v7+s19+$0xF060 ss:$0x1], $0xffff;
	v24 =	vadd.f32 v24, v26;
	v26 =	vadd.f32 v44, v45  }
0x173: {  	v52 =	vld.idx.msk [tilespmem:v7+s19+$0x2860 ss:$0x1], $0xffff;
	v31 =	vmul.f32 v31, v32;
	v48 =	vunpack.i.u.bf16.f32 v39;
	v63 =	vunpack.i.l.bf16.f32 v30  }
0x174: {  	(xrf2) =	vadd.scan.msk.f32 $0xffff, v10;
	v53 =	vunpack.i.l.bf16.f32 v43;
	v10 =	vunpack.i.u.bf16.f32 v30;
	v51 =	vld.idx.msk [tilespmem:v8+s19+$0xF030 ss:$0x1], $0xffff;
	v26 =	vadd.f32 v37, v26  }
0x175: {  	v56 =	vunpack.i.u.bf16.f32 v43;
	v10 =	vmul.f32 v48, v10;
	v54 =	vunpack.i.l.bf16.f32 v46  }
0x176: {  	(xrf2) =	vadd.scan.msk.f32 $0xffff, v11;
	v30 =	vld.idx.msk [tilespmem:v8+s19+$0xF070 ss:$0x1], $0xffff;
	v60 =	vunpack.i.l.bf16.f32 v50;
	v37 =	vmul.f32 v54, v53;
	v26 =	vadd.f32 v26, v31  }
0x177: {  	(xrf2) =	vadd.scan.msk.f32 $0xffff, v12;
	v35 =	vunpack.i.u.bf16.f32 v50;
	v40 =	vunpack.i.l.bf16.f32 v55;
	v57 =	vld.idx.msk [tilespmem:v8+s19+$0x2840 ss:$0x1], $0xffff;
	v29 =	vunpack.i.u.bf16.f32 v46  }
0x178: {  	v42 =	vld.idx.msk [tilespmem:v8+s19+$0x2850 ss:$0x1], $0xffff;
	v33 =	vmul.f32 v58, v63;
	v29 =	vmul.f32 v29, v56;
	v26 =	vadd.f32 v37, v26  }
0x179: {  	(xrf2) =	vadd.scan.msk.f32 $0xffff, v13;
	v63 =	vunpack.i.l.bf16.f32 v52;
	v28 =	vmul.f32 v49, v47;
	v61 =	vunpack.i.l.bf16.f32 v51  }
0x17a: {  	(xrf2) =	vadd.scan.msk.f32 $0xffff, v14;
	v47 =	vld.idx.msk [tilespmem:v7+s19+$0x2870 ss:$0x1], $0xffff;
	v32 =	vunpack.i.u.bf16.f32 v51;
	v62 =	vmul.f32 v61, v60;
	v26 =	vadd.f32 v26, v29  }
0x17b: {  	(xrf2) =	vadd.scan.msk.f32 $0xffff, v15;
	v15 =	vunpack.i.u.bf16.f32 v30;
	v23 =	vadd.f32 v33, v23;
	v49 =	vld.idx.msk [tilespmem:v7+s19+$0xF070 ss:$0x1], $0xffff;
	v41 =	vmul.f32 v32, v35  }
0x17c: {  	v44 =	vunpack.i.l.bf16.f32 v59;
	v45 =	vld.idx.msk [tilespmem:v8+s19+$0xF050 ss:$0x1], $0xffff;
	v43 =	vunpack.i.l.bf16.f32 v57;
	v26 =	vadd.f32 v62, v26  }
0x17d: {  	v50 =	vunpack.i.u.bf16.f32 v57;
	v57 =	vunpack.i.u.bf16.f32 v42;
	v24 =	vadd.f32 v28, v24  }
0x17e: {  	v51 =	vld.idx.msk [tilespmem:v8+s19+$0x2860 ss:$0x1], $0xffff;
	v46 =	vmul.f32 v44, v43;
	v28 =	vunpack.i.u.bf16.f32 v52;
	v26 =	vadd.f32 v26, v41  }
0x17f: {  	v34 =	vmul.f32 v34, v50;
	v53 =	vunpack.i.l.bf16.f32 v42;
	v59 =	vunpack.i.l.bf16.f32 v47  }
0x180: {  	v52 =	vld.idx.msk [tilespmem:v8+s19+$0xF060 ss:$0x1], $0xffff;
	v60 =	vunpack.i.l.bf16.f32 v49;
	v38 =	vunpack.i.u.bf16.f32 v49;
	v26 =	vadd.f32 v46, v26  }
0x181: {  	v24 =	vadd.f32 v24, v27;
	v31 =	vunpack.i.u.bf16.f32 v55;
	v54 =	vunpack.i.l.bf16.f32 v45  }
0x182: {  	v56 =	vmul.f32 v54, v53;
	v29 =	vmul.f32 v40, v63;
	v55 =	vadd.f32 v26, v34  }
0x183: {  	v61 =	vunpack.i.l.bf16.f32 v51;
	v11 =	vmul.f32 v31, v28;
	v58 =	vunpack.i.u.bf16.f32 v45  }
0x184: {  	v13 =	vmul.f32 v58, v57;
	v63 =	vld.idx.msk [tilespmem:v8+s19+$0x2870 ss:$0x1], $0xffff;
	v24 =	vadd.f32 v29, v24;
	v12 =	vadd.f32 v56, v55  }
0x185: {  	(xrf2) =	vadd.scan.msk.f32 $0xffff, v16;
	v14 =	vmul.f32 v60, v59;
	v31 =	vadd.f32 v22, v25;
	v62 =	vunpack.i.l.bf16.f32 v52  }
0x186: {  	(xrf2) =	vadd.scan.msk.f32 $0xffff, v17;
	v11 =	vadd.f32 v24, v11;
	v26 =	vmul.f32 v62, v61;
	v12 =	vadd.f32 v12, v13  }
0x187: {  	v32, _, _ =	vpop (xrf2);
	(xrf2) =	vadd.scan.msk.f32 $0xffff, v18;
	v37 =	vunpack.i.u.bf16.f32 v47;
	v36 =	vunpack.i.u.bf16.f32 v52;
	v34 =	vunpack.i.u.bf16.f32 v51  }
0x188: {  	(xrf2) =	vadd.scan.msk.f32 $0xffff, v19;
	v11 =	vadd.f32 v14, v11;
	v14 =	vmul.f32 v36, v34;
	v12 =	vadd.f32 v26, v12  }
0x189: {  	v39, _, _ =	vpop (xrf2);
	(xrf2) =	vadd.scan.msk.f32 $0xffff, v20;
	v18 =	vmul.f32 v38, v37;
	v41 =	vunpack.i.l.bf16.f32 v30;
	v40 =	vunpack.i.l.bf16.f32 v63  }
0x18a: {  	v10 =	vadd.f32 v23, v10;
	(xrf2) =	vadd.scan.msk.f32 $0xffff, v21;
	v43 =	vmul.f32 v41, v40;
	v12 =	vadd.f32 v12, v14  }
0x18b: {  	v42 =	vbroadcast v39, $0xF;
	v44, _, _ =	vpop (xrf2);
	(xrf2) =	vadd.scan.msk.f32 $0xffff, v31;
	v45 =	vunpack.i.u.bf16.f32 v63;
	v11 =	vadd.f32 v11, v18  }
0x18c: {  	v46, _, _ =	vpop (xrf2);
	(xrf2) =	vadd.scan.msk.f32 $0xffff, v10;
	v47 =	vmul.f32 v15, v45;
	v13 =	vbroadcast v32, $0xF;
	v10 =	vadd.f32 v43, v12  }
0x18d: {  	v48 =	vbroadcast v44, $0xF  }
0x18e: {  	v49 =	vbroadcast v46, $0xF;
	v50, _, _ =	vpop (xrf2);
	(xrf2) =	vadd.scan.msk.f32 $0xffff, v11;
	v13 =	vsel vm0, v13, v42;
	v10 =	vadd.f32 v10, v47  }
0x18f: {  	v51 =	vbroadcast v50, $0xF;
	v11, _, _ =	vpop (xrf2);
	v13 =	vsel vm1, v13, v48  }
0x190: {  	v52, _, _ =	vpop (xrf2);
	v11 =	vbroadcast v11, $0xF;
	v13 =	vsel vm2, v13, v49  }
0x191: {  	v53, _, _ =	vpop (xrf2);
	v13 =	vsel vm3, v13, v51;
	v12 =	vbroadcast v52, $0xF  }
0x192: {  	v54 =	vbroadcast v53, $0xF;
	v11 =	vsel vm4, v13, v11;
	(xrf2) =	vadd.scan.msk.f32 $0xffff, v10;
	v10, _, _ =	vpop (xrf2)  }
0x193: {  	v11 =	vsel vm5, v11, v12;
	v55, _, _ =	vpop (xrf2);
	v10 =	vbroadcast v10, $0xF  }
0x194: {  	v11 =	vsel vm6, v11, v54;
	v56, _, _ =	vpop (xrf2);
	v57 =	vbroadcast v55, $0xF  }
0x195: {  	v58, _, _ =	vpop (xrf2);
	v10 =	vsel vm7, v11, v10;
	v11 =	vbroadcast v56, $0xF  }
0x196: {  	v59, _, _ =	vpop (xrf2);
	v10 =	vsel vm8, v10, v57;
	v60 =	vbroadcast v58, $0xF  }
0x197: {  	v61, _, _ =	vpop (xrf2);
	v10 =	vsel vm9, v10, v11;
	v11 =	vbroadcast v59, $0xF  }
0x198: {  	v62, _, _ =	vpop (xrf2);
	v10 =	vsel vm10, v10, v60  }
0x199: {  	v10 =	vsel vm11, v10, v11;
	v11 =	vbroadcast v62, $0xF  }
0x19a: {  	p0 =	seq.s32 s17, $0xC0;
	v63 =	vbroadcast v61, $0xF  }
.Ltmp0:
0x19b: {  	_ = 	snop;
	(pc) =	sbr.rel @!p0 .LBB2_4-.Ltmp0, $4  }
0x19c: {  	v10 =	vsel vm12, v10, v63  }
0x19d: {  	v10 =	vsel vm13, v10, v11;
	v11, _, _ =	vpop (xrf2)  }
0x19e: {  	v10 =	vsel vm14, v10, v11  }
0x19f: {  	s17 =	sadd.s32 $0x10, s17;
	[tilespmem:v9+s18+$0x0 ss:$0x1] =	vst.idx.msk $0xffff, v10  }
0x1a0: {  	p0 =	seq.s32 s16, $0x19  }
.Ltmp1:
0x1a1: {  	_ = 	snop;
	(pc) =	sbr.rel @!p0 .LBB2_3-.Ltmp1, $1  }
0x1a2: {  	_ =	sdelay $0x3  }
0x1a3: {  	s15 =	sadd.s32 $0x1, s15  }
0x1a4: {  	p0 =	sne.s32 s15, s8  }
.Ltmp2:
0x1a5: {  	_ = 	snop;
	(pc) =	sbr.rel @p0 .LBB2_1-.Ltmp2, $4  }
0x1a6: {  	[hbm4b:s7+s2] =	stream.linear.scatter [tilespmem:s14], [sflag:$0x3], $0x1388, $0x38;
	[tilespmem:$0x1CC00] =	vst v63  }
0x1a7: {  	_ =	swait.ge [sflag:s9], $0x1388  }
0x1a8: {  	[sflag:s9] =	ssyncset.done $0x0  }
0x1a9: {  	[sflag:s9] =	ssyncadd.s32 $0xFFFFEC78  }
0x1aa: {  	_ =	sfence.sel $0x180000  }
0x1ab: {  	[bflag:$0x0] =	sbarrier.arrive $0xFFFF  }
0x1ac: {  	p0 =	sne.s32 s1, $0x0;
	_ =	strace $0x90000047  }
0x1ad: {  	s0 =	sadd.s32 @!p0 $0x100000, s0;
	[bflag:$0x2] =	sbarrier.arrive $0xFFFF  }
0x1ae: {  	[sflag:s0] =	ssyncadd.tile.s32 @!p0 $0x1;
	_ =	shalt  }
.Lfunc_end2:
_tile_overlayer_lowered:
.L_overlay_start_2:
0x1af: {  	(tag) =	ssettag $0x2  }
0x1b0: {  	s0 =	rddreg [dreg:$0x0];
	s2 =	stileid.u32  }
0x1b1: {  	s1 =	rddreg [dreg:$0x1];
	p0 =	sne.s32 s2, $0x0  }
0x1b2: {  	s3 =	rddreg [dreg:$0x2];
	[bflag:$0x3] =	sbarrier.arrive $0xFFFF;
	s2 =	simm.s32 @!p0 $0x1C03  }
0x1b3: {  	[timem:s3], [sflag:s2] =	dma.local @!p0 [hbm:s0], s1  }
0x1b4: {  	s0 =	simm.s32 @!p0 $0x3  }
0x1b5: {  	_ =	swait.ge @!p0 [sflag:s0], s1  }
0x1b6: {  	s1 =	ssub.s32 @!p0 $0x0, s1;
	[sflag:s0] =	ssyncset.done @!p0 $0x0  }
0x1b7: {  	[sflag:s0] =	ssyncadd.s32 @!p0 s1  }
0x1b8: {  	[bflag:$0x3] =	sbarrier.arrive $0xFFFF  }
0x1b9: {  	_ =	shalt  }

</sc_bundles>
